<compile_context>
chip_gen: v7x
topology: tpu7x:2x2x1
jax: 0.10.2.dev20260603
libtpu: 0.0.44.dev20260713+nightly
codegen_flags: <defaults>
</compile_context>

<pallas_src>
import functools

import jax
import jax.numpy as jnp
from jax import lax
from jax.experimental import pallas as pl
from jax.experimental.pallas import tpu as pltpu
from jax.experimental.pallas import tpu_sc as plsc

_N = 100000
_E = 1600000

_L = 128
_EROWS = _E // _L
_PADR = 44
_RPT = 784
_SLAB = 8
_SLABS = _RPT // _SLAB
_H = _SLAB // 2

_DRPW = 392
_DCH = 49

_ZCH = 6272
_NUP = _ZCH * 16
_FTOT = _NUP * 16 // _L

_BLK = 2048
_FBLK = _BLK * 16 // _L
_GRID = _NUP // _BLK

_mesh = plsc.VectorSubcoreMesh(core_axis_name="c", subcore_axis_name="s",
                               num_cores=2, num_subcores=16)


def _writeback(acc, out, s):
    pltpu.sync_copy(acc.at[pl.ds(s * _ZCH, _ZCH)],
                    out.at[pl.ds(s * _ZCH, _ZCH)])


def _deg_body(dst2d, ones_h, z1d, out, didxA, didxB, ones_v, acc, isem, ssem):
    c = lax.axis_index("c")
    s = lax.axis_index("s")
    w = c * 16 + s
    pltpu.sync_copy(z1d, acc.at[pl.ds(s * _ZCH, _ZCH)])
    pltpu.sync_copy(ones_h, ones_v)
    plsc.subcore_barrier()
    base = w * _DRPW

    def idx_fetch(i, didx):
        pltpu.async_copy(dst2d.at[pl.ds(base + i * _SLAB, _SLAB)], didx, isem)

    def idx_wait(didx):
        pltpu.make_async_copy(dst2d.at[pl.ds(0, _SLAB)], didx, isem).wait()

    def drain_adds():
        for _ in range(_SLAB):
            pltpu.make_async_copy(ones_v, acc.at[pl.ds(0, _L)], ssem).wait()

    def chunk(i, didx, didxn, first):
        idx_wait(didx)
        if first is None:
            drain_adds()
        idx_fetch(lax.min(i + 1, _DCH - 1), didxn)
        for j in range(_SLAB):
            pltpu.async_copy(ones_v, acc.at[didx.at[j]], ssem, add=True)

    def body(k, carry):
        chunk(2 * k + 1, didxB, didxA, None)
        chunk(2 * k + 2, didxA, didxB, None)
        return carry

    idx_fetch(0, didxA)
    chunk(0, didxA, didxB, False)
    lax.fori_loop(0, (_DCH - 1) // 2, body, 0)
    idx_wait(didxA)
    drain_adds()
    plsc.subcore_barrier()
    _writeback(acc, out.at[c], s)


@functools.partial(
    pl.kernel,
    out_type=jax.ShapeDtypeStruct((2, _NUP), jnp.float32),
    mesh=_mesh,
    scratch_types=[
        pltpu.VMEM((_SLAB, _L), jnp.int32),
        pltpu.VMEM((_SLAB, _L), jnp.int32),
        pltpu.VMEM((_L,), jnp.float32),
        pltpu.VMEM_SHARED((_NUP,), jnp.float32),
        pltpu.SemaphoreType.DMA,
        pltpu.SemaphoreType.DMA,
    ],
)
def _deg(dst2d, ones_h, z1d, out, didxA, didxB, ones_v, acc, isem, ssem):
    _deg_body(dst2d, ones_h, z1d, out, didxA, didxB, ones_v, acc, isem, ssem)


def _scatter_body(src2d, dst2d, tlo, thi, zrows, out, sidxA, didxA, sidxB,
                  didxB, rows0, rows1, acc, gsem0, gsem1, ssem0, ssem1, isem):
    c = lax.axis_index("c")
    s = lax.axis_index("s")
    pltpu.sync_copy(zrows, acc.at[pl.ds(s * _ZCH, _ZCH)])
    plsc.subcore_barrier()
    base = s * _RPT

    def idx_fetch(i, sidx, didx):
        r0 = base + i * _SLAB
        pltpu.async_copy(src2d.at[pl.ds(r0, _SLAB)], sidx, isem)
        pltpu.async_copy(dst2d.at[pl.ds(r0, _SLAB)], didx, isem)

    def idx_wait(sidx, didx):
        pltpu.make_async_copy(src2d.at[pl.ds(0, _SLAB)], sidx, isem).wait()
        pltpu.make_async_copy(dst2d.at[pl.ds(0, _SLAB)], didx, isem).wait()

    def run(table):
        def drain_g(rows, gsem):
            pltpu.make_async_copy(table.at[pl.ds(0, _H * _L)], rows,
                                  gsem).wait()

        def drain_s(rows, ssem):
            pltpu.make_async_copy(rows, acc.at[pl.ds(0, _H * _L)],
                                  ssem).wait()

        def do_slab(i, sidx, didx, sidxn, didxn, first):
            idx_wait(sidx, didx)

            def gathers(h, rows, gsem):
                for j in range(_H):
                    pltpu.async_copy(table.at[sidx.at[h * _H + j]],
                                     rows.at[pl.ds(j * _L, _L)], gsem)

            def scatters(h, rows, ssem):
                for j in range(_H):
                    pltpu.async_copy(rows.at[pl.ds(j * _L, _L)],
                                     acc.at[didx.at[h * _H + j]], ssem,
                                     add=True)

            if first is None:
                drain_s(rows0, ssem0)
            else:
                @pl.when(first)
                def _():
                    drain_s(rows0, ssem0)
            gathers(0, rows0, gsem0)
            if first is None:
                drain_s(rows1, ssem1)
            else:
                @pl.when(first)
                def _():
                    drain_s(rows1, ssem1)
            gathers(1, rows1, gsem1)
            idx_fetch(lax.min(i + 1, _SLABS - 1), sidxn, didxn)
            drain_g(rows0, gsem0)
            scatters(0, rows0, ssem0)
            drain_g(rows1, gsem1)
            scatters(1, rows1, ssem1)

        def body(k, carry):
            do_slab(2 * k, sidxA, didxA, sidxB, didxB, k > 0)
            do_slab(2 * k + 1, sidxB, didxB, sidxA, didxA, None)
            return carry

        idx_fetch(0, sidxA, didxA)
        lax.fori_loop(0, _SLABS // 2, body, 0)
        idx_wait(sidxA, didxA)
        drain_s(rows0, ssem0)
        drain_s(rows1, ssem1)

    @pl.when(c == 0)
    def _():
        run(tlo)

    @pl.when(c == 1)
    def _():
        run(thi)

    plsc.subcore_barrier()
    _writeback(acc, out.at[c], s)


@functools.partial(
    pl.kernel,
    out_type=jax.ShapeDtypeStruct((2, _NUP, 16), jnp.float32),
    mesh=_mesh,
    compiler_params=pltpu.CompilerParams(use_tc_tiling_on_sc=False),
    scratch_types=[
        pltpu.VMEM((_SLAB, _L), jnp.int32),
        pltpu.VMEM((_SLAB, _L), jnp.int32),
        pltpu.VMEM((_SLAB, _L), jnp.int32),
        pltpu.VMEM((_SLAB, _L), jnp.int32),
        pltpu.VMEM((_H * _L, 16), jnp.float32),
        pltpu.VMEM((_H * _L, 16), jnp.float32),
        pltpu.VMEM_SHARED((_NUP, 16), jnp.float32),
        pltpu.SemaphoreType.DMA,
        pltpu.SemaphoreType.DMA,
        pltpu.SemaphoreType.DMA,
        pltpu.SemaphoreType.DMA,
        pltpu.SemaphoreType.DMA,
    ],
)
def _scatter(src2d, dst2d, tlo, thi, zrows, out, sidxA, didxA, sidxB, didxB,
             rows0, rows1, acc, gsem0, gsem1, ssem0, ssem1, isem):
    _scatter_body(src2d, dst2d, tlo, thi, zrows, out, sidxA, didxA, sidxB,
                  didxB, rows0, rows1, acc, gsem0, gsem1, ssem0, ssem1, isem)


def _dot(a, b):
    return jnp.dot(a, b, preferred_element_type=jnp.float32,
                   precision=lax.Precision.HIGHEST)


def _dinv_of(degr):
    return lax.rsqrt(degr[0] + degr[1] + 1.0)


def _dense1_body(feat, img, degr, wf, wi, w1, ball, tlo, thi):
    dinv = _dinv_of(degr)
    b = ball[...]
    f = jnp.maximum(_dot(feat[...], wf[...]) + b[0:1, 0:24], 0.0)
    im = jnp.maximum(_dot(img[...], wi[...]) + b[1:2, 0:8], 0.0)
    w1v = w1[...]
    tlo[...] = (_dot(f, w1v[0:24, 0:16]) + _dot(im, w1v[24:32, 0:16])) * dinv
    thi[...] = (_dot(f, w1v[0:24, 16:32]) + _dot(im, w1v[24:32, 16:32])) * dinv


def _dinv8_of(deg8, b8):
    d = lax.rsqrt(deg8[0] + deg8[1] + 1.0)
    return _dot(d, b8)


def _dense2_body(aggf, t1l, t1h, deg8, b8, wll, wlh, whl, whh, bias, tlo, thi):
    dinv = _dinv8_of(deg8, b8[...])
    bv = bias[...]
    hl = jnp.maximum((aggf[0] + t1l[...]) * dinv + bv[0:1], 0.0)
    hh = jnp.maximum((aggf[1] + t1h[...]) * dinv + bv[1:2], 0.0)
    tlo[...] = (_dot(hl, wll[...]) + _dot(hh, whl[...])) * dinv
    thi[...] = (_dot(hl, wlh[...]) + _dot(hh, whh[...])) * dinv


def _dense3_body(aggf, t2l, t2h, deg8, b8, bias, olo, ohi):
    dinv = _dinv8_of(deg8, b8[...])
    bv = bias[...]
    olo[...] = (aggf[0] + t2l[...]) * dinv + bv[2:3]
    ohi[...] = (aggf[1] + t2h[...]) * dinv + bv[3:4]


def _row_spec(cols):
    return pl.BlockSpec((_BLK, cols), lambda i: (i, 0))


def _flat_spec():
    return pl.BlockSpec((_FBLK, _L), lambda i: (i, 0))


def _flat2_spec():
    return pl.BlockSpec((2, _FBLK, _L), lambda i: (0, i, 0))


def _full_spec(shape):
    nd = len(shape)
    return pl.BlockSpec(shape, lambda i, _n=nd: (0,) * _n)


def _deg_spec():
    return pl.BlockSpec((2, _BLK, 1), lambda i: (0, i, 0))


def _deg8_spec():
    return pl.BlockSpec((2, _FBLK, 8), lambda i: (0, i, 0))


_flat_out = jax.ShapeDtypeStruct((_FTOT, _L), jnp.float32)
_half_out = jax.ShapeDtypeStruct((_NUP, 16), jnp.float32)


def _dense1(feat, img, degr, wf, wi, w1, ball):
    return pl.pallas_call(
        _dense1_body,
        grid=(_GRID,),
        in_specs=[_row_spec(32), _row_spec(32), _deg_spec(),
                  _full_spec((32, 24)), _full_spec((32, 8)),
                  _full_spec((32, 32)), _full_spec((8, 32))],
        out_specs=[_row_spec(16), _row_spec(16)],
        out_shape=[_half_out, _half_out],
    )(feat, img, degr, wf, wi, w1, ball)


def _dense2(aggf, t1l, t1h, deg8, b8, wll, wlh, whl, whh, bias):
    return pl.pallas_call(
        _dense2_body,
        grid=(_GRID,),
        in_specs=[_flat2_spec(), _flat_spec(), _flat_spec(), _deg8_spec(),
                  _full_spec((8, _L)), _full_spec((_L, _L)),
                  _full_spec((_L, _L)), _full_spec((_L, _L)),
                  _full_spec((_L, _L)), _full_spec((8, _L))],
        out_specs=[_flat_spec(), _flat_spec()],
        out_shape=[_flat_out, _flat_out],
    )(aggf, t1l, t1h, deg8, b8, wll, wlh, whl, whh, bias)


def _dense3(aggf, t2l, t2h, deg8, b8, bias):
    return pl.pallas_call(
        _dense3_body,
        grid=(_GRID,),
        in_specs=[_flat2_spec(), _flat_spec(), _flat_spec(), _deg8_spec(),
                  _full_spec((8, _L)), _full_spec((8, _L))],
        out_specs=[_flat_spec(), _flat_spec()],
        out_shape=[_flat_out, _flat_out],
    )(aggf, t2l, t2h, deg8, b8, bias)


def kernel(feature, img, edge_index, W_feat, b_feat, W_img, b_img, W_g1, b_g1,
           W_g2, b_g2):
    e2d = edge_index.reshape(2, _EROWS, _L)
    epad = jnp.concatenate(
        [e2d, jnp.full((2, _PADR, _L), _N, jnp.int32)], axis=1)
    src2d = epad[0]
    dst2d = epad[1]

    ones_h = jnp.ones((_L,), jnp.float32)
    z1d = jnp.zeros((_ZCH,), jnp.float32)
    zrows = jnp.zeros((_ZCH, 16), jnp.float32)

    ball = jnp.stack([
        jnp.pad(b_feat, (0, 8)),
        jnp.pad(b_img, (0, 24)),
        b_g1,
        jnp.pad(b_g2, (0, 12)),
    ] + [jnp.zeros((32,), jnp.float32)] * 4)
    w2 = jnp.pad(W_g2, ((0, 0), (0, 12)))
    eye8 = jnp.eye(8, dtype=jnp.float32)
    wll = jnp.kron(eye8, w2[0:16, 0:16])
    wlh = jnp.kron(eye8, w2[0:16, 16:32])
    whl = jnp.kron(eye8, w2[16:32, 0:16])
    whh = jnp.kron(eye8, w2[16:32, 16:32])
    b8 = jnp.kron(eye8, jnp.ones((1, 16), jnp.float32))
    bias8 = jnp.stack([
        jnp.tile(b_g1[0:16], 8),
        jnp.tile(b_g1[16:32], 8),
        jnp.tile(b_g2[0:16], 8),
        jnp.tile(jnp.pad(b_g2[16:20], (0, 12)), 8),
    ] + [jnp.zeros((_L,), jnp.float32)] * 4)

    deg2 = _deg(dst2d, ones_h, z1d)
    degr = deg2.reshape(2, _NUP, 1)
    deg8 = deg2.reshape(2, _FTOT, 8)

    t1l, t1h = _dense1(feature, img, degr, W_feat, W_img, W_g1, ball)
    agg1 = _scatter(src2d, dst2d, t1l, t1h, zrows)
    t2l, t2h = _dense2(agg1.reshape(2, _FTOT, _L),
                       t1l.reshape(_FTOT, _L), t1h.reshape(_FTOT, _L),
                       deg8, b8, wll, wlh, whl, whh, bias8)
    agg2 = _scatter(src2d, dst2d, t2l.reshape(_NUP, 16),
                    t2h.reshape(_NUP, 16), zrows)
    olo, ohi = _dense3(agg2.reshape(2, _FTOT, _L), t2l, t2h, deg8, b8, bias8)
    return jnp.concatenate([olo.reshape(_NUP, 16)[:_N],
                            ohi.reshape(_NUP, 16)[:_N, 0:4]], axis=1)

# --- scband reference (transcript-rebuilt; emitter-appended) ---
"""Pipeline reference for scband-conv-gcn-3822520893972 (READ-ONLY COPY).

The authoritative reference and input builder live on the scoring server;
editing this copy changes nothing except your own understanding.
"""

import jax, jax.numpy as jnp
import numpy as np

N = 100000
E = 1600000

FEAT_IN = 32
FEAT_LAT = 24
IMG_IN = 32
IMG_LAT = 8
GNN_LAT = 32
OUT_DIM = 20


def setup_inputs(seed: int = 0) -> dict:
    key = jax.random.key(seed)
    ks = jax.random.split(key, 12)
    feature = jax.random.normal(ks[0], (N, FEAT_IN), dtype=jnp.float32)
    img = jax.random.normal(ks[1], (N, IMG_IN), dtype=jnp.float32)
    edge_index = jax.random.randint(ks[2], (2, E), 0, N, dtype=jnp.int32)
    W_feat = jax.random.normal(ks[3], (FEAT_IN, FEAT_LAT), dtype=jnp.float32) * (1.0 / np.sqrt(FEAT_IN))
    b_feat = jnp.zeros((FEAT_LAT,), dtype=jnp.float32)
    W_img = jax.random.normal(ks[4], (IMG_IN, IMG_LAT), dtype=jnp.float32) * (1.0 / np.sqrt(IMG_IN))
    b_img = jnp.zeros((IMG_LAT,), dtype=jnp.float32)
    W_g1 = jax.random.normal(ks[5], (FEAT_LAT + IMG_LAT, GNN_LAT), dtype=jnp.float32) * (1.0 / np.sqrt(FEAT_LAT + IMG_LAT))
    b_g1 = jnp.zeros((GNN_LAT,), dtype=jnp.float32)
    W_g2 = jax.random.normal(ks[6], (GNN_LAT, OUT_DIM), dtype=jnp.float32) * (1.0 / np.sqrt(GNN_LAT))
    b_g2 = jnp.zeros((OUT_DIM,), dtype=jnp.float32)
    return {
        "feature": feature,
        "img": img,
        "edge_index": edge_index,
        "W_feat": W_feat, "b_feat": b_feat,
        "W_img": W_img, "b_img": b_img,
        "W_g1": W_g1, "b_g1": b_g1,
        "W_g2": W_g2, "b_g2": b_g2,
    }


def _gcn_conv(x, src, dst, W, b):
    # PyG GCNConv: linear transform, then symmetric-normalized aggregation
    x = x @ W
    ones = jnp.ones(src.shape[0], dtype=x.dtype)
    deg = jax.ops.segment_sum(ones, dst, num_segments=N)
    deg_inv_sqrt = jnp.where(deg > 0, jax.lax.rsqrt(jnp.maximum(deg, 1e-12)), 0.0)
    norm = deg_inv_sqrt[src] * deg_inv_sqrt[dst]
    msg = x[src] * norm[:, None]
    out = jax.ops.segment_sum(msg, dst, num_segments=N)
    return out + b


def reference(feature, img, edge_index, W_feat, b_feat, W_img, b_img, W_g1, b_g1, W_g2, b_g2):
    f = jax.nn.relu(feature @ W_feat + b_feat)
    i = jax.nn.relu(img @ W_img + b_img)
    x = jnp.concatenate([f, i], axis=1)
    # add self loops (GCNConv default add_self_loops=True)
    loop = jnp.arange(N, dtype=edge_index.dtype)
    src = jnp.concatenate([edge_index[0], loop])
    dst = jnp.concatenate([edge_index[1], loop])
    h = _gcn_conv(x, src, dst, W_g1, b_g1)
    h = jax.nn.relu(h)
    out = _gcn_conv(h, src, dst, W_g2, b_g2)
    return out

if __name__ == "__main__":
    import jax
    _d = setup_inputs()
    print(jax.jit(kernel)(*tuple(_d.values())))

</pallas_src>

<mosaic_0001>
#map = affine_map<(d0, d1) -> (0, 0)>
#map1 = affine_map<(d0, d1) -> (0, 0, 0)>
module attributes {stable_mosaic.version = 14 : i64} {
  func.func @_scatter(%arg0: i32, %arg1: i32, %arg2: memref<12544x128xi32, #tpu.memory_space<hbm>>, %arg3: memref<12544x128xi32, #tpu.memory_space<hbm>>, %arg4: memref<100352x16xf32, #tpu.memory_space<hbm>>, %arg5: memref<100352x16xf32, #tpu.memory_space<hbm>>, %arg6: memref<6272x16xf32, #tpu.memory_space<hbm>>, %arg7: memref<2x100352x16xf32, #tpu.memory_space<hbm>>, %arg8: memref<8x128xi32, #tpu.memory_space<vmem>>, %arg9: memref<8x128xi32, #tpu.memory_space<vmem>>, %arg10: memref<8x128xi32, #tpu.memory_space<vmem>>, %arg11: memref<8x128xi32, #tpu.memory_space<vmem>>, %arg12: memref<512x16xf32, #tpu.memory_space<vmem>>, %arg13: memref<512x16xf32, #tpu.memory_space<vmem>>, %arg14: memref<100352x16xf32, #tpu.memory_space<vmem_shared>>, %arg15: memref<!tpu.dma_semaphore, #tpu.memory_space<semaphore_mem>>, %arg16: memref<!tpu.dma_semaphore, #tpu.memory_space<semaphore_mem>>, %arg17: memref<!tpu.dma_semaphore, #tpu.memory_space<semaphore_mem>>, %arg18: memref<!tpu.dma_semaphore, #tpu.memory_space<semaphore_mem>>, %arg19: memref<!tpu.dma_semaphore, #tpu.memory_space<semaphore_mem>>) attributes {dimension_semantics = [#tpu.dimension_semantics<core_parallel>, #tpu.dimension_semantics<subcore_parallel>], iteration_bounds = array<i64: 2, 16>, scalar_prefetch = 0 : i64, scratch_operands = 12 : i64, tpu.core_type = #tpu.core_type<sc_vector_subcore>, window_params = [{transform_indices = #map}, {transform_indices = #map}, {transform_indices = #map}, {transform_indices = #map}, {transform_indices = #map}, {transform_indices = #map1}]} {
    %mul3A = arith.constant 6272 : i32
    %mul3A_0 = arith.muli %arg1, %mul3A : i32
    "tpu.region"() ({
      %run_scoped3A = tpu.sem_alloc : memref<!tpu.dma_semaphore, #tpu.memory_space<semaphore_mem>>
      %dma_start3A = arith.constant 0 : i32
      %dma_start3A_15 = tpu.memref_slice %arg14[%mul3A_0, %dma_start3A] : memref<100352x16xf32, #tpu.memory_space<vmem_shared>> -> memref<6272x16xf32, #tpu.memory_space<vmem_shared>>
      tpu.enqueue_dma source(%arg6 : memref<6272x16xf32, #tpu.memory_space<hbm>>) target(%dma_start3A_15 : memref<6272x16xf32, #tpu.memory_space<vmem_shared>>) target_semaphore(%run_scoped3A : memref<!tpu.dma_semaphore, #tpu.memory_space<semaphore_mem>>)
      %dma_wait3A = arith.constant 0 : i32
      %dma_wait3A_16 = tpu.memref_slice %arg14[%mul3A_0, %dma_wait3A] : memref<100352x16xf32, #tpu.memory_space<vmem_shared>> -> memref<6272x16xf32, #tpu.memory_space<vmem_shared>>
      tpu.wait_dma2 semaphore(%run_scoped3A : memref<!tpu.dma_semaphore, #tpu.memory_space<semaphore_mem>>) src(%arg6 : memref<6272x16xf32, #tpu.memory_space<hbm>>) dst(%dma_wait3A_16 : memref<6272x16xf32, #tpu.memory_space<vmem_shared>>)
      tpu.yield
    }) : () -> ()
    %barrier3A = arith.constant 0 : index
    tpu.barrier barrier_id(%barrier3A)
    %mul3A_1 = arith.constant 784 : i32
    %mul3A_2 = arith.muli %arg1, %mul3A_1 : i32
    %eq3A = arith.constant 0 : i32
    %eq3A_3 = arith.cmpi eq, %arg0, %eq3A : i32
    %convert_element_type3A = arith.extui %eq3A_3 : i1 to i32
    %cond3A = arith.constant 0 : i32
    %cond3A_4 = arith.cmpi ne, %convert_element_type3A, %cond3A : i32
    scf.if %cond3A_4 {
      %add3A = arith.constant 0 : i32
      %add3A_15 = arith.addi %mul3A_2, %add3A : i32
      %dma_start3A = arith.constant 0 : i32
      %dma_start3A_16 = tpu.memref_slice %arg2[%add3A_15, %dma_start3A] : memref<12544x128xi32, #tpu.memory_space<hbm>> -> memref<8x128xi32, #tpu.memory_space<hbm>>
      %dma_start3A_17 = arith.constant 0 : i32
      %dma_start3A_18 = tpu.memref_slice %arg2[%add3A_15, %dma_start3A_17] : memref<12544x128xi32, #tpu.memory_space<hbm>> -> memref<8x128xi32, #tpu.memory_space<hbm>>
      tpu.enqueue_dma source(%dma_start3A_18 : memref<8x128xi32, #tpu.memory_space<hbm>>) target(%arg8 : memref<8x128xi32, #tpu.memory_space<vmem>>) target_semaphore(%arg19 : memref<!tpu.dma_semaphore, #tpu.memory_space<semaphore_mem>>)
      %dma_start3A_19 = arith.constant 0 : i32
      %dma_start3A_20 = tpu.memref_slice %arg3[%add3A_15, %dma_start3A_19] : memref<12544x128xi32, #tpu.memory_space<hbm>> -> memref<8x128xi32, #tpu.memory_space<hbm>>
      %dma_start3A_21 = arith.constant 0 : i32
      %dma_start3A_22 = tpu.memref_slice %arg3[%add3A_15, %dma_start3A_21] : memref<12544x128xi32, #tpu.memory_space<hbm>> -> memref<8x128xi32, #tpu.memory_space<hbm>>
      tpu.enqueue_dma source(%dma_start3A_22 : memref<8x128xi32, #tpu.memory_space<hbm>>) target(%arg9 : memref<8x128xi32, #tpu.memory_space<vmem>>) target_semaphore(%arg19 : memref<!tpu.dma_semaphore, #tpu.memory_space<semaphore_mem>>)
      %scan3A = arith.constant 0 : i32
      %scan3A_23 = arith.constant 0 : i32
      %scan3A_24 = arith.constant 49 : i32
      %scan3A_25 = arith.addi %scan3A_23, %scan3A_24 : i32
      %scan3A_26 = arith.constant 1 : i32
      scf.for %scan3A_51 = %scan3A_23 to %scan3A_25 step %scan3A_26  : i32 {
        %mul3A_52 = arith.constant 2 : i32
        %mul3A_53 = arith.muli %mul3A_52, %scan3A_51 : i32
        %gt3A = arith.constant 0 : i32
        %gt3A_54 = arith.cmpi sgt, %scan3A_51, %gt3A : i32
        %dma_wait3A_55 = arith.constant 0 : i32
        %dma_wait3A_56 = arith.constant 0 : i32
        %dma_wait3A_57 = tpu.memref_slice %arg2[%dma_wait3A_55, %dma_wait3A_56] : memref<12544x128xi32, #tpu.memory_space<hbm>> -> memref<8x128xi32, #tpu.memory_space<hbm>>
        %dma_wait3A_58 = arith.constant 0 : i32
        %dma_wait3A_59 = arith.constant 0 : i32
        %dma_wait3A_60 = tpu.memref_slice %arg2[%dma_wait3A_58, %dma_wait3A_59] : memref<12544x128xi32, #tpu.memory_space<hbm>> -> memref<8x128xi32, #tpu.memory_space<hbm>>
        tpu.wait_dma2 semaphore(%arg19 : memref<!tpu.dma_semaphore, #tpu.memory_space<semaphore_mem>>) src(%dma_wait3A_60 : memref<8x128xi32, #tpu.memory_space<hbm>>) dst(%arg8 : memref<8x128xi32, #tpu.memory_space<vmem>>)
        %dma_wait3A_61 = arith.constant 0 : i32
        %dma_wait3A_62 = arith.constant 0 : i32
        %dma_wait3A_63 = tpu.memref_slice %arg3[%dma_wait3A_61, %dma_wait3A_62] : memref<12544x128xi32, #tpu.memory_space<hbm>> -> memref<8x128xi32, #tpu.memory_space<hbm>>
        %dma_wait3A_64 = arith.constant 0 : i32
        %dma_wait3A_65 = arith.constant 0 : i32
        %dma_wait3A_66 = tpu.memref_slice %arg3[%dma_wait3A_64, %dma_wait3A_65] : memref<12544x128xi32, #tpu.memory_space<hbm>> -> memref<8x128xi32, #tpu.memory_space<hbm>>
        tpu.wait_dma2 semaphore(%arg19 : memref<!tpu.dma_semaphore, #tpu.memory_space<semaphore_mem>>) src(%dma_wait3A_66 : memref<8x128xi32, #tpu.memory_space<hbm>>) dst(%arg9 : memref<8x128xi32, #tpu.memory_space<vmem>>)
        %convert_element_type3A_67 = arith.extui %gt3A_54 : i1 to i32
        %cond3A_68 = arith.constant 0 : i32
        %cond3A_69 = arith.cmpi ne, %convert_element_type3A_67, %cond3A_68 : i32
        scf.if %cond3A_69 {
          %dma_wait3A_474 = arith.constant 0 : i32
          %dma_wait3A_475 = arith.constant 0 : i32
          %dma_wait3A_476 = tpu.memref_slice %arg14[%dma_wait3A_474, %dma_wait3A_475] : memref<100352x16xf32, #tpu.memory_space<vmem_shared>> -> memref<512x16xf32, #tpu.memory_space<vmem_shared>>
          %dma_wait3A_477 = arith.constant 0 : i32
          %dma_wait3A_478 = arith.constant 0 : i32
          %dma_wait3A_479 = tpu.memref_slice %arg14[%dma_wait3A_477, %dma_wait3A_478] : memref<100352x16xf32, #tpu.memory_space<vmem_shared>> -> memref<512x16xf32, #tpu.memory_space<vmem_shared>>
          tpu.wait_dma2 semaphore(%arg17 : memref<!tpu.dma_semaphore, #tpu.memory_space<semaphore_mem>>) src(%arg12 : memref<512x16xf32, #tpu.memory_space<vmem>>) dst(%dma_wait3A_479 : memref<512x16xf32, #tpu.memory_space<vmem_shared>>)
        } else {
        }
        %dma_start3A_70 = arith.constant 0 : i32
        %dma_start3A_71 = arith.constant 0 : i32
        %dma_start3A_72 = arith.constant 0 : i32
        %dma_start3A_73 = tpu.memref_slice %arg12[%dma_start3A_71, %dma_start3A_72] : memref<512x16xf32, #tpu.memory_space<vmem>> -> memref<128x16xf32, #tpu.memory_space<vmem>>
        %dma_start3A_74 = arith.constant 0 : i32
        %dma_start3A_75 = tpu.memref_slice %arg8[%dma_start3A_70, %dma_start3A_74] : memref<8x128xi32, #tpu.memory_space<vmem>> -> memref<1x128xi32, #tpu.memory_space<vmem>>
        %dma_start3A_76 = tpu.memref_squeeze %dma_start3A_75 : memref<1x128xi32, #tpu.memory_space<vmem>> -> memref<128xi32, #tpu.memory_space<vmem>>
        %dma_start3A_77 = arith.constant 0 : i32
        %dma_start3A_78 = arith.constant 0 : i32
        %dma_start3A_79 = tpu.memref_slice %arg4[%dma_start3A_77, %dma_start3A_78] : memref<100352x16xf32, #tpu.memory_space<hbm>> -> memref<100352x16xf32, #tpu.memory_space<hbm>>
        tpu.enqueue_indirect_dma source(%dma_start3A_79 : memref<100352x16xf32, #tpu.memory_space<hbm>>) target(%dma_start3A_73 : memref<128x16xf32, #tpu.memory_space<vmem>>) offsets(%dma_start3A_76 : memref<128xi32, #tpu.memory_space<vmem>>) semaphore(%arg15 : memref<!tpu.dma_semaphore, #tpu.memory_space<semaphore_mem>>)
        %dma_start3A_80 = arith.constant 1 : i32
        %dma_start3A_81 = arith.constant 128 : i32
        %dma_start3A_82 = arith.constant 0 : i32
        %dma_start3A_83 = tpu.memref_slice %arg12[%dma_start3A_81, %dma_start3A_82] : memref<512x16xf32, #tpu.memory_space<vmem>> -> memref<128x16xf32, #tpu.memory_space<vmem>>
        %dma_start3A_84 = arith.constant 0 : i32
        %dma_start3A_85 = tpu.memref_slice %arg8[%dma_start3A_80, %dma_start3A_84] : memref<8x128xi32, #tpu.memory_space<vmem>> -> memref<1x128xi32, #tpu.memory_space<vmem>>
        %dma_start3A_86 = tpu.memref_squeeze %dma_start3A_85 : memref<1x128xi32, #tpu.memory_space<vmem>> -> memref<128xi32, #tpu.memory_space<vmem>>
        %dma_start3A_87 = arith.constant 0 : i32
        %dma_start3A_88 = arith.constant 0 : i32
        %dma_start3A_89 = tpu.memref_slice %arg4[%dma_start3A_87, %dma_start3A_88] : memref<100352x16xf32, #tpu.memory_space<hbm>> -> memref<100352x16xf32, #tpu.memory_space<hbm>>
        tpu.enqueue_indirect_dma source(%dma_start3A_89 : memref<100352x16xf32, #tpu.memory_space<hbm>>) target(%dma_start3A_83 : memref<128x16xf32, #tpu.memory_space<vmem>>) offsets(%dma_start3A_86 : memref<128xi32, #tpu.memory_space<vmem>>) semaphore(%arg15 : memref<!tpu.dma_semaphore, #tpu.memory_space<semaphore_mem>>)
        %dma_start3A_90 = arith.constant 2 : i32
        %dma_start3A_91 = arith.constant 256 : i32
        %dma_start3A_92 = arith.constant 0 : i32
        %dma_start3A_93 = tpu.memref_slice %arg12[%dma_start3A_91, %dma_start3A_92] : memref<512x16xf32, #tpu.memory_space<vmem>> -> memref<128x16xf32, #tpu.memory_space<vmem>>
        %dma_start3A_94 = arith.constant 0 : i32
        %dma_start3A_95 = tpu.memref_slice %arg8[%dma_start3A_90, %dma_start3A_94] : memref<8x128xi32, #tpu.memory_space<vmem>> -> memref<1x128xi32, #tpu.memory_space<vmem>>
        %dma_start3A_96 = tpu.memref_squeeze %dma_start3A_95 : memref<1x128xi32, #tpu.memory_space<vmem>> -> memref<128xi32, #tpu.memory_space<vmem>>
        %dma_start3A_97 = arith.constant 0 : i32
        %dma_start3A_98 = arith.constant 0 : i32
        %dma_start3A_99 = tpu.memref_slice %arg4[%dma_start3A_97, %dma_start3A_98] : memref<100352x16xf32, #tpu.memory_space<hbm>> -> memref<100352x16xf32, #tpu.memory_space<hbm>>
        tpu.enqueue_indirect_dma source(%dma_start3A_99 : memref<100352x16xf32, #tpu.memory_space<hbm>>) target(%dma_start3A_93 : memref<128x16xf32, #tpu.memory_space<vmem>>) offsets(%dma_start3A_96 : memref<128xi32, #tpu.memory_space<vmem>>) semaphore(%arg15 : memref<!tpu.dma_semaphore, #tpu.memory_space<semaphore_mem>>)
        %dma_start3A_100 = arith.constant 3 : i32
        %dma_start3A_101 = arith.constant 384 : i32
        %dma_start3A_102 = arith.constant 0 : i32
        %dma_start3A_103 = tpu.memref_slice %arg12[%dma_start3A_101, %dma_start3A_102] : memref<512x16xf32, #tpu.memory_space<vmem>> -> memref<128x16xf32, #tpu.memory_space<vmem>>
        %dma_start3A_104 = arith.constant 0 : i32
        %dma_start3A_105 = tpu.memref_slice %arg8[%dma_start3A_100, %dma_start3A_104] : memref<8x128xi32, #tpu.memory_space<vmem>> -> memref<1x128xi32, #tpu.memory_space<vmem>>
        %dma_start3A_106 = tpu.memref_squeeze %dma_start3A_105 : memref<1x128xi32, #tpu.memory_space<vmem>> -> memref<128xi32, #tpu.memory_space<vmem>>
        %dma_start3A_107 = arith.constant 0 : i32
        %dma_start3A_108 = arith.constant 0 : i32
        %dma_start3A_109 = tpu.memref_slice %arg4[%dma_start3A_107, %dma_start3A_108] : memref<100352x16xf32, #tpu.memory_space<hbm>> -> memref<100352x16xf32, #tpu.memory_space<hbm>>
        tpu.enqueue_indirect_dma source(%dma_start3A_109 : memref<100352x16xf32, #tpu.memory_space<hbm>>) target(%dma_start3A_103 : memref<128x16xf32, #tpu.memory_space<vmem>>) offsets(%dma_start3A_106 : memref<128xi32, #tpu.memory_space<vmem>>) semaphore(%arg15 : memref<!tpu.dma_semaphore, #tpu.memory_space<semaphore_mem>>)
        %convert_element_type3A_110 = arith.extui %gt3A_54 : i1 to i32
        %cond3A_111 = arith.constant 0 : i32
        %cond3A_112 = arith.cmpi ne, %convert_element_type3A_110, %cond3A_111 : i32
        scf.if %cond3A_112 {
          %dma_wait3A_474 = arith.constant 0 : i32
          %dma_wait3A_475 = arith.constant 0 : i32
          %dma_wait3A_476 = tpu.memref_slice %arg14[%dma_wait3A_474, %dma_wait3A_475] : memref<100352x16xf32, #tpu.memory_space<vmem_shared>> -> memref<512x16xf32, #tpu.memory_space<vmem_shared>>
          %dma_wait3A_477 = arith.constant 0 : i32
          %dma_wait3A_478 = arith.constant 0 : i32
          %dma_wait3A_479 = tpu.memref_slice %arg14[%dma_wait3A_477, %dma_wait3A_478] : memref<100352x16xf32, #tpu.memory_space<vmem_shared>> -> memref<512x16xf32, #tpu.memory_space<vmem_shared>>
          tpu.wait_dma2 semaphore(%arg18 : memref<!tpu.dma_semaphore, #tpu.memory_space<semaphore_mem>>) src(%arg13 : memref<512x16xf32, #tpu.memory_space<vmem>>) dst(%dma_wait3A_479 : memref<512x16xf32, #tpu.memory_space<vmem_shared>>)
        } else {
        }
        %dma_start3A_113 = arith.constant 4 : i32
        %dma_start3A_114 = arith.constant 0 : i32
        %dma_start3A_115 = arith.constant 0 : i32
        %dma_start3A_116 = tpu.memref_slice %arg13[%dma_start3A_114, %dma_start3A_115] : memref<512x16xf32, #tpu.memory_space<vmem>> -> memref<128x16xf32, #tpu.memory_space<vmem>>
        %dma_start3A_117 = arith.constant 0 : i32
        %dma_start3A_118 = tpu.memref_slice %arg8[%dma_start3A_113, %dma_start3A_117] : memref<8x128xi32, #tpu.memory_space<vmem>> -> memref<1x128xi32, #tpu.memory_space<vmem>>
        %dma_start3A_119 = tpu.memref_squeeze %dma_start3A_118 : memref<1x128xi32, #tpu.memory_space<vmem>> -> memref<128xi32, #tpu.memory_space<vmem>>
        %dma_start3A_120 = arith.constant 0 : i32
        %dma_start3A_121 = arith.constant 0 : i32
        %dma_start3A_122 = tpu.memref_slice %arg4[%dma_start3A_120, %dma_start3A_121] : memref<100352x16xf32, #tpu.memory_space<hbm>> -> memref<100352x16xf32, #tpu.memory_space<hbm>>
        tpu.enqueue_indirect_dma source(%dma_start3A_122 : memref<100352x16xf32, #tpu.memory_space<hbm>>) target(%dma_start3A_116 : memref<128x16xf32, #tpu.memory_space<vmem>>) offsets(%dma_start3A_119 : memref<128xi32, #tpu.memory_space<vmem>>) semaphore(%arg16 : memref<!tpu.dma_semaphore, #tpu.memory_space<semaphore_mem>>)
        %dma_start3A_123 = arith.constant 5 : i32
        %dma_start3A_124 = arith.constant 128 : i32
        %dma_start3A_125 = arith.constant 0 : i32
        %dma_start3A_126 = tpu.memref_slice %arg13[%dma_start3A_124, %dma_start3A_125] : memref<512x16xf32, #tpu.memory_space<vmem>> -> memref<128x16xf32, #tpu.memory_space<vmem>>
        %dma_start3A_127 = arith.constant 0 : i32
        %dma_start3A_128 = tpu.memref_slice %arg8[%dma_start3A_123, %dma_start3A_127] : memref<8x128xi32, #tpu.memory_space<vmem>> -> memref<1x128xi32, #tpu.memory_space<vmem>>
        %dma_start3A_129 = tpu.memref_squeeze %dma_start3A_128 : memref<1x128xi32, #tpu.memory_space<vmem>> -> memref<128xi32, #tpu.memory_space<vmem>>
        %dma_start3A_130 = arith.constant 0 : i32
        %dma_start3A_131 = arith.constant 0 : i32
        %dma_start3A_132 = tpu.memref_slice %arg4[%dma_start3A_130, %dma_start3A_131] : memref<100352x16xf32, #tpu.memory_space<hbm>> -> memref<100352x16xf32, #tpu.memory_space<hbm>>
        tpu.enqueue_indirect_dma source(%dma_start3A_132 : memref<100352x16xf32, #tpu.memory_space<hbm>>) target(%dma_start3A_126 : memref<128x16xf32, #tpu.memory_space<vmem>>) offsets(%dma_start3A_129 : memref<128xi32, #tpu.memory_space<vmem>>) semaphore(%arg16 : memref<!tpu.dma_semaphore, #tpu.memory_space<semaphore_mem>>)
        %dma_start3A_133 = arith.constant 6 : i32
        %dma_start3A_134 = arith.constant 256 : i32
        %dma_start3A_135 = arith.constant 0 : i32
        %dma_start3A_136 = tpu.memref_slice %arg13[%dma_start3A_134, %dma_start3A_135] : memref<512x16xf32, #tpu.memory_space<vmem>> -> memref<128x16xf32, #tpu.memory_space<vmem>>
        %dma_start3A_137 = arith.constant 0 : i32
        %dma_start3A_138 = tpu.memref_slice %arg8[%dma_start3A_133, %dma_start3A_137] : memref<8x128xi32, #tpu.memory_space<vmem>> -> memref<1x128xi32, #tpu.memory_space<vmem>>
        %dma_start3A_139 = tpu.memref_squeeze %dma_start3A_138 : memref<1x128xi32, #tpu.memory_space<vmem>> -> memref<128xi32, #tpu.memory_space<vmem>>
        %dma_start3A_140 = arith.constant 0 : i32
        %dma_start3A_141 = arith.constant 0 : i32
        %dma_start3A_142 = tpu.memref_slice %arg4[%dma_start3A_140, %dma_start3A_141] : memref<100352x16xf32, #tpu.memory_space<hbm>> -> memref<100352x16xf32, #tpu.memory_space<hbm>>
        tpu.enqueue_indirect_dma source(%dma_start3A_142 : memref<100352x16xf32, #tpu.memory_space<hbm>>) target(%dma_start3A_136 : memref<128x16xf32, #tpu.memory_space<vmem>>) offsets(%dma_start3A_139 : memref<128xi32, #tpu.memory_space<vmem>>) semaphore(%arg16 : memref<!tpu.dma_semaphore, #tpu.memory_space<semaphore_mem>>)
        %dma_start3A_143 = arith.constant 7 : i32
        %dma_start3A_144 = arith.constant 384 : i32
        %dma_start3A_145 = arith.constant 0 : i32
        %dma_start3A_146 = tpu.memref_slice %arg13[%dma_start3A_144, %dma_start3A_145] : memref<512x16xf32, #tpu.memory_space<vmem>> -> memref<128x16xf32, #tpu.memory_space<vmem>>
        %dma_start3A_147 = arith.constant 0 : i32
        %dma_start3A_148 = tpu.memref_slice %arg8[%dma_start3A_143, %dma_start3A_147] : memref<8x128xi32, #tpu.memory_space<vmem>> -> memref<1x128xi32, #tpu.memory_space<vmem>>
        %dma_start3A_149 = tpu.memref_squeeze %dma_start3A_148 : memref<1x128xi32, #tpu.memory_space<vmem>> -> memref<128xi32, #tpu.memory_space<vmem>>
        %dma_start3A_150 = arith.constant 0 : i32
        %dma_start3A_151 = arith.constant 0 : i32
        %dma_start3A_152 = tpu.memref_slice %arg4[%dma_start3A_150, %dma_start3A_151] : memref<100352x16xf32, #tpu.memory_space<hbm>> -> memref<100352x16xf32, #tpu.memory_space<hbm>>
        tpu.enqueue_indirect_dma source(%dma_start3A_152 : memref<100352x16xf32, #tpu.memory_space<hbm>>) target(%dma_start3A_146 : memref<128x16xf32, #tpu.memory_space<vmem>>) offsets(%dma_start3A_149 : memref<128xi32, #tpu.memory_space<vmem>>) semaphore(%arg16 : memref<!tpu.dma_semaphore, #tpu.memory_space<semaphore_mem>>)
        %add3A_153 = arith.constant 1 : i32
        %add3A_154 = arith.addi %mul3A_53, %add3A_153 : i32
        %min3A = arith.constant 97 : i32
        %min3A_155 = arith.minsi %add3A_154, %min3A : i32
        %mul3A_156 = arith.constant 8 : i32
        %mul3A_157 = arith.muli %min3A_155, %mul3A_156 : i32
        %add3A_158 = arith.addi %mul3A_2, %mul3A_157 : i32
        %dma_start3A_159 = arith.constant 0 : i32
        %dma_start3A_160 = tpu.memref_slice %arg2[%add3A_158, %dma_start3A_159] : memref<12544x128xi32, #tpu.memory_space<hbm>> -> memref<8x128xi32, #tpu.memory_space<hbm>>
        %dma_start3A_161 = arith.constant 0 : i32
        %dma_start3A_162 = tpu.memref_slice %arg2[%add3A_158, %dma_start3A_161] : memref<12544x128xi32, #tpu.memory_space<hbm>> -> memref<8x128xi32, #tpu.memory_space<hbm>>
        tpu.enqueue_dma source(%dma_start3A_162 : memref<8x128xi32, #tpu.memory_space<hbm>>) target(%arg10 : memref<8x128xi32, #tpu.memory_space<vmem>>) target_semaphore(%arg19 : memref<!tpu.dma_semaphore, #tpu.memory_space<semaphore_mem>>)
        %dma_start3A_163 = arith.constant 0 : i32
        %dma_start3A_164 = tpu.memref_slice %arg3[%add3A_158, %dma_start3A_163] : memref<12544x128xi32, #tpu.memory_space<hbm>> -> memref<8x128xi32, #tpu.memory_space<hbm>>
        %dma_start3A_165 = arith.constant 0 : i32
        %dma_start3A_166 = tpu.memref_slice %arg3[%add3A_158, %dma_start3A_165] : memref<12544x128xi32, #tpu.memory_space<hbm>> -> memref<8x128xi32, #tpu.memory_space<hbm>>
        tpu.enqueue_dma source(%dma_start3A_166 : memref<8x128xi32, #tpu.memory_space<hbm>>) target(%arg11 : memref<8x128xi32, #tpu.memory_space<vmem>>) target_semaphore(%arg19 : memref<!tpu.dma_semaphore, #tpu.memory_space<semaphore_mem>>)
        %dma_wait3A_167 = arith.constant 0 : i32
        %dma_wait3A_168 = arith.constant 0 : i32
        %dma_wait3A_169 = tpu.memref_slice %arg4[%dma_wait3A_167, %dma_wait3A_168] : memref<100352x16xf32, #tpu.memory_space<hbm>> -> memref<512x16xf32, #tpu.memory_space<hbm>>
        %dma_wait3A_170 = arith.constant 0 : i32
        %dma_wait3A_171 = arith.constant 0 : i32
        %dma_wait3A_172 = tpu.memref_slice %arg4[%dma_wait3A_170, %dma_wait3A_171] : memref<100352x16xf32, #tpu.memory_space<hbm>> -> memref<512x16xf32, #tpu.memory_space<hbm>>
        tpu.wait_dma2 semaphore(%arg15 : memref<!tpu.dma_semaphore, #tpu.memory_space<semaphore_mem>>) src(%dma_wait3A_172 : memref<512x16xf32, #tpu.memory_space<hbm>>) dst(%arg12 : memref<512x16xf32, #tpu.memory_space<vmem>>)
        %dma_start3A_173 = arith.constant 0 : i32
        %dma_start3A_174 = arith.constant 0 : i32
        %dma_start3A_175 = arith.constant 0 : i32
        %dma_start3A_176 = tpu.memref_slice %arg12[%dma_start3A_174, %dma_start3A_175] : memref<512x16xf32, #tpu.memory_space<vmem>> -> memref<128x16xf32, #tpu.memory_space<vmem>>
        %dma_start3A_177 = arith.constant 0 : i32
        %dma_start3A_178 = tpu.memref_slice %arg9[%dma_start3A_173, %dma_start3A_177] : memref<8x128xi32, #tpu.memory_space<vmem>> -> memref<1x128xi32, #tpu.memory_space<vmem>>
        %dma_start3A_179 = tpu.memref_squeeze %dma_start3A_178 : memref<1x128xi32, #tpu.memory_space<vmem>> -> memref<128xi32, #tpu.memory_space<vmem>>
        %dma_start3A_180 = arith.constant 0 : i32
        %dma_start3A_181 = arith.constant 0 : i32
        %dma_start3A_182 = tpu.memref_slice %arg14[%dma_start3A_180, %dma_start3A_181] : memref<100352x16xf32, #tpu.memory_space<vmem_shared>> -> memref<100352x16xf32, #tpu.memory_space<vmem_shared>>
        tpu.enqueue_indirect_dma source(%dma_start3A_176 : memref<128x16xf32, #tpu.memory_space<vmem>>) target(%dma_start3A_182 : memref<100352x16xf32, #tpu.memory_space<vmem_shared>>) offsets(%dma_start3A_179 : memref<128xi32, #tpu.memory_space<vmem>>) semaphore(%arg17 : memref<!tpu.dma_semaphore, #tpu.memory_space<semaphore_mem>>) {add = true}
        %dma_start3A_183 = arith.constant 1 : i32
        %dma_start3A_184 = arith.constant 128 : i32
        %dma_start3A_185 = arith.constant 0 : i32
        %dma_start3A_186 = tpu.memref_slice %arg12[%dma_start3A_184, %dma_start3A_185] : memref<512x16xf32, #tpu.memory_space<vmem>> -> memref<128x16xf32, #tpu.memory_space<vmem>>
        %dma_start3A_187 = arith.constant 0 : i32
        %dma_start3A_188 = tpu.memref_slice %arg9[%dma_start3A_183, %dma_start3A_187] : memref<8x128xi32, #tpu.memory_space<vmem>> -> memref<1x128xi32, #tpu.memory_space<vmem>>
        %dma_start3A_189 = tpu.memref_squeeze %dma_start3A_188 : memref<1x128xi32, #tpu.memory_space<vmem>> -> memref<128xi32, #tpu.memory_space<vmem>>
        %dma_start3A_190 = arith.constant 0 : i32
        %dma_start3A_191 = arith.constant 0 : i32
        %dma_start3A_192 = tpu.memref_slice %arg14[%dma_start3A_190, %dma_start3A_191] : memref<100352x16xf32, #tpu.memory_space<vmem_shared>> -> memref<100352x16xf32, #tpu.memory_space<vmem_shared>>
        tpu.enqueue_indirect_dma source(%dma_start3A_186 : memref<128x16xf32, #tpu.memory_space<vmem>>) target(%dma_start3A_192 : memref<100352x16xf32, #tpu.memory_space<vmem_shared>>) offsets(%dma_start3A_189 : memref<128xi32, #tpu.memory_space<vmem>>) semaphore(%arg17 : memref<!tpu.dma_semaphore, #tpu.memory_space<semaphore_mem>>) {add = true}
        %dma_start3A_193 = arith.constant 2 : i32
        %dma_start3A_194 = arith.constant 256 : i32
        %dma_start3A_195 = arith.constant 0 : i32
        %dma_start3A_196 = tpu.memref_slice %arg12[%dma_start3A_194, %dma_start3A_195] : memref<512x16xf32, #tpu.memory_space<vmem>> -> memref<128x16xf32, #tpu.memory_space<vmem>>
        %dma_start3A_197 = arith.constant 0 : i32
        %dma_start3A_198 = tpu.memref_slice %arg9[%dma_start3A_193, %dma_start3A_197] : memref<8x128xi32, #tpu.memory_space<vmem>> -> memref<1x128xi32, #tpu.memory_space<vmem>>
        %dma_start3A_199 = tpu.memref_squeeze %dma_start3A_198 : memref<1x128xi32, #tpu.memory_space<vmem>> -> memref<128xi32, #tpu.memory_space<vmem>>
        %dma_start3A_200 = arith.constant 0 : i32
        %dma_start3A_201 = arith.constant 0 : i32
        %dma_start3A_202 = tpu.memref_slice %arg14[%dma_start3A_200, %dma_start3A_201] : memref<100352x16xf32, #tpu.memory_space<vmem_shared>> -> memref<100352x16xf32, #tpu.memory_space<vmem_shared>>
        tpu.enqueue_indirect_dma source(%dma_start3A_196 : memref<128x16xf32, #tpu.memory_space<vmem>>) target(%dma_start3A_202 : memref<100352x16xf32, #tpu.memory_space<vmem_shared>>) offsets(%dma_start3A_199 : memref<128xi32, #tpu.memory_space<vmem>>) semaphore(%arg17 : memref<!tpu.dma_semaphore, #tpu.memory_space<semaphore_mem>>) {add = true}
        %dma_start3A_203 = arith.constant 3 : i32
        %dma_start3A_204 = arith.constant 384 : i32
        %dma_start3A_205 = arith.constant 0 : i32
        %dma_start3A_206 = tpu.memref_slice %arg12[%dma_start3A_204, %dma_start3A_205] : memref<512x16xf32, #tpu.memory_space<vmem>> -> memref<128x16xf32, #tpu.memory_space<vmem>>
        %dma_start3A_207 = arith.constant 0 : i32
        %dma_start3A_208 = tpu.memref_slice %arg9[%dma_start3A_203, %dma_start3A_207] : memref<8x128xi32, #tpu.memory_space<vmem>> -> memref<1x128xi32, #tpu.memory_space<vmem>>
        %dma_start3A_209 = tpu.memref_squeeze %dma_start3A_208 : memref<1x128xi32, #tpu.memory_space<vmem>> -> memref<128xi32, #tpu.memory_space<vmem>>
        %dma_start3A_210 = arith.constant 0 : i32
        %dma_start3A_211 = arith.constant 0 : i32
        %dma_start3A_212 = tpu.memref_slice %arg14[%dma_start3A_210, %dma_start3A_211] : memref<100352x16xf32, #tpu.memory_space<vmem_shared>> -> memref<100352x16xf32, #tpu.memory_space<vmem_shared>>
        tpu.enqueue_indirect_dma source(%dma_start3A_206 : memref<128x16xf32, #tpu.memory_space<vmem>>) target(%dma_start3A_212 : memref<100352x16xf32, #tpu.memory_space<vmem_shared>>) offsets(%dma_start3A_209 : memref<128xi32, #tpu.memory_space<vmem>>) semaphore(%arg17 : memref<!tpu.dma_semaphore, #tpu.memory_space<semaphore_mem>>) {add = true}
        %dma_wait3A_213 = arith.constant 0 : i32
        %dma_wait3A_214 = arith.constant 0 : i32
        %dma_wait3A_215 = tpu.memref_slice %arg4[%dma_wait3A_213, %dma_wait3A_214] : memref<100352x16xf32, #tpu.memory_space<hbm>> -> memref<512x16xf32, #tpu.memory_space<hbm>>
        %dma_wait3A_216 = arith.constant 0 : i32
        %dma_wait3A_217 = arith.constant 0 : i32
        %dma_wait3A_218 = tpu.memref_slice %arg4[%dma_wait3A_216, %dma_wait3A_217] : memref<100352x16xf32, #tpu.memory_space<hbm>> -> memref<512x16xf32, #tpu.memory_space<hbm>>
        tpu.wait_dma2 semaphore(%arg16 : memref<!tpu.dma_semaphore, #tpu.memory_space<semaphore_mem>>) src(%dma_wait3A_218 : memref<512x16xf32, #tpu.memory_space<hbm>>) dst(%arg13 : memref<512x16xf32, #tpu.memory_space<vmem>>)
        %dma_start3A_219 = arith.constant 4 : i32
        %dma_start3A_220 = arith.constant 0 : i32
        %dma_start3A_221 = arith.constant 0 : i32
        %dma_start3A_222 = tpu.memref_slice %arg13[%dma_start3A_220, %dma_start3A_221] : memref<512x16xf32, #tpu.memory_space<vmem>> -> memref<128x16xf32, #tpu.memory_space<vmem>>
        %dma_start3A_223 = arith.constant 0 : i32
        %dma_start3A_224 = tpu.memref_slice %arg9[%dma_start3A_219, %dma_start3A_223] : memref<8x128xi32, #tpu.memory_space<vmem>> -> memref<1x128xi32, #tpu.memory_space<vmem>>
        %dma_start3A_225 = tpu.memref_squeeze %dma_start3A_224 : memref<1x128xi32, #tpu.memory_space<vmem>> -> memref<128xi32, #tpu.memory_space<vmem>>
        %dma_start3A_226 = arith.constant 0 : i32
        %dma_start3A_227 = arith.constant 0 : i32
        %dma_start3A_228 = tpu.memref_slice %arg14[%dma_start3A_226, %dma_start3A_227] : memref<100352x16xf32, #tpu.memory_space<vmem_shared>> -> memref<100352x16xf32, #tpu.memory_space<vmem_shared>>
        tpu.enqueue_indirect_dma source(%dma_start3A_222 : memref<128x16xf32, #tpu.memory_space<vmem>>) target(%dma_start3A_228 : memref<100352x16xf32, #tpu.memory_space<vmem_shared>>) offsets(%dma_start3A_225 : memref<128xi32, #tpu.memory_space<vmem>>) semaphore(%arg18 : memref<!tpu.dma_semaphore, #tpu.memory_space<semaphore_mem>>) {add = true}
        %dma_start3A_229 = arith.constant 5 : i32
        %dma_start3A_230 = arith.constant 128 : i32
        %dma_start3A_231 = arith.constant 0 : i32
        %dma_start3A_232 = tpu.memref_slice %arg13[%dma_start3A_230, %dma_start3A_231] : memref<512x16xf32, #tpu.memory_space<vmem>> -> memref<128x16xf32, #tpu.memory_space<vmem>>
        %dma_start3A_233 = arith.constant 0 : i32
        %dma_start3A_234 = tpu.memref_slice %arg9[%dma_start3A_229, %dma_start3A_233] : memref<8x128xi32, #tpu.memory_space<vmem>> -> memref<1x128xi32, #tpu.memory_space<vmem>>
        %dma_start3A_235 = tpu.memref_squeeze %dma_start3A_234 : memref<1x128xi32, #tpu.memory_space<vmem>> -> memref<128xi32, #tpu.memory_space<vmem>>
        %dma_start3A_236 = arith.constant 0 : i32
        %dma_start3A_237 = arith.constant 0 : i32
        %dma_start3A_238 = tpu.memref_slice %arg14[%dma_start3A_236, %dma_start3A_237] : memref<100352x16xf32, #tpu.memory_space<vmem_shared>> -> memref<100352x16xf32, #tpu.memory_space<vmem_shared>>
        tpu.enqueue_indirect_dma source(%dma_start3A_232 : memref<128x16xf32, #tpu.memory_space<vmem>>) target(%dma_start3A_238 : memref<100352x16xf32, #tpu.memory_space<vmem_shared>>) offsets(%dma_start3A_235 : memref<128xi32, #tpu.memory_space<vmem>>) semaphore(%arg18 : memref<!tpu.dma_semaphore, #tpu.memory_space<semaphore_mem>>) {add = true}
        %dma_start3A_239 = arith.constant 6 : i32
        %dma_start3A_240 = arith.constant 256 : i32
        %dma_start3A_241 = arith.constant 0 : i32
        %dma_start3A_242 = tpu.memref_slice %arg13[%dma_start3A_240, %dma_start3A_241] : memref<512x16xf32, #tpu.memory_space<vmem>> -> memref<128x16xf32, #tpu.memory_space<vmem>>
        %dma_start3A_243 = arith.constant 0 : i32
        %dma_start3A_244 = tpu.memref_slice %arg9[%dma_start3A_239, %dma_start3A_243] : memref<8x128xi32, #tpu.memory_space<vmem>> -> memref<1x128xi32, #tpu.memory_space<vmem>>
        %dma_start3A_245 = tpu.memref_squeeze %dma_start3A_244 : memref<1x128xi32, #tpu.memory_space<vmem>> -> memref<128xi32, #tpu.memory_space<vmem>>
        %dma_start3A_246 = arith.constant 0 : i32
        %dma_start3A_247 = arith.constant 0 : i32
        %dma_start3A_248 = tpu.memref_slice %arg14[%dma_start3A_246, %dma_start3A_247] : memref<100352x16xf32, #tpu.memory_space<vmem_shared>> -> memref<100352x16xf32, #tpu.memory_space<vmem_shared>>
        tpu.enqueue_indirect_dma source(%dma_start3A_242 : memref<128x16xf32, #tpu.memory_space<vmem>>) target(%dma_start3A_248 : memref<100352x16xf32, #tpu.memory_space<vmem_shared>>) offsets(%dma_start3A_245 : memref<128xi32, #tpu.memory_space<vmem>>) semaphore(%arg18 : memref<!tpu.dma_semaphore, #tpu.memory_space<semaphore_mem>>) {add = true}
        %dma_start3A_249 = arith.constant 7 : i32
        %dma_start3A_250 = arith.constant 384 : i32
        %dma_start3A_251 = arith.constant 0 : i32
        %dma_start3A_252 = tpu.memref_slice %arg13[%dma_start3A_250, %dma_start3A_251] : memref<512x16xf32, #tpu.memory_space<vmem>> -> memref<128x16xf32, #tpu.memory_space<vmem>>
        %dma_start3A_253 = arith.constant 0 : i32
        %dma_start3A_254 = tpu.memref_slice %arg9[%dma_start3A_249, %dma_start3A_253] : memref<8x128xi32, #tpu.memory_space<vmem>> -> memref<1x128xi32, #tpu.memory_space<vmem>>
        %dma_start3A_255 = tpu.memref_squeeze %dma_start3A_254 : memref<1x128xi32, #tpu.memory_space<vmem>> -> memref<128xi32, #tpu.memory_space<vmem>>
        %dma_start3A_256 = arith.constant 0 : i32
        %dma_start3A_257 = arith.constant 0 : i32
        %dma_start3A_258 = tpu.memref_slice %arg14[%dma_start3A_256, %dma_start3A_257] : memref<100352x16xf32, #tpu.memory_space<vmem_shared>> -> memref<100352x16xf32, #tpu.memory_space<vmem_shared>>
        tpu.enqueue_indirect_dma source(%dma_start3A_252 : memref<128x16xf32, #tpu.memory_space<vmem>>) target(%dma_start3A_258 : memref<100352x16xf32, #tpu.memory_space<vmem_shared>>) offsets(%dma_start3A_255 : memref<128xi32, #tpu.memory_space<vmem>>) semaphore(%arg18 : memref<!tpu.dma_semaphore, #tpu.memory_space<semaphore_mem>>) {add = true}
        %mul3A_259 = arith.constant 2 : i32
        %mul3A_260 = arith.muli %mul3A_259, %scan3A_51 : i32
        %add3A_261 = arith.constant 1 : i32
        %add3A_262 = arith.addi %mul3A_260, %add3A_261 : i32
        %dma_wait3A_263 = arith.constant 0 : i32
        %dma_wait3A_264 = arith.constant 0 : i32
        %dma_wait3A_265 = tpu.memref_slice %arg2[%dma_wait3A_263, %dma_wait3A_264] : memref<12544x128xi32, #tpu.memory_space<hbm>> -> memref<8x128xi32, #tpu.memory_space<hbm>>
        %dma_wait3A_266 = arith.constant 0 : i32
        %dma_wait3A_267 = arith.constant 0 : i32
        %dma_wait3A_268 = tpu.memref_slice %arg2[%dma_wait3A_266, %dma_wait3A_267] : memref<12544x128xi32, #tpu.memory_space<hbm>> -> memref<8x128xi32, #tpu.memory_space<hbm>>
        tpu.wait_dma2 semaphore(%arg19 : memref<!tpu.dma_semaphore, #tpu.memory_space<semaphore_mem>>) src(%dma_wait3A_268 : memref<8x128xi32, #tpu.memory_space<hbm>>) dst(%arg10 : memref<8x128xi32, #tpu.memory_space<vmem>>)
        %dma_wait3A_269 = arith.constant 0 : i32
        %dma_wait3A_270 = arith.constant 0 : i32
        %dma_wait3A_271 = tpu.memref_slice %arg3[%dma_wait3A_269, %dma_wait3A_270] : memref<12544x128xi32, #tpu.memory_space<hbm>> -> memref<8x128xi32, #tpu.memory_space<hbm>>
        %dma_wait3A_272 = arith.constant 0 : i32
        %dma_wait3A_273 = arith.constant 0 : i32
        %dma_wait3A_274 = tpu.memref_slice %arg3[%dma_wait3A_272, %dma_wait3A_273] : memref<12544x128xi32, #tpu.memory_space<hbm>> -> memref<8x128xi32, #tpu.memory_space<hbm>>
        tpu.wait_dma2 semaphore(%arg19 : memref<!tpu.dma_semaphore, #tpu.memory_space<semaphore_mem>>) src(%dma_wait3A_274 : memref<8x128xi32, #tpu.memory_space<hbm>>) dst(%arg11 : memref<8x128xi32, #tpu.memory_space<vmem>>)
        %dma_wait3A_275 = arith.constant 0 : i32
        %dma_wait3A_276 = arith.constant 0 : i32
        %dma_wait3A_277 = tpu.memref_slice %arg14[%dma_wait3A_275, %dma_wait3A_276] : memref<100352x16xf32, #tpu.memory_space<vmem_shared>> -> memref<512x16xf32, #tpu.memory_space<vmem_shared>>
        %dma_wait3A_278 = arith.constant 0 : i32
        %dma_wait3A_279 = arith.constant 0 : i32
        %dma_wait3A_280 = tpu.memref_slice %arg14[%dma_wait3A_278, %dma_wait3A_279] : memref<100352x16xf32, #tpu.memory_space<vmem_shared>> -> memref<512x16xf32, #tpu.memory_space<vmem_shared>>
        tpu.wait_dma2 semaphore(%arg17 : memref<!tpu.dma_semaphore, #tpu.memory_space<semaphore_mem>>) src(%arg12 : memref<512x16xf32, #tpu.memory_space<vmem>>) dst(%dma_wait3A_280 : memref<512x16xf32, #tpu.memory_space<vmem_shared>>)
        %dma_start3A_281 = arith.constant 0 : i32
        %dma_start3A_282 = arith.constant 0 : i32
        %dma_start3A_283 = arith.constant 0 : i32
        %dma_start3A_284 = tpu.memref_slice %arg12[%dma_start3A_282, %dma_start3A_283] : memref<512x16xf32, #tpu.memory_space<vmem>> -> memref<128x16xf32, #tpu.memory_space<vmem>>
        %dma_start3A_285 = arith.constant 0 : i32
        %dma_start3A_286 = tpu.memref_slice %arg10[%dma_start3A_281, %dma_start3A_285] : memref<8x128xi32, #tpu.memory_space<vmem>> -> memref<1x128xi32, #tpu.memory_space<vmem>>
        %dma_start3A_287 = tpu.memref_squeeze %dma_start3A_286 : memref<1x128xi32, #tpu.memory_space<vmem>> -> memref<128xi32, #tpu.memory_space<vmem>>
        %dma_start3A_288 = arith.constant 0 : i32
        %dma_start3A_289 = arith.constant 0 : i32
        %dma_start3A_290 = tpu.memref_slice %arg4[%dma_start3A_288, %dma_start3A_289] : memref<100352x16xf32, #tpu.memory_space<hbm>> -> memref<100352x16xf32, #tpu.memory_space<hbm>>
        tpu.enqueue_indirect_dma source(%dma_start3A_290 : memref<100352x16xf32, #tpu.memory_space<hbm>>) target(%dma_start3A_284 : memref<128x16xf32, #tpu.memory_space<vmem>>) offsets(%dma_start3A_287 : memref<128xi32, #tpu.memory_space<vmem>>) semaphore(%arg15 : memref<!tpu.dma_semaphore, #tpu.memory_space<semaphore_mem>>)
        %dma_start3A_291 = arith.constant 1 : i32
        %dma_start3A_292 = arith.constant 128 : i32
        %dma_start3A_293 = arith.constant 0 : i32
        %dma_start3A_294 = tpu.memref_slice %arg12[%dma_start3A_292, %dma_start3A_293] : memref<512x16xf32, #tpu.memory_space<vmem>> -> memref<128x16xf32, #tpu.memory_space<vmem>>
        %dma_start3A_295 = arith.constant 0 : i32
        %dma_start3A_296 = tpu.memref_slice %arg10[%dma_start3A_291, %dma_start3A_295] : memref<8x128xi32, #tpu.memory_space<vmem>> -> memref<1x128xi32, #tpu.memory_space<vmem>>
        %dma_start3A_297 = tpu.memref_squeeze %dma_start3A_296 : memref<1x128xi32, #tpu.memory_space<vmem>> -> memref<128xi32, #tpu.memory_space<vmem>>
        %dma_start3A_298 = arith.constant 0 : i32
        %dma_start3A_299 = arith.constant 0 : i32
        %dma_start3A_300 = tpu.memref_slice %arg4[%dma_start3A_298, %dma_start3A_299] : memref<100352x16xf32, #tpu.memory_space<hbm>> -> memref<100352x16xf32, #tpu.memory_space<hbm>>
        tpu.enqueue_indirect_dma source(%dma_start3A_300 : memref<100352x16xf32, #tpu.memory_space<hbm>>) target(%dma_start3A_294 : memref<128x16xf32, #tpu.memory_space<vmem>>) offsets(%dma_start3A_297 : memref<128xi32, #tpu.memory_space<vmem>>) semaphore(%arg15 : memref<!tpu.dma_semaphore, #tpu.memory_space<semaphore_mem>>)
        %dma_start3A_301 = arith.constant 2 : i32
        %dma_start3A_302 = arith.constant 256 : i32
        %dma_start3A_303 = arith.constant 0 : i32
        %dma_start3A_304 = tpu.memref_slice %arg12[%dma_start3A_302, %dma_start3A_303] : memref<512x16xf32, #tpu.memory_space<vmem>> -> memref<128x16xf32, #tpu.memory_space<vmem>>
        %dma_start3A_305 = arith.constant 0 : i32
        %dma_start3A_306 = tpu.memref_slice %arg10[%dma_start3A_301, %dma_start3A_305] : memref<8x128xi32, #tpu.memory_space<vmem>> -> memref<1x128xi32, #tpu.memory_space<vmem>>
        %dma_start3A_307 = tpu.memref_squeeze %dma_start3A_306 : memref<1x128xi32, #tpu.memory_space<vmem>> -> memref<128xi32, #tpu.memory_space<vmem>>
        %dma_start3A_308 = arith.constant 0 : i32
        %dma_start3A_309 = arith.constant 0 : i32
        %dma_start3A_310 = tpu.memref_slice %arg4[%dma_start3A_308, %dma_start3A_309] : memref<100352x16xf32, #tpu.memory_space<hbm>> -> memref<100352x16xf32, #tpu.memory_space<hbm>>
        tpu.enqueue_indirect_dma source(%dma_start3A_310 : memref<100352x16xf32, #tpu.memory_space<hbm>>) target(%dma_start3A_304 : memref<128x16xf32, #tpu.memory_space<vmem>>) offsets(%dma_start3A_307 : memref<128xi32, #tpu.memory_space<vmem>>) semaphore(%arg15 : memref<!tpu.dma_semaphore, #tpu.memory_space<semaphore_mem>>)
        %dma_start3A_311 = arith.constant 3 : i32
        %dma_start3A_312 = arith.constant 384 : i32
        %dma_start3A_313 = arith.constant 0 : i32
        %dma_start3A_314 = tpu.memref_slice %arg12[%dma_start3A_312, %dma_start3A_313] : memref<512x16xf32, #tpu.memory_space<vmem>> -> memref<128x16xf32, #tpu.memory_space<vmem>>
        %dma_start3A_315 = arith.constant 0 : i32
        %dma_start3A_316 = tpu.memref_slice %arg10[%dma_start3A_311, %dma_start3A_315] : memref<8x128xi32, #tpu.memory_space<vmem>> -> memref<1x128xi32, #tpu.memory_space<vmem>>
        %dma_start3A_317 = tpu.memref_squeeze %dma_start3A_316 : memref<1x128xi32, #tpu.memory_space<vmem>> -> memref<128xi32, #tpu.memory_space<vmem>>
        %dma_start3A_318 = arith.constant 0 : i32
        %dma_start3A_319 = arith.constant 0 : i32
        %dma_start3A_320 = tpu.memref_slice %arg4[%dma_start3A_318, %dma_start3A_319] : memref<100352x16xf32, #tpu.memory_space<hbm>> -> memref<100352x16xf32, #tpu.memory_space<hbm>>
        tpu.enqueue_indirect_dma source(%dma_start3A_320 : memref<100352x16xf32, #tpu.memory_space<hbm>>) target(%dma_start3A_314 : memref<128x16xf32, #tpu.memory_space<vmem>>) offsets(%dma_start3A_317 : memref<128xi32, #tpu.memory_space<vmem>>) semaphore(%arg15 : memref<!tpu.dma_semaphore, #tpu.memory_space<semaphore_mem>>)
        %dma_wait3A_321 = arith.constant 0 : i32
        %dma_wait3A_322 = arith.constant 0 : i32
        %dma_wait3A_323 = tpu.memref_slice %arg14[%dma_wait3A_321, %dma_wait3A_322] : memref<100352x16xf32, #tpu.memory_space<vmem_shared>> -> memref<512x16xf32, #tpu.memory_space<vmem_shared>>
        %dma_wait3A_324 = arith.constant 0 : i32
        %dma_wait3A_325 = arith.constant 0 : i32
        %dma_wait3A_326 = tpu.memref_slice %arg14[%dma_wait3A_324, %dma_wait3A_325] : memref<100352x16xf32, #tpu.memory_space<vmem_shared>> -> memref<512x16xf32, #tpu.memory_space<vmem_shared>>
        tpu.wait_dma2 semaphore(%arg18 : memref<!tpu.dma_semaphore, #tpu.memory_space<semaphore_mem>>) src(%arg13 : memref<512x16xf32, #tpu.memory_space<vmem>>) dst(%dma_wait3A_326 : memref<512x16xf32, #tpu.memory_space<vmem_shared>>)
        %dma_start3A_327 = arith.constant 4 : i32
        %dma_start3A_328 = arith.constant 0 : i32
        %dma_start3A_329 = arith.constant 0 : i32
        %dma_start3A_330 = tpu.memref_slice %arg13[%dma_start3A_328, %dma_start3A_329] : memref<512x16xf32, #tpu.memory_space<vmem>> -> memref<128x16xf32, #tpu.memory_space<vmem>>
        %dma_start3A_331 = arith.constant 0 : i32
        %dma_start3A_332 = tpu.memref_slice %arg10[%dma_start3A_327, %dma_start3A_331] : memref<8x128xi32, #tpu.memory_space<vmem>> -> memref<1x128xi32, #tpu.memory_space<vmem>>
        %dma_start3A_333 = tpu.memref_squeeze %dma_start3A_332 : memref<1x128xi32, #tpu.memory_space<vmem>> -> memref<128xi32, #tpu.memory_space<vmem>>
        %dma_start3A_334 = arith.constant 0 : i32
        %dma_start3A_335 = arith.constant 0 : i32
        %dma_start3A_336 = tpu.memref_slice %arg4[%dma_start3A_334, %dma_start3A_335] : memref<100352x16xf32, #tpu.memory_space<hbm>> -> memref<100352x16xf32, #tpu.memory_space<hbm>>
        tpu.enqueue_indirect_dma source(%dma_start3A_336 : memref<100352x16xf32, #tpu.memory_space<hbm>>) target(%dma_start3A_330 : memref<128x16xf32, #tpu.memory_space<vmem>>) offsets(%dma_start3A_333 : memref<128xi32, #tpu.memory_space<vmem>>) semaphore(%arg16 : memref<!tpu.dma_semaphore, #tpu.memory_space<semaphore_mem>>)
        %dma_start3A_337 = arith.constant 5 : i32
        %dma_start3A_338 = arith.constant 128 : i32
        %dma_start3A_339 = arith.constant 0 : i32
        %dma_start3A_340 = tpu.memref_slice %arg13[%dma_start3A_338, %dma_start3A_339] : memref<512x16xf32, #tpu.memory_space<vmem>> -> memref<128x16xf32, #tpu.memory_space<vmem>>
        %dma_start3A_341 = arith.constant 0 : i32
        %dma_start3A_342 = tpu.memref_slice %arg10[%dma_start3A_337, %dma_start3A_341] : memref<8x128xi32, #tpu.memory_space<vmem>> -> memref<1x128xi32, #tpu.memory_space<vmem>>
        %dma_start3A_343 = tpu.memref_squeeze %dma_start3A_342 : memref<1x128xi32, #tpu.memory_space<vmem>> -> memref<128xi32, #tpu.memory_space<vmem>>
        %dma_start3A_344 = arith.constant 0 : i32
        %dma_start3A_345 = arith.constant 0 : i32
        %dma_start3A_346 = tpu.memref_slice %arg4[%dma_start3A_344, %dma_start3A_345] : memref<100352x16xf32, #tpu.memory_space<hbm>> -> memref<100352x16xf32, #tpu.memory_space<hbm>>
        tpu.enqueue_indirect_dma source(%dma_start3A_346 : memref<100352x16xf32, #tpu.memory_space<hbm>>) target(%dma_start3A_340 : memref<128x16xf32, #tpu.memory_space<vmem>>) offsets(%dma_start3A_343 : memref<128xi32, #tpu.memory_space<vmem>>) semaphore(%arg16 : memref<!tpu.dma_semaphore, #tpu.memory_space<semaphore_mem>>)
        %dma_start3A_347 = arith.constant 6 : i32
        %dma_start3A_348 = arith.constant 256 : i32
        %dma_start3A_349 = arith.constant 0 : i32
        %dma_start3A_350 = tpu.memref_slice %arg13[%dma_start3A_348, %dma_start3A_349] : memref<512x16xf32, #tpu.memory_space<vmem>> -> memref<128x16xf32, #tpu.memory_space<vmem>>
        %dma_start3A_351 = arith.constant 0 : i32
        %dma_start3A_352 = tpu.memref_slice %arg10[%dma_start3A_347, %dma_start3A_351] : memref<8x128xi32, #tpu.memory_space<vmem>> -> memref<1x128xi32, #tpu.memory_space<vmem>>
        %dma_start3A_353 = tpu.memref_squeeze %dma_start3A_352 : memref<1x128xi32, #tpu.memory_space<vmem>> -> memref<128xi32, #tpu.memory_space<vmem>>
        %dma_start3A_354 = arith.constant 0 : i32
        %dma_start3A_355 = arith.constant 0 : i32
        %dma_start3A_356 = tpu.memref_slice %arg4[%dma_start3A_354, %dma_start3A_355] : memref<100352x16xf32, #tpu.memory_space<hbm>> -> memref<100352x16xf32, #tpu.memory_space<hbm>>
        tpu.enqueue_indirect_dma source(%dma_start3A_356 : memref<100352x16xf32, #tpu.memory_space<hbm>>) target(%dma_start3A_350 : memref<128x16xf32, #tpu.memory_space<vmem>>) offsets(%dma_start3A_353 : memref<128xi32, #tpu.memory_space<vmem>>) semaphore(%arg16 : memref<!tpu.dma_semaphore, #tpu.memory_space<semaphore_mem>>)
        %dma_start3A_357 = arith.constant 7 : i32
        %dma_start3A_358 = arith.constant 384 : i32
        %dma_start3A_359 = arith.constant 0 : i32
        %dma_start3A_360 = tpu.memref_slice %arg13[%dma_start3A_358, %dma_start3A_359] : memref<512x16xf32, #tpu.memory_space<vmem>> -> memref<128x16xf32, #tpu.memory_space<vmem>>
        %dma_start3A_361 = arith.constant 0 : i32
        %dma_start3A_362 = tpu.memref_slice %arg10[%dma_start3A_357, %dma_start3A_361] : memref<8x128xi32, #tpu.memory_space<vmem>> -> memref<1x128xi32, #tpu.memory_space<vmem>>
        %dma_start3A_363 = tpu.memref_squeeze %dma_start3A_362 : memref<1x128xi32, #tpu.memory_space<vmem>> -> memref<128xi32, #tpu.memory_space<vmem>>
        %dma_start3A_364 = arith.constant 0 : i32
        %dma_start3A_365 = arith.constant 0 : i32
        %dma_start3A_366 = tpu.memref_slice %arg4[%dma_start3A_364, %dma_start3A_365] : memref<100352x16xf32, #tpu.memory_space<hbm>> -> memref<100352x16xf32, #tpu.memory_space<hbm>>
        tpu.enqueue_indirect_dma source(%dma_start3A_366 : memref<100352x16xf32, #tpu.memory_space<hbm>>) target(%dma_start3A_360 : memref<128x16xf32, #tpu.memory_space<vmem>>) offsets(%dma_start3A_363 : memref<128xi32, #tpu.memory_space<vmem>>) semaphore(%arg16 : memref<!tpu.dma_semaphore, #tpu.memory_space<semaphore_mem>>)
        %add3A_367 = arith.constant 1 : i32
        %add3A_368 = arith.addi %add3A_262, %add3A_367 : i32
        %min3A_369 = arith.constant 97 : i32
        %min3A_370 = arith.minsi %add3A_368, %min3A_369 : i32
        %mul3A_371 = arith.constant 8 : i32
        %mul3A_372 = arith.muli %min3A_370, %mul3A_371 : i32
        %add3A_373 = arith.addi %mul3A_2, %mul3A_372 : i32
        %dma_start3A_374 = arith.constant 0 : i32
        %dma_start3A_375 = tpu.memref_slice %arg2[%add3A_373, %dma_start3A_374] : memref<12544x128xi32, #tpu.memory_space<hbm>> -> memref<8x128xi32, #tpu.memory_space<hbm>>
        %dma_start3A_376 = arith.constant 0 : i32
        %dma_start3A_377 = tpu.memref_slice %arg2[%add3A_373, %dma_start3A_376] : memref<12544x128xi32, #tpu.memory_space<hbm>> -> memref<8x128xi32, #tpu.memory_space<hbm>>
        tpu.enqueue_dma source(%dma_start3A_377 : memref<8x128xi32, #tpu.memory_space<hbm>>) target(%arg8 : memref<8x128xi32, #tpu.memory_space<vmem>>) target_semaphore(%arg19 : memref<!tpu.dma_semaphore, #tpu.memory_space<semaphore_mem>>)
        %dma_start3A_378 = arith.constant 0 : i32
        %dma_start3A_379 = tpu.memref_slice %arg3[%add3A_373, %dma_start3A_378] : memref<12544x128xi32, #tpu.memory_space<hbm>> -> memref<8x128xi32, #tpu.memory_space<hbm>>
        %dma_start3A_380 = arith.constant 0 : i32
        %dma_start3A_381 = tpu.memref_slice %arg3[%add3A_373, %dma_start3A_380] : memref<12544x128xi32, #tpu.memory_space<hbm>> -> memref<8x128xi32, #tpu.memory_space<hbm>>
        tpu.enqueue_dma source(%dma_start3A_381 : memref<8x128xi32, #tpu.memory_space<hbm>>) target(%arg9 : memref<8x128xi32, #tpu.memory_space<vmem>>) target_semaphore(%arg19 : memref<!tpu.dma_semaphore, #tpu.memory_space<semaphore_mem>>)
        %dma_wait3A_382 = arith.constant 0 : i32
        %dma_wait3A_383 = arith.constant 0 : i32
        %dma_wait3A_384 = tpu.memref_slice %arg4[%dma_wait3A_382, %dma_wait3A_383] : memref<100352x16xf32, #tpu.memory_space<hbm>> -> memref<512x16xf32, #tpu.memory_space<hbm>>
        %dma_wait3A_385 = arith.constant 0 : i32
        %dma_wait3A_386 = arith.constant 0 : i32
        %dma_wait3A_387 = tpu.memref_slice %arg4[%dma_wait3A_385, %dma_wait3A_386] : memref<100352x16xf32, #tpu.memory_space<hbm>> -> memref<512x16xf32, #tpu.memory_space<hbm>>
        tpu.wait_dma2 semaphore(%arg15 : memref<!tpu.dma_semaphore, #tpu.memory_space<semaphore_mem>>) src(%dma_wait3A_387 : memref<512x16xf32, #tpu.memory_space<hbm>>) dst(%arg12 : memref<512x16xf32, #tpu.memory_space<vmem>>)
        %dma_start3A_388 = arith.constant 0 : i32
        %dma_start3A_389 = arith.constant 0 : i32
        %dma_start3A_390 = arith.constant 0 : i32
        %dma_start3A_391 = tpu.memref_slice %arg12[%dma_start3A_389, %dma_start3A_390] : memref<512x16xf32, #tpu.memory_space<vmem>> -> memref<128x16xf32, #tpu.memory_space<vmem>>
        %dma_start3A_392 = arith.constant 0 : i32
        %dma_start3A_393 = tpu.memref_slice %arg11[%dma_start3A_388, %dma_start3A_392] : memref<8x128xi32, #tpu.memory_space<vmem>> -> memref<1x128xi32, #tpu.memory_space<vmem>>
        %dma_start3A_394 = tpu.memref_squeeze %dma_start3A_393 : memref<1x128xi32, #tpu.memory_space<vmem>> -> memref<128xi32, #tpu.memory_space<vmem>>
        %dma_start3A_395 = arith.constant 0 : i32
        %dma_start3A_396 = arith.constant 0 : i32
        %dma_start3A_397 = tpu.memref_slice %arg14[%dma_start3A_395, %dma_start3A_396] : memref<100352x16xf32, #tpu.memory_space<vmem_shared>> -> memref<100352x16xf32, #tpu.memory_space<vmem_shared>>
        tpu.enqueue_indirect_dma source(%dma_start3A_391 : memref<128x16xf32, #tpu.memory_space<vmem>>) target(%dma_start3A_397 : memref<100352x16xf32, #tpu.memory_space<vmem_shared>>) offsets(%dma_start3A_394 : memref<128xi32, #tpu.memory_space<vmem>>) semaphore(%arg17 : memref<!tpu.dma_semaphore, #tpu.memory_space<semaphore_mem>>) {add = true}
        %dma_start3A_398 = arith.constant 1 : i32
        %dma_start3A_399 = arith.constant 128 : i32
        %dma_start3A_400 = arith.constant 0 : i32
        %dma_start3A_401 = tpu.memref_slice %arg12[%dma_start3A_399, %dma_start3A_400] : memref<512x16xf32, #tpu.memory_space<vmem>> -> memref<128x16xf32, #tpu.memory_space<vmem>>
        %dma_start3A_402 = arith.constant 0 : i32
        %dma_start3A_403 = tpu.memref_slice %arg11[%dma_start3A_398, %dma_start3A_402] : memref<8x128xi32, #tpu.memory_space<vmem>> -> memref<1x128xi32, #tpu.memory_space<vmem>>
        %dma_start3A_404 = tpu.memref_squeeze %dma_start3A_403 : memref<1x128xi32, #tpu.memory_space<vmem>> -> memref<128xi32, #tpu.memory_space<vmem>>
        %dma_start3A_405 = arith.constant 0 : i32
        %dma_start3A_406 = arith.constant 0 : i32
        %dma_start3A_407 = tpu.memref_slice %arg14[%dma_start3A_405, %dma_start3A_406] : memref<100352x16xf32, #tpu.memory_space<vmem_shared>> -> memref<100352x16xf32, #tpu.memory_space<vmem_shared>>
        tpu.enqueue_indirect_dma source(%dma_start3A_401 : memref<128x16xf32, #tpu.memory_space<vmem>>) target(%dma_start3A_407 : memref<100352x16xf32, #tpu.memory_space<vmem_shared>>) offsets(%dma_start3A_404 : memref<128xi32, #tpu.memory_space<vmem>>) semaphore(%arg17 : memref<!tpu.dma_semaphore, #tpu.memory_space<semaphore_mem>>) {add = true}
        %dma_start3A_408 = arith.constant 2 : i32
        %dma_start3A_409 = arith.constant 256 : i32
        %dma_start3A_410 = arith.constant 0 : i32
        %dma_start3A_411 = tpu.memref_slice %arg12[%dma_start3A_409, %dma_start3A_410] : memref<512x16xf32, #tpu.memory_space<vmem>> -> memref<128x16xf32, #tpu.memory_space<vmem>>
        %dma_start3A_412 = arith.constant 0 : i32
        %dma_start3A_413 = tpu.memref_slice %arg11[%dma_start3A_408, %dma_start3A_412] : memref<8x128xi32, #tpu.memory_space<vmem>> -> memref<1x128xi32, #tpu.memory_space<vmem>>
        %dma_start3A_414 = tpu.memref_squeeze %dma_start3A_413 : memref<1x128xi32, #tpu.memory_space<vmem>> -> memref<128xi32, #tpu.memory_space<vmem>>
        %dma_start3A_415 = arith.constant 0 : i32
        %dma_start3A_416 = arith.constant 0 : i32
        %dma_start3A_417 = tpu.memref_slice %arg14[%dma_start3A_415, %dma_start3A_416] : memref<100352x16xf32, #tpu.memory_space<vmem_shared>> -> memref<100352x16xf32, #tpu.memory_space<vmem_shared>>
        tpu.enqueue_indirect_dma source(%dma_start3A_411 : memref<128x16xf32, #tpu.memory_space<vmem>>) target(%dma_start3A_417 : memref<100352x16xf32, #tpu.memory_space<vmem_shared>>) offsets(%dma_start3A_414 : memref<128xi32, #tpu.memory_space<vmem>>) semaphore(%arg17 : memref<!tpu.dma_semaphore, #tpu.memory_space<semaphore_mem>>) {add = true}
        %dma_start3A_418 = arith.constant 3 : i32
        %dma_start3A_419 = arith.constant 384 : i32
        %dma_start3A_420 = arith.constant 0 : i32
        %dma_start3A_421 = tpu.memref_slice %arg12[%dma_start3A_419, %dma_start3A_420] : memref<512x16xf32, #tpu.memory_space<vmem>> -> memref<128x16xf32, #tpu.memory_space<vmem>>
        %dma_start3A_422 = arith.constant 0 : i32
        %dma_start3A_423 = tpu.memref_slice %arg11[%dma_start3A_418, %dma_start3A_422] : memref<8x128xi32, #tpu.memory_space<vmem>> -> memref<1x128xi32, #tpu.memory_space<vmem>>
        %dma_start3A_424 = tpu.memref_squeeze %dma_start3A_423 : memref<1x128xi32, #tpu.memory_space<vmem>> -> memref<128xi32, #tpu.memory_space<vmem>>
        %dma_start3A_425 = arith.constant 0 : i32
        %dma_start3A_426 = arith.constant 0 : i32
        %dma_start3A_427 = tpu.memref_slice %arg14[%dma_start3A_425, %dma_start3A_426] : memref<100352x16xf32, #tpu.memory_space<vmem_shared>> -> memref<100352x16xf32, #tpu.memory_space<vmem_shared>>
        tpu.enqueue_indirect_dma source(%dma_start3A_421 : memref<128x16xf32, #tpu.memory_space<vmem>>) target(%dma_start3A_427 : memref<100352x16xf32, #tpu.memory_space<vmem_shared>>) offsets(%dma_start3A_424 : memref<128xi32, #tpu.memory_space<vmem>>) semaphore(%arg17 : memref<!tpu.dma_semaphore, #tpu.memory_space<semaphore_mem>>) {add = true}
        %dma_wait3A_428 = arith.constant 0 : i32
        %dma_wait3A_429 = arith.constant 0 : i32
        %dma_wait3A_430 = tpu.memref_slice %arg4[%dma_wait3A_428, %dma_wait3A_429] : memref<100352x16xf32, #tpu.memory_space<hbm>> -> memref<512x16xf32, #tpu.memory_space<hbm>>
        %dma_wait3A_431 = arith.constant 0 : i32
        %dma_wait3A_432 = arith.constant 0 : i32
        %dma_wait3A_433 = tpu.memref_slice %arg4[%dma_wait3A_431, %dma_wait3A_432] : memref<100352x16xf32, #tpu.memory_space<hbm>> -> memref<512x16xf32, #tpu.memory_space<hbm>>
        tpu.wait_dma2 semaphore(%arg16 : memref<!tpu.dma_semaphore, #tpu.memory_space<semaphore_mem>>) src(%dma_wait3A_433 : memref<512x16xf32, #tpu.memory_space<hbm>>) dst(%arg13 : memref<512x16xf32, #tpu.memory_space<vmem>>)
        %dma_start3A_434 = arith.constant 4 : i32
        %dma_start3A_435 = arith.constant 0 : i32
        %dma_start3A_436 = arith.constant 0 : i32
        %dma_start3A_437 = tpu.memref_slice %arg13[%dma_start3A_435, %dma_start3A_436] : memref<512x16xf32, #tpu.memory_space<vmem>> -> memref<128x16xf32, #tpu.memory_space<vmem>>
        %dma_start3A_438 = arith.constant 0 : i32
        %dma_start3A_439 = tpu.memref_slice %arg11[%dma_start3A_434, %dma_start3A_438] : memref<8x128xi32, #tpu.memory_space<vmem>> -> memref<1x128xi32, #tpu.memory_space<vmem>>
        %dma_start3A_440 = tpu.memref_squeeze %dma_start3A_439 : memref<1x128xi32, #tpu.memory_space<vmem>> -> memref<128xi32, #tpu.memory_space<vmem>>
        %dma_start3A_441 = arith.constant 0 : i32
        %dma_start3A_442 = arith.constant 0 : i32
        %dma_start3A_443 = tpu.memref_slice %arg14[%dma_start3A_441, %dma_start3A_442] : memref<100352x16xf32, #tpu.memory_space<vmem_shared>> -> memref<100352x16xf32, #tpu.memory_space<vmem_shared>>
        tpu.enqueue_indirect_dma source(%dma_start3A_437 : memref<128x16xf32, #tpu.memory_space<vmem>>) target(%dma_start3A_443 : memref<100352x16xf32, #tpu.memory_space<vmem_shared>>) offsets(%dma_start3A_440 : memref<128xi32, #tpu.memory_space<vmem>>) semaphore(%arg18 : memref<!tpu.dma_semaphore, #tpu.memory_space<semaphore_mem>>) {add = true}
        %dma_start3A_444 = arith.constant 5 : i32
        %dma_start3A_445 = arith.constant 128 : i32
        %dma_start3A_446 = arith.constant 0 : i32
        %dma_start3A_447 = tpu.memref_slice %arg13[%dma_start3A_445, %dma_start3A_446] : memref<512x16xf32, #tpu.memory_space<vmem>> -> memref<128x16xf32, #tpu.memory_space<vmem>>
        %dma_start3A_448 = arith.constant 0 : i32
        %dma_start3A_449 = tpu.memref_slice %arg11[%dma_start3A_444, %dma_start3A_448] : memref<8x128xi32, #tpu.memory_space<vmem>> -> memref<1x128xi32, #tpu.memory_space<vmem>>
        %dma_start3A_450 = tpu.memref_squeeze %dma_start3A_449 : memref<1x128xi32, #tpu.memory_space<vmem>> -> memref<128xi32, #tpu.memory_space<vmem>>
        %dma_start3A_451 = arith.constant 0 : i32
        %dma_start3A_452 = arith.constant 0 : i32
        %dma_start3A_453 = tpu.memref_slice %arg14[%dma_start3A_451, %dma_start3A_452] : memref<100352x16xf32, #tpu.memory_space<vmem_shared>> -> memref<100352x16xf32, #tpu.memory_space<vmem_shared>>
        tpu.enqueue_indirect_dma source(%dma_start3A_447 : memref<128x16xf32, #tpu.memory_space<vmem>>) target(%dma_start3A_453 : memref<100352x16xf32, #tpu.memory_space<vmem_shared>>) offsets(%dma_start3A_450 : memref<128xi32, #tpu.memory_space<vmem>>) semaphore(%arg18 : memref<!tpu.dma_semaphore, #tpu.memory_space<semaphore_mem>>) {add = true}
        %dma_start3A_454 = arith.constant 6 : i32
        %dma_start3A_455 = arith.constant 256 : i32
        %dma_start3A_456 = arith.constant 0 : i32
        %dma_start3A_457 = tpu.memref_slice %arg13[%dma_start3A_455, %dma_start3A_456] : memref<512x16xf32, #tpu.memory_space<vmem>> -> memref<128x16xf32, #tpu.memory_space<vmem>>
        %dma_start3A_458 = arith.constant 0 : i32
        %dma_start3A_459 = tpu.memref_slice %arg11[%dma_start3A_454, %dma_start3A_458] : memref<8x128xi32, #tpu.memory_space<vmem>> -> memref<1x128xi32, #tpu.memory_space<vmem>>
        %dma_start3A_460 = tpu.memref_squeeze %dma_start3A_459 : memref<1x128xi32, #tpu.memory_space<vmem>> -> memref<128xi32, #tpu.memory_space<vmem>>
        %dma_start3A_461 = arith.constant 0 : i32
        %dma_start3A_462 = arith.constant 0 : i32
        %dma_start3A_463 = tpu.memref_slice %arg14[%dma_start3A_461, %dma_start3A_462] : memref<100352x16xf32, #tpu.memory_space<vmem_shared>> -> memref<100352x16xf32, #tpu.memory_space<vmem_shared>>
        tpu.enqueue_indirect_dma source(%dma_start3A_457 : memref<128x16xf32, #tpu.memory_space<vmem>>) target(%dma_start3A_463 : memref<100352x16xf32, #tpu.memory_space<vmem_shared>>) offsets(%dma_start3A_460 : memref<128xi32, #tpu.memory_space<vmem>>) semaphore(%arg18 : memref<!tpu.dma_semaphore, #tpu.memory_space<semaphore_mem>>) {add = true}
        %dma_start3A_464 = arith.constant 7 : i32
        %dma_start3A_465 = arith.constant 384 : i32
        %dma_start3A_466 = arith.constant 0 : i32
        %dma_start3A_467 = tpu.memref_slice %arg13[%dma_start3A_465, %dma_start3A_466] : memref<512x16xf32, #tpu.memory_space<vmem>> -> memref<128x16xf32, #tpu.memory_space<vmem>>
        %dma_start3A_468 = arith.constant 0 : i32
        %dma_start3A_469 = tpu.memref_slice %arg11[%dma_start3A_464, %dma_start3A_468] : memref<8x128xi32, #tpu.memory_space<vmem>> -> memref<1x128xi32, #tpu.memory_space<vmem>>
        %dma_start3A_470 = tpu.memref_squeeze %dma_start3A_469 : memref<1x128xi32, #tpu.memory_space<vmem>> -> memref<128xi32, #tpu.memory_space<vmem>>
        %dma_start3A_471 = arith.constant 0 : i32
        %dma_start3A_472 = arith.constant 0 : i32
        %dma_start3A_473 = tpu.memref_slice %arg14[%dma_start3A_471, %dma_start3A_472] : memref<100352x16xf32, #tpu.memory_space<vmem_shared>> -> memref<100352x16xf32, #tpu.memory_space<vmem_shared>>
        tpu.enqueue_indirect_dma source(%dma_start3A_467 : memref<128x16xf32, #tpu.memory_space<vmem>>) target(%dma_start3A_473 : memref<100352x16xf32, #tpu.memory_space<vmem_shared>>) offsets(%dma_start3A_470 : memref<128xi32, #tpu.memory_space<vmem>>) semaphore(%arg18 : memref<!tpu.dma_semaphore, #tpu.memory_space<semaphore_mem>>) {add = true}
      }
      %scan3A_27 = arith.constant 49 : i32
      %dma_wait3A = arith.constant 0 : i32
      %dma_wait3A_28 = arith.constant 0 : i32
      %dma_wait3A_29 = tpu.memref_slice %arg2[%dma_wait3A, %dma_wait3A_28] : memref<12544x128xi32, #tpu.memory_space<hbm>> -> memref<8x128xi32, #tpu.memory_space<hbm>>
      %dma_wait3A_30 = arith.constant 0 : i32
      %dma_wait3A_31 = arith.constant 0 : i32
      %dma_wait3A_32 = tpu.memref_slice %arg2[%dma_wait3A_30, %dma_wait3A_31] : memref<12544x128xi32, #tpu.memory_space<hbm>> -> memref<8x128xi32, #tpu.memory_space<hbm>>
      tpu.wait_dma2 semaphore(%arg19 : memref<!tpu.dma_semaphore, #tpu.memory_space<semaphore_mem>>) src(%dma_wait3A_32 : memref<8x128xi32, #tpu.memory_space<hbm>>) dst(%arg8 : memref<8x128xi32, #tpu.memory_space<vmem>>)
      %dma_wait3A_33 = arith.constant 0 : i32
      %dma_wait3A_34 = arith.constant 0 : i32
      %dma_wait3A_35 = tpu.memref_slice %arg3[%dma_wait3A_33, %dma_wait3A_34] : memref<12544x128xi32, #tpu.memory_space<hbm>> -> memref<8x128xi32, #tpu.memory_space<hbm>>
      %dma_wait3A_36 = arith.constant 0 : i32
      %dma_wait3A_37 = arith.constant 0 : i32
      %dma_wait3A_38 = tpu.memref_slice %arg3[%dma_wait3A_36, %dma_wait3A_37] : memref<12544x128xi32, #tpu.memory_space<hbm>> -> memref<8x128xi32, #tpu.memory_space<hbm>>
      tpu.wait_dma2 semaphore(%arg19 : memref<!tpu.dma_semaphore, #tpu.memory_space<semaphore_mem>>) src(%dma_wait3A_38 : memref<8x128xi32, #tpu.memory_space<hbm>>) dst(%arg9 : memref<8x128xi32, #tpu.memory_space<vmem>>)
      %dma_wait3A_39 = arith.constant 0 : i32
      %dma_wait3A_40 = arith.constant 0 : i32
      %dma_wait3A_41 = tpu.memref_slice %arg14[%dma_wait3A_39, %dma_wait3A_40] : memref<100352x16xf32, #tpu.memory_space<vmem_shared>> -> memref<512x16xf32, #tpu.memory_space<vmem_shared>>
      %dma_wait3A_42 = arith.constant 0 : i32
      %dma_wait3A_43 = arith.constant 0 : i32
      %dma_wait3A_44 = tpu.memref_slice %arg14[%dma_wait3A_42, %dma_wait3A_43] : memref<100352x16xf32, #tpu.memory_space<vmem_shared>> -> memref<512x16xf32, #tpu.memory_space<vmem_shared>>
      tpu.wait_dma2 semaphore(%arg17 : memref<!tpu.dma_semaphore, #tpu.memory_space<semaphore_mem>>) src(%arg12 : memref<512x16xf32, #tpu.memory_space<vmem>>) dst(%dma_wait3A_44 : memref<512x16xf32, #tpu.memory_space<vmem_shared>>)
      %dma_wait3A_45 = arith.constant 0 : i32
      %dma_wait3A_46 = arith.constant 0 : i32
      %dma_wait3A_47 = tpu.memref_slice %arg14[%dma_wait3A_45, %dma_wait3A_46] : memref<100352x16xf32, #tpu.memory_space<vmem_shared>> -> memref<512x16xf32, #tpu.memory_space<vmem_shared>>
      %dma_wait3A_48 = arith.constant 0 : i32
      %dma_wait3A_49 = arith.constant 0 : i32
      %dma_wait3A_50 = tpu.memref_slice %arg14[%dma_wait3A_48, %dma_wait3A_49] : memref<100352x16xf32, #tpu.memory_space<vmem_shared>> -> memref<512x16xf32, #tpu.memory_space<vmem_shared>>
      tpu.wait_dma2 semaphore(%arg18 : memref<!tpu.dma_semaphore, #tpu.memory_space<semaphore_mem>>) src(%arg13 : memref<512x16xf32, #tpu.memory_space<vmem>>) dst(%dma_wait3A_50 : memref<512x16xf32, #tpu.memory_space<vmem_shared>>)
    } else {
    }
    %eq3A_5 = arith.constant 1 : i32
    %eq3A_6 = arith.cmpi eq, %arg0, %eq3A_5 : i32
    %convert_element_type3A_7 = arith.extui %eq3A_6 : i1 to i32
    %cond3A_8 = arith.constant 0 : i32
    %cond3A_9 = arith.cmpi ne, %convert_element_type3A_7, %cond3A_8 : i32
    scf.if %cond3A_9 {
      %add3A = arith.constant 0 : i32
      %add3A_15 = arith.addi %mul3A_2, %add3A : i32
      %dma_start3A = arith.constant 0 : i32
      %dma_start3A_16 = tpu.memref_slice %arg2[%add3A_15, %dma_start3A] : memref<12544x128xi32, #tpu.memory_space<hbm>> -> memref<8x128xi32, #tpu.memory_space<hbm>>
      %dma_start3A_17 = arith.constant 0 : i32
      %dma_start3A_18 = tpu.memref_slice %arg2[%add3A_15, %dma_start3A_17] : memref<12544x128xi32, #tpu.memory_space<hbm>> -> memref<8x128xi32, #tpu.memory_space<hbm>>
      tpu.enqueue_dma source(%dma_start3A_18 : memref<8x128xi32, #tpu.memory_space<hbm>>) target(%arg8 : memref<8x128xi32, #tpu.memory_space<vmem>>) target_semaphore(%arg19 : memref<!tpu.dma_semaphore, #tpu.memory_space<semaphore_mem>>)
      %dma_start3A_19 = arith.constant 0 : i32
      %dma_start3A_20 = tpu.memref_slice %arg3[%add3A_15, %dma_start3A_19] : memref<12544x128xi32, #tpu.memory_space<hbm>> -> memref<8x128xi32, #tpu.memory_space<hbm>>
      %dma_start3A_21 = arith.constant 0 : i32
      %dma_start3A_22 = tpu.memref_slice %arg3[%add3A_15, %dma_start3A_21] : memref<12544x128xi32, #tpu.memory_space<hbm>> -> memref<8x128xi32, #tpu.memory_space<hbm>>
      tpu.enqueue_dma source(%dma_start3A_22 : memref<8x128xi32, #tpu.memory_space<hbm>>) target(%arg9 : memref<8x128xi32, #tpu.memory_space<vmem>>) target_semaphore(%arg19 : memref<!tpu.dma_semaphore, #tpu.memory_space<semaphore_mem>>)
      %scan3A = arith.constant 0 : i32
      %scan3A_23 = arith.constant 0 : i32
      %scan3A_24 = arith.constant 49 : i32
      %scan3A_25 = arith.addi %scan3A_23, %scan3A_24 : i32
      %scan3A_26 = arith.constant 1 : i32
      scf.for %scan3A_51 = %scan3A_23 to %scan3A_25 step %scan3A_26  : i32 {
        %mul3A_52 = arith.constant 2 : i32
        %mul3A_53 = arith.muli %mul3A_52, %scan3A_51 : i32
        %gt3A = arith.constant 0 : i32
        %gt3A_54 = arith.cmpi sgt, %scan3A_51, %gt3A : i32
        %dma_wait3A_55 = arith.constant 0 : i32
        %dma_wait3A_56 = arith.constant 0 : i32
        %dma_wait3A_57 = tpu.memref_slice %arg2[%dma_wait3A_55, %dma_wait3A_56] : memref<12544x128xi32, #tpu.memory_space<hbm>> -> memref<8x128xi32, #tpu.memory_space<hbm>>
        %dma_wait3A_58 = arith.constant 0 : i32
        %dma_wait3A_59 = arith.constant 0 : i32
        %dma_wait3A_60 = tpu.memref_slice %arg2[%dma_wait3A_58, %dma_wait3A_59] : memref<12544x128xi32, #tpu.memory_space<hbm>> -> memref<8x128xi32, #tpu.memory_space<hbm>>
        tpu.wait_dma2 semaphore(%arg19 : memref<!tpu.dma_semaphore, #tpu.memory_space<semaphore_mem>>) src(%dma_wait3A_60 : memref<8x128xi32, #tpu.memory_space<hbm>>) dst(%arg8 : memref<8x128xi32, #tpu.memory_space<vmem>>)
        %dma_wait3A_61 = arith.constant 0 : i32
        %dma_wait3A_62 = arith.constant 0 : i32
        %dma_wait3A_63 = tpu.memref_slice %arg3[%dma_wait3A_61, %dma_wait3A_62] : memref<12544x128xi32, #tpu.memory_space<hbm>> -> memref<8x128xi32, #tpu.memory_space<hbm>>
        %dma_wait3A_64 = arith.constant 0 : i32
        %dma_wait3A_65 = arith.constant 0 : i32
        %dma_wait3A_66 = tpu.memref_slice %arg3[%dma_wait3A_64, %dma_wait3A_65] : memref<12544x128xi32, #tpu.memory_space<hbm>> -> memref<8x128xi32, #tpu.memory_space<hbm>>
        tpu.wait_dma2 semaphore(%arg19 : memref<!tpu.dma_semaphore, #tpu.memory_space<semaphore_mem>>) src(%dma_wait3A_66 : memref<8x128xi32, #tpu.memory_space<hbm>>) dst(%arg9 : memref<8x128xi32, #tpu.memory_space<vmem>>)
        %convert_element_type3A_67 = arith.extui %gt3A_54 : i1 to i32
        %cond3A_68 = arith.constant 0 : i32
        %cond3A_69 = arith.cmpi ne, %convert_element_type3A_67, %cond3A_68 : i32
        scf.if %cond3A_69 {
          %dma_wait3A_474 = arith.constant 0 : i32
          %dma_wait3A_475 = arith.constant 0 : i32
          %dma_wait3A_476 = tpu.memref_slice %arg14[%dma_wait3A_474, %dma_wait3A_475] : memref<100352x16xf32, #tpu.memory_space<vmem_shared>> -> memref<512x16xf32, #tpu.memory_space<vmem_shared>>
          %dma_wait3A_477 = arith.constant 0 : i32
          %dma_wait3A_478 = arith.constant 0 : i32
          %dma_wait3A_479 = tpu.memref_slice %arg14[%dma_wait3A_477, %dma_wait3A_478] : memref<100352x16xf32, #tpu.memory_space<vmem_shared>> -> memref<512x16xf32, #tpu.memory_space<vmem_shared>>
          tpu.wait_dma2 semaphore(%arg17 : memref<!tpu.dma_semaphore, #tpu.memory_space<semaphore_mem>>) src(%arg12 : memref<512x16xf32, #tpu.memory_space<vmem>>) dst(%dma_wait3A_479 : memref<512x16xf32, #tpu.memory_space<vmem_shared>>)
        } else {
        }
        %dma_start3A_70 = arith.constant 0 : i32
        %dma_start3A_71 = arith.constant 0 : i32
        %dma_start3A_72 = arith.constant 0 : i32
        %dma_start3A_73 = tpu.memref_slice %arg12[%dma_start3A_71, %dma_start3A_72] : memref<512x16xf32, #tpu.memory_space<vmem>> -> memref<128x16xf32, #tpu.memory_space<vmem>>
        %dma_start3A_74 = arith.constant 0 : i32
        %dma_start3A_75 = tpu.memref_slice %arg8[%dma_start3A_70, %dma_start3A_74] : memref<8x128xi32, #tpu.memory_space<vmem>> -> memref<1x128xi32, #tpu.memory_space<vmem>>
        %dma_start3A_76 = tpu.memref_squeeze %dma_start3A_75 : memref<1x128xi32, #tpu.memory_space<vmem>> -> memref<128xi32, #tpu.memory_space<vmem>>
        %dma_start3A_77 = arith.constant 0 : i32
        %dma_start3A_78 = arith.constant 0 : i32
        %dma_start3A_79 = tpu.memref_slice %arg5[%dma_start3A_77, %dma_start3A_78] : memref<100352x16xf32, #tpu.memory_space<hbm>> -> memref<100352x16xf32, #tpu.memory_space<hbm>>
        tpu.enqueue_indirect_dma source(%dma_start3A_79 : memref<100352x16xf32, #tpu.memory_space<hbm>>) target(%dma_start3A_73 : memref<128x16xf32, #tpu.memory_space<vmem>>) offsets(%dma_start3A_76 : memref<128xi32, #tpu.memory_space<vmem>>) semaphore(%arg15 : memref<!tpu.dma_semaphore, #tpu.memory_space<semaphore_mem>>)
        %dma_start3A_80 = arith.constant 1 : i32
        %dma_start3A_81 = arith.constant 128 : i32
        %dma_start3A_82 = arith.constant 0 : i32
        %dma_start3A_83 = tpu.memref_slice %arg12[%dma_start3A_81, %dma_start3A_82] : memref<512x16xf32, #tpu.memory_space<vmem>> -> memref<128x16xf32, #tpu.memory_space<vmem>>
        %dma_start3A_84 = arith.constant 0 : i32
        %dma_start3A_85 = tpu.memref_slice %arg8[%dma_start3A_80, %dma_start3A_84] : memref<8x128xi32, #tpu.memory_space<vmem>> -> memref<1x128xi32, #tpu.memory_space<vmem>>
        %dma_start3A_86 = tpu.memref_squeeze %dma_start3A_85 : memref<1x128xi32, #tpu.memory_space<vmem>> -> memref<128xi32, #tpu.memory_space<vmem>>
        %dma_start3A_87 = arith.constant 0 : i32
        %dma_start3A_88 = arith.constant 0 : i32
        %dma_start3A_89 = tpu.memref_slice %arg5[%dma_start3A_87, %dma_start3A_88] : memref<100352x16xf32, #tpu.memory_space<hbm>> -> memref<100352x16xf32, #tpu.memory_space<hbm>>
        tpu.enqueue_indirect_dma source(%dma_start3A_89 : memref<100352x16xf32, #tpu.memory_space<hbm>>) target(%dma_start3A_83 : memref<128x16xf32, #tpu.memory_space<vmem>>) offsets(%dma_start3A_86 : memref<128xi32, #tpu.memory_space<vmem>>) semaphore(%arg15 : memref<!tpu.dma_semaphore, #tpu.memory_space<semaphore_mem>>)
        %dma_start3A_90 = arith.constant 2 : i32
        %dma_start3A_91 = arith.constant 256 : i32
        %dma_start3A_92 = arith.constant 0 : i32
        %dma_start3A_93 = tpu.memref_slice %arg12[%dma_start3A_91, %dma_start3A_92] : memref<512x16xf32, #tpu.memory_space<vmem>> -> memref<128x16xf32, #tpu.memory_space<vmem>>
        %dma_start3A_94 = arith.constant 0 : i32
        %dma_start3A_95 = tpu.memref_slice %arg8[%dma_start3A_90, %dma_start3A_94] : memref<8x128xi32, #tpu.memory_space<vmem>> -> memref<1x128xi32, #tpu.memory_space<vmem>>
        %dma_start3A_96 = tpu.memref_squeeze %dma_start3A_95 : memref<1x128xi32, #tpu.memory_space<vmem>> -> memref<128xi32, #tpu.memory_space<vmem>>
        %dma_start3A_97 = arith.constant 0 : i32
        %dma_start3A_98 = arith.constant 0 : i32
        %dma_start3A_99 = tpu.memref_slice %arg5[%dma_start3A_97, %dma_start3A_98] : memref<100352x16xf32, #tpu.memory_space<hbm>> -> memref<100352x16xf32, #tpu.memory_space<hbm>>
        tpu.enqueue_indirect_dma source(%dma_start3A_99 : memref<100352x16xf32, #tpu.memory_space<hbm>>) target(%dma_start3A_93 : memref<128x16xf32, #tpu.memory_space<vmem>>) offsets(%dma_start3A_96 : memref<128xi32, #tpu.memory_space<vmem>>) semaphore(%arg15 : memref<!tpu.dma_semaphore, #tpu.memory_space<semaphore_mem>>)
        %dma_start3A_100 = arith.constant 3 : i32
        %dma_start3A_101 = arith.constant 384 : i32
        %dma_start3A_102 = arith.constant 0 : i32
        %dma_start3A_103 = tpu.memref_slice %arg12[%dma_start3A_101, %dma_start3A_102] : memref<512x16xf32, #tpu.memory_space<vmem>> -> memref<128x16xf32, #tpu.memory_space<vmem>>
        %dma_start3A_104 = arith.constant 0 : i32
        %dma_start3A_105 = tpu.memref_slice %arg8[%dma_start3A_100, %dma_start3A_104] : memref<8x128xi32, #tpu.memory_space<vmem>> -> memref<1x128xi32, #tpu.memory_space<vmem>>
        %dma_start3A_106 = tpu.memref_squeeze %dma_start3A_105 : memref<1x128xi32, #tpu.memory_space<vmem>> -> memref<128xi32, #tpu.memory_space<vmem>>
        %dma_start3A_107 = arith.constant 0 : i32
        %dma_start3A_108 = arith.constant 0 : i32
        %dma_start3A_109 = tpu.memref_slice %arg5[%dma_start3A_107, %dma_start3A_108] : memref<100352x16xf32, #tpu.memory_space<hbm>> -> memref<100352x16xf32, #tpu.memory_space<hbm>>
        tpu.enqueue_indirect_dma source(%dma_start3A_109 : memref<100352x16xf32, #tpu.memory_space<hbm>>) target(%dma_start3A_103 : memref<128x16xf32, #tpu.memory_space<vmem>>) offsets(%dma_start3A_106 : memref<128xi32, #tpu.memory_space<vmem>>) semaphore(%arg15 : memref<!tpu.dma_semaphore, #tpu.memory_space<semaphore_mem>>)
        %convert_element_type3A_110 = arith.extui %gt3A_54 : i1 to i32
        %cond3A_111 = arith.constant 0 : i32
        %cond3A_112 = arith.cmpi ne, %convert_element_type3A_110, %cond3A_111 : i32
        scf.if %cond3A_112 {
          %dma_wait3A_474 = arith.constant 0 : i32
          %dma_wait3A_475 = arith.constant 0 : i32
          %dma_wait3A_476 = tpu.memref_slice %arg14[%dma_wait3A_474, %dma_wait3A_475] : memref<100352x16xf32, #tpu.memory_space<vmem_shared>> -> memref<512x16xf32, #tpu.memory_space<vmem_shared>>
          %dma_wait3A_477 = arith.constant 0 : i32
          %dma_wait3A_478 = arith.constant 0 : i32
          %dma_wait3A_479 = tpu.memref_slice %arg14[%dma_wait3A_477, %dma_wait3A_478] : memref<100352x16xf32, #tpu.memory_space<vmem_shared>> -> memref<512x16xf32, #tpu.memory_space<vmem_shared>>
          tpu.wait_dma2 semaphore(%arg18 : memref<!tpu.dma_semaphore, #tpu.memory_space<semaphore_mem>>) src(%arg13 : memref<512x16xf32, #tpu.memory_space<vmem>>) dst(%dma_wait3A_479 : memref<512x16xf32, #tpu.memory_space<vmem_shared>>)
        } else {
        }
        %dma_start3A_113 = arith.constant 4 : i32
        %dma_start3A_114 = arith.constant 0 : i32
        %dma_start3A_115 = arith.constant 0 : i32
        %dma_start3A_116 = tpu.memref_slice %arg13[%dma_start3A_114, %dma_start3A_115] : memref<512x16xf32, #tpu.memory_space<vmem>> -> memref<128x16xf32, #tpu.memory_space<vmem>>
        %dma_start3A_117 = arith.constant 0 : i32
        %dma_start3A_118 = tpu.memref_slice %arg8[%dma_start3A_113, %dma_start3A_117] : memref<8x128xi32, #tpu.memory_space<vmem>> -> memref<1x128xi32, #tpu.memory_space<vmem>>
        %dma_start3A_119 = tpu.memref_squeeze %dma_start3A_118 : memref<1x128xi32, #tpu.memory_space<vmem>> -> memref<128xi32, #tpu.memory_space<vmem>>
        %dma_start3A_120 = arith.constant 0 : i32
        %dma_start3A_121 = arith.constant 0 : i32
        %dma_start3A_122 = tpu.memref_slice %arg5[%dma_start3A_120, %dma_start3A_121] : memref<100352x16xf32, #tpu.memory_space<hbm>> -> memref<100352x16xf32, #tpu.memory_space<hbm>>
        tpu.enqueue_indirect_dma source(%dma_start3A_122 : memref<100352x16xf32, #tpu.memory_space<hbm>>) target(%dma_start3A_116 : memref<128x16xf32, #tpu.memory_space<vmem>>) offsets(%dma_start3A_119 : memref<128xi32, #tpu.memory_space<vmem>>) semaphore(%arg16 : memref<!tpu.dma_semaphore, #tpu.memory_space<semaphore_mem>>)
        %dma_start3A_123 = arith.constant 5 : i32
        %dma_start3A_124 = arith.constant 128 : i32
        %dma_start3A_125 = arith.constant 0 : i32
        %dma_start3A_126 = tpu.memref_slice %arg13[%dma_start3A_124, %dma_start3A_125] : memref<512x16xf32, #tpu.memory_space<vmem>> -> memref<128x16xf32, #tpu.memory_space<vmem>>
        %dma_start3A_127 = arith.constant 0 : i32
        %dma_start3A_128 = tpu.memref_slice %arg8[%dma_start3A_123, %dma_start3A_127] : memref<8x128xi32, #tpu.memory_space<vmem>> -> memref<1x128xi32, #tpu.memory_space<vmem>>
        %dma_start3A_129 = tpu.memref_squeeze %dma_start3A_128 : memref<1x128xi32, #tpu.memory_space<vmem>> -> memref<128xi32, #tpu.memory_space<vmem>>
        %dma_start3A_130 = arith.constant 0 : i32
        %dma_start3A_131 = arith.constant 0 : i32
        %dma_start3A_132 = tpu.memref_slice %arg5[%dma_start3A_130, %dma_start3A_131] : memref<100352x16xf32, #tpu.memory_space<hbm>> -> memref<100352x16xf32, #tpu.memory_space<hbm>>
        tpu.enqueue_indirect_dma source(%dma_start3A_132 : memref<100352x16xf32, #tpu.memory_space<hbm>>) target(%dma_start3A_126 : memref<128x16xf32, #tpu.memory_space<vmem>>) offsets(%dma_start3A_129 : memref<128xi32, #tpu.memory_space<vmem>>) semaphore(%arg16 : memref<!tpu.dma_semaphore, #tpu.memory_space<semaphore_mem>>)
        %dma_start3A_133 = arith.constant 6 : i32
        %dma_start3A_134 = arith.constant 256 : i32
        %dma_start3A_135 = arith.constant 0 : i32
        %dma_start3A_136 = tpu.memref_slice %arg13[%dma_start3A_134, %dma_start3A_135] : memref<512x16xf32, #tpu.memory_space<vmem>> -> memref<128x16xf32, #tpu.memory_space<vmem>>
        %dma_start3A_137 = arith.constant 0 : i32
        %dma_start3A_138 = tpu.memref_slice %arg8[%dma_start3A_133, %dma_start3A_137] : memref<8x128xi32, #tpu.memory_space<vmem>> -> memref<1x128xi32, #tpu.memory_space<vmem>>
        %dma_start3A_139 = tpu.memref_squeeze %dma_start3A_138 : memref<1x128xi32, #tpu.memory_space<vmem>> -> memref<128xi32, #tpu.memory_space<vmem>>
        %dma_start3A_140 = arith.constant 0 : i32
        %dma_start3A_141 = arith.constant 0 : i32
        %dma_start3A_142 = tpu.memref_slice %arg5[%dma_start3A_140, %dma_start3A_141] : memref<100352x16xf32, #tpu.memory_space<hbm>> -> memref<100352x16xf32, #tpu.memory_space<hbm>>
        tpu.enqueue_indirect_dma source(%dma_start3A_142 : memref<100352x16xf32, #tpu.memory_space<hbm>>) target(%dma_start3A_136 : memref<128x16xf32, #tpu.memory_space<vmem>>) offsets(%dma_start3A_139 : memref<128xi32, #tpu.memory_space<vmem>>) semaphore(%arg16 : memref<!tpu.dma_semaphore, #tpu.memory_space<semaphore_mem>>)
        %dma_start3A_143 = arith.constant 7 : i32
        %dma_start3A_144 = arith.constant 384 : i32
        %dma_start3A_145 = arith.constant 0 : i32
        %dma_start3A_146 = tpu.memref_slice %arg13[%dma_start3A_144, %dma_start3A_145] : memref<512x16xf32, #tpu.memory_space<vmem>> -> memref<128x16xf32, #tpu.memory_space<vmem>>
        %dma_start3A_147 = arith.constant 0 : i32
        %dma_start3A_148 = tpu.memref_slice %arg8[%dma_start3A_143, %dma_start3A_147] : memref<8x128xi32, #tpu.memory_space<vmem>> -> memref<1x128xi32, #tpu.memory_space<vmem>>
        %dma_start3A_149 = tpu.memref_squeeze %dma_start3A_148 : memref<1x128xi32, #tpu.memory_space<vmem>> -> memref<128xi32, #tpu.memory_space<vmem>>
        %dma_start3A_150 = arith.constant 0 : i32
        %dma_start3A_151 = arith.constant 0 : i32
        %dma_start3A_152 = tpu.memref_slice %arg5[%dma_start3A_150, %dma_start3A_151] : memref<100352x16xf32, #tpu.memory_space<hbm>> -> memref<100352x16xf32, #tpu.memory_space<hbm>>
        tpu.enqueue_indirect_dma source(%dma_start3A_152 : memref<100352x16xf32, #tpu.memory_space<hbm>>) target(%dma_start3A_146 : memref<128x16xf32, #tpu.memory_space<vmem>>) offsets(%dma_start3A_149 : memref<128xi32, #tpu.memory_space<vmem>>) semaphore(%arg16 : memref<!tpu.dma_semaphore, #tpu.memory_space<semaphore_mem>>)
        %add3A_153 = arith.constant 1 : i32
        %add3A_154 = arith.addi %mul3A_53, %add3A_153 : i32
        %min3A = arith.constant 97 : i32
        %min3A_155 = arith.minsi %add3A_154, %min3A : i32
        %mul3A_156 = arith.constant 8 : i32
        %mul3A_157 = arith.muli %min3A_155, %mul3A_156 : i32
        %add3A_158 = arith.addi %mul3A_2, %mul3A_157 : i32
        %dma_start3A_159 = arith.constant 0 : i32
        %dma_start3A_160 = tpu.memref_slice %arg2[%add3A_158, %dma_start3A_159] : memref<12544x128xi32, #tpu.memory_space<hbm>> -> memref<8x128xi32, #tpu.memory_space<hbm>>
        %dma_start3A_161 = arith.constant 0 : i32
        %dma_start3A_162 = tpu.memref_slice %arg2[%add3A_158, %dma_start3A_161] : memref<12544x128xi32, #tpu.memory_space<hbm>> -> memref<8x128xi32, #tpu.memory_space<hbm>>
        tpu.enqueue_dma source(%dma_start3A_162 : memref<8x128xi32, #tpu.memory_space<hbm>>) target(%arg10 : memref<8x128xi32, #tpu.memory_space<vmem>>) target_semaphore(%arg19 : memref<!tpu.dma_semaphore, #tpu.memory_space<semaphore_mem>>)
        %dma_start3A_163 = arith.constant 0 : i32
        %dma_start3A_164 = tpu.memref_slice %arg3[%add3A_158, %dma_start3A_163] : memref<12544x128xi32, #tpu.memory_space<hbm>> -> memref<8x128xi32, #tpu.memory_space<hbm>>
        %dma_start3A_165 = arith.constant 0 : i32
        %dma_start3A_166 = tpu.memref_slice %arg3[%add3A_158, %dma_start3A_165] : memref<12544x128xi32, #tpu.memory_space<hbm>> -> memref<8x128xi32, #tpu.memory_space<hbm>>
        tpu.enqueue_dma source(%dma_start3A_166 : memref<8x128xi32, #tpu.memory_space<hbm>>) target(%arg11 : memref<8x128xi32, #tpu.memory_space<vmem>>) target_semaphore(%arg19 : memref<!tpu.dma_semaphore, #tpu.memory_space<semaphore_mem>>)
        %dma_wait3A_167 = arith.constant 0 : i32
        %dma_wait3A_168 = arith.constant 0 : i32
        %dma_wait3A_169 = tpu.memref_slice %arg5[%dma_wait3A_167, %dma_wait3A_168] : memref<100352x16xf32, #tpu.memory_space<hbm>> -> memref<512x16xf32, #tpu.memory_space<hbm>>
        %dma_wait3A_170 = arith.constant 0 : i32
        %dma_wait3A_171 = arith.constant 0 : i32
        %dma_wait3A_172 = tpu.memref_slice %arg5[%dma_wait3A_170, %dma_wait3A_171] : memref<100352x16xf32, #tpu.memory_space<hbm>> -> memref<512x16xf32, #tpu.memory_space<hbm>>
        tpu.wait_dma2 semaphore(%arg15 : memref<!tpu.dma_semaphore, #tpu.memory_space<semaphore_mem>>) src(%dma_wait3A_172 : memref<512x16xf32, #tpu.memory_space<hbm>>) dst(%arg12 : memref<512x16xf32, #tpu.memory_space<vmem>>)
        %dma_start3A_173 = arith.constant 0 : i32
        %dma_start3A_174 = arith.constant 0 : i32
        %dma_start3A_175 = arith.constant 0 : i32
        %dma_start3A_176 = tpu.memref_slice %arg12[%dma_start3A_174, %dma_start3A_175] : memref<512x16xf32, #tpu.memory_space<vmem>> -> memref<128x16xf32, #tpu.memory_space<vmem>>
        %dma_start3A_177 = arith.constant 0 : i32
        %dma_start3A_178 = tpu.memref_slice %arg9[%dma_start3A_173, %dma_start3A_177] : memref<8x128xi32, #tpu.memory_space<vmem>> -> memref<1x128xi32, #tpu.memory_space<vmem>>
        %dma_start3A_179 = tpu.memref_squeeze %dma_start3A_178 : memref<1x128xi32, #tpu.memory_space<vmem>> -> memref<128xi32, #tpu.memory_space<vmem>>
        %dma_start3A_180 = arith.constant 0 : i32
        %dma_start3A_181 = arith.constant 0 : i32
        %dma_start3A_182 = tpu.memref_slice %arg14[%dma_start3A_180, %dma_start3A_181] : memref<100352x16xf32, #tpu.memory_space<vmem_shared>> -> memref<100352x16xf32, #tpu.memory_space<vmem_shared>>
        tpu.enqueue_indirect_dma source(%dma_start3A_176 : memref<128x16xf32, #tpu.memory_space<vmem>>) target(%dma_start3A_182 : memref<100352x16xf32, #tpu.memory_space<vmem_shared>>) offsets(%dma_start3A_179 : memref<128xi32, #tpu.memory_space<vmem>>) semaphore(%arg17 : memref<!tpu.dma_semaphore, #tpu.memory_space<semaphore_mem>>) {add = true}
        %dma_start3A_183 = arith.constant 1 : i32
        %dma_start3A_184 = arith.constant 128 : i32
        %dma_start3A_185 = arith.constant 0 : i32
        %dma_start3A_186 = tpu.memref_slice %arg12[%dma_start3A_184, %dma_start3A_185] : memref<512x16xf32, #tpu.memory_space<vmem>> -> memref<128x16xf32, #tpu.memory_space<vmem>>
        %dma_start3A_187 = arith.constant 0 : i32
        %dma_start3A_188 = tpu.memref_slice %arg9[%dma_start3A_183, %dma_start3A_187] : memref<8x128xi32, #tpu.memory_space<vmem>> -> memref<1x128xi32, #tpu.memory_space<vmem>>
        %dma_start3A_189 = tpu.memref_squeeze %dma_start3A_188 : memref<1x128xi32, #tpu.memory_space<vmem>> -> memref<128xi32, #tpu.memory_space<vmem>>
        %dma_start3A_190 = arith.constant 0 : i32
        %dma_start3A_191 = arith.constant 0 : i32
        %dma_start3A_192 = tpu.memref_slice %arg14[%dma_start3A_190, %dma_start3A_191] : memref<100352x16xf32, #tpu.memory_space<vmem_shared>> -> memref<100352x16xf32, #tpu.memory_space<vmem_shared>>
        tpu.enqueue_indirect_dma source(%dma_start3A_186 : memref<128x16xf32, #tpu.memory_space<vmem>>) target(%dma_start3A_192 : memref<100352x16xf32, #tpu.memory_space<vmem_shared>>) offsets(%dma_start3A_189 : memref<128xi32, #tpu.memory_space<vmem>>) semaphore(%arg17 : memref<!tpu.dma_semaphore, #tpu.memory_space<semaphore_mem>>) {add = true}
        %dma_start3A_193 = arith.constant 2 : i32
        %dma_start3A_194 = arith.constant 256 : i32
        %dma_start3A_195 = arith.constant 0 : i32
        %dma_start3A_196 = tpu.memref_slice %arg12[%dma_start3A_194, %dma_start3A_195] : memref<512x16xf32, #tpu.memory_space<vmem>> -> memref<128x16xf32, #tpu.memory_space<vmem>>
        %dma_start3A_197 = arith.constant 0 : i32
        %dma_start3A_198 = tpu.memref_slice %arg9[%dma_start3A_193, %dma_start3A_197] : memref<8x128xi32, #tpu.memory_space<vmem>> -> memref<1x128xi32, #tpu.memory_space<vmem>>
        %dma_start3A_199 = tpu.memref_squeeze %dma_start3A_198 : memref<1x128xi32, #tpu.memory_space<vmem>> -> memref<128xi32, #tpu.memory_space<vmem>>
        %dma_start3A_200 = arith.constant 0 : i32
        %dma_start3A_201 = arith.constant 0 : i32
        %dma_start3A_202 = tpu.memref_slice %arg14[%dma_start3A_200, %dma_start3A_201] : memref<100352x16xf32, #tpu.memory_space<vmem_shared>> -> memref<100352x16xf32, #tpu.memory_space<vmem_shared>>
        tpu.enqueue_indirect_dma source(%dma_start3A_196 : memref<128x16xf32, #tpu.memory_space<vmem>>) target(%dma_start3A_202 : memref<100352x16xf32, #tpu.memory_space<vmem_shared>>) offsets(%dma_start3A_199 : memref<128xi32, #tpu.memory_space<vmem>>) semaphore(%arg17 : memref<!tpu.dma_semaphore, #tpu.memory_space<semaphore_mem>>) {add = true}
        %dma_start3A_203 = arith.constant 3 : i32
        %dma_start3A_204 = arith.constant 384 : i32
        %dma_start3A_205 = arith.constant 0 : i32
        %dma_start3A_206 = tpu.memref_slice %arg12[%dma_start3A_204, %dma_start3A_205] : memref<512x16xf32, #tpu.memory_space<vmem>> -> memref<128x16xf32, #tpu.memory_space<vmem>>
        %dma_start3A_207 = arith.constant 0 : i32
        %dma_start3A_208 = tpu.memref_slice %arg9[%dma_start3A_203, %dma_start3A_207] : memref<8x128xi32, #tpu.memory_space<vmem>> -> memref<1x128xi32, #tpu.memory_space<vmem>>
        %dma_start3A_209 = tpu.memref_squeeze %dma_start3A_208 : memref<1x128xi32, #tpu.memory_space<vmem>> -> memref<128xi32, #tpu.memory_space<vmem>>
        %dma_start3A_210 = arith.constant 0 : i32
        %dma_start3A_211 = arith.constant 0 : i32
        %dma_start3A_212 = tpu.memref_slice %arg14[%dma_start3A_210, %dma_start3A_211] : memref<100352x16xf32, #tpu.memory_space<vmem_shared>> -> memref<100352x16xf32, #tpu.memory_space<vmem_shared>>
        tpu.enqueue_indirect_dma source(%dma_start3A_206 : memref<128x16xf32, #tpu.memory_space<vmem>>) target(%dma_start3A_212 : memref<100352x16xf32, #tpu.memory_space<vmem_shared>>) offsets(%dma_start3A_209 : memref<128xi32, #tpu.memory_space<vmem>>) semaphore(%arg17 : memref<!tpu.dma_semaphore, #tpu.memory_space<semaphore_mem>>) {add = true}
        %dma_wait3A_213 = arith.constant 0 : i32
        %dma_wait3A_214 = arith.constant 0 : i32
        %dma_wait3A_215 = tpu.memref_slice %arg5[%dma_wait3A_213, %dma_wait3A_214] : memref<100352x16xf32, #tpu.memory_space<hbm>> -> memref<512x16xf32, #tpu.memory_space<hbm>>
        %dma_wait3A_216 = arith.constant 0 : i32
        %dma_wait3A_217 = arith.constant 0 : i32
        %dma_wait3A_218 = tpu.memref_slice %arg5[%dma_wait3A_216, %dma_wait3A_217] : memref<100352x16xf32, #tpu.memory_space<hbm>> -> memref<512x16xf32, #tpu.memory_space<hbm>>
        tpu.wait_dma2 semaphore(%arg16 : memref<!tpu.dma_semaphore, #tpu.memory_space<semaphore_mem>>) src(%dma_wait3A_218 : memref<512x16xf32, #tpu.memory_space<hbm>>) dst(%arg13 : memref<512x16xf32, #tpu.memory_space<vmem>>)
        %dma_start3A_219 = arith.constant 4 : i32
        %dma_start3A_220 = arith.constant 0 : i32
        %dma_start3A_221 = arith.constant 0 : i32
        %dma_start3A_222 = tpu.memref_slice %arg13[%dma_start3A_220, %dma_start3A_221] : memref<512x16xf32, #tpu.memory_space<vmem>> -> memref<128x16xf32, #tpu.memory_space<vmem>>
        %dma_start3A_223 = arith.constant 0 : i32
        %dma_start3A_224 = tpu.memref_slice %arg9[%dma_start3A_219, %dma_start3A_223] : memref<8x128xi32, #tpu.memory_space<vmem>> -> memref<1x128xi32, #tpu.memory_space<vmem>>
        %dma_start3A_225 = tpu.memref_squeeze %dma_start3A_224 : memref<1x128xi32, #tpu.memory_space<vmem>> -> memref<128xi32, #tpu.memory_space<vmem>>
        %dma_start3A_226 = arith.constant 0 : i32
        %dma_start3A_227 = arith.constant 0 : i32
        %dma_start3A_228 = tpu.memref_slice %arg14[%dma_start3A_226, %dma_start3A_227] : memref<100352x16xf32, #tpu.memory_space<vmem_shared>> -> memref<100352x16xf32, #tpu.memory_space<vmem_shared>>
        tpu.enqueue_indirect_dma source(%dma_start3A_222 : memref<128x16xf32, #tpu.memory_space<vmem>>) target(%dma_start3A_228 : memref<100352x16xf32, #tpu.memory_space<vmem_shared>>) offsets(%dma_start3A_225 : memref<128xi32, #tpu.memory_space<vmem>>) semaphore(%arg18 : memref<!tpu.dma_semaphore, #tpu.memory_space<semaphore_mem>>) {add = true}
        %dma_start3A_229 = arith.constant 5 : i32
        %dma_start3A_230 = arith.constant 128 : i32
        %dma_start3A_231 = arith.constant 0 : i32
        %dma_start3A_232 = tpu.memref_slice %arg13[%dma_start3A_230, %dma_start3A_231] : memref<512x16xf32, #tpu.memory_space<vmem>> -> memref<128x16xf32, #tpu.memory_space<vmem>>
        %dma_start3A_233 = arith.constant 0 : i32
        %dma_start3A_234 = tpu.memref_slice %arg9[%dma_start3A_229, %dma_start3A_233] : memref<8x128xi32, #tpu.memory_space<vmem>> -> memref<1x128xi32, #tpu.memory_space<vmem>>
        %dma_start3A_235 = tpu.memref_squeeze %dma_start3A_234 : memref<1x128xi32, #tpu.memory_space<vmem>> -> memref<128xi32, #tpu.memory_space<vmem>>
        %dma_start3A_236 = arith.constant 0 : i32
        %dma_start3A_237 = arith.constant 0 : i32
        %dma_start3A_238 = tpu.memref_slice %arg14[%dma_start3A_236, %dma_start3A_237] : memref<100352x16xf32, #tpu.memory_space<vmem_shared>> -> memref<100352x16xf32, #tpu.memory_space<vmem_shared>>
        tpu.enqueue_indirect_dma source(%dma_start3A_232 : memref<128x16xf32, #tpu.memory_space<vmem>>) target(%dma_start3A_238 : memref<100352x16xf32, #tpu.memory_space<vmem_shared>>) offsets(%dma_start3A_235 : memref<128xi32, #tpu.memory_space<vmem>>) semaphore(%arg18 : memref<!tpu.dma_semaphore, #tpu.memory_space<semaphore_mem>>) {add = true}
        %dma_start3A_239 = arith.constant 6 : i32
        %dma_start3A_240 = arith.constant 256 : i32
        %dma_start3A_241 = arith.constant 0 : i32
        %dma_start3A_242 = tpu.memref_slice %arg13[%dma_start3A_240, %dma_start3A_241] : memref<512x16xf32, #tpu.memory_space<vmem>> -> memref<128x16xf32, #tpu.memory_space<vmem>>
        %dma_start3A_243 = arith.constant 0 : i32
        %dma_start3A_244 = tpu.memref_slice %arg9[%dma_start3A_239, %dma_start3A_243] : memref<8x128xi32, #tpu.memory_space<vmem>> -> memref<1x128xi32, #tpu.memory_space<vmem>>
        %dma_start3A_245 = tpu.memref_squeeze %dma_start3A_244 : memref<1x128xi32, #tpu.memory_space<vmem>> -> memref<128xi32, #tpu.memory_space<vmem>>
        %dma_start3A_246 = arith.constant 0 : i32
        %dma_start3A_247 = arith.constant 0 : i32
        %dma_start3A_248 = tpu.memref_slice %arg14[%dma_start3A_246, %dma_start3A_247] : memref<100352x16xf32, #tpu.memory_space<vmem_shared>> -> memref<100352x16xf32, #tpu.memory_space<vmem_shared>>
        tpu.enqueue_indirect_dma source(%dma_start3A_242 : memref<128x16xf32, #tpu.memory_space<vmem>>) target(%dma_start3A_248 : memref<100352x16xf32, #tpu.memory_space<vmem_shared>>) offsets(%dma_start3A_245 : memref<128xi32, #tpu.memory_space<vmem>>) semaphore(%arg18 : memref<!tpu.dma_semaphore, #tpu.memory_space<semaphore_mem>>) {add = true}
        %dma_start3A_249 = arith.constant 7 : i32
        %dma_start3A_250 = arith.constant 384 : i32
        %dma_start3A_251 = arith.constant 0 : i32
        %dma_start3A_252 = tpu.memref_slice %arg13[%dma_start3A_250, %dma_start3A_251] : memref<512x16xf32, #tpu.memory_space<vmem>> -> memref<128x16xf32, #tpu.memory_space<vmem>>
        %dma_start3A_253 = arith.constant 0 : i32
        %dma_start3A_254 = tpu.memref_slice %arg9[%dma_start3A_249, %dma_start3A_253] : memref<8x128xi32, #tpu.memory_space<vmem>> -> memref<1x128xi32, #tpu.memory_space<vmem>>
        %dma_start3A_255 = tpu.memref_squeeze %dma_start3A_254 : memref<1x128xi32, #tpu.memory_space<vmem>> -> memref<128xi32, #tpu.memory_space<vmem>>
        %dma_start3A_256 = arith.constant 0 : i32
        %dma_start3A_257 = arith.constant 0 : i32
        %dma_start3A_258 = tpu.memref_slice %arg14[%dma_start3A_256, %dma_start3A_257] : memref<100352x16xf32, #tpu.memory_space<vmem_shared>> -> memref<100352x16xf32, #tpu.memory_space<vmem_shared>>
        tpu.enqueue_indirect_dma source(%dma_start3A_252 : memref<128x16xf32, #tpu.memory_space<vmem>>) target(%dma_start3A_258 : memref<100352x16xf32, #tpu.memory_space<vmem_shared>>) offsets(%dma_start3A_255 : memref<128xi32, #tpu.memory_space<vmem>>) semaphore(%arg18 : memref<!tpu.dma_semaphore, #tpu.memory_space<semaphore_mem>>) {add = true}
        %mul3A_259 = arith.constant 2 : i32
        %mul3A_260 = arith.muli %mul3A_259, %scan3A_51 : i32
        %add3A_261 = arith.constant 1 : i32
        %add3A_262 = arith.addi %mul3A_260, %add3A_261 : i32
        %dma_wait3A_263 = arith.constant 0 : i32
        %dma_wait3A_264 = arith.constant 0 : i32
        %dma_wait3A_265 = tpu.memref_slice %arg2[%dma_wait3A_263, %dma_wait3A_264] : memref<12544x128xi32, #tpu.memory_space<hbm>> -> memref<8x128xi32, #tpu.memory_space<hbm>>
        %dma_wait3A_266 = arith.constant 0 : i32
        %dma_wait3A_267 = arith.constant 0 : i32
        %dma_wait3A_268 = tpu.memref_slice %arg2[%dma_wait3A_266, %dma_wait3A_267] : memref<12544x128xi32, #tpu.memory_space<hbm>> -> memref<8x128xi32, #tpu.memory_space<hbm>>
        tpu.wait_dma2 semaphore(%arg19 : memref<!tpu.dma_semaphore, #tpu.memory_space<semaphore_mem>>) src(%dma_wait3A_268 : memref<8x128xi32, #tpu.memory_space<hbm>>) dst(%arg10 : memref<8x128xi32, #tpu.memory_space<vmem>>)
        %dma_wait3A_269 = arith.constant 0 : i32
        %dma_wait3A_270 = arith.constant 0 : i32
        %dma_wait3A_271 = tpu.memref_slice %arg3[%dma_wait3A_269, %dma_wait3A_270] : memref<12544x128xi32, #tpu.memory_space<hbm>> -> memref<8x128xi32, #tpu.memory_space<hbm>>
        %dma_wait3A_272 = arith.constant 0 : i32
        %dma_wait3A_273 = arith.constant 0 : i32
        %dma_wait3A_274 = tpu.memref_slice %arg3[%dma_wait3A_272, %dma_wait3A_273] : memref<12544x128xi32, #tpu.memory_space<hbm>> -> memref<8x128xi32, #tpu.memory_space<hbm>>
        tpu.wait_dma2 semaphore(%arg19 : memref<!tpu.dma_semaphore, #tpu.memory_space<semaphore_mem>>) src(%dma_wait3A_274 : memref<8x128xi32, #tpu.memory_space<hbm>>) dst(%arg11 : memref<8x128xi32, #tpu.memory_space<vmem>>)
        %dma_wait3A_275 = arith.constant 0 : i32
        %dma_wait3A_276 = arith.constant 0 : i32
        %dma_wait3A_277 = tpu.memref_slice %arg14[%dma_wait3A_275, %dma_wait3A_276] : memref<100352x16xf32, #tpu.memory_space<vmem_shared>> -> memref<512x16xf32, #tpu.memory_space<vmem_shared>>
        %dma_wait3A_278 = arith.constant 0 : i32
        %dma_wait3A_279 = arith.constant 0 : i32
        %dma_wait3A_280 = tpu.memref_slice %arg14[%dma_wait3A_278, %dma_wait3A_279] : memref<100352x16xf32, #tpu.memory_space<vmem_shared>> -> memref<512x16xf32, #tpu.memory_space<vmem_shared>>
        tpu.wait_dma2 semaphore(%arg17 : memref<!tpu.dma_semaphore, #tpu.memory_space<semaphore_mem>>) src(%arg12 : memref<512x16xf32, #tpu.memory_space<vmem>>) dst(%dma_wait3A_280 : memref<512x16xf32, #tpu.memory_space<vmem_shared>>)
        %dma_start3A_281 = arith.constant 0 : i32
        %dma_start3A_282 = arith.constant 0 : i32
        %dma_start3A_283 = arith.constant 0 : i32
        %dma_start3A_284 = tpu.memref_slice %arg12[%dma_start3A_282, %dma_start3A_283] : memref<512x16xf32, #tpu.memory_space<vmem>> -> memref<128x16xf32, #tpu.memory_space<vmem>>
        %dma_start3A_285 = arith.constant 0 : i32
        %dma_start3A_286 = tpu.memref_slice %arg10[%dma_start3A_281, %dma_start3A_285] : memref<8x128xi32, #tpu.memory_space<vmem>> -> memref<1x128xi32, #tpu.memory_space<vmem>>
        %dma_start3A_287 = tpu.memref_squeeze %dma_start3A_286 : memref<1x128xi32, #tpu.memory_space<vmem>> -> memref<128xi32, #tpu.memory_space<vmem>>
        %dma_start3A_288 = arith.constant 0 : i32
        %dma_start3A_289 = arith.constant 0 : i32
        %dma_start3A_290 = tpu.memref_slice %arg5[%dma_start3A_288, %dma_start3A_289] : memref<100352x16xf32, #tpu.memory_space<hbm>> -> memref<100352x16xf32, #tpu.memory_space<hbm>>
        tpu.enqueue_indirect_dma source(%dma_start3A_290 : memref<100352x16xf32, #tpu.memory_space<hbm>>) target(%dma_start3A_284 : memref<128x16xf32, #tpu.memory_space<vmem>>) offsets(%dma_start3A_287 : memref<128xi32, #tpu.memory_space<vmem>>) semaphore(%arg15 : memref<!tpu.dma_semaphore, #tpu.memory_space<semaphore_mem>>)
        %dma_start3A_291 = arith.constant 1 : i32
        %dma_start3A_292 = arith.constant 128 : i32
        %dma_start3A_293 = arith.constant 0 : i32
        %dma_start3A_294 = tpu.memref_slice %arg12[%dma_start3A_292, %dma_start3A_293] : memref<512x16xf32, #tpu.memory_space<vmem>> -> memref<128x16xf32, #tpu.memory_space<vmem>>
        %dma_start3A_295 = arith.constant 0 : i32
        %dma_start3A_296 = tpu.memref_slice %arg10[%dma_start3A_291, %dma_start3A_295] : memref<8x128xi32, #tpu.memory_space<vmem>> -> memref<1x128xi32, #tpu.memory_space<vmem>>
        %dma_start3A_297 = tpu.memref_squeeze %dma_start3A_296 : memref<1x128xi32, #tpu.memory_space<vmem>> -> memref<128xi32, #tpu.memory_space<vmem>>
        %dma_start3A_298 = arith.constant 0 : i32
        %dma_start3A_299 = arith.constant 0 : i32
        %dma_start3A_300 = tpu.memref_slice %arg5[%dma_start3A_298, %dma_start3A_299] : memref<100352x16xf32, #tpu.memory_space<hbm>> -> memref<100352x16xf32, #tpu.memory_space<hbm>>
        tpu.enqueue_indirect_dma source(%dma_start3A_300 : memref<100352x16xf32, #tpu.memory_space<hbm>>) target(%dma_start3A_294 : memref<128x16xf32, #tpu.memory_space<vmem>>) offsets(%dma_start3A_297 : memref<128xi32, #tpu.memory_space<vmem>>) semaphore(%arg15 : memref<!tpu.dma_semaphore, #tpu.memory_space<semaphore_mem>>)
        %dma_start3A_301 = arith.constant 2 : i32
        %dma_start3A_302 = arith.constant 256 : i32
        %dma_start3A_303 = arith.constant 0 : i32
        %dma_start3A_304 = tpu.memref_slice %arg12[%dma_start3A_302, %dma_start3A_303] : memref<512x16xf32, #tpu.memory_space<vmem>> -> memref<128x16xf32, #tpu.memory_space<vmem>>
        %dma_start3A_305 = arith.constant 0 : i32
        %dma_start3A_306 = tpu.memref_slice %arg10[%dma_start3A_301, %dma_start3A_305] : memref<8x128xi32, #tpu.memory_space<vmem>> -> memref<1x128xi32, #tpu.memory_space<vmem>>
        %dma_start3A_307 = tpu.memref_squeeze %dma_start3A_306 : memref<1x128xi32, #tpu.memory_space<vmem>> -> memref<128xi32, #tpu.memory_space<vmem>>
        %dma_start3A_308 = arith.constant 0 : i32
        %dma_start3A_309 = arith.constant 0 : i32
        %dma_start3A_310 = tpu.memref_slice %arg5[%dma_start3A_308, %dma_start3A_309] : memref<100352x16xf32, #tpu.memory_space<hbm>> -> memref<100352x16xf32, #tpu.memory_space<hbm>>
        tpu.enqueue_indirect_dma source(%dma_start3A_310 : memref<100352x16xf32, #tpu.memory_space<hbm>>) target(%dma_start3A_304 : memref<128x16xf32, #tpu.memory_space<vmem>>) offsets(%dma_start3A_307 : memref<128xi32, #tpu.memory_space<vmem>>) semaphore(%arg15 : memref<!tpu.dma_semaphore, #tpu.memory_space<semaphore_mem>>)
        %dma_start3A_311 = arith.constant 3 : i32
        %dma_start3A_312 = arith.constant 384 : i32
        %dma_start3A_313 = arith.constant 0 : i32
        %dma_start3A_314 = tpu.memref_slice %arg12[%dma_start3A_312, %dma_start3A_313] : memref<512x16xf32, #tpu.memory_space<vmem>> -> memref<128x16xf32, #tpu.memory_space<vmem>>
        %dma_start3A_315 = arith.constant 0 : i32
        %dma_start3A_316 = tpu.memref_slice %arg10[%dma_start3A_311, %dma_start3A_315] : memref<8x128xi32, #tpu.memory_space<vmem>> -> memref<1x128xi32, #tpu.memory_space<vmem>>
        %dma_start3A_317 = tpu.memref_squeeze %dma_start3A_316 : memref<1x128xi32, #tpu.memory_space<vmem>> -> memref<128xi32, #tpu.memory_space<vmem>>
        %dma_start3A_318 = arith.constant 0 : i32
        %dma_start3A_319 = arith.constant 0 : i32
        %dma_start3A_320 = tpu.memref_slice %arg5[%dma_start3A_318, %dma_start3A_319] : memref<100352x16xf32, #tpu.memory_space<hbm>> -> memref<100352x16xf32, #tpu.memory_space<hbm>>
        tpu.enqueue_indirect_dma source(%dma_start3A_320 : memref<100352x16xf32, #tpu.memory_space<hbm>>) target(%dma_start3A_314 : memref<128x16xf32, #tpu.memory_space<vmem>>) offsets(%dma_start3A_317 : memref<128xi32, #tpu.memory_space<vmem>>) semaphore(%arg15 : memref<!tpu.dma_semaphore, #tpu.memory_space<semaphore_mem>>)
        %dma_wait3A_321 = arith.constant 0 : i32
        %dma_wait3A_322 = arith.constant 0 : i32
        %dma_wait3A_323 = tpu.memref_slice %arg14[%dma_wait3A_321, %dma_wait3A_322] : memref<100352x16xf32, #tpu.memory_space<vmem_shared>> -> memref<512x16xf32, #tpu.memory_space<vmem_shared>>
        %dma_wait3A_324 = arith.constant 0 : i32
        %dma_wait3A_325 = arith.constant 0 : i32
        %dma_wait3A_326 = tpu.memref_slice %arg14[%dma_wait3A_324, %dma_wait3A_325] : memref<100352x16xf32, #tpu.memory_space<vmem_shared>> -> memref<512x16xf32, #tpu.memory_space<vmem_shared>>
        tpu.wait_dma2 semaphore(%arg18 : memref<!tpu.dma_semaphore, #tpu.memory_space<semaphore_mem>>) src(%arg13 : memref<512x16xf32, #tpu.memory_space<vmem>>) dst(%dma_wait3A_326 : memref<512x16xf32, #tpu.memory_space<vmem_shared>>)
        %dma_start3A_327 = arith.constant 4 : i32
        %dma_start3A_328 = arith.constant 0 : i32
        %dma_start3A_329 = arith.constant 0 : i32
        %dma_start3A_330 = tpu.memref_slice %arg13[%dma_start3A_328, %dma_start3A_329] : memref<512x16xf32, #tpu.memory_space<vmem>> -> memref<128x16xf32, #tpu.memory_space<vmem>>
        %dma_start3A_331 = arith.constant 0 : i32
        %dma_start3A_332 = tpu.memref_slice %arg10[%dma_start3A_327, %dma_start3A_331] : memref<8x128xi32, #tpu.memory_space<vmem>> -> memref<1x128xi32, #tpu.memory_space<vmem>>
        %dma_start3A_333 = tpu.memref_squeeze %dma_start3A_332 : memref<1x128xi32, #tpu.memory_space<vmem>> -> memref<128xi32, #tpu.memory_space<vmem>>
        %dma_start3A_334 = arith.constant 0 : i32
        %dma_start3A_335 = arith.constant 0 : i32
        %dma_start3A_336 = tpu.memref_slice %arg5[%dma_start3A_334, %dma_start3A_335] : memref<100352x16xf32, #tpu.memory_space<hbm>> -> memref<100352x16xf32, #tpu.memory_space<hbm>>
        tpu.enqueue_indirect_dma source(%dma_start3A_336 : memref<100352x16xf32, #tpu.memory_space<hbm>>) target(%dma_start3A_330 : memref<128x16xf32, #tpu.memory_space<vmem>>) offsets(%dma_start3A_333 : memref<128xi32, #tpu.memory_space<vmem>>) semaphore(%arg16 : memref<!tpu.dma_semaphore, #tpu.memory_space<semaphore_mem>>)
        %dma_start3A_337 = arith.constant 5 : i32
        %dma_start3A_338 = arith.constant 128 : i32
        %dma_start3A_339 = arith.constant 0 : i32
        %dma_start3A_340 = tpu.memref_slice %arg13[%dma_start3A_338, %dma_start3A_339] : memref<512x16xf32, #tpu.memory_space<vmem>> -> memref<128x16xf32, #tpu.memory_space<vmem>>
        %dma_start3A_341 = arith.constant 0 : i32
        %dma_start3A_342 = tpu.memref_slice %arg10[%dma_start3A_337, %dma_start3A_341] : memref<8x128xi32, #tpu.memory_space<vmem>> -> memref<1x128xi32, #tpu.memory_space<vmem>>
        %dma_start3A_343 = tpu.memref_squeeze %dma_start3A_342 : memref<1x128xi32, #tpu.memory_space<vmem>> -> memref<128xi32, #tpu.memory_space<vmem>>
        %dma_start3A_344 = arith.constant 0 : i32
        %dma_start3A_345 = arith.constant 0 : i32
        %dma_start3A_346 = tpu.memref_slice %arg5[%dma_start3A_344, %dma_start3A_345] : memref<100352x16xf32, #tpu.memory_space<hbm>> -> memref<100352x16xf32, #tpu.memory_space<hbm>>
        tpu.enqueue_indirect_dma source(%dma_start3A_346 : memref<100352x16xf32, #tpu.memory_space<hbm>>) target(%dma_start3A_340 : memref<128x16xf32, #tpu.memory_space<vmem>>) offsets(%dma_start3A_343 : memref<128xi32, #tpu.memory_space<vmem>>) semaphore(%arg16 : memref<!tpu.dma_semaphore, #tpu.memory_space<semaphore_mem>>)
        %dma_start3A_347 = arith.constant 6 : i32
        %dma_start3A_348 = arith.constant 256 : i32
        %dma_start3A_349 = arith.constant 0 : i32
        %dma_start3A_350 = tpu.memref_slice %arg13[%dma_start3A_348, %dma_start3A_349] : memref<512x16xf32, #tpu.memory_space<vmem>> -> memref<128x16xf32, #tpu.memory_space<vmem>>
        %dma_start3A_351 = arith.constant 0 : i32
        %dma_start3A_352 = tpu.memref_slice %arg10[%dma_start3A_347, %dma_start3A_351] : memref<8x128xi32, #tpu.memory_space<vmem>> -> memref<1x128xi32, #tpu.memory_space<vmem>>
        %dma_start3A_353 = tpu.memref_squeeze %dma_start3A_352 : memref<1x128xi32, #tpu.memory_space<vmem>> -> memref<128xi32, #tpu.memory_space<vmem>>
        %dma_start3A_354 = arith.constant 0 : i32
        %dma_start3A_355 = arith.constant 0 : i32
        %dma_start3A_356 = tpu.memref_slice %arg5[%dma_start3A_354, %dma_start3A_355] : memref<100352x16xf32, #tpu.memory_space<hbm>> -> memref<100352x16xf32, #tpu.memory_space<hbm>>
        tpu.enqueue_indirect_dma source(%dma_start3A_356 : memref<100352x16xf32, #tpu.memory_space<hbm>>) target(%dma_start3A_350 : memref<128x16xf32, #tpu.memory_space<vmem>>) offsets(%dma_start3A_353 : memref<128xi32, #tpu.memory_space<vmem>>) semaphore(%arg16 : memref<!tpu.dma_semaphore, #tpu.memory_space<semaphore_mem>>)
        %dma_start3A_357 = arith.constant 7 : i32
        %dma_start3A_358 = arith.constant 384 : i32
        %dma_start3A_359 = arith.constant 0 : i32
        %dma_start3A_360 = tpu.memref_slice %arg13[%dma_start3A_358, %dma_start3A_359] : memref<512x16xf32, #tpu.memory_space<vmem>> -> memref<128x16xf32, #tpu.memory_space<vmem>>
        %dma_start3A_361 = arith.constant 0 : i32
        %dma_start3A_362 = tpu.memref_slice %arg10[%dma_start3A_357, %dma_start3A_361] : memref<8x128xi32, #tpu.memory_space<vmem>> -> memref<1x128xi32, #tpu.memory_space<vmem>>
        %dma_start3A_363 = tpu.memref_squeeze %dma_start3A_362 : memref<1x128xi32, #tpu.memory_space<vmem>> -> memref<128xi32, #tpu.memory_space<vmem>>
        %dma_start3A_364 = arith.constant 0 : i32
        %dma_start3A_365 = arith.constant 0 : i32
        %dma_start3A_366 = tpu.memref_slice %arg5[%dma_start3A_364, %dma_start3A_365] : memref<100352x16xf32, #tpu.memory_space<hbm>> -> memref<100352x16xf32, #tpu.memory_space<hbm>>
        tpu.enqueue_indirect_dma source(%dma_start3A_366 : memref<100352x16xf32, #tpu.memory_space<hbm>>) target(%dma_start3A_360 : memref<128x16xf32, #tpu.memory_space<vmem>>) offsets(%dma_start3A_363 : memref<128xi32, #tpu.memory_space<vmem>>) semaphore(%arg16 : memref<!tpu.dma_semaphore, #tpu.memory_space<semaphore_mem>>)
        %add3A_367 = arith.constant 1 : i32
        %add3A_368 = arith.addi %add3A_262, %add3A_367 : i32
        %min3A_369 = arith.constant 97 : i32
        %min3A_370 = arith.minsi %add3A_368, %min3A_369 : i32
        %mul3A_371 = arith.constant 8 : i32
        %mul3A_372 = arith.muli %min3A_370, %mul3A_371 : i32
        %add3A_373 = arith.addi %mul3A_2, %mul3A_372 : i32
        %dma_start3A_374 = arith.constant 0 : i32
        %dma_start3A_375 = tpu.memref_slice %arg2[%add3A_373, %dma_start3A_374] : memref<12544x128xi32, #tpu.memory_space<hbm>> -> memref<8x128xi32, #tpu.memory_space<hbm>>
        %dma_start3A_376 = arith.constant 0 : i32
        %dma_start3A_377 = tpu.memref_slice %arg2[%add3A_373, %dma_start3A_376] : memref<12544x128xi32, #tpu.memory_space<hbm>> -> memref<8x128xi32, #tpu.memory_space<hbm>>
        tpu.enqueue_dma source(%dma_start3A_377 : memref<8x128xi32, #tpu.memory_space<hbm>>) target(%arg8 : memref<8x128xi32, #tpu.memory_space<vmem>>) target_semaphore(%arg19 : memref<!tpu.dma_semaphore, #tpu.memory_space<semaphore_mem>>)
        %dma_start3A_378 = arith.constant 0 : i32
        %dma_start3A_379 = tpu.memref_slice %arg3[%add3A_373, %dma_start3A_378] : memref<12544x128xi32, #tpu.memory_space<hbm>> -> memref<8x128xi32, #tpu.memory_space<hbm>>
        %dma_start3A_380 = arith.constant 0 : i32
        %dma_start3A_381 = tpu.memref_slice %arg3[%add3A_373, %dma_start3A_380] : memref<12544x128xi32, #tpu.memory_space<hbm>> -> memref<8x128xi32, #tpu.memory_space<hbm>>
        tpu.enqueue_dma source(%dma_start3A_381 : memref<8x128xi32, #tpu.memory_space<hbm>>) target(%arg9 : memref<8x128xi32, #tpu.memory_space<vmem>>) target_semaphore(%arg19 : memref<!tpu.dma_semaphore, #tpu.memory_space<semaphore_mem>>)
        %dma_wait3A_382 = arith.constant 0 : i32
        %dma_wait3A_383 = arith.constant 0 : i32
        %dma_wait3A_384 = tpu.memref_slice %arg5[%dma_wait3A_382, %dma_wait3A_383] : memref<100352x16xf32, #tpu.memory_space<hbm>> -> memref<512x16xf32, #tpu.memory_space<hbm>>
        %dma_wait3A_385 = arith.constant 0 : i32
        %dma_wait3A_386 = arith.constant 0 : i32
        %dma_wait3A_387 = tpu.memref_slice %arg5[%dma_wait3A_385, %dma_wait3A_386] : memref<100352x16xf32, #tpu.memory_space<hbm>> -> memref<512x16xf32, #tpu.memory_space<hbm>>
        tpu.wait_dma2 semaphore(%arg15 : memref<!tpu.dma_semaphore, #tpu.memory_space<semaphore_mem>>) src(%dma_wait3A_387 : memref<512x16xf32, #tpu.memory_space<hbm>>) dst(%arg12 : memref<512x16xf32, #tpu.memory_space<vmem>>)
        %dma_start3A_388 = arith.constant 0 : i32
        %dma_start3A_389 = arith.constant 0 : i32
        %dma_start3A_390 = arith.constant 0 : i32
        %dma_start3A_391 = tpu.memref_slice %arg12[%dma_start3A_389, %dma_start3A_390] : memref<512x16xf32, #tpu.memory_space<vmem>> -> memref<128x16xf32, #tpu.memory_space<vmem>>
        %dma_start3A_392 = arith.constant 0 : i32
        %dma_start3A_393 = tpu.memref_slice %arg11[%dma_start3A_388, %dma_start3A_392] : memref<8x128xi32, #tpu.memory_space<vmem>> -> memref<1x128xi32, #tpu.memory_space<vmem>>
        %dma_start3A_394 = tpu.memref_squeeze %dma_start3A_393 : memref<1x128xi32, #tpu.memory_space<vmem>> -> memref<128xi32, #tpu.memory_space<vmem>>
        %dma_start3A_395 = arith.constant 0 : i32
        %dma_start3A_396 = arith.constant 0 : i32
        %dma_start3A_397 = tpu.memref_slice %arg14[%dma_start3A_395, %dma_start3A_396] : memref<100352x16xf32, #tpu.memory_space<vmem_shared>> -> memref<100352x16xf32, #tpu.memory_space<vmem_shared>>
        tpu.enqueue_indirect_dma source(%dma_start3A_391 : memref<128x16xf32, #tpu.memory_space<vmem>>) target(%dma_start3A_397 : memref<100352x16xf32, #tpu.memory_space<vmem_shared>>) offsets(%dma_start3A_394 : memref<128xi32, #tpu.memory_space<vmem>>) semaphore(%arg17 : memref<!tpu.dma_semaphore, #tpu.memory_space<semaphore_mem>>) {add = true}
        %dma_start3A_398 = arith.constant 1 : i32
        %dma_start3A_399 = arith.constant 128 : i32
        %dma_start3A_400 = arith.constant 0 : i32
        %dma_start3A_401 = tpu.memref_slice %arg12[%dma_start3A_399, %dma_start3A_400] : memref<512x16xf32, #tpu.memory_space<vmem>> -> memref<128x16xf32, #tpu.memory_space<vmem>>
        %dma_start3A_402 = arith.constant 0 : i32
        %dma_start3A_403 = tpu.memref_slice %arg11[%dma_start3A_398, %dma_start3A_402] : memref<8x128xi32, #tpu.memory_space<vmem>> -> memref<1x128xi32, #tpu.memory_space<vmem>>
        %dma_start3A_404 = tpu.memref_squeeze %dma_start3A_403 : memref<1x128xi32, #tpu.memory_space<vmem>> -> memref<128xi32, #tpu.memory_space<vmem>>
        %dma_start3A_405 = arith.constant 0 : i32
        %dma_start3A_406 = arith.constant 0 : i32
        %dma_start3A_407 = tpu.memref_slice %arg14[%dma_start3A_405, %dma_start3A_406] : memref<100352x16xf32, #tpu.memory_space<vmem_shared>> -> memref<100352x16xf32, #tpu.memory_space<vmem_shared>>
        tpu.enqueue_indirect_dma source(%dma_start3A_401 : memref<128x16xf32, #tpu.memory_space<vmem>>) target(%dma_start3A_407 : memref<100352x16xf32, #tpu.memory_space<vmem_shared>>) offsets(%dma_start3A_404 : memref<128xi32, #tpu.memory_space<vmem>>) semaphore(%arg17 : memref<!tpu.dma_semaphore, #tpu.memory_space<semaphore_mem>>) {add = true}
        %dma_start3A_408 = arith.constant 2 : i32
        %dma_start3A_409 = arith.constant 256 : i32
        %dma_start3A_410 = arith.constant 0 : i32
        %dma_start3A_411 = tpu.memref_slice %arg12[%dma_start3A_409, %dma_start3A_410] : memref<512x16xf32, #tpu.memory_space<vmem>> -> memref<128x16xf32, #tpu.memory_space<vmem>>
        %dma_start3A_412 = arith.constant 0 : i32
        %dma_start3A_413 = tpu.memref_slice %arg11[%dma_start3A_408, %dma_start3A_412] : memref<8x128xi32, #tpu.memory_space<vmem>> -> memref<1x128xi32, #tpu.memory_space<vmem>>
        %dma_start3A_414 = tpu.memref_squeeze %dma_start3A_413 : memref<1x128xi32, #tpu.memory_space<vmem>> -> memref<128xi32, #tpu.memory_space<vmem>>
        %dma_start3A_415 = arith.constant 0 : i32
        %dma_start3A_416 = arith.constant 0 : i32
        %dma_start3A_417 = tpu.memref_slice %arg14[%dma_start3A_415, %dma_start3A_416] : memref<100352x16xf32, #tpu.memory_space<vmem_shared>> -> memref<100352x16xf32, #tpu.memory_space<vmem_shared>>
        tpu.enqueue_indirect_dma source(%dma_start3A_411 : memref<128x16xf32, #tpu.memory_space<vmem>>) target(%dma_start3A_417 : memref<100352x16xf32, #tpu.memory_space<vmem_shared>>) offsets(%dma_start3A_414 : memref<128xi32, #tpu.memory_space<vmem>>) semaphore(%arg17 : memref<!tpu.dma_semaphore, #tpu.memory_space<semaphore_mem>>) {add = true}
        %dma_start3A_418 = arith.constant 3 : i32
        %dma_start3A_419 = arith.constant 384 : i32
        %dma_start3A_420 = arith.constant 0 : i32
        %dma_start3A_421 = tpu.memref_slice %arg12[%dma_start3A_419, %dma_start3A_420] : memref<512x16xf32, #tpu.memory_space<vmem>> -> memref<128x16xf32, #tpu.memory_space<vmem>>
        %dma_start3A_422 = arith.constant 0 : i32
        %dma_start3A_423 = tpu.memref_slice %arg11[%dma_start3A_418, %dma_start3A_422] : memref<8x128xi32, #tpu.memory_space<vmem>> -> memref<1x128xi32, #tpu.memory_space<vmem>>
        %dma_start3A_424 = tpu.memref_squeeze %dma_start3A_423 : memref<1x128xi32, #tpu.memory_space<vmem>> -> memref<128xi32, #tpu.memory_space<vmem>>
        %dma_start3A_425 = arith.constant 0 : i32
        %dma_start3A_426 = arith.constant 0 : i32
        %dma_start3A_427 = tpu.memref_slice %arg14[%dma_start3A_425, %dma_start3A_426] : memref<100352x16xf32, #tpu.memory_space<vmem_shared>> -> memref<100352x16xf32, #tpu.memory_space<vmem_shared>>
        tpu.enqueue_indirect_dma source(%dma_start3A_421 : memref<128x16xf32, #tpu.memory_space<vmem>>) target(%dma_start3A_427 : memref<100352x16xf32, #tpu.memory_space<vmem_shared>>) offsets(%dma_start3A_424 : memref<128xi32, #tpu.memory_space<vmem>>) semaphore(%arg17 : memref<!tpu.dma_semaphore, #tpu.memory_space<semaphore_mem>>) {add = true}
        %dma_wait3A_428 = arith.constant 0 : i32
        %dma_wait3A_429 = arith.constant 0 : i32
        %dma_wait3A_430 = tpu.memref_slice %arg5[%dma_wait3A_428, %dma_wait3A_429] : memref<100352x16xf32, #tpu.memory_space<hbm>> -> memref<512x16xf32, #tpu.memory_space<hbm>>
        %dma_wait3A_431 = arith.constant 0 : i32
        %dma_wait3A_432 = arith.constant 0 : i32
        %dma_wait3A_433 = tpu.memref_slice %arg5[%dma_wait3A_431, %dma_wait3A_432] : memref<100352x16xf32, #tpu.memory_space<hbm>> -> memref<512x16xf32, #tpu.memory_space<hbm>>
        tpu.wait_dma2 semaphore(%arg16 : memref<!tpu.dma_semaphore, #tpu.memory_space<semaphore_mem>>) src(%dma_wait3A_433 : memref<512x16xf32, #tpu.memory_space<hbm>>) dst(%arg13 : memref<512x16xf32, #tpu.memory_space<vmem>>)
        %dma_start3A_434 = arith.constant 4 : i32
        %dma_start3A_435 = arith.constant 0 : i32
        %dma_start3A_436 = arith.constant 0 : i32
        %dma_start3A_437 = tpu.memref_slice %arg13[%dma_start3A_435, %dma_start3A_436] : memref<512x16xf32, #tpu.memory_space<vmem>> -> memref<128x16xf32, #tpu.memory_space<vmem>>
        %dma_start3A_438 = arith.constant 0 : i32
        %dma_start3A_439 = tpu.memref_slice %arg11[%dma_start3A_434, %dma_start3A_438] : memref<8x128xi32, #tpu.memory_space<vmem>> -> memref<1x128xi32, #tpu.memory_space<vmem>>
        %dma_start3A_440 = tpu.memref_squeeze %dma_start3A_439 : memref<1x128xi32, #tpu.memory_space<vmem>> -> memref<128xi32, #tpu.memory_space<vmem>>
        %dma_start3A_441 = arith.constant 0 : i32
        %dma_start3A_442 = arith.constant 0 : i32
        %dma_start3A_443 = tpu.memref_slice %arg14[%dma_start3A_441, %dma_start3A_442] : memref<100352x16xf32, #tpu.memory_space<vmem_shared>> -> memref<100352x16xf32, #tpu.memory_space<vmem_shared>>
        tpu.enqueue_indirect_dma source(%dma_start3A_437 : memref<128x16xf32, #tpu.memory_space<vmem>>) target(%dma_start3A_443 : memref<100352x16xf32, #tpu.memory_space<vmem_shared>>) offsets(%dma_start3A_440 : memref<128xi32, #tpu.memory_space<vmem>>) semaphore(%arg18 : memref<!tpu.dma_semaphore, #tpu.memory_space<semaphore_mem>>) {add = true}
        %dma_start3A_444 = arith.constant 5 : i32
        %dma_start3A_445 = arith.constant 128 : i32
        %dma_start3A_446 = arith.constant 0 : i32
        %dma_start3A_447 = tpu.memref_slice %arg13[%dma_start3A_445, %dma_start3A_446] : memref<512x16xf32, #tpu.memory_space<vmem>> -> memref<128x16xf32, #tpu.memory_space<vmem>>
        %dma_start3A_448 = arith.constant 0 : i32
        %dma_start3A_449 = tpu.memref_slice %arg11[%dma_start3A_444, %dma_start3A_448] : memref<8x128xi32, #tpu.memory_space<vmem>> -> memref<1x128xi32, #tpu.memory_space<vmem>>
        %dma_start3A_450 = tpu.memref_squeeze %dma_start3A_449 : memref<1x128xi32, #tpu.memory_space<vmem>> -> memref<128xi32, #tpu.memory_space<vmem>>
        %dma_start3A_451 = arith.constant 0 : i32
        %dma_start3A_452 = arith.constant 0 : i32
        %dma_start3A_453 = tpu.memref_slice %arg14[%dma_start3A_451, %dma_start3A_452] : memref<100352x16xf32, #tpu.memory_space<vmem_shared>> -> memref<100352x16xf32, #tpu.memory_space<vmem_shared>>
        tpu.enqueue_indirect_dma source(%dma_start3A_447 : memref<128x16xf32, #tpu.memory_space<vmem>>) target(%dma_start3A_453 : memref<100352x16xf32, #tpu.memory_space<vmem_shared>>) offsets(%dma_start3A_450 : memref<128xi32, #tpu.memory_space<vmem>>) semaphore(%arg18 : memref<!tpu.dma_semaphore, #tpu.memory_space<semaphore_mem>>) {add = true}
        %dma_start3A_454 = arith.constant 6 : i32
        %dma_start3A_455 = arith.constant 256 : i32
        %dma_start3A_456 = arith.constant 0 : i32
        %dma_start3A_457 = tpu.memref_slice %arg13[%dma_start3A_455, %dma_start3A_456] : memref<512x16xf32, #tpu.memory_space<vmem>> -> memref<128x16xf32, #tpu.memory_space<vmem>>
        %dma_start3A_458 = arith.constant 0 : i32
        %dma_start3A_459 = tpu.memref_slice %arg11[%dma_start3A_454, %dma_start3A_458] : memref<8x128xi32, #tpu.memory_space<vmem>> -> memref<1x128xi32, #tpu.memory_space<vmem>>
        %dma_start3A_460 = tpu.memref_squeeze %dma_start3A_459 : memref<1x128xi32, #tpu.memory_space<vmem>> -> memref<128xi32, #tpu.memory_space<vmem>>
        %dma_start3A_461 = arith.constant 0 : i32
        %dma_start3A_462 = arith.constant 0 : i32
        %dma_start3A_463 = tpu.memref_slice %arg14[%dma_start3A_461, %dma_start3A_462] : memref<100352x16xf32, #tpu.memory_space<vmem_shared>> -> memref<100352x16xf32, #tpu.memory_space<vmem_shared>>
        tpu.enqueue_indirect_dma source(%dma_start3A_457 : memref<128x16xf32, #tpu.memory_space<vmem>>) target(%dma_start3A_463 : memref<100352x16xf32, #tpu.memory_space<vmem_shared>>) offsets(%dma_start3A_460 : memref<128xi32, #tpu.memory_space<vmem>>) semaphore(%arg18 : memref<!tpu.dma_semaphore, #tpu.memory_space<semaphore_mem>>) {add = true}
        %dma_start3A_464 = arith.constant 7 : i32
        %dma_start3A_465 = arith.constant 384 : i32
        %dma_start3A_466 = arith.constant 0 : i32
        %dma_start3A_467 = tpu.memref_slice %arg13[%dma_start3A_465, %dma_start3A_466] : memref<512x16xf32, #tpu.memory_space<vmem>> -> memref<128x16xf32, #tpu.memory_space<vmem>>
        %dma_start3A_468 = arith.constant 0 : i32
        %dma_start3A_469 = tpu.memref_slice %arg11[%dma_start3A_464, %dma_start3A_468] : memref<8x128xi32, #tpu.memory_space<vmem>> -> memref<1x128xi32, #tpu.memory_space<vmem>>
        %dma_start3A_470 = tpu.memref_squeeze %dma_start3A_469 : memref<1x128xi32, #tpu.memory_space<vmem>> -> memref<128xi32, #tpu.memory_space<vmem>>
        %dma_start3A_471 = arith.constant 0 : i32
        %dma_start3A_472 = arith.constant 0 : i32
        %dma_start3A_473 = tpu.memref_slice %arg14[%dma_start3A_471, %dma_start3A_472] : memref<100352x16xf32, #tpu.memory_space<vmem_shared>> -> memref<100352x16xf32, #tpu.memory_space<vmem_shared>>
        tpu.enqueue_indirect_dma source(%dma_start3A_467 : memref<128x16xf32, #tpu.memory_space<vmem>>) target(%dma_start3A_473 : memref<100352x16xf32, #tpu.memory_space<vmem_shared>>) offsets(%dma_start3A_470 : memref<128xi32, #tpu.memory_space<vmem>>) semaphore(%arg18 : memref<!tpu.dma_semaphore, #tpu.memory_space<semaphore_mem>>) {add = true}
      }
      %scan3A_27 = arith.constant 49 : i32
      %dma_wait3A = arith.constant 0 : i32
      %dma_wait3A_28 = arith.constant 0 : i32
      %dma_wait3A_29 = tpu.memref_slice %arg2[%dma_wait3A, %dma_wait3A_28] : memref<12544x128xi32, #tpu.memory_space<hbm>> -> memref<8x128xi32, #tpu.memory_space<hbm>>
      %dma_wait3A_30 = arith.constant 0 : i32
      %dma_wait3A_31 = arith.constant 0 : i32
      %dma_wait3A_32 = tpu.memref_slice %arg2[%dma_wait3A_30, %dma_wait3A_31] : memref<12544x128xi32, #tpu.memory_space<hbm>> -> memref<8x128xi32, #tpu.memory_space<hbm>>
      tpu.wait_dma2 semaphore(%arg19 : memref<!tpu.dma_semaphore, #tpu.memory_space<semaphore_mem>>) src(%dma_wait3A_32 : memref<8x128xi32, #tpu.memory_space<hbm>>) dst(%arg8 : memref<8x128xi32, #tpu.memory_space<vmem>>)
      %dma_wait3A_33 = arith.constant 0 : i32
      %dma_wait3A_34 = arith.constant 0 : i32
      %dma_wait3A_35 = tpu.memref_slice %arg3[%dma_wait3A_33, %dma_wait3A_34] : memref<12544x128xi32, #tpu.memory_space<hbm>> -> memref<8x128xi32, #tpu.memory_space<hbm>>
      %dma_wait3A_36 = arith.constant 0 : i32
      %dma_wait3A_37 = arith.constant 0 : i32
      %dma_wait3A_38 = tpu.memref_slice %arg3[%dma_wait3A_36, %dma_wait3A_37] : memref<12544x128xi32, #tpu.memory_space<hbm>> -> memref<8x128xi32, #tpu.memory_space<hbm>>
      tpu.wait_dma2 semaphore(%arg19 : memref<!tpu.dma_semaphore, #tpu.memory_space<semaphore_mem>>) src(%dma_wait3A_38 : memref<8x128xi32, #tpu.memory_space<hbm>>) dst(%arg9 : memref<8x128xi32, #tpu.memory_space<vmem>>)
      %dma_wait3A_39 = arith.constant 0 : i32
      %dma_wait3A_40 = arith.constant 0 : i32
      %dma_wait3A_41 = tpu.memref_slice %arg14[%dma_wait3A_39, %dma_wait3A_40] : memref<100352x16xf32, #tpu.memory_space<vmem_shared>> -> memref<512x16xf32, #tpu.memory_space<vmem_shared>>
      %dma_wait3A_42 = arith.constant 0 : i32
      %dma_wait3A_43 = arith.constant 0 : i32
      %dma_wait3A_44 = tpu.memref_slice %arg14[%dma_wait3A_42, %dma_wait3A_43] : memref<100352x16xf32, #tpu.memory_space<vmem_shared>> -> memref<512x16xf32, #tpu.memory_space<vmem_shared>>
      tpu.wait_dma2 semaphore(%arg17 : memref<!tpu.dma_semaphore, #tpu.memory_space<semaphore_mem>>) src(%arg12 : memref<512x16xf32, #tpu.memory_space<vmem>>) dst(%dma_wait3A_44 : memref<512x16xf32, #tpu.memory_space<vmem_shared>>)
      %dma_wait3A_45 = arith.constant 0 : i32
      %dma_wait3A_46 = arith.constant 0 : i32
      %dma_wait3A_47 = tpu.memref_slice %arg14[%dma_wait3A_45, %dma_wait3A_46] : memref<100352x16xf32, #tpu.memory_space<vmem_shared>> -> memref<512x16xf32, #tpu.memory_space<vmem_shared>>
      %dma_wait3A_48 = arith.constant 0 : i32
      %dma_wait3A_49 = arith.constant 0 : i32
      %dma_wait3A_50 = tpu.memref_slice %arg14[%dma_wait3A_48, %dma_wait3A_49] : memref<100352x16xf32, #tpu.memory_space<vmem_shared>> -> memref<512x16xf32, #tpu.memory_space<vmem_shared>>
      tpu.wait_dma2 semaphore(%arg18 : memref<!tpu.dma_semaphore, #tpu.memory_space<semaphore_mem>>) src(%arg13 : memref<512x16xf32, #tpu.memory_space<vmem>>) dst(%dma_wait3A_50 : memref<512x16xf32, #tpu.memory_space<vmem_shared>>)
    } else {
    }
    %barrier3A_10 = arith.constant 0 : index
    tpu.barrier barrier_id(%barrier3A_10)
    %mul3A_11 = arith.constant 6272 : i32
    %mul3A_12 = arith.muli %arg1, %mul3A_11 : i32
    %mul3A_13 = arith.constant 6272 : i32
    %mul3A_14 = arith.muli %arg1, %mul3A_13 : i32
    "tpu.region"() ({
      %run_scoped3A = tpu.sem_alloc : memref<!tpu.dma_semaphore, #tpu.memory_space<semaphore_mem>>
      %dma_start3A = arith.constant 0 : i32
      %dma_start3A_15 = arith.constant 0 : i32
      %dma_start3A_16 = tpu.memref_slice %arg7[%arg0, %dma_start3A, %dma_start3A_15] : memref<2x100352x16xf32, #tpu.memory_space<hbm>> -> memref<1x100352x16xf32, #tpu.memory_space<hbm>>
      %dma_start3A_17 = tpu.memref_squeeze %dma_start3A_16 : memref<1x100352x16xf32, #tpu.memory_space<hbm>> -> memref<100352x16xf32, #tpu.memory_space<hbm>>
      %dma_start3A_18 = arith.constant 0 : i32
      %dma_start3A_19 = tpu.memref_slice %dma_start3A_17[%mul3A_14, %dma_start3A_18] : memref<100352x16xf32, #tpu.memory_space<hbm>> -> memref<6272x16xf32, #tpu.memory_space<hbm>>
      %dma_start3A_20 = arith.constant 0 : i32
      %dma_start3A_21 = tpu.memref_slice %arg14[%mul3A_12, %dma_start3A_20] : memref<100352x16xf32, #tpu.memory_space<vmem_shared>> -> memref<6272x16xf32, #tpu.memory_space<vmem_shared>>
      tpu.enqueue_dma source(%dma_start3A_21 : memref<6272x16xf32, #tpu.memory_space<vmem_shared>>) target(%dma_start3A_19 : memref<6272x16xf32, #tpu.memory_space<hbm>>) target_semaphore(%run_scoped3A : memref<!tpu.dma_semaphore, #tpu.memory_space<semaphore_mem>>)
      %dma_wait3A = arith.constant 0 : i32
      %dma_wait3A_22 = arith.constant 0 : i32
      %dma_wait3A_23 = tpu.memref_slice %arg7[%arg0, %dma_wait3A, %dma_wait3A_22] : memref<2x100352x16xf32, #tpu.memory_space<hbm>> -> memref<1x100352x16xf32, #tpu.memory_space<hbm>>
      %dma_wait3A_24 = tpu.memref_squeeze %dma_wait3A_23 : memref<1x100352x16xf32, #tpu.memory_space<hbm>> -> memref<100352x16xf32, #tpu.memory_space<hbm>>
      %dma_wait3A_25 = arith.constant 0 : i32
      %dma_wait3A_26 = tpu.memref_slice %dma_wait3A_24[%mul3A_14, %dma_wait3A_25] : memref<100352x16xf32, #tpu.memory_space<hbm>> -> memref<6272x16xf32, #tpu.memory_space<hbm>>
      %dma_wait3A_27 = arith.constant 0 : i32
      %dma_wait3A_28 = tpu.memref_slice %arg14[%mul3A_12, %dma_wait3A_27] : memref<100352x16xf32, #tpu.memory_space<vmem_shared>> -> memref<6272x16xf32, #tpu.memory_space<vmem_shared>>
      tpu.wait_dma2 semaphore(%run_scoped3A : memref<!tpu.dma_semaphore, #tpu.memory_space<semaphore_mem>>) src(%dma_wait3A_28 : memref<6272x16xf32, #tpu.memory_space<vmem_shared>>) dst(%dma_wait3A_26 : memref<6272x16xf32, #tpu.memory_space<hbm>>)
      tpu.yield
    }) : () -> ()
    return
  }
}

#map = affine_map<(d0, d1) -> (0, 0)>
#map1 = affine_map<(d0, d1) -> (0, 0, 0)>
module attributes {stable_mosaic.version = 14 : i64} {
  func.func @_scatter(%arg0: i32, %arg1: i32, %arg2: memref<12544x128xi32, #tpu.memory_space<hbm>>, %arg3: memref<12544x128xi32, #tpu.memory_space<hbm>>, %arg4: memref<100352x16xf32, #tpu.memory_space<hbm>>, %arg5: memref<100352x16xf32, #tpu.memory_space<hbm>>, %arg6: memref<6272x16xf32, #tpu.memory_space<hbm>>, %arg7: memref<2x100352x16xf32, #tpu.memory_space<hbm>>, %arg8: memref<8x128xi32, #tpu.memory_space<vmem>>, %arg9: memref<8x128xi32, #tpu.memory_space<vmem>>, %arg10: memref<8x128xi32, #tpu.memory_space<vmem>>, %arg11: memref<8x128xi32, #tpu.memory_space<vmem>>, %arg12: memref<512x16xf32, #tpu.memory_space<vmem>>, %arg13: memref<512x16xf32, #tpu.memory_space<vmem>>, %arg14: memref<100352x16xf32, #tpu.memory_space<vmem_shared>>, %arg15: memref<!tpu.dma_semaphore, #tpu.memory_space<semaphore_mem>>, %arg16: memref<!tpu.dma_semaphore, #tpu.memory_space<semaphore_mem>>, %arg17: memref<!tpu.dma_semaphore, #tpu.memory_space<semaphore_mem>>, %arg18: memref<!tpu.dma_semaphore, #tpu.memory_space<semaphore_mem>>, %arg19: memref<!tpu.dma_semaphore, #tpu.memory_space<semaphore_mem>>) attributes {dimension_semantics = [#tpu.dimension_semantics<core_parallel>, #tpu.dimension_semantics<subcore_parallel>], iteration_bounds = array<i64: 2, 16>, scalar_prefetch = 0 : i64, scratch_operands = 12 : i64, tpu.core_type = #tpu.core_type<sc_vector_subcore>, window_params = [{transform_indices = #map}, {transform_indices = #map}, {transform_indices = #map}, {transform_indices = #map}, {transform_indices = #map}, {transform_indices = #map1}]} {
    %mul3A = arith.constant 6272 : i32
    %mul3A_0 = arith.muli %arg1, %mul3A : i32
    "tpu.region"() ({
      %run_scoped3A = tpu.sem_alloc : memref<!tpu.dma_semaphore, #tpu.memory_space<semaphore_mem>>
      %dma_start3A = arith.constant 0 : i32
      %dma_start3A_15 = tpu.memref_slice %arg14[%mul3A_0, %dma_start3A] : memref<100352x16xf32, #tpu.memory_space<vmem_shared>> -> memref<6272x16xf32, #tpu.memory_space<vmem_shared>>
      tpu.enqueue_dma source(%arg6 : memref<6272x16xf32, #tpu.memory_space<hbm>>) target(%dma_start3A_15 : memref<6272x16xf32, #tpu.memory_space<vmem_shared>>) target_semaphore(%run_scoped3A : memref<!tpu.dma_semaphore, #tpu.memory_space<semaphore_mem>>)
      %dma_wait3A = arith.constant 0 : i32
      %dma_wait3A_16 = tpu.memref_slice %arg14[%mul3A_0, %dma_wait3A] : memref<100352x16xf32, #tpu.memory_space<vmem_shared>> -> memref<6272x16xf32, #tpu.memory_space<vmem_shared>>
      tpu.wait_dma2 semaphore(%run_scoped3A : memref<!tpu.dma_semaphore, #tpu.memory_space<semaphore_mem>>) src(%arg6 : memref<6272x16xf32, #tpu.memory_space<hbm>>) dst(%dma_wait3A_16 : memref<6272x16xf32, #tpu.memory_space<vmem_shared>>)
      tpu.yield
    }) : () -> ()
    %barrier3A = arith.constant 0 : index
    tpu.barrier barrier_id(%barrier3A)
    %mul3A_1 = arith.constant 784 : i32
    %mul3A_2 = arith.muli %arg1, %mul3A_1 : i32
    %eq3A = arith.constant 0 : i32
    %eq3A_3 = arith.cmpi eq, %arg0, %eq3A : i32
    %convert_element_type3A = arith.extui %eq3A_3 : i1 to i32
    %cond3A = arith.constant 0 : i32
    %cond3A_4 = arith.cmpi ne, %convert_element_type3A, %cond3A : i32
    scf.if %cond3A_4 {
      %add3A = arith.constant 0 : i32
      %add3A_15 = arith.addi %mul3A_2, %add3A : i32
      %dma_start3A = arith.constant 0 : i32
      %dma_start3A_16 = tpu.memref_slice %arg2[%add3A_15, %dma_start3A] : memref<12544x128xi32, #tpu.memory_space<hbm>> -> memref<8x128xi32, #tpu.memory_space<hbm>>
      %dma_start3A_17 = arith.constant 0 : i32
      %dma_start3A_18 = tpu.memref_slice %arg2[%add3A_15, %dma_start3A_17] : memref<12544x128xi32, #tpu.memory_space<hbm>> -> memref<8x128xi32, #tpu.memory_space<hbm>>
      tpu.enqueue_dma source(%dma_start3A_18 : memref<8x128xi32, #tpu.memory_space<hbm>>) target(%arg8 : memref<8x128xi32, #tpu.memory_space<vmem>>) target_semaphore(%arg19 : memref<!tpu.dma_semaphore, #tpu.memory_space<semaphore_mem>>)
      %dma_start3A_19 = arith.constant 0 : i32
      %dma_start3A_20 = tpu.memref_slice %arg3[%add3A_15, %dma_start3A_19] : memref<12544x128xi32, #tpu.memory_space<hbm>> -> memref<8x128xi32, #tpu.memory_space<hbm>>
      %dma_start3A_21 = arith.constant 0 : i32
      %dma_start3A_22 = tpu.memref_slice %arg3[%add3A_15, %dma_start3A_21] : memref<12544x128xi32, #tpu.memory_space<hbm>> -> memref<8x128xi32, #tpu.memory_space<hbm>>
      tpu.enqueue_dma source(%dma_start3A_22 : memref<8x128xi32, #tpu.memory_space<hbm>>) target(%arg9 : memref<8x128xi32, #tpu.memory_space<vmem>>) target_semaphore(%arg19 : memref<!tpu.dma_semaphore, #tpu.memory_space<semaphore_mem>>)
      %scan3A = arith.constant 0 : i32
      %scan3A_23 = arith.constant 0 : i32
      %scan3A_24 = arith.constant 49 : i32
      %scan3A_25 = arith.addi %scan3A_23, %scan3A_24 : i32
      %scan3A_26 = arith.constant 1 : i32
      scf.for %scan3A_51 = %scan3A_23 to %scan3A_25 step %scan3A_26  : i32 {
        %mul3A_52 = arith.constant 2 : i32
        %mul3A_53 = arith.muli %mul3A_52, %scan3A_51 : i32
        %gt3A = arith.constant 0 : i32
        %gt3A_54 = arith.cmpi sgt, %scan3A_51, %gt3A : i32
        %dma_wait3A_55 = arith.constant 0 : i32
        %dma_wait3A_56 = arith.constant 0 : i32
        %dma_wait3A_57 = tpu.memref_slice %arg2[%dma_wait3A_55, %dma_wait3A_56] : memref<12544x128xi32, #tpu.memory_space<hbm>> -> memref<8x128xi32, #tpu.memory_space<hbm>>
        %dma_wait3A_58 = arith.constant 0 : i32
        %dma_wait3A_59 = arith.constant 0 : i32
        %dma_wait3A_60 = tpu.memref_slice %arg2[%dma_wait3A_58, %dma_wait3A_59] : memref<12544x128xi32, #tpu.memory_space<hbm>> -> memref<8x128xi32, #tpu.memory_space<hbm>>
        tpu.wait_dma2 semaphore(%arg19 : memref<!tpu.dma_semaphore, #tpu.memory_space<semaphore_mem>>) src(%dma_wait3A_60 : memref<8x128xi32, #tpu.memory_space<hbm>>) dst(%arg8 : memref<8x128xi32, #tpu.memory_space<vmem>>)
        %dma_wait3A_61 = arith.constant 0 : i32
        %dma_wait3A_62 = arith.constant 0 : i32
        %dma_wait3A_63 = tpu.memref_slice %arg3[%dma_wait3A_61, %dma_wait3A_62] : memref<12544x128xi32, #tpu.memory_space<hbm>> -> memref<8x128xi32, #tpu.memory_space<hbm>>
        %dma_wait3A_64 = arith.constant 0 : i32
        %dma_wait3A_65 = arith.constant 0 : i32
        %dma_wait3A_66 = tpu.memref_slice %arg3[%dma_wait3A_64, %dma_wait3A_65] : memref<12544x128xi32, #tpu.memory_space<hbm>> -> memref<8x128xi32, #tpu.memory_space<hbm>>
        tpu.wait_dma2 semaphore(%arg19 : memref<!tpu.dma_semaphore, #tpu.memory_space<semaphore_mem>>) src(%dma_wait3A_66 : memref<8x128xi32, #tpu.memory_space<hbm>>) dst(%arg9 : memref<8x128xi32, #tpu.memory_space<vmem>>)
        %convert_element_type3A_67 = arith.extui %gt3A_54 : i1 to i32
        %cond3A_68 = arith.constant 0 : i32
        %cond3A_69 = arith.cmpi ne, %convert_element_type3A_67, %cond3A_68 : i32
        scf.if %cond3A_69 {
          %dma_wait3A_474 = arith.constant 0 : i32
          %dma_wait3A_475 = arith.constant 0 : i32
          %dma_wait3A_476 = tpu.memref_slice %arg14[%dma_wait3A_474, %dma_wait3A_475] : memref<100352x16xf32, #tpu.memory_space<vmem_shared>> -> memref<512x16xf32, #tpu.memory_space<vmem_shared>>
          %dma_wait3A_477 = arith.constant 0 : i32
          %dma_wait3A_478 = arith.constant 0 : i32
          %dma_wait3A_479 = tpu.memref_slice %arg14[%dma_wait3A_477, %dma_wait3A_478] : memref<100352x16xf32, #tpu.memory_space<vmem_shared>> -> memref<512x16xf32, #tpu.memory_space<vmem_shared>>
          tpu.wait_dma2 semaphore(%arg17 : memref<!tpu.dma_semaphore, #tpu.memory_space<semaphore_mem>>) src(%arg12 : memref<512x16xf32, #tpu.memory_space<vmem>>) dst(%dma_wait3A_479 : memref<512x16xf32, #tpu.memory_space<vmem_shared>>)
        } else {
        }
        %dma_start3A_70 = arith.constant 0 : i32
        %dma_start3A_71 = arith.constant 0 : i32
        %dma_start3A_72 = arith.constant 0 : i32
        %dma_start3A_73 = tpu.memref_slice %arg12[%dma_start3A_71, %dma_start3A_72] : memref<512x16xf32, #tpu.memory_space<vmem>> -> memref<128x16xf32, #tpu.memory_space<vmem>>
        %dma_start3A_74 = arith.constant 0 : i32
        %dma_start3A_75 = tpu.memref_slice %arg8[%dma_start3A_70, %dma_start3A_74] : memref<8x128xi32, #tpu.memory_space<vmem>> -> memref<1x128xi32, #tpu.memory_space<vmem>>
        %dma_start3A_76 = tpu.memref_squeeze %dma_start3A_75 : memref<1x128xi32, #tpu.memory_space<vmem>> -> memref<128xi32, #tpu.memory_space<vmem>>
        %dma_start3A_77 = arith.constant 0 : i32
        %dma_start3A_78 = arith.constant 0 : i32
        %dma_start3A_79 = tpu.memref_slice %arg4[%dma_start3A_77, %dma_start3A_78] : memref<100352x16xf32, #tpu.memory_space<hbm>> -> memref<100352x16xf32, #tpu.memory_space<hbm>>
        tpu.enqueue_indirect_dma source(%dma_start3A_79 : memref<100352x16xf32, #tpu.memory_space<hbm>>) target(%dma_start3A_73 : memref<128x16xf32, #tpu.memory_space<vmem>>) offsets(%dma_start3A_76 : memref<128xi32, #tpu.memory_space<vmem>>) semaphore(%arg15 : memref<!tpu.dma_semaphore, #tpu.memory_space<semaphore_mem>>)
        %dma_start3A_80 = arith.constant 1 : i32
        %dma_start3A_81 = arith.constant 128 : i32
        %dma_start3A_82 = arith.constant 0 : i32
        %dma_start3A_83 = tpu.memref_slice %arg12[%dma_start3A_81, %dma_start3A_82] : memref<512x16xf32, #tpu.memory_space<vmem>> -> memref<128x16xf32, #tpu.memory_space<vmem>>
        %dma_start3A_84 = arith.constant 0 : i32
        %dma_start3A_85 = tpu.memref_slice %arg8[%dma_start3A_80, %dma_start3A_84] : memref<8x128xi32, #tpu.memory_space<vmem>> -> memref<1x128xi32, #tpu.memory_space<vmem>>
        %dma_start3A_86 = tpu.memref_squeeze %dma_start3A_85 : memref<1x128xi32, #tpu.memory_space<vmem>> -> memref<128xi32, #tpu.memory_space<vmem>>
        %dma_start3A_87 = arith.constant 0 : i32
        %dma_start3A_88 = arith.constant 0 : i32
        %dma_start3A_89 = tpu.memref_slice %arg4[%dma_start3A_87, %dma_start3A_88] : memref<100352x16xf32, #tpu.memory_space<hbm>> -> memref<100352x16xf32, #tpu.memory_space<hbm>>
        tpu.enqueue_indirect_dma source(%dma_start3A_89 : memref<100352x16xf32, #tpu.memory_space<hbm>>) target(%dma_start3A_83 : memref<128x16xf32, #tpu.memory_space<vmem>>) offsets(%dma_start3A_86 : memref<128xi32, #tpu.memory_space<vmem>>) semaphore(%arg15 : memref<!tpu.dma_semaphore, #tpu.memory_space<semaphore_mem>>)
        %dma_start3A_90 = arith.constant 2 : i32
        %dma_start3A_91 = arith.constant 256 : i32
        %dma_start3A_92 = arith.constant 0 : i32
        %dma_start3A_93 = tpu.memref_slice %arg12[%dma_start3A_91, %dma_start3A_92] : memref<512x16xf32, #tpu.memory_space<vmem>> -> memref<128x16xf32, #tpu.memory_space<vmem>>
        %dma_start3A_94 = arith.constant 0 : i32
        %dma_start3A_95 = tpu.memref_slice %arg8[%dma_start3A_90, %dma_start3A_94] : memref<8x128xi32, #tpu.memory_space<vmem>> -> memref<1x128xi32, #tpu.memory_space<vmem>>
        %dma_start3A_96 = tpu.memref_squeeze %dma_start3A_95 : memref<1x128xi32, #tpu.memory_space<vmem>> -> memref<128xi32, #tpu.memory_space<vmem>>
        %dma_start3A_97 = arith.constant 0 : i32
        %dma_start3A_98 = arith.constant 0 : i32
        %dma_start3A_99 = tpu.memref_slice %arg4[%dma_start3A_97, %dma_start3A_98] : memref<100352x16xf32, #tpu.memory_space<hbm>> -> memref<100352x16xf32, #tpu.memory_space<hbm>>
        tpu.enqueue_indirect_dma source(%dma_start3A_99 : memref<100352x16xf32, #tpu.memory_space<hbm>>) target(%dma_start3A_93 : memref<128x16xf32, #tpu.memory_space<vmem>>) offsets(%dma_start3A_96 : memref<128xi32, #tpu.memory_space<vmem>>) semaphore(%arg15 : memref<!tpu.dma_semaphore, #tpu.memory_space<semaphore_mem>>)
        %dma_start3A_100 = arith.constant 3 : i32
        %dma_start3A_101 = arith.constant 384 : i32
        %dma_start3A_102 = arith.constant 0 : i32
        %dma_start3A_103 = tpu.memref_slice %arg12[%dma_start3A_101, %dma_start3A_102] : memref<512x16xf32, #tpu.memory_space<vmem>> -> memref<128x16xf32, #tpu.memory_space<vmem>>
        %dma_start3A_104 = arith.constant 0 : i32
        %dma_start3A_105 = tpu.memref_slice %arg8[%dma_start3A_100, %dma_start3A_104] : memref<8x128xi32, #tpu.memory_space<vmem>> -> memref<1x128xi32, #tpu.memory_space<vmem>>
        %dma_start3A_106 = tpu.memref_squeeze %dma_start3A_105 : memref<1x128xi32, #tpu.memory_space<vmem>> -> memref<128xi32, #tpu.memory_space<vmem>>
        %dma_start3A_107 = arith.constant 0 : i32
        %dma_start3A_108 = arith.constant 0 : i32
        %dma_start3A_109 = tpu.memref_slice %arg4[%dma_start3A_107, %dma_start3A_108] : memref<100352x16xf32, #tpu.memory_space<hbm>> -> memref<100352x16xf32, #tpu.memory_space<hbm>>
        tpu.enqueue_indirect_dma source(%dma_start3A_109 : memref<100352x16xf32, #tpu.memory_space<hbm>>) target(%dma_start3A_103 : memref<128x16xf32, #tpu.memory_space<vmem>>) offsets(%dma_start3A_106 : memref<128xi32, #tpu.memory_space<vmem>>) semaphore(%arg15 : memref<!tpu.dma_semaphore, #tpu.memory_space<semaphore_mem>>)
        %convert_element_type3A_110 = arith.extui %gt3A_54 : i1 to i32
        %cond3A_111 = arith.constant 0 : i32
        %cond3A_112 = arith.cmpi ne, %convert_element_type3A_110, %cond3A_111 : i32
        scf.if %cond3A_112 {
          %dma_wait3A_474 = arith.constant 0 : i32
          %dma_wait3A_475 = arith.constant 0 : i32
          %dma_wait3A_476 = tpu.memref_slice %arg14[%dma_wait3A_474, %dma_wait3A_475] : memref<100352x16xf32, #tpu.memory_space<vmem_shared>> -> memref<512x16xf32, #tpu.memory_space<vmem_shared>>
          %dma_wait3A_477 = arith.constant 0 : i32
          %dma_wait3A_478 = arith.constant 0 : i32
          %dma_wait3A_479 = tpu.memref_slice %arg14[%dma_wait3A_477, %dma_wait3A_478] : memref<100352x16xf32, #tpu.memory_space<vmem_shared>> -> memref<512x16xf32, #tpu.memory_space<vmem_shared>>
          tpu.wait_dma2 semaphore(%arg18 : memref<!tpu.dma_semaphore, #tpu.memory_space<semaphore_mem>>) src(%arg13 : memref<512x16xf32, #tpu.memory_space<vmem>>) dst(%dma_wait3A_479 : memref<512x16xf32, #tpu.memory_space<vmem_shared>>)
        } else {
        }
        %dma_start3A_113 = arith.constant 4 : i32
        %dma_start3A_114 = arith.constant 0 : i32
        %dma_start3A_115 = arith.constant 0 : i32
        %dma_start3A_116 = tpu.memref_slice %arg13[%dma_start3A_114, %dma_start3A_115] : memref<512x16xf32, #tpu.memory_space<vmem>> -> memref<128x16xf32, #tpu.memory_space<vmem>>
        %dma_start3A_117 = arith.constant 0 : i32
        %dma_start3A_118 = tpu.memref_slice %arg8[%dma_start3A_113, %dma_start3A_117] : memref<8x128xi32, #tpu.memory_space<vmem>> -> memref<1x128xi32, #tpu.memory_space<vmem>>
        %dma_start3A_119 = tpu.memref_squeeze %dma_start3A_118 : memref<1x128xi32, #tpu.memory_space<vmem>> -> memref<128xi32, #tpu.memory_space<vmem>>
        %dma_start3A_120 = arith.constant 0 : i32
        %dma_start3A_121 = arith.constant 0 : i32
        %dma_start3A_122 = tpu.memref_slice %arg4[%dma_start3A_120, %dma_start3A_121] : memref<100352x16xf32, #tpu.memory_space<hbm>> -> memref<100352x16xf32, #tpu.memory_space<hbm>>
        tpu.enqueue_indirect_dma source(%dma_start3A_122 : memref<100352x16xf32, #tpu.memory_space<hbm>>) target(%dma_start3A_116 : memref<128x16xf32, #tpu.memory_space<vmem>>) offsets(%dma_start3A_119 : memref<128xi32, #tpu.memory_space<vmem>>) semaphore(%arg16 : memref<!tpu.dma_semaphore, #tpu.memory_space<semaphore_mem>>)
        %dma_start3A_123 = arith.constant 5 : i32
        %dma_start3A_124 = arith.constant 128 : i32
        %dma_start3A_125 = arith.constant 0 : i32
        %dma_start3A_126 = tpu.memref_slice %arg13[%dma_start3A_124, %dma_start3A_125] : memref<512x16xf32, #tpu.memory_space<vmem>> -> memref<128x16xf32, #tpu.memory_space<vmem>>
        %dma_start3A_127 = arith.constant 0 : i32
        %dma_start3A_128 = tpu.memref_slice %arg8[%dma_start3A_123, %dma_start3A_127] : memref<8x128xi32, #tpu.memory_space<vmem>> -> memref<1x128xi32, #tpu.memory_space<vmem>>
        %dma_start3A_129 = tpu.memref_squeeze %dma_start3A_128 : memref<1x128xi32, #tpu.memory_space<vmem>> -> memref<128xi32, #tpu.memory_space<vmem>>
        %dma_start3A_130 = arith.constant 0 : i32
        %dma_start3A_131 = arith.constant 0 : i32
        %dma_start3A_132 = tpu.memref_slice %arg4[%dma_start3A_130, %dma_start3A_131] : memref<100352x16xf32, #tpu.memory_space<hbm>> -> memref<100352x16xf32, #tpu.memory_space<hbm>>
        tpu.enqueue_indirect_dma source(%dma_start3A_132 : memref<100352x16xf32, #tpu.memory_space<hbm>>) target(%dma_start3A_126 : memref<128x16xf32, #tpu.memory_space<vmem>>) offsets(%dma_start3A_129 : memref<128xi32, #tpu.memory_space<vmem>>) semaphore(%arg16 : memref<!tpu.dma_semaphore, #tpu.memory_space<semaphore_mem>>)
        %dma_start3A_133 = arith.constant 6 : i32
        %dma_start3A_134 = arith.constant 256 : i32
        %dma_start3A_135 = arith.constant 0 : i32
        %dma_start3A_136 = tpu.memref_slice %arg13[%dma_start3A_134, %dma_start3A_135] : memref<512x16xf32, #tpu.memory_space<vmem>> -> memref<128x16xf32, #tpu.memory_space<vmem>>
        %dma_start3A_137 = arith.constant 0 : i32
        %dma_start3A_138 = tpu.memref_slice %arg8[%dma_start3A_133, %dma_start3A_137] : memref<8x128xi32, #tpu.memory_space<vmem>> -> memref<1x128xi32, #tpu.memory_space<vmem>>
        %dma_start3A_139 = tpu.memref_squeeze %dma_start3A_138 : memref<1x128xi32, #tpu.memory_space<vmem>> -> memref<128xi32, #tpu.memory_space<vmem>>
        %dma_start3A_140 = arith.constant 0 : i32
        %dma_start3A_141 = arith.constant 0 : i32
        %dma_start3A_142 = tpu.memref_slice %arg4[%dma_start3A_140, %dma_start3A_141] : memref<100352x16xf32, #tpu.memory_space<hbm>> -> memref<100352x16xf32, #tpu.memory_space<hbm>>
        tpu.enqueue_indirect_dma source(%dma_start3A_142 : memref<100352x16xf32, #tpu.memory_space<hbm>>) target(%dma_start3A_136 : memref<128x16xf32, #tpu.memory_space<vmem>>) offsets(%dma_start3A_139 : memref<128xi32, #tpu.memory_space<vmem>>) semaphore(%arg16 : memref<!tpu.dma_semaphore, #tpu.memory_space<semaphore_mem>>)
        %dma_start3A_143 = arith.constant 7 : i32
        %dma_start3A_144 = arith.constant 384 : i32
        %dma_start3A_145 = arith.constant 0 : i32
        %dma_start3A_146 = tpu.memref_slice %arg13[%dma_start3A_144, %dma_start3A_145] : memref<512x16xf32, #tpu.memory_space<vmem>> -> memref<128x16xf32, #tpu.memory_space<vmem>>
        %dma_start3A_147 = arith.constant 0 : i32
        %dma_start3A_148 = tpu.memref_slice %arg8[%dma_start3A_143, %dma_start3A_147] : memref<8x128xi32, #tpu.memory_space<vmem>> -> memref<1x128xi32, #tpu.memory_space<vmem>>
        %dma_start3A_149 = tpu.memref_squeeze %dma_start3A_148 : memref<1x128xi32, #tpu.memory_space<vmem>> -> memref<128xi32, #tpu.memory_space<vmem>>
        %dma_start3A_150 = arith.constant 0 : i32
        %dma_start3A_151 = arith.constant 0 : i32
        %dma_start3A_152 = tpu.memref_slice %arg4[%dma_start3A_150, %dma_start3A_151] : memref<100352x16xf32, #tpu.memory_space<hbm>> -> memref<100352x16xf32, #tpu.memory_space<hbm>>
        tpu.enqueue_indirect_dma source(%dma_start3A_152 : memref<100352x16xf32, #tpu.memory_space<hbm>>) target(%dma_start3A_146 : memref<128x16xf32, #tpu.memory_space<vmem>>) offsets(%dma_start3A_149 : memref<128xi32, #tpu.memory_space<vmem>>) semaphore(%arg16 : memref<!tpu.dma_semaphore, #tpu.memory_space<semaphore_mem>>)
        %add3A_153 = arith.constant 1 : i32
        %add3A_154 = arith.addi %mul3A_53, %add3A_153 : i32
        %min3A = arith.constant 97 : i32
        %min3A_155 = arith.minsi %add3A_154, %min3A : i32
        %mul3A_156 = arith.constant 8 : i32
        %mul3A_157 = arith.muli %min3A_155, %mul3A_156 : i32
        %add3A_158 = arith.addi %mul3A_2, %mul3A_157 : i32
        %dma_start3A_159 = arith.constant 0 : i32
        %dma_start3A_160 = tpu.memref_slice %arg2[%add3A_158, %dma_start3A_159] : memref<12544x128xi32, #tpu.memory_space<hbm>> -> memref<8x128xi32, #tpu.memory_space<hbm>>
        %dma_start3A_161 = arith.constant 0 : i32
        %dma_start3A_162 = tpu.memref_slice %arg2[%add3A_158, %dma_start3A_161] : memref<12544x128xi32, #tpu.memory_space<hbm>> -> memref<8x128xi32, #tpu.memory_space<hbm>>
        tpu.enqueue_dma source(%dma_start3A_162 : memref<8x128xi32, #tpu.memory_space<hbm>>) target(%arg10 : memref<8x128xi32, #tpu.memory_space<vmem>>) target_semaphore(%arg19 : memref<!tpu.dma_semaphore, #tpu.memory_space<semaphore_mem>>)
        %dma_start3A_163 = arith.constant 0 : i32
        %dma_start3A_164 = tpu.memref_slice %arg3[%add3A_158, %dma_start3A_163] : memref<12544x128xi32, #tpu.memory_space<hbm>> -> memref<8x128xi32, #tpu.memory_space<hbm>>
        %dma_start3A_165 = arith.constant 0 : i32
        %dma_start3A_166 = tpu.memref_slice %arg3[%add3A_158, %dma_start3A_165] : memref<12544x128xi32, #tpu.memory_space<hbm>> -> memref<8x128xi32, #tpu.memory_space<hbm>>
        tpu.enqueue_dma source(%dma_start3A_166 : memref<8x128xi32, #tpu.memory_space<hbm>>) target(%arg11 : memref<8x128xi32, #tpu.memory_space<vmem>>) target_semaphore(%arg19 : memref<!tpu.dma_semaphore, #tpu.memory_space<semaphore_mem>>)
        %dma_wait3A_167 = arith.constant 0 : i32
        %dma_wait3A_168 = arith.constant 0 : i32
        %dma_wait3A_169 = tpu.memref_slice %arg4[%dma_wait3A_167, %dma_wait3A_168] : memref<100352x16xf32, #tpu.memory_space<hbm>> -> memref<512x16xf32, #tpu.memory_space<hbm>>
        %dma_wait3A_170 = arith.constant 0 : i32
        %dma_wait3A_171 = arith.constant 0 : i32
        %dma_wait3A_172 = tpu.memref_slice %arg4[%dma_wait3A_170, %dma_wait3A_171] : memref<100352x16xf32, #tpu.memory_space<hbm>> -> memref<512x16xf32, #tpu.memory_space<hbm>>
        tpu.wait_dma2 semaphore(%arg15 : memref<!tpu.dma_semaphore, #tpu.memory_space<semaphore_mem>>) src(%dma_wait3A_172 : memref<512x16xf32, #tpu.memory_space<hbm>>) dst(%arg12 : memref<512x16xf32, #tpu.memory_space<vmem>>)
        %dma_start3A_173 = arith.constant 0 : i32
        %dma_start3A_174 = arith.constant 0 : i32
        %dma_start3A_175 = arith.constant 0 : i32
        %dma_start3A_176 = tpu.memref_slice %arg12[%dma_start3A_174, %dma_start3A_175] : memref<512x16xf32, #tpu.memory_space<vmem>> -> memref<128x16xf32, #tpu.memory_space<vmem>>
        %dma_start3A_177 = arith.constant 0 : i32
        %dma_start3A_178 = tpu.memref_slice %arg9[%dma_start3A_173, %dma_start3A_177] : memref<8x128xi32, #tpu.memory_space<vmem>> -> memref<1x128xi32, #tpu.memory_space<vmem>>
        %dma_start3A_179 = tpu.memref_squeeze %dma_start3A_178 : memref<1x128xi32, #tpu.memory_space<vmem>> -> memref<128xi32, #tpu.memory_space<vmem>>
        %dma_start3A_180 = arith.constant 0 : i32
        %dma_start3A_181 = arith.constant 0 : i32
        %dma_start3A_182 = tpu.memref_slice %arg14[%dma_start3A_180, %dma_start3A_181] : memref<100352x16xf32, #tpu.memory_space<vmem_shared>> -> memref<100352x16xf32, #tpu.memory_space<vmem_shared>>
        tpu.enqueue_indirect_dma source(%dma_start3A_176 : memref<128x16xf32, #tpu.memory_space<vmem>>) target(%dma_start3A_182 : memref<100352x16xf32, #tpu.memory_space<vmem_shared>>) offsets(%dma_start3A_179 : memref<128xi32, #tpu.memory_space<vmem>>) semaphore(%arg17 : memref<!tpu.dma_semaphore, #tpu.memory_space<semaphore_mem>>) {add = true}
        %dma_start3A_183 = arith.constant 1 : i32
        %dma_start3A_184 = arith.constant 128 : i32
        %dma_start3A_185 = arith.constant 0 : i32
        %dma_start3A_186 = tpu.memref_slice %arg12[%dma_start3A_184, %dma_start3A_185] : memref<512x16xf32, #tpu.memory_space<vmem>> -> memref<128x16xf32, #tpu.memory_space<vmem>>
        %dma_start3A_187 = arith.constant 0 : i32
        %dma_start3A_188 = tpu.memref_slice %arg9[%dma_start3A_183, %dma_start3A_187] : memref<8x128xi32, #tpu.memory_space<vmem>> -> memref<1x128xi32, #tpu.memory_space<vmem>>
        %dma_start3A_189 = tpu.memref_squeeze %dma_start3A_188 : memref<1x128xi32, #tpu.memory_space<vmem>> -> memref<128xi32, #tpu.memory_space<vmem>>
        %dma_start3A_190 = arith.constant 0 : i32
        %dma_start3A_191 = arith.constant 0 : i32
        %dma_start3A_192 = tpu.memref_slice %arg14[%dma_start3A_190, %dma_start3A_191] : memref<100352x16xf32, #tpu.memory_space<vmem_shared>> -> memref<100352x16xf32, #tpu.memory_space<vmem_shared>>
        tpu.enqueue_indirect_dma source(%dma_start3A_186 : memref<128x16xf32, #tpu.memory_space<vmem>>) target(%dma_start3A_192 : memref<100352x16xf32, #tpu.memory_space<vmem_shared>>) offsets(%dma_start3A_189 : memref<128xi32, #tpu.memory_space<vmem>>) semaphore(%arg17 : memref<!tpu.dma_semaphore, #tpu.memory_space<semaphore_mem>>) {add = true}
        %dma_start3A_193 = arith.constant 2 : i32
        %dma_start3A_194 = arith.constant 256 : i32
        %dma_start3A_195 = arith.constant 0 : i32
        %dma_start3A_196 = tpu.memref_slice %arg12[%dma_start3A_194, %dma_start3A_195] : memref<512x16xf32, #tpu.memory_space<vmem>> -> memref<128x16xf32, #tpu.memory_space<vmem>>
        %dma_start3A_197 = arith.constant 0 : i32
        %dma_start3A_198 = tpu.memref_slice %arg9[%dma_start3A_193, %dma_start3A_197] : memref<8x128xi32, #tpu.memory_space<vmem>> -> memref<1x128xi32, #tpu.memory_space<vmem>>
        %dma_start3A_199 = tpu.memref_squeeze %dma_start3A_198 : memref<1x128xi32, #tpu.memory_space<vmem>> -> memref<128xi32, #tpu.memory_space<vmem>>
        %dma_start3A_200 = arith.constant 0 : i32
        %dma_start3A_201 = arith.constant 0 : i32
        %dma_start3A_202 = tpu.memref_slice %arg14[%dma_start3A_200, %dma_start3A_201] : memref<100352x16xf32, #tpu.memory_space<vmem_shared>> -> memref<100352x16xf32, #tpu.memory_space<vmem_shared>>
        tpu.enqueue_indirect_dma source(%dma_start3A_196 : memref<128x16xf32, #tpu.memory_space<vmem>>) target(%dma_start3A_202 : memref<100352x16xf32, #tpu.memory_space<vmem_shared>>) offsets(%dma_start3A_199 : memref<128xi32, #tpu.memory_space<vmem>>) semaphore(%arg17 : memref<!tpu.dma_semaphore, #tpu.memory_space<semaphore_mem>>) {add = true}
        %dma_start3A_203 = arith.constant 3 : i32
        %dma_start3A_204 = arith.constant 384 : i32
        %dma_start3A_205 = arith.constant 0 : i32
        %dma_start3A_206 = tpu.memref_slice %arg12[%dma_start3A_204, %dma_start3A_205] : memref<512x16xf32, #tpu.memory_space<vmem>> -> memref<128x16xf32, #tpu.memory_space<vmem>>
        %dma_start3A_207 = arith.constant 0 : i32
        %dma_start3A_208 = tpu.memref_slice %arg9[%dma_start3A_203, %dma_start3A_207] : memref<8x128xi32, #tpu.memory_space<vmem>> -> memref<1x128xi32, #tpu.memory_space<vmem>>
        %dma_start3A_209 = tpu.memref_squeeze %dma_start3A_208 : memref<1x128xi32, #tpu.memory_space<vmem>> -> memref<128xi32, #tpu.memory_space<vmem>>
        %dma_start3A_210 = arith.constant 0 : i32
        %dma_start3A_211 = arith.constant 0 : i32
        %dma_start3A_212 = tpu.memref_slice %arg14[%dma_start3A_210, %dma_start3A_211] : memref<100352x16xf32, #tpu.memory_space<vmem_shared>> -> memref<100352x16xf32, #tpu.memory_space<vmem_shared>>
        tpu.enqueue_indirect_dma source(%dma_start3A_206 : memref<128x16xf32, #tpu.memory_space<vmem>>) target(%dma_start3A_212 : memref<100352x16xf32, #tpu.memory_space<vmem_shared>>) offsets(%dma_start3A_209 : memref<128xi32, #tpu.memory_space<vmem>>) semaphore(%arg17 : memref<!tpu.dma_semaphore, #tpu.memory_space<semaphore_mem>>) {add = true}
        %dma_wait3A_213 = arith.constant 0 : i32
        %dma_wait3A_214 = arith.constant 0 : i32
        %dma_wait3A_215 = tpu.memref_slice %arg4[%dma_wait3A_213, %dma_wait3A_214] : memref<100352x16xf32, #tpu.memory_space<hbm>> -> memref<512x16xf32, #tpu.memory_space<hbm>>
        %dma_wait3A_216 = arith.constant 0 : i32
        %dma_wait3A_217 = arith.constant 0 : i32
        %dma_wait3A_218 = tpu.memref_slice %arg4[%dma_wait3A_216, %dma_wait3A_217] : memref<100352x16xf32, #tpu.memory_space<hbm>> -> memref<512x16xf32, #tpu.memory_space<hbm>>
        tpu.wait_dma2 semaphore(%arg16 : memref<!tpu.dma_semaphore, #tpu.memory_space<semaphore_mem>>) src(%dma_wait3A_218 : memref<512x16xf32, #tpu.memory_space<hbm>>) dst(%arg13 : memref<512x16xf32, #tpu.memory_space<vmem>>)
        %dma_start3A_219 = arith.constant 4 : i32
        %dma_start3A_220 = arith.constant 0 : i32
        %dma_start3A_221 = arith.constant 0 : i32
        %dma_start3A_222 = tpu.memref_slice %arg13[%dma_start3A_220, %dma_start3A_221] : memref<512x16xf32, #tpu.memory_space<vmem>> -> memref<128x16xf32, #tpu.memory_space<vmem>>
        %dma_start3A_223 = arith.constant 0 : i32
        %dma_start3A_224 = tpu.memref_slice %arg9[%dma_start3A_219, %dma_start3A_223] : memref<8x128xi32, #tpu.memory_space<vmem>> -> memref<1x128xi32, #tpu.memory_space<vmem>>
        %dma_start3A_225 = tpu.memref_squeeze %dma_start3A_224 : memref<1x128xi32, #tpu.memory_space<vmem>> -> memref<128xi32, #tpu.memory_space<vmem>>
        %dma_start3A_226 = arith.constant 0 : i32
        %dma_start3A_227 = arith.constant 0 : i32
        %dma_start3A_228 = tpu.memref_slice %arg14[%dma_start3A_226, %dma_start3A_227] : memref<100352x16xf32, #tpu.memory_space<vmem_shared>> -> memref<100352x16xf32, #tpu.memory_space<vmem_shared>>
        tpu.enqueue_indirect_dma source(%dma_start3A_222 : memref<128x16xf32, #tpu.memory_space<vmem>>) target(%dma_start3A_228 : memref<100352x16xf32, #tpu.memory_space<vmem_shared>>) offsets(%dma_start3A_225 : memref<128xi32, #tpu.memory_space<vmem>>) semaphore(%arg18 : memref<!tpu.dma_semaphore, #tpu.memory_space<semaphore_mem>>) {add = true}
        %dma_start3A_229 = arith.constant 5 : i32
        %dma_start3A_230 = arith.constant 128 : i32
        %dma_start3A_231 = arith.constant 0 : i32
        %dma_start3A_232 = tpu.memref_slice %arg13[%dma_start3A_230, %dma_start3A_231] : memref<512x16xf32, #tpu.memory_space<vmem>> -> memref<128x16xf32, #tpu.memory_space<vmem>>
        %dma_start3A_233 = arith.constant 0 : i32
        %dma_start3A_234 = tpu.memref_slice %arg9[%dma_start3A_229, %dma_start3A_233] : memref<8x128xi32, #tpu.memory_space<vmem>> -> memref<1x128xi32, #tpu.memory_space<vmem>>
        %dma_start3A_235 = tpu.memref_squeeze %dma_start3A_234 : memref<1x128xi32, #tpu.memory_space<vmem>> -> memref<128xi32, #tpu.memory_space<vmem>>
        %dma_start3A_236 = arith.constant 0 : i32
        %dma_start3A_237 = arith.constant 0 : i32
        %dma_start3A_238 = tpu.memref_slice %arg14[%dma_start3A_236, %dma_start3A_237] : memref<100352x16xf32, #tpu.memory_space<vmem_shared>> -> memref<100352x16xf32, #tpu.memory_space<vmem_shared>>
        tpu.enqueue_indirect_dma source(%dma_start3A_232 : memref<128x16xf32, #tpu.memory_space<vmem>>) target(%dma_start3A_238 : memref<100352x16xf32, #tpu.memory_space<vmem_shared>>) offsets(%dma_start3A_235 : memref<128xi32, #tpu.memory_space<vmem>>) semaphore(%arg18 : memref<!tpu.dma_semaphore, #tpu.memory_space<semaphore_mem>>) {add = true}
        %dma_start3A_239 = arith.constant 6 : i32
        %dma_start3A_240 = arith.constant 256 : i32
        %dma_start3A_241 = arith.constant 0 : i32
        %dma_start3A_242 = tpu.memref_slice %arg13[%dma_start3A_240, %dma_start3A_241] : memref<512x16xf32, #tpu.memory_space<vmem>> -> memref<128x16xf32, #tpu.memory_space<vmem>>
        %dma_start3A_243 = arith.constant 0 : i32
        %dma_start3A_244 = tpu.memref_slice %arg9[%dma_start3A_239, %dma_start3A_243] : memref<8x128xi32, #tpu.memory_space<vmem>> -> memref<1x128xi32, #tpu.memory_space<vmem>>
        %dma_start3A_245 = tpu.memref_squeeze %dma_start3A_244 : memref<1x128xi32, #tpu.memory_space<vmem>> -> memref<128xi32, #tpu.memory_space<vmem>>
        %dma_start3A_246 = arith.constant 0 : i32
        %dma_start3A_247 = arith.constant 0 : i32
        %dma_start3A_248 = tpu.memref_slice %arg14[%dma_start3A_246, %dma_start3A_247] : memref<100352x16xf32, #tpu.memory_space<vmem_shared>> -> memref<100352x16xf32, #tpu.memory_space<vmem_shared>>
        tpu.enqueue_indirect_dma source(%dma_start3A_242 : memref<128x16xf32, #tpu.memory_space<vmem>>) target(%dma_start3A_248 : memref<100352x16xf32, #tpu.memory_space<vmem_shared>>) offsets(%dma_start3A_245 : memref<128xi32, #tpu.memory_space<vmem>>) semaphore(%arg18 : memref<!tpu.dma_semaphore, #tpu.memory_space<semaphore_mem>>) {add = true}
        %dma_start3A_249 = arith.constant 7 : i32
        %dma_start3A_250 = arith.constant 384 : i32
        %dma_start3A_251 = arith.constant 0 : i32
        %dma_start3A_252 = tpu.memref_slice %arg13[%dma_start3A_250, %dma_start3A_251] : memref<512x16xf32, #tpu.memory_space<vmem>> -> memref<128x16xf32, #tpu.memory_space<vmem>>
        %dma_start3A_253 = arith.constant 0 : i32
        %dma_start3A_254 = tpu.memref_slice %arg9[%dma_start3A_249, %dma_start3A_253] : memref<8x128xi32, #tpu.memory_space<vmem>> -> memref<1x128xi32, #tpu.memory_space<vmem>>
        %dma_start3A_255 = tpu.memref_squeeze %dma_start3A_254 : memref<1x128xi32, #tpu.memory_space<vmem>> -> memref<128xi32, #tpu.memory_space<vmem>>
        %dma_start3A_256 = arith.constant 0 : i32
        %dma_start3A_257 = arith.constant 0 : i32
        %dma_start3A_258 = tpu.memref_slice %arg14[%dma_start3A_256, %dma_start3A_257] : memref<100352x16xf32, #tpu.memory_space<vmem_shared>> -> memref<100352x16xf32, #tpu.memory_space<vmem_shared>>
        tpu.enqueue_indirect_dma source(%dma_start3A_252 : memref<128x16xf32, #tpu.memory_space<vmem>>) target(%dma_start3A_258 : memref<100352x16xf32, #tpu.memory_space<vmem_shared>>) offsets(%dma_start3A_255 : memref<128xi32, #tpu.memory_space<vmem>>) semaphore(%arg18 : memref<!tpu.dma_semaphore, #tpu.memory_space<semaphore_mem>>) {add = true}
        %mul3A_259 = arith.constant 2 : i32
        %mul3A_260 = arith.muli %mul3A_259, %scan3A_51 : i32
        %add3A_261 = arith.constant 1 : i32
        %add3A_262 = arith.addi %mul3A_260, %add3A_261 : i32
        %dma_wait3A_263 = arith.constant 0 : i32
        %dma_wait3A_264 = arith.constant 0 : i32
        %dma_wait3A_265 = tpu.memref_slice %arg2[%dma_wait3A_263, %dma_wait3A_264] : memref<12544x128xi32, #tpu.memory_space<hbm>> -> memref<8x128xi32, #tpu.memory_space<hbm>>
        %dma_wait3A_266 = arith.constant 0 : i32
        %dma_wait3A_267 = arith.constant 0 : i32
        %dma_wait3A_268 = tpu.memref_slice %arg2[%dma_wait3A_266, %dma_wait3A_267] : memref<12544x128xi32, #tpu.memory_space<hbm>> -> memref<8x128xi32, #tpu.memory_space<hbm>>
        tpu.wait_dma2 semaphore(%arg19 : memref<!tpu.dma_semaphore, #tpu.memory_space<semaphore_mem>>) src(%dma_wait3A_268 : memref<8x128xi32, #tpu.memory_space<hbm>>) dst(%arg10 : memref<8x128xi32, #tpu.memory_space<vmem>>)
        %dma_wait3A_269 = arith.constant 0 : i32
        %dma_wait3A_270 = arith.constant 0 : i32
        %dma_wait3A_271 = tpu.memref_slice %arg3[%dma_wait3A_269, %dma_wait3A_270] : memref<12544x128xi32, #tpu.memory_space<hbm>> -> memref<8x128xi32, #tpu.memory_space<hbm>>
        %dma_wait3A_272 = arith.constant 0 : i32
        %dma_wait3A_273 = arith.constant 0 : i32
        %dma_wait3A_274 = tpu.memref_slice %arg3[%dma_wait3A_272, %dma_wait3A_273] : memref<12544x128xi32, #tpu.memory_space<hbm>> -> memref<8x128xi32, #tpu.memory_space<hbm>>
        tpu.wait_dma2 semaphore(%arg19 : memref<!tpu.dma_semaphore, #tpu.memory_space<semaphore_mem>>) src(%dma_wait3A_274 : memref<8x128xi32, #tpu.memory_space<hbm>>) dst(%arg11 : memref<8x128xi32, #tpu.memory_space<vmem>>)
        %dma_wait3A_275 = arith.constant 0 : i32
        %dma_wait3A_276 = arith.constant 0 : i32
        %dma_wait3A_277 = tpu.memref_slice %arg14[%dma_wait3A_275, %dma_wait3A_276] : memref<100352x16xf32, #tpu.memory_space<vmem_shared>> -> memref<512x16xf32, #tpu.memory_space<vmem_shared>>
        %dma_wait3A_278 = arith.constant 0 : i32
        %dma_wait3A_279 = arith.constant 0 : i32
        %dma_wait3A_280 = tpu.memref_slice %arg14[%dma_wait3A_278, %dma_wait3A_279] : memref<100352x16xf32, #tpu.memory_space<vmem_shared>> -> memref<512x16xf32, #tpu.memory_space<vmem_shared>>
        tpu.wait_dma2 semaphore(%arg17 : memref<!tpu.dma_semaphore, #tpu.memory_space<semaphore_mem>>) src(%arg12 : memref<512x16xf32, #tpu.memory_space<vmem>>) dst(%dma_wait3A_280 : memref<512x16xf32, #tpu.memory_space<vmem_shared>>)
        %dma_start3A_281 = arith.constant 0 : i32
        %dma_start3A_282 = arith.constant 0 : i32
        %dma_start3A_283 = arith.constant 0 : i32
        %dma_start3A_284 = tpu.memref_slice %arg12[%dma_start3A_282, %dma_start3A_283] : memref<512x16xf32, #tpu.memory_space<vmem>> -> memref<128x16xf32, #tpu.memory_space<vmem>>
        %dma_start3A_285 = arith.constant 0 : i32
        %dma_start3A_286 = tpu.memref_slice %arg10[%dma_start3A_281, %dma_start3A_285] : memref<8x128xi32, #tpu.memory_space<vmem>> -> memref<1x128xi32, #tpu.memory_space<vmem>>
        %dma_start3A_287 = tpu.memref_squeeze %dma_start3A_286 : memref<1x128xi32, #tpu.memory_space<vmem>> -> memref<128xi32, #tpu.memory_space<vmem>>
        %dma_start3A_288 = arith.constant 0 : i32
        %dma_start3A_289 = arith.constant 0 : i32
        %dma_start3A_290 = tpu.memref_slice %arg4[%dma_start3A_288, %dma_start3A_289] : memref<100352x16xf32, #tpu.memory_space<hbm>> -> memref<100352x16xf32, #tpu.memory_space<hbm>>
        tpu.enqueue_indirect_dma source(%dma_start3A_290 : memref<100352x16xf32, #tpu.memory_space<hbm>>) target(%dma_start3A_284 : memref<128x16xf32, #tpu.memory_space<vmem>>) offsets(%dma_start3A_287 : memref<128xi32, #tpu.memory_space<vmem>>) semaphore(%arg15 : memref<!tpu.dma_semaphore, #tpu.memory_space<semaphore_mem>>)
        %dma_start3A_291 = arith.constant 1 : i32
        %dma_start3A_292 = arith.constant 128 : i32
        %dma_start3A_293 = arith.constant 0 : i32
        %dma_start3A_294 = tpu.memref_slice %arg12[%dma_start3A_292, %dma_start3A_293] : memref<512x16xf32, #tpu.memory_space<vmem>> -> memref<128x16xf32, #tpu.memory_space<vmem>>
        %dma_start3A_295 = arith.constant 0 : i32
        %dma_start3A_296 = tpu.memref_slice %arg10[%dma_start3A_291, %dma_start3A_295] : memref<8x128xi32, #tpu.memory_space<vmem>> -> memref<1x128xi32, #tpu.memory_space<vmem>>
        %dma_start3A_297 = tpu.memref_squeeze %dma_start3A_296 : memref<1x128xi32, #tpu.memory_space<vmem>> -> memref<128xi32, #tpu.memory_space<vmem>>
        %dma_start3A_298 = arith.constant 0 : i32
        %dma_start3A_299 = arith.constant 0 : i32
        %dma_start3A_300 = tpu.memref_slice %arg4[%dma_start3A_298, %dma_start3A_299] : memref<100352x16xf32, #tpu.memory_space<hbm>> -> memref<100352x16xf32, #tpu.memory_space<hbm>>
        tpu.enqueue_indirect_dma source(%dma_start3A_300 : memref<100352x16xf32, #tpu.memory_space<hbm>>) target(%dma_start3A_294 : memref<128x16xf32, #tpu.memory_space<vmem>>) offsets(%dma_start3A_297 : memref<128xi32, #tpu.memory_space<vmem>>) semaphore(%arg15 : memref<!tpu.dma_semaphore, #tpu.memory_space<semaphore_mem>>)
        %dma_start3A_301 = arith.constant 2 : i32
        %dma_start3A_302 = arith.constant 256 : i32
        %dma_start3A_303 = arith.constant 0 : i32
        %dma_start3A_304 = tpu.memref_slice %arg12[%dma_start3A_302, %dma_start3A_303] : memref<512x16xf32, #tpu.memory_space<vmem>> -> memref<128x16xf32, #tpu.memory_space<vmem>>
        %dma_start3A_305 = arith.constant 0 : i32
        %dma_start3A_306 = tpu.memref_slice %arg10[%dma_start3A_301, %dma_start3A_305] : memref<8x128xi32, #tpu.memory_space<vmem>> -> memref<1x128xi32, #tpu.memory_space<vmem>>
        %dma_start3A_307 = tpu.memref_squeeze %dma_start3A_306 : memref<1x128xi32, #tpu.memory_space<vmem>> -> memref<128xi32, #tpu.memory_space<vmem>>
        %dma_start3A_308 = arith.constant 0 : i32
        %dma_start3A_309 = arith.constant 0 : i32
        %dma_start3A_310 = tpu.memref_slice %arg4[%dma_start3A_308, %dma_start3A_309] : memref<100352x16xf32, #tpu.memory_space<hbm>> -> memref<100352x16xf32, #tpu.memory_space<hbm>>
        tpu.enqueue_indirect_dma source(%dma_start3A_310 : memref<100352x16xf32, #tpu.memory_space<hbm>>) target(%dma_start3A_304 : memref<128x16xf32, #tpu.memory_space<vmem>>) offsets(%dma_start3A_307 : memref<128xi32, #tpu.memory_space<vmem>>) semaphore(%arg15 : memref<!tpu.dma_semaphore, #tpu.memory_space<semaphore_mem>>)
        %dma_start3A_311 = arith.constant 3 : i32
        %dma_start3A_312 = arith.constant 384 : i32
        %dma_start3A_313 = arith.constant 0 : i32
        %dma_start3A_314 = tpu.memref_slice %arg12[%dma_start3A_312, %dma_start3A_313] : memref<512x16xf32, #tpu.memory_space<vmem>> -> memref<128x16xf32, #tpu.memory_space<vmem>>
        %dma_start3A_315 = arith.constant 0 : i32
        %dma_start3A_316 = tpu.memref_slice %arg10[%dma_start3A_311, %dma_start3A_315] : memref<8x128xi32, #tpu.memory_space<vmem>> -> memref<1x128xi32, #tpu.memory_space<vmem>>
        %dma_start3A_317 = tpu.memref_squeeze %dma_start3A_316 : memref<1x128xi32, #tpu.memory_space<vmem>> -> memref<128xi32, #tpu.memory_space<vmem>>
        %dma_start3A_318 = arith.constant 0 : i32
        %dma_start3A_319 = arith.constant 0 : i32
        %dma_start3A_320 = tpu.memref_slice %arg4[%dma_start3A_318, %dma_start3A_319] : memref<100352x16xf32, #tpu.memory_space<hbm>> -> memref<100352x16xf32, #tpu.memory_space<hbm>>
        tpu.enqueue_indirect_dma source(%dma_start3A_320 : memref<100352x16xf32, #tpu.memory_space<hbm>>) target(%dma_start3A_314 : memref<128x16xf32, #tpu.memory_space<vmem>>) offsets(%dma_start3A_317 : memref<128xi32, #tpu.memory_space<vmem>>) semaphore(%arg15 : memref<!tpu.dma_semaphore, #tpu.memory_space<semaphore_mem>>)
        %dma_wait3A_321 = arith.constant 0 : i32
        %dma_wait3A_322 = arith.constant 0 : i32
        %dma_wait3A_323 = tpu.memref_slice %arg14[%dma_wait3A_321, %dma_wait3A_322] : memref<100352x16xf32, #tpu.memory_space<vmem_shared>> -> memref<512x16xf32, #tpu.memory_space<vmem_shared>>
        %dma_wait3A_324 = arith.constant 0 : i32
        %dma_wait3A_325 = arith.constant 0 : i32
        %dma_wait3A_326 = tpu.memref_slice %arg14[%dma_wait3A_324, %dma_wait3A_325] : memref<100352x16xf32, #tpu.memory_space<vmem_shared>> -> memref<512x16xf32, #tpu.memory_space<vmem_shared>>
        tpu.wait_dma2 semaphore(%arg18 : memref<!tpu.dma_semaphore, #tpu.memory_space<semaphore_mem>>) src(%arg13 : memref<512x16xf32, #tpu.memory_space<vmem>>) dst(%dma_wait3A_326 : memref<512x16xf32, #tpu.memory_space<vmem_shared>>)
        %dma_start3A_327 = arith.constant 4 : i32
        %dma_start3A_328 = arith.constant 0 : i32
        %dma_start3A_329 = arith.constant 0 : i32
        %dma_start3A_330 = tpu.memref_slice %arg13[%dma_start3A_328, %dma_start3A_329] : memref<512x16xf32, #tpu.memory_space<vmem>> -> memref<128x16xf32, #tpu.memory_space<vmem>>
        %dma_start3A_331 = arith.constant 0 : i32
        %dma_start3A_332 = tpu.memref_slice %arg10[%dma_start3A_327, %dma_start3A_331] : memref<8x128xi32, #tpu.memory_space<vmem>> -> memref<1x128xi32, #tpu.memory_space<vmem>>
        %dma_start3A_333 = tpu.memref_squeeze %dma_start3A_332 : memref<1x128xi32, #tpu.memory_space<vmem>> -> memref<128xi32, #tpu.memory_space<vmem>>
        %dma_start3A_334 = arith.constant 0 : i32
        %dma_start3A_335 = arith.constant 0 : i32
        %dma_start3A_336 = tpu.memref_slice %arg4[%dma_start3A_334, %dma_start3A_335] : memref<100352x16xf32, #tpu.memory_space<hbm>> -> memref<100352x16xf32, #tpu.memory_space<hbm>>
        tpu.enqueue_indirect_dma source(%dma_start3A_336 : memref<100352x16xf32, #tpu.memory_space<hbm>>) target(%dma_start3A_330 : memref<128x16xf32, #tpu.memory_space<vmem>>) offsets(%dma_start3A_333 : memref<128xi32, #tpu.memory_space<vmem>>) semaphore(%arg16 : memref<!tpu.dma_semaphore, #tpu.memory_space<semaphore_mem>>)
        %dma_start3A_337 = arith.constant 5 : i32
        %dma_start3A_338 = arith.constant 128 : i32
        %dma_start3A_339 = arith.constant 0 : i32
        %dma_start3A_340 = tpu.memref_slice %arg13[%dma_start3A_338, %dma_start3A_339] : memref<512x16xf32, #tpu.memory_space<vmem>> -> memref<128x16xf32, #tpu.memory_space<vmem>>
        %dma_start3A_341 = arith.constant 0 : i32
        %dma_start3A_342 = tpu.memref_slice %arg10[%dma_start3A_337, %dma_start3A_341] : memref<8x128xi32, #tpu.memory_space<vmem>> -> memref<1x128xi32, #tpu.memory_space<vmem>>
        %dma_start3A_343 = tpu.memref_squeeze %dma_start3A_342 : memref<1x128xi32, #tpu.memory_space<vmem>> -> memref<128xi32, #tpu.memory_space<vmem>>
        %dma_start3A_344 = arith.constant 0 : i32
        %dma_start3A_345 = arith.constant 0 : i32
        %dma_start3A_346 = tpu.memref_slice %arg4[%dma_start3A_344, %dma_start3A_345] : memref<100352x16xf32, #tpu.memory_space<hbm>> -> memref<100352x16xf32, #tpu.memory_space<hbm>>
        tpu.enqueue_indirect_dma source(%dma_start3A_346 : memref<100352x16xf32, #tpu.memory_space<hbm>>) target(%dma_start3A_340 : memref<128x16xf32, #tpu.memory_space<vmem>>) offsets(%dma_start3A_343 : memref<128xi32, #tpu.memory_space<vmem>>) semaphore(%arg16 : memref<!tpu.dma_semaphore, #tpu.memory_space<semaphore_mem>>)
        %dma_start3A_347 = arith.constant 6 : i32
        %dma_start3A_348 = arith.constant 256 : i32
        %dma_start3A_349 = arith.constant 0 : i32
        %dma_start3A_350 = tpu.memref_slice %arg13[%dma_start3A_348, %dma_start3A_349] : memref<512x16xf32, #tpu.memory_space<vmem>> -> memref<128x16xf32, #tpu.memory_space<vmem>>
        %dma_start3A_351 = arith.constant 0 : i32
        %dma_start3A_352 = tpu.memref_slice %arg10[%dma_start3A_347, %dma_start3A_351] : memref<8x128xi32, #tpu.memory_space<vmem>> -> memref<1x128xi32, #tpu.memory_space<vmem>>
        %dma_start3A_353 = tpu.memref_squeeze %dma_start3A_352 : memref<1x128xi32, #tpu.memory_space<vmem>> -> memref<128xi32, #tpu.memory_space<vmem>>
        %dma_start3A_354 = arith.constant 0 : i32
        %dma_start3A_355 = arith.constant 0 : i32
        %dma_start3A_356 = tpu.memref_slice %arg4[%dma_start3A_354, %dma_start3A_355] : memref<100352x16xf32, #tpu.memory_space<hbm>> -> memref<100352x16xf32, #tpu.memory_space<hbm>>
        tpu.enqueue_indirect_dma source(%dma_start3A_356 : memref<100352x16xf32, #tpu.memory_space<hbm>>) target(%dma_start3A_350 : memref<128x16xf32, #tpu.memory_space<vmem>>) offsets(%dma_start3A_353 : memref<128xi32, #tpu.memory_space<vmem>>) semaphore(%arg16 : memref<!tpu.dma_semaphore, #tpu.memory_space<semaphore_mem>>)
        %dma_start3A_357 = arith.constant 7 : i32
        %dma_start3A_358 = arith.constant 384 : i32
        %dma_start3A_359 = arith.constant 0 : i32
        %dma_start3A_360 = tpu.memref_slice %arg13[%dma_start3A_358, %dma_start3A_359] : memref<512x16xf32, #tpu.memory_space<vmem>> -> memref<128x16xf32, #tpu.memory_space<vmem>>
        %dma_start3A_361 = arith.constant 0 : i32
        %dma_start3A_362 = tpu.memref_slice %arg10[%dma_start3A_357, %dma_start3A_361] : memref<8x128xi32, #tpu.memory_space<vmem>> -> memref<1x128xi32, #tpu.memory_space<vmem>>
        %dma_start3A_363 = tpu.memref_squeeze %dma_start3A_362 : memref<1x128xi32, #tpu.memory_space<vmem>> -> memref<128xi32, #tpu.memory_space<vmem>>
        %dma_start3A_364 = arith.constant 0 : i32
        %dma_start3A_365 = arith.constant 0 : i32
        %dma_start3A_366 = tpu.memref_slice %arg4[%dma_start3A_364, %dma_start3A_365] : memref<100352x16xf32, #tpu.memory_space<hbm>> -> memref<100352x16xf32, #tpu.memory_space<hbm>>
        tpu.enqueue_indirect_dma source(%dma_start3A_366 : memref<100352x16xf32, #tpu.memory_space<hbm>>) target(%dma_start3A_360 : memref<128x16xf32, #tpu.memory_space<vmem>>) offsets(%dma_start3A_363 : memref<128xi32, #tpu.memory_space<vmem>>) semaphore(%arg16 : memref<!tpu.dma_semaphore, #tpu.memory_space<semaphore_mem>>)
        %add3A_367 = arith.constant 1 : i32
        %add3A_368 = arith.addi %add3A_262, %add3A_367 : i32
        %min3A_369 = arith.constant 97 : i32
        %min3A_370 = arith.minsi %add3A_368, %min3A_369 : i32
        %mul3A_371 = arith.constant 8 : i32
        %mul3A_372 = arith.muli %min3A_370, %mul3A_371 : i32
        %add3A_373 = arith.addi %mul3A_2, %mul3A_372 : i32
        %dma_start3A_374 = arith.constant 0 : i32
        %dma_start3A_375 = tpu.memref_slice %arg2[%add3A_373, %dma_start3A_374] : memref<12544x128xi32, #tpu.memory_space<hbm>> -> memref<8x128xi32, #tpu.memory_space<hbm>>
        %dma_start3A_376 = arith.constant 0 : i32
        %dma_start3A_377 = tpu.memref_slice %arg2[%add3A_373, %dma_start3A_376] : memref<12544x128xi32, #tpu.memory_space<hbm>> -> memref<8x128xi32, #tpu.memory_space<hbm>>
        tpu.enqueue_dma source(%dma_start3A_377 : memref<8x128xi32, #tpu.memory_space<hbm>>) target(%arg8 : memref<8x128xi32, #tpu.memory_space<vmem>>) target_semaphore(%arg19 : memref<!tpu.dma_semaphore, #tpu.memory_space<semaphore_mem>>)
        %dma_start3A_378 = arith.constant 0 : i32
        %dma_start3A_379 = tpu.memref_slice %arg3[%add3A_373, %dma_start3A_378] : memref<12544x128xi32, #tpu.memory_space<hbm>> -> memref<8x128xi32, #tpu.memory_space<hbm>>
        %dma_start3A_380 = arith.constant 0 : i32
        %dma_start3A_381 = tpu.memref_slice %arg3[%add3A_373, %dma_start3A_380] : memref<12544x128xi32, #tpu.memory_space<hbm>> -> memref<8x128xi32, #tpu.memory_space<hbm>>
        tpu.enqueue_dma source(%dma_start3A_381 : memref<8x128xi32, #tpu.memory_space<hbm>>) target(%arg9 : memref<8x128xi32, #tpu.memory_space<vmem>>) target_semaphore(%arg19 : memref<!tpu.dma_semaphore, #tpu.memory_space<semaphore_mem>>)
        %dma_wait3A_382 = arith.constant 0 : i32
        %dma_wait3A_383 = arith.constant 0 : i32
        %dma_wait3A_384 = tpu.memref_slice %arg4[%dma_wait3A_382, %dma_wait3A_383] : memref<100352x16xf32, #tpu.memory_space<hbm>> -> memref<512x16xf32, #tpu.memory_space<hbm>>
        %dma_wait3A_385 = arith.constant 0 : i32
        %dma_wait3A_386 = arith.constant 0 : i32
        %dma_wait3A_387 = tpu.memref_slice %arg4[%dma_wait3A_385, %dma_wait3A_386] : memref<100352x16xf32, #tpu.memory_space<hbm>> -> memref<512x16xf32, #tpu.memory_space<hbm>>
        tpu.wait_dma2 semaphore(%arg15 : memref<!tpu.dma_semaphore, #tpu.memory_space<semaphore_mem>>) src(%dma_wait3A_387 : memref<512x16xf32, #tpu.memory_space<hbm>>) dst(%arg12 : memref<512x16xf32, #tpu.memory_space<vmem>>)
        %dma_start3A_388 = arith.constant 0 : i32
        %dma_start3A_389 = arith.constant 0 : i32
        %dma_start3A_390 = arith.constant 0 : i32
        %dma_start3A_391 = tpu.memref_slice %arg12[%dma_start3A_389, %dma_start3A_390] : memref<512x16xf32, #tpu.memory_space<vmem>> -> memref<128x16xf32, #tpu.memory_space<vmem>>
        %dma_start3A_392 = arith.constant 0 : i32
        %dma_start3A_393 = tpu.memref_slice %arg11[%dma_start3A_388, %dma_start3A_392] : memref<8x128xi32, #tpu.memory_space<vmem>> -> memref<1x128xi32, #tpu.memory_space<vmem>>
        %dma_start3A_394 = tpu.memref_squeeze %dma_start3A_393 : memref<1x128xi32, #tpu.memory_space<vmem>> -> memref<128xi32, #tpu.memory_space<vmem>>
        %dma_start3A_395 = arith.constant 0 : i32
        %dma_start3A_396 = arith.constant 0 : i32
        %dma_start3A_397 = tpu.memref_slice %arg14[%dma_start3A_395, %dma_start3A_396] : memref<100352x16xf32, #tpu.memory_space<vmem_shared>> -> memref<100352x16xf32, #tpu.memory_space<vmem_shared>>
        tpu.enqueue_indirect_dma source(%dma_start3A_391 : memref<128x16xf32, #tpu.memory_space<vmem>>) target(%dma_start3A_397 : memref<100352x16xf32, #tpu.memory_space<vmem_shared>>) offsets(%dma_start3A_394 : memref<128xi32, #tpu.memory_space<vmem>>) semaphore(%arg17 : memref<!tpu.dma_semaphore, #tpu.memory_space<semaphore_mem>>) {add = true}
        %dma_start3A_398 = arith.constant 1 : i32
        %dma_start3A_399 = arith.constant 128 : i32
        %dma_start3A_400 = arith.constant 0 : i32
        %dma_start3A_401 = tpu.memref_slice %arg12[%dma_start3A_399, %dma_start3A_400] : memref<512x16xf32, #tpu.memory_space<vmem>> -> memref<128x16xf32, #tpu.memory_space<vmem>>
        %dma_start3A_402 = arith.constant 0 : i32
        %dma_start3A_403 = tpu.memref_slice %arg11[%dma_start3A_398, %dma_start3A_402] : memref<8x128xi32, #tpu.memory_space<vmem>> -> memref<1x128xi32, #tpu.memory_space<vmem>>
        %dma_start3A_404 = tpu.memref_squeeze %dma_start3A_403 : memref<1x128xi32, #tpu.memory_space<vmem>> -> memref<128xi32, #tpu.memory_space<vmem>>
        %dma_start3A_405 = arith.constant 0 : i32
        %dma_start3A_406 = arith.constant 0 : i32
        %dma_start3A_407 = tpu.memref_slice %arg14[%dma_start3A_405, %dma_start3A_406] : memref<100352x16xf32, #tpu.memory_space<vmem_shared>> -> memref<100352x16xf32, #tpu.memory_space<vmem_shared>>
        tpu.enqueue_indirect_dma source(%dma_start3A_401 : memref<128x16xf32, #tpu.memory_space<vmem>>) target(%dma_start3A_407 : memref<100352x16xf32, #tpu.memory_space<vmem_shared>>) offsets(%dma_start3A_404 : memref<128xi32, #tpu.memory_space<vmem>>) semaphore(%arg17 : memref<!tpu.dma_semaphore, #tpu.memory_space<semaphore_mem>>) {add = true}
        %dma_start3A_408 = arith.constant 2 : i32
        %dma_start3A_409 = arith.constant 256 : i32
        %dma_start3A_410 = arith.constant 0 : i32
        %dma_start3A_411 = tpu.memref_slice %arg12[%dma_start3A_409, %dma_start3A_410] : memref<512x16xf32, #tpu.memory_space<vmem>> -> memref<128x16xf32, #tpu.memory_space<vmem>>
        %dma_start3A_412 = arith.constant 0 : i32
        %dma_start3A_413 = tpu.memref_slice %arg11[%dma_start3A_408, %dma_start3A_412] : memref<8x128xi32, #tpu.memory_space<vmem>> -> memref<1x128xi32, #tpu.memory_space<vmem>>
        %dma_start3A_414 = tpu.memref_squeeze %dma_start3A_413 : memref<1x128xi32, #tpu.memory_space<vmem>> -> memref<128xi32, #tpu.memory_space<vmem>>
        %dma_start3A_415 = arith.constant 0 : i32
        %dma_start3A_416 = arith.constant 0 : i32
        %dma_start3A_417 = tpu.memref_slice %arg14[%dma_start3A_415, %dma_start3A_416] : memref<100352x16xf32, #tpu.memory_space<vmem_shared>> -> memref<100352x16xf32, #tpu.memory_space<vmem_shared>>
        tpu.enqueue_indirect_dma source(%dma_start3A_411 : memref<128x16xf32, #tpu.memory_space<vmem>>) target(%dma_start3A_417 : memref<100352x16xf32, #tpu.memory_space<vmem_shared>>) offsets(%dma_start3A_414 : memref<128xi32, #tpu.memory_space<vmem>>) semaphore(%arg17 : memref<!tpu.dma_semaphore, #tpu.memory_space<semaphore_mem>>) {add = true}
        %dma_start3A_418 = arith.constant 3 : i32
        %dma_start3A_419 = arith.constant 384 : i32
        %dma_start3A_420 = arith.constant 0 : i32
        %dma_start3A_421 = tpu.memref_slice %arg12[%dma_start3A_419, %dma_start3A_420] : memref<512x16xf32, #tpu.memory_space<vmem>> -> memref<128x16xf32, #tpu.memory_space<vmem>>
        %dma_start3A_422 = arith.constant 0 : i32
        %dma_start3A_423 = tpu.memref_slice %arg11[%dma_start3A_418, %dma_start3A_422] : memref<8x128xi32, #tpu.memory_space<vmem>> -> memref<1x128xi32, #tpu.memory_space<vmem>>
        %dma_start3A_424 = tpu.memref_squeeze %dma_start3A_423 : memref<1x128xi32, #tpu.memory_space<vmem>> -> memref<128xi32, #tpu.memory_space<vmem>>
        %dma_start3A_425 = arith.constant 0 : i32
        %dma_start3A_426 = arith.constant 0 : i32
        %dma_start3A_427 = tpu.memref_slice %arg14[%dma_start3A_425, %dma_start3A_426] : memref<100352x16xf32, #tpu.memory_space<vmem_shared>> -> memref<100352x16xf32, #tpu.memory_space<vmem_shared>>
        tpu.enqueue_indirect_dma source(%dma_start3A_421 : memref<128x16xf32, #tpu.memory_space<vmem>>) target(%dma_start3A_427 : memref<100352x16xf32, #tpu.memory_space<vmem_shared>>) offsets(%dma_start3A_424 : memref<128xi32, #tpu.memory_space<vmem>>) semaphore(%arg17 : memref<!tpu.dma_semaphore, #tpu.memory_space<semaphore_mem>>) {add = true}
        %dma_wait3A_428 = arith.constant 0 : i32
        %dma_wait3A_429 = arith.constant 0 : i32
        %dma_wait3A_430 = tpu.memref_slice %arg4[%dma_wait3A_428, %dma_wait3A_429] : memref<100352x16xf32, #tpu.memory_space<hbm>> -> memref<512x16xf32, #tpu.memory_space<hbm>>
        %dma_wait3A_431 = arith.constant 0 : i32
        %dma_wait3A_432 = arith.constant 0 : i32
        %dma_wait3A_433 = tpu.memref_slice %arg4[%dma_wait3A_431, %dma_wait3A_432] : memref<100352x16xf32, #tpu.memory_space<hbm>> -> memref<512x16xf32, #tpu.memory_space<hbm>>
        tpu.wait_dma2 semaphore(%arg16 : memref<!tpu.dma_semaphore, #tpu.memory_space<semaphore_mem>>) src(%dma_wait3A_433 : memref<512x16xf32, #tpu.memory_space<hbm>>) dst(%arg13 : memref<512x16xf32, #tpu.memory_space<vmem>>)
        %dma_start3A_434 = arith.constant 4 : i32
        %dma_start3A_435 = arith.constant 0 : i32
        %dma_start3A_436 = arith.constant 0 : i32
        %dma_start3A_437 = tpu.memref_slice %arg13[%dma_start3A_435, %dma_start3A_436] : memref<512x16xf32, #tpu.memory_space<vmem>> -> memref<128x16xf32, #tpu.memory_space<vmem>>
        %dma_start3A_438 = arith.constant 0 : i32
        %dma_start3A_439 = tpu.memref_slice %arg11[%dma_start3A_434, %dma_start3A_438] : memref<8x128xi32, #tpu.memory_space<vmem>> -> memref<1x128xi32, #tpu.memory_space<vmem>>
        %dma_start3A_440 = tpu.memref_squeeze %dma_start3A_439 : memref<1x128xi32, #tpu.memory_space<vmem>> -> memref<128xi32, #tpu.memory_space<vmem>>
        %dma_start3A_441 = arith.constant 0 : i32
        %dma_start3A_442 = arith.constant 0 : i32
        %dma_start3A_443 = tpu.memref_slice %arg14[%dma_start3A_441, %dma_start3A_442] : memref<100352x16xf32, #tpu.memory_space<vmem_shared>> -> memref<100352x16xf32, #tpu.memory_space<vmem_shared>>
        tpu.enqueue_indirect_dma source(%dma_start3A_437 : memref<128x16xf32, #tpu.memory_space<vmem>>) target(%dma_start3A_443 : memref<100352x16xf32, #tpu.memory_space<vmem_shared>>) offsets(%dma_start3A_440 : memref<128xi32, #tpu.memory_space<vmem>>) semaphore(%arg18 : memref<!tpu.dma_semaphore, #tpu.memory_space<semaphore_mem>>) {add = true}
        %dma_start3A_444 = arith.constant 5 : i32
        %dma_start3A_445 = arith.constant 128 : i32
        %dma_start3A_446 = arith.constant 0 : i32
        %dma_start3A_447 = tpu.memref_slice %arg13[%dma_start3A_445, %dma_start3A_446] : memref<512x16xf32, #tpu.memory_space<vmem>> -> memref<128x16xf32, #tpu.memory_space<vmem>>
        %dma_start3A_448 = arith.constant 0 : i32
        %dma_start3A_449 = tpu.memref_slice %arg11[%dma_start3A_444, %dma_start3A_448] : memref<8x128xi32, #tpu.memory_space<vmem>> -> memref<1x128xi32, #tpu.memory_space<vmem>>
        %dma_start3A_450 = tpu.memref_squeeze %dma_start3A_449 : memref<1x128xi32, #tpu.memory_space<vmem>> -> memref<128xi32, #tpu.memory_space<vmem>>
        %dma_start3A_451 = arith.constant 0 : i32
        %dma_start3A_452 = arith.constant 0 : i32
        %dma_start3A_453 = tpu.memref_slice %arg14[%dma_start3A_451, %dma_start3A_452] : memref<100352x16xf32, #tpu.memory_space<vmem_shared>> -> memref<100352x16xf32, #tpu.memory_space<vmem_shared>>
        tpu.enqueue_indirect_dma source(%dma_start3A_447 : memref<128x16xf32, #tpu.memory_space<vmem>>) target(%dma_start3A_453 : memref<100352x16xf32, #tpu.memory_space<vmem_shared>>) offsets(%dma_start3A_450 : memref<128xi32, #tpu.memory_space<vmem>>) semaphore(%arg18 : memref<!tpu.dma_semaphore, #tpu.memory_space<semaphore_mem>>) {add = true}
        %dma_start3A_454 = arith.constant 6 : i32
        %dma_start3A_455 = arith.constant 256 : i32
        %dma_start3A_456 = arith.constant 0 : i32
        %dma_start3A_457 = tpu.memref_slice %arg13[%dma_start3A_455, %dma_start3A_456] : memref<512x16xf32, #tpu.memory_space<vmem>> -> memref<128x16xf32, #tpu.memory_space<vmem>>
        %dma_start3A_458 = arith.constant 0 : i32
        %dma_start3A_459 = tpu.memref_slice %arg11[%dma_start3A_454, %dma_start3A_458] : memref<8x128xi32, #tpu.memory_space<vmem>> -> memref<1x128xi32, #tpu.memory_space<vmem>>
        %dma_start3A_460 = tpu.memref_squeeze %dma_start3A_459 : memref<1x128xi32, #tpu.memory_space<vmem>> -> memref<128xi32, #tpu.memory_space<vmem>>
        %dma_start3A_461 = arith.constant 0 : i32
        %dma_start3A_462 = arith.constant 0 : i32
        %dma_start3A_463 = tpu.memref_slice %arg14[%dma_start3A_461, %dma_start3A_462] : memref<100352x16xf32, #tpu.memory_space<vmem_shared>> -> memref<100352x16xf32, #tpu.memory_space<vmem_shared>>
        tpu.enqueue_indirect_dma source(%dma_start3A_457 : memref<128x16xf32, #tpu.memory_space<vmem>>) target(%dma_start3A_463 : memref<100352x16xf32, #tpu.memory_space<vmem_shared>>) offsets(%dma_start3A_460 : memref<128xi32, #tpu.memory_space<vmem>>) semaphore(%arg18 : memref<!tpu.dma_semaphore, #tpu.memory_space<semaphore_mem>>) {add = true}
        %dma_start3A_464 = arith.constant 7 : i32
        %dma_start3A_465 = arith.constant 384 : i32
        %dma_start3A_466 = arith.constant 0 : i32
        %dma_start3A_467 = tpu.memref_slice %arg13[%dma_start3A_465, %dma_start3A_466] : memref<512x16xf32, #tpu.memory_space<vmem>> -> memref<128x16xf32, #tpu.memory_space<vmem>>
        %dma_start3A_468 = arith.constant 0 : i32
        %dma_start3A_469 = tpu.memref_slice %arg11[%dma_start3A_464, %dma_start3A_468] : memref<8x128xi32, #tpu.memory_space<vmem>> -> memref<1x128xi32, #tpu.memory_space<vmem>>
        %dma_start3A_470 = tpu.memref_squeeze %dma_start3A_469 : memref<1x128xi32, #tpu.memory_space<vmem>> -> memref<128xi32, #tpu.memory_space<vmem>>
        %dma_start3A_471 = arith.constant 0 : i32
        %dma_start3A_472 = arith.constant 0 : i32
        %dma_start3A_473 = tpu.memref_slice %arg14[%dma_start3A_471, %dma_start3A_472] : memref<100352x16xf32, #tpu.memory_space<vmem_shared>> -> memref<100352x16xf32, #tpu.memory_space<vmem_shared>>
        tpu.enqueue_indirect_dma source(%dma_start3A_467 : memref<128x16xf32, #tpu.memory_space<vmem>>) target(%dma_start3A_473 : memref<100352x16xf32, #tpu.memory_space<vmem_shared>>) offsets(%dma_start3A_470 : memref<128xi32, #tpu.memory_space<vmem>>) semaphore(%arg18 : memref<!tpu.dma_semaphore, #tpu.memory_space<semaphore_mem>>) {add = true}
      }
      %scan3A_27 = arith.constant 49 : i32
      %dma_wait3A = arith.constant 0 : i32
      %dma_wait3A_28 = arith.constant 0 : i32
      %dma_wait3A_29 = tpu.memref_slice %arg2[%dma_wait3A, %dma_wait3A_28] : memref<12544x128xi32, #tpu.memory_space<hbm>> -> memref<8x128xi32, #tpu.memory_space<hbm>>
      %dma_wait3A_30 = arith.constant 0 : i32
      %dma_wait3A_31 = arith.constant 0 : i32
      %dma_wait3A_32 = tpu.memref_slice %arg2[%dma_wait3A_30, %dma_wait3A_31] : memref<12544x128xi32, #tpu.memory_space<hbm>> -> memref<8x128xi32, #tpu.memory_space<hbm>>
      tpu.wait_dma2 semaphore(%arg19 : memref<!tpu.dma_semaphore, #tpu.memory_space<semaphore_mem>>) src(%dma_wait3A_32 : memref<8x128xi32, #tpu.memory_space<hbm>>) dst(%arg8 : memref<8x128xi32, #tpu.memory_space<vmem>>)
      %dma_wait3A_33 = arith.constant 0 : i32
      %dma_wait3A_34 = arith.constant 0 : i32
      %dma_wait3A_35 = tpu.memref_slice %arg3[%dma_wait3A_33, %dma_wait3A_34] : memref<12544x128xi32, #tpu.memory_space<hbm>> -> memref<8x128xi32, #tpu.memory_space<hbm>>
      %dma_wait3A_36 = arith.constant 0 : i32
      %dma_wait3A_37 = arith.constant 0 : i32
      %dma_wait3A_38 = tpu.memref_slice %arg3[%dma_wait3A_36, %dma_wait3A_37] : memref<12544x128xi32, #tpu.memory_space<hbm>> -> memref<8x128xi32, #tpu.memory_space<hbm>>
      tpu.wait_dma2 semaphore(%arg19 : memref<!tpu.dma_semaphore, #tpu.memory_space<semaphore_mem>>) src(%dma_wait3A_38 : memref<8x128xi32, #tpu.memory_space<hbm>>) dst(%arg9 : memref<8x128xi32, #tpu.memory_space<vmem>>)
      %dma_wait3A_39 = arith.constant 0 : i32
      %dma_wait3A_40 = arith.constant 0 : i32
      %dma_wait3A_41 = tpu.memref_slice %arg14[%dma_wait3A_39, %dma_wait3A_40] : memref<100352x16xf32, #tpu.memory_space<vmem_shared>> -> memref<512x16xf32, #tpu.memory_space<vmem_shared>>
      %dma_wait3A_42 = arith.constant 0 : i32
      %dma_wait3A_43 = arith.constant 0 : i32
      %dma_wait3A_44 = tpu.memref_slice %arg14[%dma_wait3A_42, %dma_wait3A_43] : memref<100352x16xf32, #tpu.memory_space<vmem_shared>> -> memref<512x16xf32, #tpu.memory_space<vmem_shared>>
      tpu.wait_dma2 semaphore(%arg17 : memref<!tpu.dma_semaphore, #tpu.memory_space<semaphore_mem>>) src(%arg12 : memref<512x16xf32, #tpu.memory_space<vmem>>) dst(%dma_wait3A_44 : memref<512x16xf32, #tpu.memory_space<vmem_shared>>)
      %dma_wait3A_45 = arith.constant 0 : i32
      %dma_wait3A_46 = arith.constant 0 : i32
      %dma_wait3A_47 = tpu.memref_slice %arg14[%dma_wait3A_45, %dma_wait3A_46] : memref<100352x16xf32, #tpu.memory_space<vmem_shared>> -> memref<512x16xf32, #tpu.memory_space<vmem_shared>>
      %dma_wait3A_48 = arith.constant 0 : i32
      %dma_wait3A_49 = arith.constant 0 : i32
      %dma_wait3A_50 = tpu.memref_slice %arg14[%dma_wait3A_48, %dma_wait3A_49] : memref<100352x16xf32, #tpu.memory_space<vmem_shared>> -> memref<512x16xf32, #tpu.memory_space<vmem_shared>>
      tpu.wait_dma2 semaphore(%arg18 : memref<!tpu.dma_semaphore, #tpu.memory_space<semaphore_mem>>) src(%arg13 : memref<512x16xf32, #tpu.memory_space<vmem>>) dst(%dma_wait3A_50 : memref<512x16xf32, #tpu.memory_space<vmem_shared>>)
    } else {
    }
    %eq3A_5 = arith.constant 1 : i32
    %eq3A_6 = arith.cmpi eq, %arg0, %eq3A_5 : i32
    %convert_element_type3A_7 = arith.extui %eq3A_6 : i1 to i32
    %cond3A_8 = arith.constant 0 : i32
    %cond3A_9 = arith.cmpi ne, %convert_element_type3A_7, %cond3A_8 : i32
    scf.if %cond3A_9 {
      %add3A = arith.constant 0 : i32
      %add3A_15 = arith.addi %mul3A_2, %add3A : i32
      %dma_start3A = arith.constant 0 : i32
      %dma_start3A_16 = tpu.memref_slice %arg2[%add3A_15, %dma_start3A] : memref<12544x128xi32, #tpu.memory_space<hbm>> -> memref<8x128xi32, #tpu.memory_space<hbm>>
      %dma_start3A_17 = arith.constant 0 : i32
      %dma_start3A_18 = tpu.memref_slice %arg2[%add3A_15, %dma_start3A_17] : memref<12544x128xi32, #tpu.memory_space<hbm>> -> memref<8x128xi32, #tpu.memory_space<hbm>>
      tpu.enqueue_dma source(%dma_start3A_18 : memref<8x128xi32, #tpu.memory_space<hbm>>) target(%arg8 : memref<8x128xi32, #tpu.memory_space<vmem>>) target_semaphore(%arg19 : memref<!tpu.dma_semaphore, #tpu.memory_space<semaphore_mem>>)
      %dma_start3A_19 = arith.constant 0 : i32
      %dma_start3A_20 = tpu.memref_slice %arg3[%add3A_15, %dma_start3A_19] : memref<12544x128xi32, #tpu.memory_space<hbm>> -> memref<8x128xi32, #tpu.memory_space<hbm>>
      %dma_start3A_21 = arith.constant 0 : i32
      %dma_start3A_22 = tpu.memref_slice %arg3[%add3A_15, %dma_start3A_21] : memref<12544x128xi32, #tpu.memory_space<hbm>> -> memref<8x128xi32, #tpu.memory_space<hbm>>
      tpu.enqueue_dma source(%dma_start3A_22 : memref<8x128xi32, #tpu.memory_space<hbm>>) target(%arg9 : memref<8x128xi32, #tpu.memory_space<vmem>>) target_semaphore(%arg19 : memref<!tpu.dma_semaphore, #tpu.memory_space<semaphore_mem>>)
      %scan3A = arith.constant 0 : i32
      %scan3A_23 = arith.constant 0 : i32
      %scan3A_24 = arith.constant 49 : i32
      %scan3A_25 = arith.addi %scan3A_23, %scan3A_24 : i32
      %scan3A_26 = arith.constant 1 : i32
      scf.for %scan3A_51 = %scan3A_23 to %scan3A_25 step %scan3A_26  : i32 {
        %mul3A_52 = arith.constant 2 : i32
        %mul3A_53 = arith.muli %mul3A_52, %scan3A_51 : i32
        %gt3A = arith.constant 0 : i32
        %gt3A_54 = arith.cmpi sgt, %scan3A_51, %gt3A : i32
        %dma_wait3A_55 = arith.constant 0 : i32
        %dma_wait3A_56 = arith.constant 0 : i32
        %dma_wait3A_57 = tpu.memref_slice %arg2[%dma_wait3A_55, %dma_wait3A_56] : memref<12544x128xi32, #tpu.memory_space<hbm>> -> memref<8x128xi32, #tpu.memory_space<hbm>>
        %dma_wait3A_58 = arith.constant 0 : i32
        %dma_wait3A_59 = arith.constant 0 : i32
        %dma_wait3A_60 = tpu.memref_slice %arg2[%dma_wait3A_58, %dma_wait3A_59] : memref<12544x128xi32, #tpu.memory_space<hbm>> -> memref<8x128xi32, #tpu.memory_space<hbm>>
        tpu.wait_dma2 semaphore(%arg19 : memref<!tpu.dma_semaphore, #tpu.memory_space<semaphore_mem>>) src(%dma_wait3A_60 : memref<8x128xi32, #tpu.memory_space<hbm>>) dst(%arg8 : memref<8x128xi32, #tpu.memory_space<vmem>>)
        %dma_wait3A_61 = arith.constant 0 : i32
        %dma_wait3A_62 = arith.constant 0 : i32
        %dma_wait3A_63 = tpu.memref_slice %arg3[%dma_wait3A_61, %dma_wait3A_62] : memref<12544x128xi32, #tpu.memory_space<hbm>> -> memref<8x128xi32, #tpu.memory_space<hbm>>
        %dma_wait3A_64 = arith.constant 0 : i32
        %dma_wait3A_65 = arith.constant 0 : i32
        %dma_wait3A_66 = tpu.memref_slice %arg3[%dma_wait3A_64, %dma_wait3A_65] : memref<12544x128xi32, #tpu.memory_space<hbm>> -> memref<8x128xi32, #tpu.memory_space<hbm>>
        tpu.wait_dma2 semaphore(%arg19 : memref<!tpu.dma_semaphore, #tpu.memory_space<semaphore_mem>>) src(%dma_wait3A_66 : memref<8x128xi32, #tpu.memory_space<hbm>>) dst(%arg9 : memref<8x128xi32, #tpu.memory_space<vmem>>)
        %convert_element_type3A_67 = arith.extui %gt3A_54 : i1 to i32
        %cond3A_68 = arith.constant 0 : i32
        %cond3A_69 = arith.cmpi ne, %convert_element_type3A_67, %cond3A_68 : i32
        scf.if %cond3A_69 {
          %dma_wait3A_474 = arith.constant 0 : i32
          %dma_wait3A_475 = arith.constant 0 : i32
          %dma_wait3A_476 = tpu.memref_slice %arg14[%dma_wait3A_474, %dma_wait3A_475] : memref<100352x16xf32, #tpu.memory_space<vmem_shared>> -> memref<512x16xf32, #tpu.memory_space<vmem_shared>>
          %dma_wait3A_477 = arith.constant 0 : i32
          %dma_wait3A_478 = arith.constant 0 : i32
          %dma_wait3A_479 = tpu.memref_slice %arg14[%dma_wait3A_477, %dma_wait3A_478] : memref<100352x16xf32, #tpu.memory_space<vmem_shared>> -> memref<512x16xf32, #tpu.memory_space<vmem_shared>>
          tpu.wait_dma2 semaphore(%arg17 : memref<!tpu.dma_semaphore, #tpu.memory_space<semaphore_mem>>) src(%arg12 : memref<512x16xf32, #tpu.memory_space<vmem>>) dst(%dma_wait3A_479 : memref<512x16xf32, #tpu.memory_space<vmem_shared>>)
        } else {
        }
        %dma_start3A_70 = arith.constant 0 : i32
        %dma_start3A_71 = arith.constant 0 : i32
        %dma_start3A_72 = arith.constant 0 : i32
        %dma_start3A_73 = tpu.memref_slice %arg12[%dma_start3A_71, %dma_start3A_72] : memref<512x16xf32, #tpu.memory_space<vmem>> -> memref<128x16xf32, #tpu.memory_space<vmem>>
        %dma_start3A_74 = arith.constant 0 : i32
        %dma_start3A_75 = tpu.memref_slice %arg8[%dma_start3A_70, %dma_start3A_74] : memref<8x128xi32, #tpu.memory_space<vmem>> -> memref<1x128xi32, #tpu.memory_space<vmem>>
        %dma_start3A_76 = tpu.memref_squeeze %dma_start3A_75 : memref<1x128xi32, #tpu.memory_space<vmem>> -> memref<128xi32, #tpu.memory_space<vmem>>
        %dma_start3A_77 = arith.constant 0 : i32
        %dma_start3A_78 = arith.constant 0 : i32
        %dma_start3A_79 = tpu.memref_slice %arg5[%dma_start3A_77, %dma_start3A_78] : memref<100352x16xf32, #tpu.memory_space<hbm>> -> memref<100352x16xf32, #tpu.memory_space<hbm>>
        tpu.enqueue_indirect_dma source(%dma_start3A_79 : memref<100352x16xf32, #tpu.memory_space<hbm>>) target(%dma_start3A_73 : memref<128x16xf32, #tpu.memory_space<vmem>>) offsets(%dma_start3A_76 : memref<128xi32, #tpu.memory_space<vmem>>) semaphore(%arg15 : memref<!tpu.dma_semaphore, #tpu.memory_space<semaphore_mem>>)
        %dma_start3A_80 = arith.constant 1 : i32
        %dma_start3A_81 = arith.constant 128 : i32
        %dma_start3A_82 = arith.constant 0 : i32
        %dma_start3A_83 = tpu.memref_slice %arg12[%dma_start3A_81, %dma_start3A_82] : memref<512x16xf32, #tpu.memory_space<vmem>> -> memref<128x16xf32, #tpu.memory_space<vmem>>
        %dma_start3A_84 = arith.constant 0 : i32
        %dma_start3A_85 = tpu.memref_slice %arg8[%dma_start3A_80, %dma_start3A_84] : memref<8x128xi32, #tpu.memory_space<vmem>> -> memref<1x128xi32, #tpu.memory_space<vmem>>
        %dma_start3A_86 = tpu.memref_squeeze %dma_start3A_85 : memref<1x128xi32, #tpu.memory_space<vmem>> -> memref<128xi32, #tpu.memory_space<vmem>>
        %dma_start3A_87 = arith.constant 0 : i32
        %dma_start3A_88 = arith.constant 0 : i32
        %dma_start3A_89 = tpu.memref_slice %arg5[%dma_start3A_87, %dma_start3A_88] : memref<100352x16xf32, #tpu.memory_space<hbm>> -> memref<100352x16xf32, #tpu.memory_space<hbm>>
        tpu.enqueue_indirect_dma source(%dma_start3A_89 : memref<100352x16xf32, #tpu.memory_space<hbm>>) target(%dma_start3A_83 : memref<128x16xf32, #tpu.memory_space<vmem>>) offsets(%dma_start3A_86 : memref<128xi32, #tpu.memory_space<vmem>>) semaphore(%arg15 : memref<!tpu.dma_semaphore, #tpu.memory_space<semaphore_mem>>)
        %dma_start3A_90 = arith.constant 2 : i32
        %dma_start3A_91 = arith.constant 256 : i32
        %dma_start3A_92 = arith.constant 0 : i32
        %dma_start3A_93 = tpu.memref_slice %arg12[%dma_start3A_91, %dma_start3A_92] : memref<512x16xf32, #tpu.memory_space<vmem>> -> memref<128x16xf32, #tpu.memory_space<vmem>>
        %dma_start3A_94 = arith.constant 0 : i32
        %dma_start3A_95 = tpu.memref_slice %arg8[%dma_start3A_90, %dma_start3A_94] : memref<8x128xi32, #tpu.memory_space<vmem>> -> memref<1x128xi32, #tpu.memory_space<vmem>>
        %dma_start3A_96 = tpu.memref_squeeze %dma_start3A_95 : memref<1x128xi32, #tpu.memory_space<vmem>> -> memref<128xi32, #tpu.memory_space<vmem>>
        %dma_start3A_97 = arith.constant 0 : i32
        %dma_start3A_98 = arith.constant 0 : i32
        %dma_start3A_99 = tpu.memref_slice %arg5[%dma_start3A_97, %dma_start3A_98] : memref<100352x16xf32, #tpu.memory_space<hbm>> -> memref<100352x16xf32, #tpu.memory_space<hbm>>
        tpu.enqueue_indirect_dma source(%dma_start3A_99 : memref<100352x16xf32, #tpu.memory_space<hbm>>) target(%dma_start3A_93 : memref<128x16xf32, #tpu.memory_space<vmem>>) offsets(%dma_start3A_96 : memref<128xi32, #tpu.memory_space<vmem>>) semaphore(%arg15 : memref<!tpu.dma_semaphore, #tpu.memory_space<semaphore_mem>>)
        %dma_start3A_100 = arith.constant 3 : i32
        %dma_start3A_101 = arith.constant 384 : i32
        %dma_start3A_102 = arith.constant 0 : i32
        %dma_start3A_103 = tpu.memref_slice %arg12[%dma_start3A_101, %dma_start3A_102] : memref<512x16xf32, #tpu.memory_space<vmem>> -> memref<128x16xf32, #tpu.memory_space<vmem>>
        %dma_start3A_104 = arith.constant 0 : i32
        %dma_start3A_105 = tpu.memref_slice %arg8[%dma_start3A_100, %dma_start3A_104] : memref<8x128xi32, #tpu.memory_space<vmem>> -> memref<1x128xi32, #tpu.memory_space<vmem>>
        %dma_start3A_106 = tpu.memref_squeeze %dma_start3A_105 : memref<1x128xi32, #tpu.memory_space<vmem>> -> memref<128xi32, #tpu.memory_space<vmem>>
        %dma_start3A_107 = arith.constant 0 : i32
        %dma_start3A_108 = arith.constant 0 : i32
        %dma_start3A_109 = tpu.memref_slice %arg5[%dma_start3A_107, %dma_start3A_108] : memref<100352x16xf32, #tpu.memory_space<hbm>> -> memref<100352x16xf32, #tpu.memory_space<hbm>>
        tpu.enqueue_indirect_dma source(%dma_start3A_109 : memref<100352x16xf32, #tpu.memory_space<hbm>>) target(%dma_start3A_103 : memref<128x16xf32, #tpu.memory_space<vmem>>) offsets(%dma_start3A_106 : memref<128xi32, #tpu.memory_space<vmem>>) semaphore(%arg15 : memref<!tpu.dma_semaphore, #tpu.memory_space<semaphore_mem>>)
        %convert_element_type3A_110 = arith.extui %gt3A_54 : i1 to i32
        %cond3A_111 = arith.constant 0 : i32
        %cond3A_112 = arith.cmpi ne, %convert_element_type3A_110, %cond3A_111 : i32
        scf.if %cond3A_112 {
          %dma_wait3A_474 = arith.constant 0 : i32
          %dma_wait3A_475 = arith.constant 0 : i32
          %dma_wait3A_476 = tpu.memref_slice %arg14[%dma_wait3A_474, %dma_wait3A_475] : memref<100352x16xf32, #tpu.memory_space<vmem_shared>> -> memref<512x16xf32, #tpu.memory_space<vmem_shared>>
          %dma_wait3A_477 = arith.constant 0 : i32
          %dma_wait3A_478 = arith.constant 0 : i32
          %dma_wait3A_479 = tpu.memref_slice %arg14[%dma_wait3A_477, %dma_wait3A_478] : memref<100352x16xf32, #tpu.memory_space<vmem_shared>> -> memref<512x16xf32, #tpu.memory_space<vmem_shared>>
          tpu.wait_dma2 semaphore(%arg18 : memref<!tpu.dma_semaphore, #tpu.memory_space<semaphore_mem>>) src(%arg13 : memref<512x16xf32, #tpu.memory_space<vmem>>) dst(%dma_wait3A_479 : memref<512x16xf32, #tpu.memory_space<vmem_shared>>)
        } else {
        }
        %dma_start3A_113 = arith.constant 4 : i32
        %dma_start3A_114 = arith.constant 0 : i32
        %dma_start3A_115 = arith.constant 0 : i32
        %dma_start3A_116 = tpu.memref_slice %arg13[%dma_start3A_114, %dma_start3A_115] : memref<512x16xf32, #tpu.memory_space<vmem>> -> memref<128x16xf32, #tpu.memory_space<vmem>>
        %dma_start3A_117 = arith.constant 0 : i32
        %dma_start3A_118 = tpu.memref_slice %arg8[%dma_start3A_113, %dma_start3A_117] : memref<8x128xi32, #tpu.memory_space<vmem>> -> memref<1x128xi32, #tpu.memory_space<vmem>>
        %dma_start3A_119 = tpu.memref_squeeze %dma_start3A_118 : memref<1x128xi32, #tpu.memory_space<vmem>> -> memref<128xi32, #tpu.memory_space<vmem>>
        %dma_start3A_120 = arith.constant 0 : i32
        %dma_start3A_121 = arith.constant 0 : i32
        %dma_start3A_122 = tpu.memref_slice %arg5[%dma_start3A_120, %dma_start3A_121] : memref<100352x16xf32, #tpu.memory_space<hbm>> -> memref<100352x16xf32, #tpu.memory_space<hbm>>
        tpu.enqueue_indirect_dma source(%dma_start3A_122 : memref<100352x16xf32, #tpu.memory_space<hbm>>) target(%dma_start3A_116 : memref<128x16xf32, #tpu.memory_space<vmem>>) offsets(%dma_start3A_119 : memref<128xi32, #tpu.memory_space<vmem>>) semaphore(%arg16 : memref<!tpu.dma_semaphore, #tpu.memory_space<semaphore_mem>>)
        %dma_start3A_123 = arith.constant 5 : i32
        %dma_start3A_124 = arith.constant 128 : i32
        %dma_start3A_125 = arith.constant 0 : i32
        %dma_start3A_126 = tpu.memref_slice %arg13[%dma_start3A_124, %dma_start3A_125] : memref<512x16xf32, #tpu.memory_space<vmem>> -> memref<128x16xf32, #tpu.memory_space<vmem>>
        %dma_start3A_127 = arith.constant 0 : i32
        %dma_start3A_128 = tpu.memref_slice %arg8[%dma_start3A_123, %dma_start3A_127] : memref<8x128xi32, #tpu.memory_space<vmem>> -> memref<1x128xi32, #tpu.memory_space<vmem>>
        %dma_start3A_129 = tpu.memref_squeeze %dma_start3A_128 : memref<1x128xi32, #tpu.memory_space<vmem>> -> memref<128xi32, #tpu.memory_space<vmem>>
        %dma_start3A_130 = arith.constant 0 : i32
        %dma_start3A_131 = arith.constant 0 : i32
        %dma_start3A_132 = tpu.memref_slice %arg5[%dma_start3A_130, %dma_start3A_131] : memref<100352x16xf32, #tpu.memory_space<hbm>> -> memref<100352x16xf32, #tpu.memory_space<hbm>>
        tpu.enqueue_indirect_dma source(%dma_start3A_132 : memref<100352x16xf32, #tpu.memory_space<hbm>>) target(%dma_start3A_126 : memref<128x16xf32, #tpu.memory_space<vmem>>) offsets(%dma_start3A_129 : memref<128xi32, #tpu.memory_space<vmem>>) semaphore(%arg16 : memref<!tpu.dma_semaphore, #tpu.memory_space<semaphore_mem>>)
        %dma_start3A_133 = arith.constant 6 : i32
        %dma_start3A_134 = arith.constant 256 : i32
        %dma_start3A_135 = arith.constant 0 : i32
        %dma_start3A_136 = tpu.memref_slice %arg13[%dma_start3A_134, %dma_start3A_135] : memref<512x16xf32, #tpu.memory_space<vmem>> -> memref<128x16xf32, #tpu.memory_space<vmem>>
        %dma_start3A_137 = arith.constant 0 : i32
        %dma_start3A_138 = tpu.memref_slice %arg8[%dma_start3A_133, %dma_start3A_137] : memref<8x128xi32, #tpu.memory_space<vmem>> -> memref<1x128xi32, #tpu.memory_space<vmem>>
        %dma_start3A_139 = tpu.memref_squeeze %dma_start3A_138 : memref<1x128xi32, #tpu.memory_space<vmem>> -> memref<128xi32, #tpu.memory_space<vmem>>
        %dma_start3A_140 = arith.constant 0 : i32
        %dma_start3A_141 = arith.constant 0 : i32
        %dma_start3A_142 = tpu.memref_slice %arg5[%dma_start3A_140, %dma_start3A_141] : memref<100352x16xf32, #tpu.memory_space<hbm>> -> memref<100352x16xf32, #tpu.memory_space<hbm>>
        tpu.enqueue_indirect_dma source(%dma_start3A_142 : memref<100352x16xf32, #tpu.memory_space<hbm>>) target(%dma_start3A_136 : memref<128x16xf32, #tpu.memory_space<vmem>>) offsets(%dma_start3A_139 : memref<128xi32, #tpu.memory_space<vmem>>) semaphore(%arg16 : memref<!tpu.dma_semaphore, #tpu.memory_space<semaphore_mem>>)
        %dma_start3A_143 = arith.constant 7 : i32
        %dma_start3A_144 = arith.constant 384 : i32
        %dma_start3A_145 = arith.constant 0 : i32
        %dma_start3A_146 = tpu.memref_slice %arg13[%dma_start3A_144, %dma_start3A_145] : memref<512x16xf32, #tpu.memory_space<vmem>> -> memref<128x16xf32, #tpu.memory_space<vmem>>
        %dma_start3A_147 = arith.constant 0 : i32
        %dma_start3A_148 = tpu.memref_slice %arg8[%dma_start3A_143, %dma_start3A_147] : memref<8x128xi32, #tpu.memory_space<vmem>> -> memref<1x128xi32, #tpu.memory_space<vmem>>
        %dma_start3A_149 = tpu.memref_squeeze %dma_start3A_148 : memref<1x128xi32, #tpu.memory_space<vmem>> -> memref<128xi32, #tpu.memory_space<vmem>>
        %dma_start3A_150 = arith.constant 0 : i32
        %dma_start3A_151 = arith.constant 0 : i32
        %dma_start3A_152 = tpu.memref_slice %arg5[%dma_start3A_150, %dma_start3A_151] : memref<100352x16xf32, #tpu.memory_space<hbm>> -> memref<100352x16xf32, #tpu.memory_space<hbm>>
        tpu.enqueue_indirect_dma source(%dma_start3A_152 : memref<100352x16xf32, #tpu.memory_space<hbm>>) target(%dma_start3A_146 : memref<128x16xf32, #tpu.memory_space<vmem>>) offsets(%dma_start3A_149 : memref<128xi32, #tpu.memory_space<vmem>>) semaphore(%arg16 : memref<!tpu.dma_semaphore, #tpu.memory_space<semaphore_mem>>)
        %add3A_153 = arith.constant 1 : i32
        %add3A_154 = arith.addi %mul3A_53, %add3A_153 : i32
        %min3A = arith.constant 97 : i32
        %min3A_155 = arith.minsi %add3A_154, %min3A : i32
        %mul3A_156 = arith.constant 8 : i32
        %mul3A_157 = arith.muli %min3A_155, %mul3A_156 : i32
        %add3A_158 = arith.addi %mul3A_2, %mul3A_157 : i32
        %dma_start3A_159 = arith.constant 0 : i32
        %dma_start3A_160 = tpu.memref_slice %arg2[%add3A_158, %dma_start3A_159] : memref<12544x128xi32, #tpu.memory_space<hbm>> -> memref<8x128xi32, #tpu.memory_space<hbm>>
        %dma_start3A_161 = arith.constant 0 : i32
        %dma_start3A_162 = tpu.memref_slice %arg2[%add3A_158, %dma_start3A_161] : memref<12544x128xi32, #tpu.memory_space<hbm>> -> memref<8x128xi32, #tpu.memory_space<hbm>>
        tpu.enqueue_dma source(%dma_start3A_162 : memref<8x128xi32, #tpu.memory_space<hbm>>) target(%arg10 : memref<8x128xi32, #tpu.memory_space<vmem>>) target_semaphore(%arg19 : memref<!tpu.dma_semaphore, #tpu.memory_space<semaphore_mem>>)
        %dma_start3A_163 = arith.constant 0 : i32
        %dma_start3A_164 = tpu.memref_slice %arg3[%add3A_158, %dma_start3A_163] : memref<12544x128xi32, #tpu.memory_space<hbm>> -> memref<8x128xi32, #tpu.memory_space<hbm>>
        %dma_start3A_165 = arith.constant 0 : i32
        %dma_start3A_166 = tpu.memref_slice %arg3[%add3A_158, %dma_start3A_165] : memref<12544x128xi32, #tpu.memory_space<hbm>> -> memref<8x128xi32, #tpu.memory_space<hbm>>
        tpu.enqueue_dma source(%dma_start3A_166 : memref<8x128xi32, #tpu.memory_space<hbm>>) target(%arg11 : memref<8x128xi32, #tpu.memory_space<vmem>>) target_semaphore(%arg19 : memref<!tpu.dma_semaphore, #tpu.memory_space<semaphore_mem>>)
        %dma_wait3A_167 = arith.constant 0 : i32
        %dma_wait3A_168 = arith.constant 0 : i32
        %dma_wait3A_169 = tpu.memref_slice %arg5[%dma_wait3A_167, %dma_wait3A_168] : memref<100352x16xf32, #tpu.memory_space<hbm>> -> memref<512x16xf32, #tpu.memory_space<hbm>>
        %dma_wait3A_170 = arith.constant 0 : i32
        %dma_wait3A_171 = arith.constant 0 : i32
        %dma_wait3A_172 = tpu.memref_slice %arg5[%dma_wait3A_170, %dma_wait3A_171] : memref<100352x16xf32, #tpu.memory_space<hbm>> -> memref<512x16xf32, #tpu.memory_space<hbm>>
        tpu.wait_dma2 semaphore(%arg15 : memref<!tpu.dma_semaphore, #tpu.memory_space<semaphore_mem>>) src(%dma_wait3A_172 : memref<512x16xf32, #tpu.memory_space<hbm>>) dst(%arg12 : memref<512x16xf32, #tpu.memory_space<vmem>>)
        %dma_start3A_173 = arith.constant 0 : i32
        %dma_start3A_174 = arith.constant 0 : i32
        %dma_start3A_175 = arith.constant 0 : i32
        %dma_start3A_176 = tpu.memref_slice %arg12[%dma_start3A_174, %dma_start3A_175] : memref<512x16xf32, #tpu.memory_space<vmem>> -> memref<128x16xf32, #tpu.memory_space<vmem>>
        %dma_start3A_177 = arith.constant 0 : i32
        %dma_start3A_178 = tpu.memref_slice %arg9[%dma_start3A_173, %dma_start3A_177] : memref<8x128xi32, #tpu.memory_space<vmem>> -> memref<1x128xi32, #tpu.memory_space<vmem>>
        %dma_start3A_179 = tpu.memref_squeeze %dma_start3A_178 : memref<1x128xi32, #tpu.memory_space<vmem>> -> memref<128xi32, #tpu.memory_space<vmem>>
        %dma_start3A_180 = arith.constant 0 : i32
        %dma_start3A_181 = arith.constant 0 : i32
        %dma_start3A_182 = tpu.memref_slice %arg14[%dma_start3A_180, %dma_start3A_181] : memref<100352x16xf32, #tpu.memory_space<vmem_shared>> -> memref<100352x16xf32, #tpu.memory_space<vmem_shared>>
        tpu.enqueue_indirect_dma source(%dma_start3A_176 : memref<128x16xf32, #tpu.memory_space<vmem>>) target(%dma_start3A_182 : memref<100352x16xf32, #tpu.memory_space<vmem_shared>>) offsets(%dma_start3A_179 : memref<128xi32, #tpu.memory_space<vmem>>) semaphore(%arg17 : memref<!tpu.dma_semaphore, #tpu.memory_space<semaphore_mem>>) {add = true}
        %dma_start3A_183 = arith.constant 1 : i32
        %dma_start3A_184 = arith.constant 128 : i32
        %dma_start3A_185 = arith.constant 0 : i32
        %dma_start3A_186 = tpu.memref_slice %arg12[%dma_start3A_184, %dma_start3A_185] : memref<512x16xf32, #tpu.memory_space<vmem>> -> memref<128x16xf32, #tpu.memory_space<vmem>>
        %dma_start3A_187 = arith.constant 0 : i32
        %dma_start3A_188 = tpu.memref_slice %arg9[%dma_start3A_183, %dma_start3A_187] : memref<8x128xi32, #tpu.memory_space<vmem>> -> memref<1x128xi32, #tpu.memory_space<vmem>>
        %dma_start3A_189 = tpu.memref_squeeze %dma_start3A_188 : memref<1x128xi32, #tpu.memory_space<vmem>> -> memref<128xi32, #tpu.memory_space<vmem>>
        %dma_start3A_190 = arith.constant 0 : i32
        %dma_start3A_191 = arith.constant 0 : i32
        %dma_start3A_192 = tpu.memref_slice %arg14[%dma_start3A_190, %dma_start3A_191] : memref<100352x16xf32, #tpu.memory_space<vmem_shared>> -> memref<100352x16xf32, #tpu.memory_space<vmem_shared>>
        tpu.enqueue_indirect_dma source(%dma_start3A_186 : memref<128x16xf32, #tpu.memory_space<vmem>>) target(%dma_start3A_192 : memref<100352x16xf32, #tpu.memory_space<vmem_shared>>) offsets(%dma_start3A_189 : memref<128xi32, #tpu.memory_space<vmem>>) semaphore(%arg17 : memref<!tpu.dma_semaphore, #tpu.memory_space<semaphore_mem>>) {add = true}
        %dma_start3A_193 = arith.constant 2 : i32
        %dma_start3A_194 = arith.constant 256 : i32
        %dma_start3A_195 = arith.constant 0 : i32
        %dma_start3A_196 = tpu.memref_slice %arg12[%dma_start3A_194, %dma_start3A_195] : memref<512x16xf32, #tpu.memory_space<vmem>> -> memref<128x16xf32, #tpu.memory_space<vmem>>
        %dma_start3A_197 = arith.constant 0 : i32
        %dma_start3A_198 = tpu.memref_slice %arg9[%dma_start3A_193, %dma_start3A_197] : memref<8x128xi32, #tpu.memory_space<vmem>> -> memref<1x128xi32, #tpu.memory_space<vmem>>
        %dma_start3A_199 = tpu.memref_squeeze %dma_start3A_198 : memref<1x128xi32, #tpu.memory_space<vmem>> -> memref<128xi32, #tpu.memory_space<vmem>>
        %dma_start3A_200 = arith.constant 0 : i32
        %dma_start3A_201 = arith.constant 0 : i32
        %dma_start3A_202 = tpu.memref_slice %arg14[%dma_start3A_200, %dma_start3A_201] : memref<100352x16xf32, #tpu.memory_space<vmem_shared>> -> memref<100352x16xf32, #tpu.memory_space<vmem_shared>>
        tpu.enqueue_indirect_dma source(%dma_start3A_196 : memref<128x16xf32, #tpu.memory_space<vmem>>) target(%dma_start3A_202 : memref<100352x16xf32, #tpu.memory_space<vmem_shared>>) offsets(%dma_start3A_199 : memref<128xi32, #tpu.memory_space<vmem>>) semaphore(%arg17 : memref<!tpu.dma_semaphore, #tpu.memory_space<semaphore_mem>>) {add = true}
        %dma_start3A_203 = arith.constant 3 : i32
        %dma_start3A_204 = arith.constant 384 : i32
        %dma_start3A_205 = arith.constant 0 : i32
        %dma_start3A_206 = tpu.memref_slice %arg12[%dma_start3A_204, %dma_start3A_205] : memref<512x16xf32, #tpu.memory_space<vmem>> -> memref<128x16xf32, #tpu.memory_space<vmem>>
        %dma_start3A_207 = arith.constant 0 : i32
        %dma_start3A_208 = tpu.memref_slice %arg9[%dma_start3A_203, %dma_start3A_207] : memref<8x128xi32, #tpu.memory_space<vmem>> -> memref<1x128xi32, #tpu.memory_space<vmem>>
        %dma_start3A_209 = tpu.memref_squeeze %dma_start3A_208 : memref<1x128xi32, #tpu.memory_space<vmem>> -> memref<128xi32, #tpu.memory_space<vmem>>
        %dma_start3A_210 = arith.constant 0 : i32
        %dma_start3A_211 = arith.constant 0 : i32
        %dma_start3A_212 = tpu.memref_slice %arg14[%dma_start3A_210, %dma_start3A_211] : memref<100352x16xf32, #tpu.memory_space<vmem_shared>> -> memref<100352x16xf32, #tpu.memory_space<vmem_shared>>
        tpu.enqueue_indirect_dma source(%dma_start3A_206 : memref<128x16xf32, #tpu.memory_space<vmem>>) target(%dma_start3A_212 : memref<100352x16xf32, #tpu.memory_space<vmem_shared>>) offsets(%dma_start3A_209 : memref<128xi32, #tpu.memory_space<vmem>>) semaphore(%arg17 : memref<!tpu.dma_semaphore, #tpu.memory_space<semaphore_mem>>) {add = true}
        %dma_wait3A_213 = arith.constant 0 : i32
        %dma_wait3A_214 = arith.constant 0 : i32
        %dma_wait3A_215 = tpu.memref_slice %arg5[%dma_wait3A_213, %dma_wait3A_214] : memref<100352x16xf32, #tpu.memory_space<hbm>> -> memref<512x16xf32, #tpu.memory_space<hbm>>
        %dma_wait3A_216 = arith.constant 0 : i32
        %dma_wait3A_217 = arith.constant 0 : i32
        %dma_wait3A_218 = tpu.memref_slice %arg5[%dma_wait3A_216, %dma_wait3A_217] : memref<100352x16xf32, #tpu.memory_space<hbm>> -> memref<512x16xf32, #tpu.memory_space<hbm>>
        tpu.wait_dma2 semaphore(%arg16 : memref<!tpu.dma_semaphore, #tpu.memory_space<semaphore_mem>>) src(%dma_wait3A_218 : memref<512x16xf32, #tpu.memory_space<hbm>>) dst(%arg13 : memref<512x16xf32, #tpu.memory_space<vmem>>)
        %dma_start3A_219 = arith.constant 4 : i32
        %dma_start3A_220 = arith.constant 0 : i32
        %dma_start3A_221 = arith.constant 0 : i32
        %dma_start3A_222 = tpu.memref_slice %arg13[%dma_start3A_220, %dma_start3A_221] : memref<512x16xf32, #tpu.memory_space<vmem>> -> memref<128x16xf32, #tpu.memory_space<vmem>>
        %dma_start3A_223 = arith.constant 0 : i32
        %dma_start3A_224 = tpu.memref_slice %arg9[%dma_start3A_219, %dma_start3A_223] : memref<8x128xi32, #tpu.memory_space<vmem>> -> memref<1x128xi32, #tpu.memory_space<vmem>>
        %dma_start3A_225 = tpu.memref_squeeze %dma_start3A_224 : memref<1x128xi32, #tpu.memory_space<vmem>> -> memref<128xi32, #tpu.memory_space<vmem>>
        %dma_start3A_226 = arith.constant 0 : i32
        %dma_start3A_227 = arith.constant 0 : i32
        %dma_start3A_228 = tpu.memref_slice %arg14[%dma_start3A_226, %dma_start3A_227] : memref<100352x16xf32, #tpu.memory_space<vmem_shared>> -> memref<100352x16xf32, #tpu.memory_space<vmem_shared>>
        tpu.enqueue_indirect_dma source(%dma_start3A_222 : memref<128x16xf32, #tpu.memory_space<vmem>>) target(%dma_start3A_228 : memref<100352x16xf32, #tpu.memory_space<vmem_shared>>) offsets(%dma_start3A_225 : memref<128xi32, #tpu.memory_space<vmem>>) semaphore(%arg18 : memref<!tpu.dma_semaphore, #tpu.memory_space<semaphore_mem>>) {add = true}
        %dma_start3A_229 = arith.constant 5 : i32
        %dma_start3A_230 = arith.constant 128 : i32
        %dma_start3A_231 = arith.constant 0 : i32
        %dma_start3A_232 = tpu.memref_slice %arg13[%dma_start3A_230, %dma_start3A_231] : memref<512x16xf32, #tpu.memory_space<vmem>> -> memref<128x16xf32, #tpu.memory_space<vmem>>
        %dma_start3A_233 = arith.constant 0 : i32
        %dma_start3A_234 = tpu.memref_slice %arg9[%dma_start3A_229, %dma_start3A_233] : memref<8x128xi32, #tpu.memory_space<vmem>> -> memref<1x128xi32, #tpu.memory_space<vmem>>
        %dma_start3A_235 = tpu.memref_squeeze %dma_start3A_234 : memref<1x128xi32, #tpu.memory_space<vmem>> -> memref<128xi32, #tpu.memory_space<vmem>>
        %dma_start3A_236 = arith.constant 0 : i32
        %dma_start3A_237 = arith.constant 0 : i32
        %dma_start3A_238 = tpu.memref_slice %arg14[%dma_start3A_236, %dma_start3A_237] : memref<100352x16xf32, #tpu.memory_space<vmem_shared>> -> memref<100352x16xf32, #tpu.memory_space<vmem_shared>>
        tpu.enqueue_indirect_dma source(%dma_start3A_232 : memref<128x16xf32, #tpu.memory_space<vmem>>) target(%dma_start3A_238 : memref<100352x16xf32, #tpu.memory_space<vmem_shared>>) offsets(%dma_start3A_235 : memref<128xi32, #tpu.memory_space<vmem>>) semaphore(%arg18 : memref<!tpu.dma_semaphore, #tpu.memory_space<semaphore_mem>>) {add = true}
        %dma_start3A_239 = arith.constant 6 : i32
        %dma_start3A_240 = arith.constant 256 : i32
        %dma_start3A_241 = arith.constant 0 : i32
        %dma_start3A_242 = tpu.memref_slice %arg13[%dma_start3A_240, %dma_start3A_241] : memref<512x16xf32, #tpu.memory_space<vmem>> -> memref<128x16xf32, #tpu.memory_space<vmem>>
        %dma_start3A_243 = arith.constant 0 : i32
        %dma_start3A_244 = tpu.memref_slice %arg9[%dma_start3A_239, %dma_start3A_243] : memref<8x128xi32, #tpu.memory_space<vmem>> -> memref<1x128xi32, #tpu.memory_space<vmem>>
        %dma_start3A_245 = tpu.memref_squeeze %dma_start3A_244 : memref<1x128xi32, #tpu.memory_space<vmem>> -> memref<128xi32, #tpu.memory_space<vmem>>
        %dma_start3A_246 = arith.constant 0 : i32
        %dma_start3A_247 = arith.constant 0 : i32
        %dma_start3A_248 = tpu.memref_slice %arg14[%dma_start3A_246, %dma_start3A_247] : memref<100352x16xf32, #tpu.memory_space<vmem_shared>> -> memref<100352x16xf32, #tpu.memory_space<vmem_shared>>
        tpu.enqueue_indirect_dma source(%dma_start3A_242 : memref<128x16xf32, #tpu.memory_space<vmem>>) target(%dma_start3A_248 : memref<100352x16xf32, #tpu.memory_space<vmem_shared>>) offsets(%dma_start3A_245 : memref<128xi32, #tpu.memory_space<vmem>>) semaphore(%arg18 : memref<!tpu.dma_semaphore, #tpu.memory_space<semaphore_mem>>) {add = true}
        %dma_start3A_249 = arith.constant 7 : i32
        %dma_start3A_250 = arith.constant 384 : i32
        %dma_start3A_251 = arith.constant 0 : i32
        %dma_start3A_252 = tpu.memref_slice %arg13[%dma_start3A_250, %dma_start3A_251] : memref<512x16xf32, #tpu.memory_space<vmem>> -> memref<128x16xf32, #tpu.memory_space<vmem>>
        %dma_start3A_253 = arith.constant 0 : i32
        %dma_start3A_254 = tpu.memref_slice %arg9[%dma_start3A_249, %dma_start3A_253] : memref<8x128xi32, #tpu.memory_space<vmem>> -> memref<1x128xi32, #tpu.memory_space<vmem>>
        %dma_start3A_255 = tpu.memref_squeeze %dma_start3A_254 : memref<1x128xi32, #tpu.memory_space<vmem>> -> memref<128xi32, #tpu.memory_space<vmem>>
        %dma_start3A_256 = arith.constant 0 : i32
        %dma_start3A_257 = arith.constant 0 : i32
        %dma_start3A_258 = tpu.memref_slice %arg14[%dma_start3A_256, %dma_start3A_257] : memref<100352x16xf32, #tpu.memory_space<vmem_shared>> -> memref<100352x16xf32, #tpu.memory_space<vmem_shared>>
        tpu.enqueue_indirect_dma source(%dma_start3A_252 : memref<128x16xf32, #tpu.memory_space<vmem>>) target(%dma_start3A_258 : memref<100352x16xf32, #tpu.memory_space<vmem_shared>>) offsets(%dma_start3A_255 : memref<128xi32, #tpu.memory_space<vmem>>) semaphore(%arg18 : memref<!tpu.dma_semaphore, #tpu.memory_space<semaphore_mem>>) {add = true}
        %mul3A_259 = arith.constant 2 : i32
        %mul3A_260 = arith.muli %mul3A_259, %scan3A_51 : i32
        %add3A_261 = arith.constant 1 : i32
        %add3A_262 = arith.addi %mul3A_260, %add3A_261 : i32
        %dma_wait3A_263 = arith.constant 0 : i32
        %dma_wait3A_264 = arith.constant 0 : i32
        %dma_wait3A_265 = tpu.memref_slice %arg2[%dma_wait3A_263, %dma_wait3A_264] : memref<12544x128xi32, #tpu.memory_space<hbm>> -> memref<8x128xi32, #tpu.memory_space<hbm>>
        %dma_wait3A_266 = arith.constant 0 : i32
        %dma_wait3A_267 = arith.constant 0 : i32
        %dma_wait3A_268 = tpu.memref_slice %arg2[%dma_wait3A_266, %dma_wait3A_267] : memref<12544x128xi32, #tpu.memory_space<hbm>> -> memref<8x128xi32, #tpu.memory_space<hbm>>
        tpu.wait_dma2 semaphore(%arg19 : memref<!tpu.dma_semaphore, #tpu.memory_space<semaphore_mem>>) src(%dma_wait3A_268 : memref<8x128xi32, #tpu.memory_space<hbm>>) dst(%arg10 : memref<8x128xi32, #tpu.memory_space<vmem>>)
        %dma_wait3A_269 = arith.constant 0 : i32
        %dma_wait3A_270 = arith.constant 0 : i32
        %dma_wait3A_271 = tpu.memref_slice %arg3[%dma_wait3A_269, %dma_wait3A_270] : memref<12544x128xi32, #tpu.memory_space<hbm>> -> memref<8x128xi32, #tpu.memory_space<hbm>>
        %dma_wait3A_272 = arith.constant 0 : i32
        %dma_wait3A_273 = arith.constant 0 : i32
        %dma_wait3A_274 = tpu.memref_slice %arg3[%dma_wait3A_272, %dma_wait3A_273] : memref<12544x128xi32, #tpu.memory_space<hbm>> -> memref<8x128xi32, #tpu.memory_space<hbm>>
        tpu.wait_dma2 semaphore(%arg19 : memref<!tpu.dma_semaphore, #tpu.memory_space<semaphore_mem>>) src(%dma_wait3A_274 : memref<8x128xi32, #tpu.memory_space<hbm>>) dst(%arg11 : memref<8x128xi32, #tpu.memory_space<vmem>>)
        %dma_wait3A_275 = arith.constant 0 : i32
        %dma_wait3A_276 = arith.constant 0 : i32
        %dma_wait3A_277 = tpu.memref_slice %arg14[%dma_wait3A_275, %dma_wait3A_276] : memref<100352x16xf32, #tpu.memory_space<vmem_shared>> -> memref<512x16xf32, #tpu.memory_space<vmem_shared>>
        %dma_wait3A_278 = arith.constant 0 : i32
        %dma_wait3A_279 = arith.constant 0 : i32
        %dma_wait3A_280 = tpu.memref_slice %arg14[%dma_wait3A_278, %dma_wait3A_279] : memref<100352x16xf32, #tpu.memory_space<vmem_shared>> -> memref<512x16xf32, #tpu.memory_space<vmem_shared>>
        tpu.wait_dma2 semaphore(%arg17 : memref<!tpu.dma_semaphore, #tpu.memory_space<semaphore_mem>>) src(%arg12 : memref<512x16xf32, #tpu.memory_space<vmem>>) dst(%dma_wait3A_280 : memref<512x16xf32, #tpu.memory_space<vmem_shared>>)
        %dma_start3A_281 = arith.constant 0 : i32
        %dma_start3A_282 = arith.constant 0 : i32
        %dma_start3A_283 = arith.constant 0 : i32
        %dma_start3A_284 = tpu.memref_slice %arg12[%dma_start3A_282, %dma_start3A_283] : memref<512x16xf32, #tpu.memory_space<vmem>> -> memref<128x16xf32, #tpu.memory_space<vmem>>
        %dma_start3A_285 = arith.constant 0 : i32
        %dma_start3A_286 = tpu.memref_slice %arg10[%dma_start3A_281, %dma_start3A_285] : memref<8x128xi32, #tpu.memory_space<vmem>> -> memref<1x128xi32, #tpu.memory_space<vmem>>
        %dma_start3A_287 = tpu.memref_squeeze %dma_start3A_286 : memref<1x128xi32, #tpu.memory_space<vmem>> -> memref<128xi32, #tpu.memory_space<vmem>>
        %dma_start3A_288 = arith.constant 0 : i32
        %dma_start3A_289 = arith.constant 0 : i32
        %dma_start3A_290 = tpu.memref_slice %arg5[%dma_start3A_288, %dma_start3A_289] : memref<100352x16xf32, #tpu.memory_space<hbm>> -> memref<100352x16xf32, #tpu.memory_space<hbm>>
        tpu.enqueue_indirect_dma source(%dma_start3A_290 : memref<100352x16xf32, #tpu.memory_space<hbm>>) target(%dma_start3A_284 : memref<128x16xf32, #tpu.memory_space<vmem>>) offsets(%dma_start3A_287 : memref<128xi32, #tpu.memory_space<vmem>>) semaphore(%arg15 : memref<!tpu.dma_semaphore, #tpu.memory_space<semaphore_mem>>)
        %dma_start3A_291 = arith.constant 1 : i32
        %dma_start3A_292 = arith.constant 128 : i32
        %dma_start3A_293 = arith.constant 0 : i32
        %dma_start3A_294 = tpu.memref_slice %arg12[%dma_start3A_292, %dma_start3A_293] : memref<512x16xf32, #tpu.memory_space<vmem>> -> memref<128x16xf32, #tpu.memory_space<vmem>>
        %dma_start3A_295 = arith.constant 0 : i32
        %dma_start3A_296 = tpu.memref_slice %arg10[%dma_start3A_291, %dma_start3A_295] : memref<8x128xi32, #tpu.memory_space<vmem>> -> memref<1x128xi32, #tpu.memory_space<vmem>>
        %dma_start3A_297 = tpu.memref_squeeze %dma_start3A_296 : memref<1x128xi32, #tpu.memory_space<vmem>> -> memref<128xi32, #tpu.memory_space<vmem>>
        %dma_start3A_298 = arith.constant 0 : i32
        %dma_start3A_299 = arith.constant 0 : i32
        %dma_start3A_300 = tpu.memref_slice %arg5[%dma_start3A_298, %dma_start3A_299] : memref<100352x16xf32, #tpu.memory_space<hbm>> -> memref<100352x16xf32, #tpu.memory_space<hbm>>
        tpu.enqueue_indirect_dma source(%dma_start3A_300 : memref<100352x16xf32, #tpu.memory_space<hbm>>) target(%dma_start3A_294 : memref<128x16xf32, #tpu.memory_space<vmem>>) offsets(%dma_start3A_297 : memref<128xi32, #tpu.memory_space<vmem>>) semaphore(%arg15 : memref<!tpu.dma_semaphore, #tpu.memory_space<semaphore_mem>>)
        %dma_start3A_301 = arith.constant 2 : i32
        %dma_start3A_302 = arith.constant 256 : i32
        %dma_start3A_303 = arith.constant 0 : i32
        %dma_start3A_304 = tpu.memref_slice %arg12[%dma_start3A_302, %dma_start3A_303] : memref<512x16xf32, #tpu.memory_space<vmem>> -> memref<128x16xf32, #tpu.memory_space<vmem>>
        %dma_start3A_305 = arith.constant 0 : i32
        %dma_start3A_306 = tpu.memref_slice %arg10[%dma_start3A_301, %dma_start3A_305] : memref<8x128xi32, #tpu.memory_space<vmem>> -> memref<1x128xi32, #tpu.memory_space<vmem>>
        %dma_start3A_307 = tpu.memref_squeeze %dma_start3A_306 : memref<1x128xi32, #tpu.memory_space<vmem>> -> memref<128xi32, #tpu.memory_space<vmem>>
        %dma_start3A_308 = arith.constant 0 : i32
        %dma_start3A_309 = arith.constant 0 : i32
        %dma_start3A_310 = tpu.memref_slice %arg5[%dma_start3A_308, %dma_start3A_309] : memref<100352x16xf32, #tpu.memory_space<hbm>> -> memref<100352x16xf32, #tpu.memory_space<hbm>>
        tpu.enqueue_indirect_dma source(%dma_start3A_310 : memref<100352x16xf32, #tpu.memory_space<hbm>>) target(%dma_start3A_304 : memref<128x16xf32, #tpu.memory_space<vmem>>) offsets(%dma_start3A_307 : memref<128xi32, #tpu.memory_space<vmem>>) semaphore(%arg15 : memref<!tpu.dma_semaphore, #tpu.memory_space<semaphore_mem>>)
        %dma_start3A_311 = arith.constant 3 : i32
        %dma_start3A_312 = arith.constant 384 : i32
        %dma_start3A_313 = arith.constant 0 : i32
        %dma_start3A_314 = tpu.memref_slice %arg12[%dma_start3A_312, %dma_start3A_313] : memref<512x16xf32, #tpu.memory_space<vmem>> -> memref<128x16xf32, #tpu.memory_space<vmem>>
        %dma_start3A_315 = arith.constant 0 : i32
        %dma_start3A_316 = tpu.memref_slice %arg10[%dma_start3A_311, %dma_start3A_315] : memref<8x128xi32, #tpu.memory_space<vmem>> -> memref<1x128xi32, #tpu.memory_space<vmem>>
        %dma_start3A_317 = tpu.memref_squeeze %dma_start3A_316 : memref<1x128xi32, #tpu.memory_space<vmem>> -> memref<128xi32, #tpu.memory_space<vmem>>
        %dma_start3A_318 = arith.constant 0 : i32
        %dma_start3A_319 = arith.constant 0 : i32
        %dma_start3A_320 = tpu.memref_slice %arg5[%dma_start3A_318, %dma_start3A_319] : memref<100352x16xf32, #tpu.memory_space<hbm>> -> memref<100352x16xf32, #tpu.memory_space<hbm>>
        tpu.enqueue_indirect_dma source(%dma_start3A_320 : memref<100352x16xf32, #tpu.memory_space<hbm>>) target(%dma_start3A_314 : memref<128x16xf32, #tpu.memory_space<vmem>>) offsets(%dma_start3A_317 : memref<128xi32, #tpu.memory_space<vmem>>) semaphore(%arg15 : memref<!tpu.dma_semaphore, #tpu.memory_space<semaphore_mem>>)
        %dma_wait3A_321 = arith.constant 0 : i32
        %dma_wait3A_322 = arith.constant 0 : i32
        %dma_wait3A_323 = tpu.memref_slice %arg14[%dma_wait3A_321, %dma_wait3A_322] : memref<100352x16xf32, #tpu.memory_space<vmem_shared>> -> memref<512x16xf32, #tpu.memory_space<vmem_shared>>
        %dma_wait3A_324 = arith.constant 0 : i32
        %dma_wait3A_325 = arith.constant 0 : i32
        %dma_wait3A_326 = tpu.memref_slice %arg14[%dma_wait3A_324, %dma_wait3A_325] : memref<100352x16xf32, #tpu.memory_space<vmem_shared>> -> memref<512x16xf32, #tpu.memory_space<vmem_shared>>
        tpu.wait_dma2 semaphore(%arg18 : memref<!tpu.dma_semaphore, #tpu.memory_space<semaphore_mem>>) src(%arg13 : memref<512x16xf32, #tpu.memory_space<vmem>>) dst(%dma_wait3A_326 : memref<512x16xf32, #tpu.memory_space<vmem_shared>>)
        %dma_start3A_327 = arith.constant 4 : i32
        %dma_start3A_328 = arith.constant 0 : i32
        %dma_start3A_329 = arith.constant 0 : i32
        %dma_start3A_330 = tpu.memref_slice %arg13[%dma_start3A_328, %dma_start3A_329] : memref<512x16xf32, #tpu.memory_space<vmem>> -> memref<128x16xf32, #tpu.memory_space<vmem>>
        %dma_start3A_331 = arith.constant 0 : i32
        %dma_start3A_332 = tpu.memref_slice %arg10[%dma_start3A_327, %dma_start3A_331] : memref<8x128xi32, #tpu.memory_space<vmem>> -> memref<1x128xi32, #tpu.memory_space<vmem>>
        %dma_start3A_333 = tpu.memref_squeeze %dma_start3A_332 : memref<1x128xi32, #tpu.memory_space<vmem>> -> memref<128xi32, #tpu.memory_space<vmem>>
        %dma_start3A_334 = arith.constant 0 : i32
        %dma_start3A_335 = arith.constant 0 : i32
        %dma_start3A_336 = tpu.memref_slice %arg5[%dma_start3A_334, %dma_start3A_335] : memref<100352x16xf32, #tpu.memory_space<hbm>> -> memref<100352x16xf32, #tpu.memory_space<hbm>>
        tpu.enqueue_indirect_dma source(%dma_start3A_336 : memref<100352x16xf32, #tpu.memory_space<hbm>>) target(%dma_start3A_330 : memref<128x16xf32, #tpu.memory_space<vmem>>) offsets(%dma_start3A_333 : memref<128xi32, #tpu.memory_space<vmem>>) semaphore(%arg16 : memref<!tpu.dma_semaphore, #tpu.memory_space<semaphore_mem>>)
        %dma_start3A_337 = arith.constant 5 : i32
        %dma_start3A_338 = arith.constant 128 : i32
        %dma_start3A_339 = arith.constant 0 : i32
        %dma_start3A_340 = tpu.memref_slice %arg13[%dma_start3A_338, %dma_start3A_339] : memref<512x16xf32, #tpu.memory_space<vmem>> -> memref<128x16xf32, #tpu.memory_space<vmem>>
        %dma_start3A_341 = arith.constant 0 : i32
        %dma_start3A_342 = tpu.memref_slice %arg10[%dma_start3A_337, %dma_start3A_341] : memref<8x128xi32, #tpu.memory_space<vmem>> -> memref<1x128xi32, #tpu.memory_space<vmem>>
        %dma_start3A_343 = tpu.memref_squeeze %dma_start3A_342 : memref<1x128xi32, #tpu.memory_space<vmem>> -> memref<128xi32, #tpu.memory_space<vmem>>
        %dma_start3A_344 = arith.constant 0 : i32
        %dma_start3A_345 = arith.constant 0 : i32
        %dma_start3A_346 = tpu.memref_slice %arg5[%dma_start3A_344, %dma_start3A_345] : memref<100352x16xf32, #tpu.memory_space<hbm>> -> memref<100352x16xf32, #tpu.memory_space<hbm>>
        tpu.enqueue_indirect_dma source(%dma_start3A_346 : memref<100352x16xf32, #tpu.memory_space<hbm>>) target(%dma_start3A_340 : memref<128x16xf32, #tpu.memory_space<vmem>>) offsets(%dma_start3A_343 : memref<128xi32, #tpu.memory_space<vmem>>) semaphore(%arg16 : memref<!tpu.dma_semaphore, #tpu.memory_space<semaphore_mem>>)
        %dma_start3A_347 = arith.constant 6 : i32
        %dma_start3A_348 = arith.constant 256 : i32
        %dma_start3A_349 = arith.constant 0 : i32
        %dma_start3A_350 = tpu.memref_slice %arg13[%dma_start3A_348, %dma_start3A_349] : memref<512x16xf32, #tpu.memory_space<vmem>> -> memref<128x16xf32, #tpu.memory_space<vmem>>
        %dma_start3A_351 = arith.constant 0 : i32
        %dma_start3A_352 = tpu.memref_slice %arg10[%dma_start3A_347, %dma_start3A_351] : memref<8x128xi32, #tpu.memory_space<vmem>> -> memref<1x128xi32, #tpu.memory_space<vmem>>
        %dma_start3A_353 = tpu.memref_squeeze %dma_start3A_352 : memref<1x128xi32, #tpu.memory_space<vmem>> -> memref<128xi32, #tpu.memory_space<vmem>>
        %dma_start3A_354 = arith.constant 0 : i32
        %dma_start3A_355 = arith.constant 0 : i32
        %dma_start3A_356 = tpu.memref_slice %arg5[%dma_start3A_354, %dma_start3A_355] : memref<100352x16xf32, #tpu.memory_space<hbm>> -> memref<100352x16xf32, #tpu.memory_space<hbm>>
        tpu.enqueue_indirect_dma source(%dma_start3A_356 : memref<100352x16xf32, #tpu.memory_space<hbm>>) target(%dma_start3A_350 : memref<128x16xf32, #tpu.memory_space<vmem>>) offsets(%dma_start3A_353 : memref<128xi32, #tpu.memory_space<vmem>>) semaphore(%arg16 : memref<!tpu.dma_semaphore, #tpu.memory_space<semaphore_mem>>)
        %dma_start3A_357 = arith.constant 7 : i32
        %dma_start3A_358 = arith.constant 384 : i32
        %dma_start3A_359 = arith.constant 0 : i32
        %dma_start3A_360 = tpu.memref_slice %arg13[%dma_start3A_358, %dma_start3A_359] : memref<512x16xf32, #tpu.memory_space<vmem>> -> memref<128x16xf32, #tpu.memory_space<vmem>>
        %dma_start3A_361 = arith.constant 0 : i32
        %dma_start3A_362 = tpu.memref_slice %arg10[%dma_start3A_357, %dma_start3A_361] : memref<8x128xi32, #tpu.memory_space<vmem>> -> memref<1x128xi32, #tpu.memory_space<vmem>>
        %dma_start3A_363 = tpu.memref_squeeze %dma_start3A_362 : memref<1x128xi32, #tpu.memory_space<vmem>> -> memref<128xi32, #tpu.memory_space<vmem>>
        %dma_start3A_364 = arith.constant 0 : i32
        %dma_start3A_365 = arith.constant 0 : i32
        %dma_start3A_366 = tpu.memref_slice %arg5[%dma_start3A_364, %dma_start3A_365] : memref<100352x16xf32, #tpu.memory_space<hbm>> -> memref<100352x16xf32, #tpu.memory_space<hbm>>
        tpu.enqueue_indirect_dma source(%dma_start3A_366 : memref<100352x16xf32, #tpu.memory_space<hbm>>) target(%dma_start3A_360 : memref<128x16xf32, #tpu.memory_space<vmem>>) offsets(%dma_start3A_363 : memref<128xi32, #tpu.memory_space<vmem>>) semaphore(%arg16 : memref<!tpu.dma_semaphore, #tpu.memory_space<semaphore_mem>>)
        %add3A_367 = arith.constant 1 : i32
        %add3A_368 = arith.addi %add3A_262, %add3A_367 : i32
        %min3A_369 = arith.constant 97 : i32
        %min3A_370 = arith.minsi %add3A_368, %min3A_369 : i32
        %mul3A_371 = arith.constant 8 : i32
        %mul3A_372 = arith.muli %min3A_370, %mul3A_371 : i32
        %add3A_373 = arith.addi %mul3A_2, %mul3A_372 : i32
        %dma_start3A_374 = arith.constant 0 : i32
        %dma_start3A_375 = tpu.memref_slice %arg2[%add3A_373, %dma_start3A_374] : memref<12544x128xi32, #tpu.memory_space<hbm>> -> memref<8x128xi32, #tpu.memory_space<hbm>>
        %dma_start3A_376 = arith.constant 0 : i32
        %dma_start3A_377 = tpu.memref_slice %arg2[%add3A_373, %dma_start3A_376] : memref<12544x128xi32, #tpu.memory_space<hbm>> -> memref<8x128xi32, #tpu.memory_space<hbm>>
        tpu.enqueue_dma source(%dma_start3A_377 : memref<8x128xi32, #tpu.memory_space<hbm>>) target(%arg8 : memref<8x128xi32, #tpu.memory_space<vmem>>) target_semaphore(%arg19 : memref<!tpu.dma_semaphore, #tpu.memory_space<semaphore_mem>>)
        %dma_start3A_378 = arith.constant 0 : i32
        %dma_start3A_379 = tpu.memref_slice %arg3[%add3A_373, %dma_start3A_378] : memref<12544x128xi32, #tpu.memory_space<hbm>> -> memref<8x128xi32, #tpu.memory_space<hbm>>
        %dma_start3A_380 = arith.constant 0 : i32
        %dma_start3A_381 = tpu.memref_slice %arg3[%add3A_373, %dma_start3A_380] : memref<12544x128xi32, #tpu.memory_space<hbm>> -> memref<8x128xi32, #tpu.memory_space<hbm>>
        tpu.enqueue_dma source(%dma_start3A_381 : memref<8x128xi32, #tpu.memory_space<hbm>>) target(%arg9 : memref<8x128xi32, #tpu.memory_space<vmem>>) target_semaphore(%arg19 : memref<!tpu.dma_semaphore, #tpu.memory_space<semaphore_mem>>)
        %dma_wait3A_382 = arith.constant 0 : i32
        %dma_wait3A_383 = arith.constant 0 : i32
        %dma_wait3A_384 = tpu.memref_slice %arg5[%dma_wait3A_382, %dma_wait3A_383] : memref<100352x16xf32, #tpu.memory_space<hbm>> -> memref<512x16xf32, #tpu.memory_space<hbm>>
        %dma_wait3A_385 = arith.constant 0 : i32
        %dma_wait3A_386 = arith.constant 0 : i32
        %dma_wait3A_387 = tpu.memref_slice %arg5[%dma_wait3A_385, %dma_wait3A_386] : memref<100352x16xf32, #tpu.memory_space<hbm>> -> memref<512x16xf32, #tpu.memory_space<hbm>>
        tpu.wait_dma2 semaphore(%arg15 : memref<!tpu.dma_semaphore, #tpu.memory_space<semaphore_mem>>) src(%dma_wait3A_387 : memref<512x16xf32, #tpu.memory_space<hbm>>) dst(%arg12 : memref<512x16xf32, #tpu.memory_space<vmem>>)
        %dma_start3A_388 = arith.constant 0 : i32
        %dma_start3A_389 = arith.constant 0 : i32
        %dma_start3A_390 = arith.constant 0 : i32
        %dma_start3A_391 = tpu.memref_slice %arg12[%dma_start3A_389, %dma_start3A_390] : memref<512x16xf32, #tpu.memory_space<vmem>> -> memref<128x16xf32, #tpu.memory_space<vmem>>
        %dma_start3A_392 = arith.constant 0 : i32
        %dma_start3A_393 = tpu.memref_slice %arg11[%dma_start3A_388, %dma_start3A_392] : memref<8x128xi32, #tpu.memory_space<vmem>> -> memref<1x128xi32, #tpu.memory_space<vmem>>
        %dma_start3A_394 = tpu.memref_squeeze %dma_start3A_393 : memref<1x128xi32, #tpu.memory_space<vmem>> -> memref<128xi32, #tpu.memory_space<vmem>>
        %dma_start3A_395 = arith.constant 0 : i32
        %dma_start3A_396 = arith.constant 0 : i32
        %dma_start3A_397 = tpu.memref_slice %arg14[%dma_start3A_395, %dma_start3A_396] : memref<100352x16xf32, #tpu.memory_space<vmem_shared>> -> memref<100352x16xf32, #tpu.memory_space<vmem_shared>>
        tpu.enqueue_indirect_dma source(%dma_start3A_391 : memref<128x16xf32, #tpu.memory_space<vmem>>) target(%dma_start3A_397 : memref<100352x16xf32, #tpu.memory_space<vmem_shared>>) offsets(%dma_start3A_394 : memref<128xi32, #tpu.memory_space<vmem>>) semaphore(%arg17 : memref<!tpu.dma_semaphore, #tpu.memory_space<semaphore_mem>>) {add = true}
        %dma_start3A_398 = arith.constant 1 : i32
        %dma_start3A_399 = arith.constant 128 : i32
        %dma_start3A_400 = arith.constant 0 : i32
        %dma_start3A_401 = tpu.memref_slice %arg12[%dma_start3A_399, %dma_start3A_400] : memref<512x16xf32, #tpu.memory_space<vmem>> -> memref<128x16xf32, #tpu.memory_space<vmem>>
        %dma_start3A_402 = arith.constant 0 : i32
        %dma_start3A_403 = tpu.memref_slice %arg11[%dma_start3A_398, %dma_start3A_402] : memref<8x128xi32, #tpu.memory_space<vmem>> -> memref<1x128xi32, #tpu.memory_space<vmem>>
        %dma_start3A_404 = tpu.memref_squeeze %dma_start3A_403 : memref<1x128xi32, #tpu.memory_space<vmem>> -> memref<128xi32, #tpu.memory_space<vmem>>
        %dma_start3A_405 = arith.constant 0 : i32
        %dma_start3A_406 = arith.constant 0 : i32
        %dma_start3A_407 = tpu.memref_slice %arg14[%dma_start3A_405, %dma_start3A_406] : memref<100352x16xf32, #tpu.memory_space<vmem_shared>> -> memref<100352x16xf32, #tpu.memory_space<vmem_shared>>
        tpu.enqueue_indirect_dma source(%dma_start3A_401 : memref<128x16xf32, #tpu.memory_space<vmem>>) target(%dma_start3A_407 : memref<100352x16xf32, #tpu.memory_space<vmem_shared>>) offsets(%dma_start3A_404 : memref<128xi32, #tpu.memory_space<vmem>>) semaphore(%arg17 : memref<!tpu.dma_semaphore, #tpu.memory_space<semaphore_mem>>) {add = true}
        %dma_start3A_408 = arith.constant 2 : i32
        %dma_start3A_409 = arith.constant 256 : i32
        %dma_start3A_410 = arith.constant 0 : i32
        %dma_start3A_411 = tpu.memref_slice %arg12[%dma_start3A_409, %dma_start3A_410] : memref<512x16xf32, #tpu.memory_space<vmem>> -> memref<128x16xf32, #tpu.memory_space<vmem>>
        %dma_start3A_412 = arith.constant 0 : i32
        %dma_start3A_413 = tpu.memref_slice %arg11[%dma_start3A_408, %dma_start3A_412] : memref<8x128xi32, #tpu.memory_space<vmem>> -> memref<1x128xi32, #tpu.memory_space<vmem>>
        %dma_start3A_414 = tpu.memref_squeeze %dma_start3A_413 : memref<1x128xi32, #tpu.memory_space<vmem>> -> memref<128xi32, #tpu.memory_space<vmem>>
        %dma_start3A_415 = arith.constant 0 : i32
        %dma_start3A_416 = arith.constant 0 : i32
        %dma_start3A_417 = tpu.memref_slice %arg14[%dma_start3A_415, %dma_start3A_416] : memref<100352x16xf32, #tpu.memory_space<vmem_shared>> -> memref<100352x16xf32, #tpu.memory_space<vmem_shared>>
        tpu.enqueue_indirect_dma source(%dma_start3A_411 : memref<128x16xf32, #tpu.memory_space<vmem>>) target(%dma_start3A_417 : memref<100352x16xf32, #tpu.memory_space<vmem_shared>>) offsets(%dma_start3A_414 : memref<128xi32, #tpu.memory_space<vmem>>) semaphore(%arg17 : memref<!tpu.dma_semaphore, #tpu.memory_space<semaphore_mem>>) {add = true}
        %dma_start3A_418 = arith.constant 3 : i32
        %dma_start3A_419 = arith.constant 384 : i32
        %dma_start3A_420 = arith.constant 0 : i32
        %dma_start3A_421 = tpu.memref_slice %arg12[%dma_start3A_419, %dma_start3A_420] : memref<512x16xf32, #tpu.memory_space<vmem>> -> memref<128x16xf32, #tpu.memory_space<vmem>>
        %dma_start3A_422 = arith.constant 0 : i32
        %dma_start3A_423 = tpu.memref_slice %arg11[%dma_start3A_418, %dma_start3A_422] : memref<8x128xi32, #tpu.memory_space<vmem>> -> memref<1x128xi32, #tpu.memory_space<vmem>>
        %dma_start3A_424 = tpu.memref_squeeze %dma_start3A_423 : memref<1x128xi32, #tpu.memory_space<vmem>> -> memref<128xi32, #tpu.memory_space<vmem>>
        %dma_start3A_425 = arith.constant 0 : i32
        %dma_start3A_426 = arith.constant 0 : i32
        %dma_start3A_427 = tpu.memref_slice %arg14[%dma_start3A_425, %dma_start3A_426] : memref<100352x16xf32, #tpu.memory_space<vmem_shared>> -> memref<100352x16xf32, #tpu.memory_space<vmem_shared>>
        tpu.enqueue_indirect_dma source(%dma_start3A_421 : memref<128x16xf32, #tpu.memory_space<vmem>>) target(%dma_start3A_427 : memref<100352x16xf32, #tpu.memory_space<vmem_shared>>) offsets(%dma_start3A_424 : memref<128xi32, #tpu.memory_space<vmem>>) semaphore(%arg17 : memref<!tpu.dma_semaphore, #tpu.memory_space<semaphore_mem>>) {add = true}
        %dma_wait3A_428 = arith.constant 0 : i32
        %dma_wait3A_429 = arith.constant 0 : i32
        %dma_wait3A_430 = tpu.memref_slice %arg5[%dma_wait3A_428, %dma_wait3A_429] : memref<100352x16xf32, #tpu.memory_space<hbm>> -> memref<512x16xf32, #tpu.memory_space<hbm>>
        %dma_wait3A_431 = arith.constant 0 : i32
        %dma_wait3A_432 = arith.constant 0 : i32
        %dma_wait3A_433 = tpu.memref_slice %arg5[%dma_wait3A_431, %dma_wait3A_432] : memref<100352x16xf32, #tpu.memory_space<hbm>> -> memref<512x16xf32, #tpu.memory_space<hbm>>
        tpu.wait_dma2 semaphore(%arg16 : memref<!tpu.dma_semaphore, #tpu.memory_space<semaphore_mem>>) src(%dma_wait3A_433 : memref<512x16xf32, #tpu.memory_space<hbm>>) dst(%arg13 : memref<512x16xf32, #tpu.memory_space<vmem>>)
        %dma_start3A_434 = arith.constant 4 : i32
        %dma_start3A_435 = arith.constant 0 : i32
        %dma_start3A_436 = arith.constant 0 : i32
        %dma_start3A_437 = tpu.memref_slice %arg13[%dma_start3A_435, %dma_start3A_436] : memref<512x16xf32, #tpu.memory_space<vmem>> -> memref<128x16xf32, #tpu.memory_space<vmem>>
        %dma_start3A_438 = arith.constant 0 : i32
        %dma_start3A_439 = tpu.memref_slice %arg11[%dma_start3A_434, %dma_start3A_438] : memref<8x128xi32, #tpu.memory_space<vmem>> -> memref<1x128xi32, #tpu.memory_space<vmem>>
        %dma_start3A_440 = tpu.memref_squeeze %dma_start3A_439 : memref<1x128xi32, #tpu.memory_space<vmem>> -> memref<128xi32, #tpu.memory_space<vmem>>
        %dma_start3A_441 = arith.constant 0 : i32
        %dma_start3A_442 = arith.constant 0 : i32
        %dma_start3A_443 = tpu.memref_slice %arg14[%dma_start3A_441, %dma_start3A_442] : memref<100352x16xf32, #tpu.memory_space<vmem_shared>> -> memref<100352x16xf32, #tpu.memory_space<vmem_shared>>
        tpu.enqueue_indirect_dma source(%dma_start3A_437 : memref<128x16xf32, #tpu.memory_space<vmem>>) target(%dma_start3A_443 : memref<100352x16xf32, #tpu.memory_space<vmem_shared>>) offsets(%dma_start3A_440 : memref<128xi32, #tpu.memory_space<vmem>>) semaphore(%arg18 : memref<!tpu.dma_semaphore, #tpu.memory_space<semaphore_mem>>) {add = true}
        %dma_start3A_444 = arith.constant 5 : i32
        %dma_start3A_445 = arith.constant 128 : i32
        %dma_start3A_446 = arith.constant 0 : i32
        %dma_start3A_447 = tpu.memref_slice %arg13[%dma_start3A_445, %dma_start3A_446] : memref<512x16xf32, #tpu.memory_space<vmem>> -> memref<128x16xf32, #tpu.memory_space<vmem>>
        %dma_start3A_448 = arith.constant 0 : i32
        %dma_start3A_449 = tpu.memref_slice %arg11[%dma_start3A_444, %dma_start3A_448] : memref<8x128xi32, #tpu.memory_space<vmem>> -> memref<1x128xi32, #tpu.memory_space<vmem>>
        %dma_start3A_450 = tpu.memref_squeeze %dma_start3A_449 : memref<1x128xi32, #tpu.memory_space<vmem>> -> memref<128xi32, #tpu.memory_space<vmem>>
        %dma_start3A_451 = arith.constant 0 : i32
        %dma_start3A_452 = arith.constant 0 : i32
        %dma_start3A_453 = tpu.memref_slice %arg14[%dma_start3A_451, %dma_start3A_452] : memref<100352x16xf32, #tpu.memory_space<vmem_shared>> -> memref<100352x16xf32, #tpu.memory_space<vmem_shared>>
        tpu.enqueue_indirect_dma source(%dma_start3A_447 : memref<128x16xf32, #tpu.memory_space<vmem>>) target(%dma_start3A_453 : memref<100352x16xf32, #tpu.memory_space<vmem_shared>>) offsets(%dma_start3A_450 : memref<128xi32, #tpu.memory_space<vmem>>) semaphore(%arg18 : memref<!tpu.dma_semaphore, #tpu.memory_space<semaphore_mem>>) {add = true}
        %dma_start3A_454 = arith.constant 6 : i32
        %dma_start3A_455 = arith.constant 256 : i32
        %dma_start3A_456 = arith.constant 0 : i32
        %dma_start3A_457 = tpu.memref_slice %arg13[%dma_start3A_455, %dma_start3A_456] : memref<512x16xf32, #tpu.memory_space<vmem>> -> memref<128x16xf32, #tpu.memory_space<vmem>>
        %dma_start3A_458 = arith.constant 0 : i32
        %dma_start3A_459 = tpu.memref_slice %arg11[%dma_start3A_454, %dma_start3A_458] : memref<8x128xi32, #tpu.memory_space<vmem>> -> memref<1x128xi32, #tpu.memory_space<vmem>>
        %dma_start3A_460 = tpu.memref_squeeze %dma_start3A_459 : memref<1x128xi32, #tpu.memory_space<vmem>> -> memref<128xi32, #tpu.memory_space<vmem>>
        %dma_start3A_461 = arith.constant 0 : i32
        %dma_start3A_462 = arith.constant 0 : i32
        %dma_start3A_463 = tpu.memref_slice %arg14[%dma_start3A_461, %dma_start3A_462] : memref<100352x16xf32, #tpu.memory_space<vmem_shared>> -> memref<100352x16xf32, #tpu.memory_space<vmem_shared>>
        tpu.enqueue_indirect_dma source(%dma_start3A_457 : memref<128x16xf32, #tpu.memory_space<vmem>>) target(%dma_start3A_463 : memref<100352x16xf32, #tpu.memory_space<vmem_shared>>) offsets(%dma_start3A_460 : memref<128xi32, #tpu.memory_space<vmem>>) semaphore(%arg18 : memref<!tpu.dma_semaphore, #tpu.memory_space<semaphore_mem>>) {add = true}
        %dma_start3A_464 = arith.constant 7 : i32
        %dma_start3A_465 = arith.constant 384 : i32
        %dma_start3A_466 = arith.constant 0 : i32
        %dma_start3A_467 = tpu.memref_slice %arg13[%dma_start3A_465, %dma_start3A_466] : memref<512x16xf32, #tpu.memory_space<vmem>> -> memref<128x16xf32, #tpu.memory_space<vmem>>
        %dma_start3A_468 = arith.constant 0 : i32
        %dma_start3A_469 = tpu.memref_slice %arg11[%dma_start3A_464, %dma_start3A_468] : memref<8x128xi32, #tpu.memory_space<vmem>> -> memref<1x128xi32, #tpu.memory_space<vmem>>
        %dma_start3A_470 = tpu.memref_squeeze %dma_start3A_469 : memref<1x128xi32, #tpu.memory_space<vmem>> -> memref<128xi32, #tpu.memory_space<vmem>>
        %dma_start3A_471 = arith.constant 0 : i32
        %dma_start3A_472 = arith.constant 0 : i32
        %dma_start3A_473 = tpu.memref_slice %arg14[%dma_start3A_471, %dma_start3A_472] : memref<100352x16xf32, #tpu.memory_space<vmem_shared>> -> memref<100352x16xf32, #tpu.memory_space<vmem_shared>>
        tpu.enqueue_indirect_dma source(%dma_start3A_467 : memref<128x16xf32, #tpu.memory_space<vmem>>) target(%dma_start3A_473 : memref<100352x16xf32, #tpu.memory_space<vmem_shared>>) offsets(%dma_start3A_470 : memref<128xi32, #tpu.memory_space<vmem>>) semaphore(%arg18 : memref<!tpu.dma_semaphore, #tpu.memory_space<semaphore_mem>>) {add = true}
      }
      %scan3A_27 = arith.constant 49 : i32
      %dma_wait3A = arith.constant 0 : i32
      %dma_wait3A_28 = arith.constant 0 : i32
      %dma_wait3A_29 = tpu.memref_slice %arg2[%dma_wait3A, %dma_wait3A_28] : memref<12544x128xi32, #tpu.memory_space<hbm>> -> memref<8x128xi32, #tpu.memory_space<hbm>>
      %dma_wait3A_30 = arith.constant 0 : i32
      %dma_wait3A_31 = arith.constant 0 : i32
      %dma_wait3A_32 = tpu.memref_slice %arg2[%dma_wait3A_30, %dma_wait3A_31] : memref<12544x128xi32, #tpu.memory_space<hbm>> -> memref<8x128xi32, #tpu.memory_space<hbm>>
      tpu.wait_dma2 semaphore(%arg19 : memref<!tpu.dma_semaphore, #tpu.memory_space<semaphore_mem>>) src(%dma_wait3A_32 : memref<8x128xi32, #tpu.memory_space<hbm>>) dst(%arg8 : memref<8x128xi32, #tpu.memory_space<vmem>>)
      %dma_wait3A_33 = arith.constant 0 : i32
      %dma_wait3A_34 = arith.constant 0 : i32
      %dma_wait3A_35 = tpu.memref_slice %arg3[%dma_wait3A_33, %dma_wait3A_34] : memref<12544x128xi32, #tpu.memory_space<hbm>> -> memref<8x128xi32, #tpu.memory_space<hbm>>
      %dma_wait3A_36 = arith.constant 0 : i32
      %dma_wait3A_37 = arith.constant 0 : i32
      %dma_wait3A_38 = tpu.memref_slice %arg3[%dma_wait3A_36, %dma_wait3A_37] : memref<12544x128xi32, #tpu.memory_space<hbm>> -> memref<8x128xi32, #tpu.memory_space<hbm>>
      tpu.wait_dma2 semaphore(%arg19 : memref<!tpu.dma_semaphore, #tpu.memory_space<semaphore_mem>>) src(%dma_wait3A_38 : memref<8x128xi32, #tpu.memory_space<hbm>>) dst(%arg9 : memref<8x128xi32, #tpu.memory_space<vmem>>)
      %dma_wait3A_39 = arith.constant 0 : i32
      %dma_wait3A_40 = arith.constant 0 : i32
      %dma_wait3A_41 = tpu.memref_slice %arg14[%dma_wait3A_39, %dma_wait3A_40] : memref<100352x16xf32, #tpu.memory_space<vmem_shared>> -> memref<512x16xf32, #tpu.memory_space<vmem_shared>>
      %dma_wait3A_42 = arith.constant 0 : i32
      %dma_wait3A_43 = arith.constant 0 : i32
      %dma_wait3A_44 = tpu.memref_slice %arg14[%dma_wait3A_42, %dma_wait3A_43] : memref<100352x16xf32, #tpu.memory_space<vmem_shared>> -> memref<512x16xf32, #tpu.memory_space<vmem_shared>>
      tpu.wait_dma2 semaphore(%arg17 : memref<!tpu.dma_semaphore, #tpu.memory_space<semaphore_mem>>) src(%arg12 : memref<512x16xf32, #tpu.memory_space<vmem>>) dst(%dma_wait3A_44 : memref<512x16xf32, #tpu.memory_space<vmem_shared>>)
      %dma_wait3A_45 = arith.constant 0 : i32
      %dma_wait3A_46 = arith.constant 0 : i32
      %dma_wait3A_47 = tpu.memref_slice %arg14[%dma_wait3A_45, %dma_wait3A_46] : memref<100352x16xf32, #tpu.memory_space<vmem_shared>> -> memref<512x16xf32, #tpu.memory_space<vmem_shared>>
      %dma_wait3A_48 = arith.constant 0 : i32
      %dma_wait3A_49 = arith.constant 0 : i32
      %dma_wait3A_50 = tpu.memref_slice %arg14[%dma_wait3A_48, %dma_wait3A_49] : memref<100352x16xf32, #tpu.memory_space<vmem_shared>> -> memref<512x16xf32, #tpu.memory_space<vmem_shared>>
      tpu.wait_dma2 semaphore(%arg18 : memref<!tpu.dma_semaphore, #tpu.memory_space<semaphore_mem>>) src(%arg13 : memref<512x16xf32, #tpu.memory_space<vmem>>) dst(%dma_wait3A_50 : memref<512x16xf32, #tpu.memory_space<vmem_shared>>)
    } else {
    }
    %barrier3A_10 = arith.constant 0 : index
    tpu.barrier barrier_id(%barrier3A_10)
    %mul3A_11 = arith.constant 6272 : i32
    %mul3A_12 = arith.muli %arg1, %mul3A_11 : i32
    %mul3A_13 = arith.constant 6272 : i32
    %mul3A_14 = arith.muli %arg1, %mul3A_13 : i32
    "tpu.region"() ({
      %run_scoped3A = tpu.sem_alloc : memref<!tpu.dma_semaphore, #tpu.memory_space<semaphore_mem>>
      %dma_start3A = arith.constant 0 : i32
      %dma_start3A_15 = arith.constant 0 : i32
      %dma_start3A_16 = tpu.memref_slice %arg7[%arg0, %dma_start3A, %dma_start3A_15] : memref<2x100352x16xf32, #tpu.memory_space<hbm>> -> memref<1x100352x16xf32, #tpu.memory_space<hbm>>
      %dma_start3A_17 = tpu.memref_squeeze %dma_start3A_16 : memref<1x100352x16xf32, #tpu.memory_space<hbm>> -> memref<100352x16xf32, #tpu.memory_space<hbm>>
      %dma_start3A_18 = arith.constant 0 : i32
      %dma_start3A_19 = tpu.memref_slice %dma_start3A_17[%mul3A_14, %dma_start3A_18] : memref<100352x16xf32, #tpu.memory_space<hbm>> -> memref<6272x16xf32, #tpu.memory_space<hbm>>
      %dma_start3A_20 = arith.constant 0 : i32
      %dma_start3A_21 = tpu.memref_slice %arg14[%mul3A_12, %dma_start3A_20] : memref<100352x16xf32, #tpu.memory_space<vmem_shared>> -> memref<6272x16xf32, #tpu.memory_space<vmem_shared>>
      tpu.enqueue_dma source(%dma_start3A_21 : memref<6272x16xf32, #tpu.memory_space<vmem_shared>>) target(%dma_start3A_19 : memref<6272x16xf32, #tpu.memory_space<hbm>>) target_semaphore(%run_scoped3A : memref<!tpu.dma_semaphore, #tpu.memory_space<semaphore_mem>>)
      %dma_wait3A = arith.constant 0 : i32
      %dma_wait3A_22 = arith.constant 0 : i32
      %dma_wait3A_23 = tpu.memref_slice %arg7[%arg0, %dma_wait3A, %dma_wait3A_22] : memref<2x100352x16xf32, #tpu.memory_space<hbm>> -> memref<1x100352x16xf32, #tpu.memory_space<hbm>>
      %dma_wait3A_24 = tpu.memref_squeeze %dma_wait3A_23 : memref<1x100352x16xf32, #tpu.memory_space<hbm>> -> memref<100352x16xf32, #tpu.memory_space<hbm>>
      %dma_wait3A_25 = arith.constant 0 : i32
      %dma_wait3A_26 = tpu.memref_slice %dma_wait3A_24[%mul3A_14, %dma_wait3A_25] : memref<100352x16xf32, #tpu.memory_space<hbm>> -> memref<6272x16xf32, #tpu.memory_space<hbm>>
      %dma_wait3A_27 = arith.constant 0 : i32
      %dma_wait3A_28 = tpu.memref_slice %arg14[%mul3A_12, %dma_wait3A_27] : memref<100352x16xf32, #tpu.memory_space<vmem_shared>> -> memref<6272x16xf32, #tpu.memory_space<vmem_shared>>
      tpu.wait_dma2 semaphore(%run_scoped3A : memref<!tpu.dma_semaphore, #tpu.memory_space<semaphore_mem>>) src(%dma_wait3A_28 : memref<6272x16xf32, #tpu.memory_space<vmem_shared>>) dst(%dma_wait3A_26 : memref<6272x16xf32, #tpu.memory_space<hbm>>)
      tpu.yield
    }) : () -> ()
    return
  }
}

#map = affine_map<(d0, d1) -> (0, 0)>
#map1 = affine_map<(d0, d1) -> (0)>
module attributes {stable_mosaic.version = 14 : i64} {
  func.func @_deg(%arg0: i32, %arg1: i32, %arg2: memref<12544x128xi32, #tpu.memory_space<hbm>>, %arg3: memref<128xf32, #tpu.memory_space<hbm>>, %arg4: memref<6272xf32, #tpu.memory_space<hbm>>, %arg5: memref<2x100352xf32, #tpu.memory_space<hbm>>, %arg6: memref<8x128xi32, #tpu.memory_space<vmem>>, %arg7: memref<8x128xi32, #tpu.memory_space<vmem>>, %arg8: memref<128xf32, #tpu.memory_space<vmem>>, %arg9: memref<100352xf32, #tpu.memory_space<vmem_shared>>, %arg10: memref<!tpu.dma_semaphore, #tpu.memory_space<semaphore_mem>>, %arg11: memref<!tpu.dma_semaphore, #tpu.memory_space<semaphore_mem>>) attributes {dimension_semantics = [#tpu.dimension_semantics<core_parallel>, #tpu.dimension_semantics<subcore_parallel>], iteration_bounds = array<i64: 2, 16>, scalar_prefetch = 0 : i64, scratch_operands = 6 : i64, tpu.core_type = #tpu.core_type<sc_vector_subcore>, window_params = [{transform_indices = #map}, {transform_indices = #map1}, {transform_indices = #map1}, {transform_indices = #map}]} {
    %mul3A = arith.constant 16 : i32
    %mul3A_0 = arith.muli %arg0, %mul3A : i32
    %add3A = arith.addi %mul3A_0, %arg1 : i32
    %mul3A_1 = arith.constant 6272 : i32
    %mul3A_2 = arith.muli %arg1, %mul3A_1 : i32
    "tpu.region"() ({
      %run_scoped3A = tpu.sem_alloc : memref<!tpu.dma_semaphore, #tpu.memory_space<semaphore_mem>>
      %dma_start3A_120 = tpu.memref_slice %arg9[%mul3A_2] : memref<100352xf32, #tpu.memory_space<vmem_shared>> -> memref<6272xf32, #tpu.memory_space<vmem_shared>>
      tpu.enqueue_dma source(%arg4 : memref<6272xf32, #tpu.memory_space<hbm>>) target(%dma_start3A_120 : memref<6272xf32, #tpu.memory_space<vmem_shared>>) target_semaphore(%run_scoped3A : memref<!tpu.dma_semaphore, #tpu.memory_space<semaphore_mem>>)
      %dma_wait3A_121 = tpu.memref_slice %arg9[%mul3A_2] : memref<100352xf32, #tpu.memory_space<vmem_shared>> -> memref<6272xf32, #tpu.memory_space<vmem_shared>>
      tpu.wait_dma2 semaphore(%run_scoped3A : memref<!tpu.dma_semaphore, #tpu.memory_space<semaphore_mem>>) src(%arg4 : memref<6272xf32, #tpu.memory_space<hbm>>) dst(%dma_wait3A_121 : memref<6272xf32, #tpu.memory_space<vmem_shared>>)
      tpu.yield
    }) : () -> ()
    "tpu.region"() ({
      %run_scoped3A = tpu.sem_alloc : memref<!tpu.dma_semaphore, #tpu.memory_space<semaphore_mem>>
      tpu.enqueue_dma source(%arg3 : memref<128xf32, #tpu.memory_space<hbm>>) target(%arg8 : memref<128xf32, #tpu.memory_space<vmem>>) target_semaphore(%run_scoped3A : memref<!tpu.dma_semaphore, #tpu.memory_space<semaphore_mem>>)
      tpu.wait_dma2 semaphore(%run_scoped3A : memref<!tpu.dma_semaphore, #tpu.memory_space<semaphore_mem>>) src(%arg3 : memref<128xf32, #tpu.memory_space<hbm>>) dst(%arg8 : memref<128xf32, #tpu.memory_space<vmem>>)
      tpu.yield
    }) : () -> ()
    %barrier3A = arith.constant 0 : index
    tpu.barrier barrier_id(%barrier3A)
    %mul3A_3 = arith.constant 392 : i32
    %mul3A_4 = arith.muli %add3A, %mul3A_3 : i32
    %add3A_5 = arith.constant 0 : i32
    %add3A_6 = arith.addi %mul3A_4, %add3A_5 : i32
    %dma_start3A = arith.constant 0 : i32
    %dma_start3A_7 = tpu.memref_slice %arg2[%add3A_6, %dma_start3A] : memref<12544x128xi32, #tpu.memory_space<hbm>> -> memref<8x128xi32, #tpu.memory_space<hbm>>
    %dma_start3A_8 = arith.constant 0 : i32
    %dma_start3A_9 = tpu.memref_slice %arg2[%add3A_6, %dma_start3A_8] : memref<12544x128xi32, #tpu.memory_space<hbm>> -> memref<8x128xi32, #tpu.memory_space<hbm>>
    tpu.enqueue_dma source(%dma_start3A_9 : memref<8x128xi32, #tpu.memory_space<hbm>>) target(%arg6 : memref<8x128xi32, #tpu.memory_space<vmem>>) target_semaphore(%arg10 : memref<!tpu.dma_semaphore, #tpu.memory_space<semaphore_mem>>)
    %dma_wait3A = arith.constant 0 : i32
    %dma_wait3A_10 = arith.constant 0 : i32
    %dma_wait3A_11 = tpu.memref_slice %arg2[%dma_wait3A, %dma_wait3A_10] : memref<12544x128xi32, #tpu.memory_space<hbm>> -> memref<8x128xi32, #tpu.memory_space<hbm>>
    %dma_wait3A_12 = arith.constant 0 : i32
    %dma_wait3A_13 = arith.constant 0 : i32
    %dma_wait3A_14 = tpu.memref_slice %arg2[%dma_wait3A_12, %dma_wait3A_13] : memref<12544x128xi32, #tpu.memory_space<hbm>> -> memref<8x128xi32, #tpu.memory_space<hbm>>
    tpu.wait_dma2 semaphore(%arg10 : memref<!tpu.dma_semaphore, #tpu.memory_space<semaphore_mem>>) src(%dma_wait3A_14 : memref<8x128xi32, #tpu.memory_space<hbm>>) dst(%arg6 : memref<8x128xi32, #tpu.memory_space<vmem>>)
    %min3A = arith.constant 1 : i32
    %min3A_15 = arith.constant 48 : i32
    %min3A_16 = arith.minsi %min3A, %min3A_15 : i32
    %mul3A_17 = arith.constant 8 : i32
    %mul3A_18 = arith.muli %min3A_16, %mul3A_17 : i32
    %add3A_19 = arith.addi %mul3A_4, %mul3A_18 : i32
    %dma_start3A_20 = arith.constant 0 : i32
    %dma_start3A_21 = tpu.memref_slice %arg2[%add3A_19, %dma_start3A_20] : memref<12544x128xi32, #tpu.memory_space<hbm>> -> memref<8x128xi32, #tpu.memory_space<hbm>>
    %dma_start3A_22 = arith.constant 0 : i32
    %dma_start3A_23 = tpu.memref_slice %arg2[%add3A_19, %dma_start3A_22] : memref<12544x128xi32, #tpu.memory_space<hbm>> -> memref<8x128xi32, #tpu.memory_space<hbm>>
    tpu.enqueue_dma source(%dma_start3A_23 : memref<8x128xi32, #tpu.memory_space<hbm>>) target(%arg7 : memref<8x128xi32, #tpu.memory_space<vmem>>) target_semaphore(%arg10 : memref<!tpu.dma_semaphore, #tpu.memory_space<semaphore_mem>>)
    %dma_start3A_24 = arith.constant 0 : i32
    %dma_start3A_25 = arith.constant 0 : i32
    %dma_start3A_26 = tpu.memref_slice %arg6[%dma_start3A_24, %dma_start3A_25] : memref<8x128xi32, #tpu.memory_space<vmem>> -> memref<1x128xi32, #tpu.memory_space<vmem>>
    %dma_start3A_27 = tpu.memref_squeeze %dma_start3A_26 : memref<1x128xi32, #tpu.memory_space<vmem>> -> memref<128xi32, #tpu.memory_space<vmem>>
    %dma_start3A_28 = arith.constant 0 : i32
    %dma_start3A_29 = tpu.memref_slice %arg9[%dma_start3A_28] : memref<100352xf32, #tpu.memory_space<vmem_shared>> -> memref<100352xf32, #tpu.memory_space<vmem_shared>>
    tpu.enqueue_indirect_dma source(%arg8 : memref<128xf32, #tpu.memory_space<vmem>>) target(%dma_start3A_29 : memref<100352xf32, #tpu.memory_space<vmem_shared>>) offsets(%dma_start3A_27 : memref<128xi32, #tpu.memory_space<vmem>>) semaphore(%arg11 : memref<!tpu.dma_semaphore, #tpu.memory_space<semaphore_mem>>) {add = true}
    %dma_start3A_30 = arith.constant 1 : i32
    %dma_start3A_31 = arith.constant 0 : i32
    %dma_start3A_32 = tpu.memref_slice %arg6[%dma_start3A_30, %dma_start3A_31] : memref<8x128xi32, #tpu.memory_space<vmem>> -> memref<1x128xi32, #tpu.memory_space<vmem>>
    %dma_start3A_33 = tpu.memref_squeeze %dma_start3A_32 : memref<1x128xi32, #tpu.memory_space<vmem>> -> memref<128xi32, #tpu.memory_space<vmem>>
    %dma_start3A_34 = arith.constant 0 : i32
    %dma_start3A_35 = tpu.memref_slice %arg9[%dma_start3A_34] : memref<100352xf32, #tpu.memory_space<vmem_shared>> -> memref<100352xf32, #tpu.memory_space<vmem_shared>>
    tpu.enqueue_indirect_dma source(%arg8 : memref<128xf32, #tpu.memory_space<vmem>>) target(%dma_start3A_35 : memref<100352xf32, #tpu.memory_space<vmem_shared>>) offsets(%dma_start3A_33 : memref<128xi32, #tpu.memory_space<vmem>>) semaphore(%arg11 : memref<!tpu.dma_semaphore, #tpu.memory_space<semaphore_mem>>) {add = true}
    %dma_start3A_36 = arith.constant 2 : i32
    %dma_start3A_37 = arith.constant 0 : i32
    %dma_start3A_38 = tpu.memref_slice %arg6[%dma_start3A_36, %dma_start3A_37] : memref<8x128xi32, #tpu.memory_space<vmem>> -> memref<1x128xi32, #tpu.memory_space<vmem>>
    %dma_start3A_39 = tpu.memref_squeeze %dma_start3A_38 : memref<1x128xi32, #tpu.memory_space<vmem>> -> memref<128xi32, #tpu.memory_space<vmem>>
    %dma_start3A_40 = arith.constant 0 : i32
    %dma_start3A_41 = tpu.memref_slice %arg9[%dma_start3A_40] : memref<100352xf32, #tpu.memory_space<vmem_shared>> -> memref<100352xf32, #tpu.memory_space<vmem_shared>>
    tpu.enqueue_indirect_dma source(%arg8 : memref<128xf32, #tpu.memory_space<vmem>>) target(%dma_start3A_41 : memref<100352xf32, #tpu.memory_space<vmem_shared>>) offsets(%dma_start3A_39 : memref<128xi32, #tpu.memory_space<vmem>>) semaphore(%arg11 : memref<!tpu.dma_semaphore, #tpu.memory_space<semaphore_mem>>) {add = true}
    %dma_start3A_42 = arith.constant 3 : i32
    %dma_start3A_43 = arith.constant 0 : i32
    %dma_start3A_44 = tpu.memref_slice %arg6[%dma_start3A_42, %dma_start3A_43] : memref<8x128xi32, #tpu.memory_space<vmem>> -> memref<1x128xi32, #tpu.memory_space<vmem>>
    %dma_start3A_45 = tpu.memref_squeeze %dma_start3A_44 : memref<1x128xi32, #tpu.memory_space<vmem>> -> memref<128xi32, #tpu.memory_space<vmem>>
    %dma_start3A_46 = arith.constant 0 : i32
    %dma_start3A_47 = tpu.memref_slice %arg9[%dma_start3A_46] : memref<100352xf32, #tpu.memory_space<vmem_shared>> -> memref<100352xf32, #tpu.memory_space<vmem_shared>>
    tpu.enqueue_indirect_dma source(%arg8 : memref<128xf32, #tpu.memory_space<vmem>>) target(%dma_start3A_47 : memref<100352xf32, #tpu.memory_space<vmem_shared>>) offsets(%dma_start3A_45 : memref<128xi32, #tpu.memory_space<vmem>>) semaphore(%arg11 : memref<!tpu.dma_semaphore, #tpu.memory_space<semaphore_mem>>) {add = true}
    %dma_start3A_48 = arith.constant 4 : i32
    %dma_start3A_49 = arith.constant 0 : i32
    %dma_start3A_50 = tpu.memref_slice %arg6[%dma_start3A_48, %dma_start3A_49] : memref<8x128xi32, #tpu.memory_space<vmem>> -> memref<1x128xi32, #tpu.memory_space<vmem>>
    %dma_start3A_51 = tpu.memref_squeeze %dma_start3A_50 : memref<1x128xi32, #tpu.memory_space<vmem>> -> memref<128xi32, #tpu.memory_space<vmem>>
    %dma_start3A_52 = arith.constant 0 : i32
    %dma_start3A_53 = tpu.memref_slice %arg9[%dma_start3A_52] : memref<100352xf32, #tpu.memory_space<vmem_shared>> -> memref<100352xf32, #tpu.memory_space<vmem_shared>>
    tpu.enqueue_indirect_dma source(%arg8 : memref<128xf32, #tpu.memory_space<vmem>>) target(%dma_start3A_53 : memref<100352xf32, #tpu.memory_space<vmem_shared>>) offsets(%dma_start3A_51 : memref<128xi32, #tpu.memory_space<vmem>>) semaphore(%arg11 : memref<!tpu.dma_semaphore, #tpu.memory_space<semaphore_mem>>) {add = true}
    %dma_start3A_54 = arith.constant 5 : i32
    %dma_start3A_55 = arith.constant 0 : i32
    %dma_start3A_56 = tpu.memref_slice %arg6[%dma_start3A_54, %dma_start3A_55] : memref<8x128xi32, #tpu.memory_space<vmem>> -> memref<1x128xi32, #tpu.memory_space<vmem>>
    %dma_start3A_57 = tpu.memref_squeeze %dma_start3A_56 : memref<1x128xi32, #tpu.memory_space<vmem>> -> memref<128xi32, #tpu.memory_space<vmem>>
    %dma_start3A_58 = arith.constant 0 : i32
    %dma_start3A_59 = tpu.memref_slice %arg9[%dma_start3A_58] : memref<100352xf32, #tpu.memory_space<vmem_shared>> -> memref<100352xf32, #tpu.memory_space<vmem_shared>>
    tpu.enqueue_indirect_dma source(%arg8 : memref<128xf32, #tpu.memory_space<vmem>>) target(%dma_start3A_59 : memref<100352xf32, #tpu.memory_space<vmem_shared>>) offsets(%dma_start3A_57 : memref<128xi32, #tpu.memory_space<vmem>>) semaphore(%arg11 : memref<!tpu.dma_semaphore, #tpu.memory_space<semaphore_mem>>) {add = true}
    %dma_start3A_60 = arith.constant 6 : i32
    %dma_start3A_61 = arith.constant 0 : i32
    %dma_start3A_62 = tpu.memref_slice %arg6[%dma_start3A_60, %dma_start3A_61] : memref<8x128xi32, #tpu.memory_space<vmem>> -> memref<1x128xi32, #tpu.memory_space<vmem>>
    %dma_start3A_63 = tpu.memref_squeeze %dma_start3A_62 : memref<1x128xi32, #tpu.memory_space<vmem>> -> memref<128xi32, #tpu.memory_space<vmem>>
    %dma_start3A_64 = arith.constant 0 : i32
    %dma_start3A_65 = tpu.memref_slice %arg9[%dma_start3A_64] : memref<100352xf32, #tpu.memory_space<vmem_shared>> -> memref<100352xf32, #tpu.memory_space<vmem_shared>>
    tpu.enqueue_indirect_dma source(%arg8 : memref<128xf32, #tpu.memory_space<vmem>>) target(%dma_start3A_65 : memref<100352xf32, #tpu.memory_space<vmem_shared>>) offsets(%dma_start3A_63 : memref<128xi32, #tpu.memory_space<vmem>>) semaphore(%arg11 : memref<!tpu.dma_semaphore, #tpu.memory_space<semaphore_mem>>) {add = true}
    %dma_start3A_66 = arith.constant 7 : i32
    %dma_start3A_67 = arith.constant 0 : i32
    %dma_start3A_68 = tpu.memref_slice %arg6[%dma_start3A_66, %dma_start3A_67] : memref<8x128xi32, #tpu.memory_space<vmem>> -> memref<1x128xi32, #tpu.memory_space<vmem>>
    %dma_start3A_69 = tpu.memref_squeeze %dma_start3A_68 : memref<1x128xi32, #tpu.memory_space<vmem>> -> memref<128xi32, #tpu.memory_space<vmem>>
    %dma_start3A_70 = arith.constant 0 : i32
    %dma_start3A_71 = tpu.memref_slice %arg9[%dma_start3A_70] : memref<100352xf32, #tpu.memory_space<vmem_shared>> -> memref<100352xf32, #tpu.memory_space<vmem_shared>>
    tpu.enqueue_indirect_dma source(%arg8 : memref<128xf32, #tpu.memory_space<vmem>>) target(%dma_start3A_71 : memref<100352xf32, #tpu.memory_space<vmem_shared>>) offsets(%dma_start3A_69 : memref<128xi32, #tpu.memory_space<vmem>>) semaphore(%arg11 : memref<!tpu.dma_semaphore, #tpu.memory_space<semaphore_mem>>) {add = true}
    %scan3A = arith.constant 0 : i32
    %scan3A_72 = arith.constant 0 : i32
    %scan3A_73 = arith.constant 24 : i32
    %scan3A_74 = arith.addi %scan3A_72, %scan3A_73 : i32
    %scan3A_75 = arith.constant 1 : i32
    scf.for %scan3A_120 = %scan3A_72 to %scan3A_74 step %scan3A_75  : i32 {
      %mul3A_121 = arith.constant 2 : i32
      %mul3A_122 = arith.muli %mul3A_121, %scan3A_120 : i32
      %add3A_123 = arith.constant 1 : i32
      %add3A_124 = arith.addi %mul3A_122, %add3A_123 : i32
      %dma_wait3A_125 = arith.constant 0 : i32
      %dma_wait3A_126 = arith.constant 0 : i32
      %dma_wait3A_127 = tpu.memref_slice %arg2[%dma_wait3A_125, %dma_wait3A_126] : memref<12544x128xi32, #tpu.memory_space<hbm>> -> memref<8x128xi32, #tpu.memory_space<hbm>>
      %dma_wait3A_128 = arith.constant 0 : i32
      %dma_wait3A_129 = arith.constant 0 : i32
      %dma_wait3A_130 = tpu.memref_slice %arg2[%dma_wait3A_128, %dma_wait3A_129] : memref<12544x128xi32, #tpu.memory_space<hbm>> -> memref<8x128xi32, #tpu.memory_space<hbm>>
      tpu.wait_dma2 semaphore(%arg10 : memref<!tpu.dma_semaphore, #tpu.memory_space<semaphore_mem>>) src(%dma_wait3A_130 : memref<8x128xi32, #tpu.memory_space<hbm>>) dst(%arg7 : memref<8x128xi32, #tpu.memory_space<vmem>>)
      %dma_wait3A_131 = arith.constant 0 : i32
      %dma_wait3A_132 = tpu.memref_slice %arg9[%dma_wait3A_131] : memref<100352xf32, #tpu.memory_space<vmem_shared>> -> memref<128xf32, #tpu.memory_space<vmem_shared>>
      %dma_wait3A_133 = arith.constant 0 : i32
      %dma_wait3A_134 = tpu.memref_slice %arg9[%dma_wait3A_133] : memref<100352xf32, #tpu.memory_space<vmem_shared>> -> memref<128xf32, #tpu.memory_space<vmem_shared>>
      tpu.wait_dma2 semaphore(%arg11 : memref<!tpu.dma_semaphore, #tpu.memory_space<semaphore_mem>>) src(%arg8 : memref<128xf32, #tpu.memory_space<vmem>>) dst(%dma_wait3A_134 : memref<128xf32, #tpu.memory_space<vmem_shared>>)
      %dma_wait3A_135 = arith.constant 0 : i32
      %dma_wait3A_136 = tpu.memref_slice %arg9[%dma_wait3A_135] : memref<100352xf32, #tpu.memory_space<vmem_shared>> -> memref<128xf32, #tpu.memory_space<vmem_shared>>
      %dma_wait3A_137 = arith.constant 0 : i32
      %dma_wait3A_138 = tpu.memref_slice %arg9[%dma_wait3A_137] : memref<100352xf32, #tpu.memory_space<vmem_shared>> -> memref<128xf32, #tpu.memory_space<vmem_shared>>
      tpu.wait_dma2 semaphore(%arg11 : memref<!tpu.dma_semaphore, #tpu.memory_space<semaphore_mem>>) src(%arg8 : memref<128xf32, #tpu.memory_space<vmem>>) dst(%dma_wait3A_138 : memref<128xf32, #tpu.memory_space<vmem_shared>>)
      %dma_wait3A_139 = arith.constant 0 : i32
      %dma_wait3A_140 = tpu.memref_slice %arg9[%dma_wait3A_139] : memref<100352xf32, #tpu.memory_space<vmem_shared>> -> memref<128xf32, #tpu.memory_space<vmem_shared>>
      %dma_wait3A_141 = arith.constant 0 : i32
      %dma_wait3A_142 = tpu.memref_slice %arg9[%dma_wait3A_141] : memref<100352xf32, #tpu.memory_space<vmem_shared>> -> memref<128xf32, #tpu.memory_space<vmem_shared>>
      tpu.wait_dma2 semaphore(%arg11 : memref<!tpu.dma_semaphore, #tpu.memory_space<semaphore_mem>>) src(%arg8 : memref<128xf32, #tpu.memory_space<vmem>>) dst(%dma_wait3A_142 : memref<128xf32, #tpu.memory_space<vmem_shared>>)
      %dma_wait3A_143 = arith.constant 0 : i32
      %dma_wait3A_144 = tpu.memref_slice %arg9[%dma_wait3A_143] : memref<100352xf32, #tpu.memory_space<vmem_shared>> -> memref<128xf32, #tpu.memory_space<vmem_shared>>
      %dma_wait3A_145 = arith.constant 0 : i32
      %dma_wait3A_146 = tpu.memref_slice %arg9[%dma_wait3A_145] : memref<100352xf32, #tpu.memory_space<vmem_shared>> -> memref<128xf32, #tpu.memory_space<vmem_shared>>
      tpu.wait_dma2 semaphore(%arg11 : memref<!tpu.dma_semaphore, #tpu.memory_space<semaphore_mem>>) src(%arg8 : memref<128xf32, #tpu.memory_space<vmem>>) dst(%dma_wait3A_146 : memref<128xf32, #tpu.memory_space<vmem_shared>>)
      %dma_wait3A_147 = arith.constant 0 : i32
      %dma_wait3A_148 = tpu.memref_slice %arg9[%dma_wait3A_147] : memref<100352xf32, #tpu.memory_space<vmem_shared>> -> memref<128xf32, #tpu.memory_space<vmem_shared>>
      %dma_wait3A_149 = arith.constant 0 : i32
      %dma_wait3A_150 = tpu.memref_slice %arg9[%dma_wait3A_149] : memref<100352xf32, #tpu.memory_space<vmem_shared>> -> memref<128xf32, #tpu.memory_space<vmem_shared>>
      tpu.wait_dma2 semaphore(%arg11 : memref<!tpu.dma_semaphore, #tpu.memory_space<semaphore_mem>>) src(%arg8 : memref<128xf32, #tpu.memory_space<vmem>>) dst(%dma_wait3A_150 : memref<128xf32, #tpu.memory_space<vmem_shared>>)
      %dma_wait3A_151 = arith.constant 0 : i32
      %dma_wait3A_152 = tpu.memref_slice %arg9[%dma_wait3A_151] : memref<100352xf32, #tpu.memory_space<vmem_shared>> -> memref<128xf32, #tpu.memory_space<vmem_shared>>
      %dma_wait3A_153 = arith.constant 0 : i32
      %dma_wait3A_154 = tpu.memref_slice %arg9[%dma_wait3A_153] : memref<100352xf32, #tpu.memory_space<vmem_shared>> -> memref<128xf32, #tpu.memory_space<vmem_shared>>
      tpu.wait_dma2 semaphore(%arg11 : memref<!tpu.dma_semaphore, #tpu.memory_space<semaphore_mem>>) src(%arg8 : memref<128xf32, #tpu.memory_space<vmem>>) dst(%dma_wait3A_154 : memref<128xf32, #tpu.memory_space<vmem_shared>>)
      %dma_wait3A_155 = arith.constant 0 : i32
      %dma_wait3A_156 = tpu.memref_slice %arg9[%dma_wait3A_155] : memref<100352xf32, #tpu.memory_space<vmem_shared>> -> memref<128xf32, #tpu.memory_space<vmem_shared>>
      %dma_wait3A_157 = arith.constant 0 : i32
      %dma_wait3A_158 = tpu.memref_slice %arg9[%dma_wait3A_157] : memref<100352xf32, #tpu.memory_space<vmem_shared>> -> memref<128xf32, #tpu.memory_space<vmem_shared>>
      tpu.wait_dma2 semaphore(%arg11 : memref<!tpu.dma_semaphore, #tpu.memory_space<semaphore_mem>>) src(%arg8 : memref<128xf32, #tpu.memory_space<vmem>>) dst(%dma_wait3A_158 : memref<128xf32, #tpu.memory_space<vmem_shared>>)
      %dma_wait3A_159 = arith.constant 0 : i32
      %dma_wait3A_160 = tpu.memref_slice %arg9[%dma_wait3A_159] : memref<100352xf32, #tpu.memory_space<vmem_shared>> -> memref<128xf32, #tpu.memory_space<vmem_shared>>
      %dma_wait3A_161 = arith.constant 0 : i32
      %dma_wait3A_162 = tpu.memref_slice %arg9[%dma_wait3A_161] : memref<100352xf32, #tpu.memory_space<vmem_shared>> -> memref<128xf32, #tpu.memory_space<vmem_shared>>
      tpu.wait_dma2 semaphore(%arg11 : memref<!tpu.dma_semaphore, #tpu.memory_space<semaphore_mem>>) src(%arg8 : memref<128xf32, #tpu.memory_space<vmem>>) dst(%dma_wait3A_162 : memref<128xf32, #tpu.memory_space<vmem_shared>>)
      %add3A_163 = arith.constant 1 : i32
      %add3A_164 = arith.addi %add3A_124, %add3A_163 : i32
      %min3A_165 = arith.constant 48 : i32
      %min3A_166 = arith.minsi %add3A_164, %min3A_165 : i32
      %mul3A_167 = arith.constant 8 : i32
      %mul3A_168 = arith.muli %min3A_166, %mul3A_167 : i32
      %add3A_169 = arith.addi %mul3A_4, %mul3A_168 : i32
      %dma_start3A_170 = arith.constant 0 : i32
      %dma_start3A_171 = tpu.memref_slice %arg2[%add3A_169, %dma_start3A_170] : memref<12544x128xi32, #tpu.memory_space<hbm>> -> memref<8x128xi32, #tpu.memory_space<hbm>>
      %dma_start3A_172 = arith.constant 0 : i32
      %dma_start3A_173 = tpu.memref_slice %arg2[%add3A_169, %dma_start3A_172] : memref<12544x128xi32, #tpu.memory_space<hbm>> -> memref<8x128xi32, #tpu.memory_space<hbm>>
      tpu.enqueue_dma source(%dma_start3A_173 : memref<8x128xi32, #tpu.memory_space<hbm>>) target(%arg6 : memref<8x128xi32, #tpu.memory_space<vmem>>) target_semaphore(%arg10 : memref<!tpu.dma_semaphore, #tpu.memory_space<semaphore_mem>>)
      %dma_start3A_174 = arith.constant 0 : i32
      %dma_start3A_175 = arith.constant 0 : i32
      %dma_start3A_176 = tpu.memref_slice %arg7[%dma_start3A_174, %dma_start3A_175] : memref<8x128xi32, #tpu.memory_space<vmem>> -> memref<1x128xi32, #tpu.memory_space<vmem>>
      %dma_start3A_177 = tpu.memref_squeeze %dma_start3A_176 : memref<1x128xi32, #tpu.memory_space<vmem>> -> memref<128xi32, #tpu.memory_space<vmem>>
      %dma_start3A_178 = arith.constant 0 : i32
      %dma_start3A_179 = tpu.memref_slice %arg9[%dma_start3A_178] : memref<100352xf32, #tpu.memory_space<vmem_shared>> -> memref<100352xf32, #tpu.memory_space<vmem_shared>>
      tpu.enqueue_indirect_dma source(%arg8 : memref<128xf32, #tpu.memory_space<vmem>>) target(%dma_start3A_179 : memref<100352xf32, #tpu.memory_space<vmem_shared>>) offsets(%dma_start3A_177 : memref<128xi32, #tpu.memory_space<vmem>>) semaphore(%arg11 : memref<!tpu.dma_semaphore, #tpu.memory_space<semaphore_mem>>) {add = true}
      %dma_start3A_180 = arith.constant 1 : i32
      %dma_start3A_181 = arith.constant 0 : i32
      %dma_start3A_182 = tpu.memref_slice %arg7[%dma_start3A_180, %dma_start3A_181] : memref<8x128xi32, #tpu.memory_space<vmem>> -> memref<1x128xi32, #tpu.memory_space<vmem>>
      %dma_start3A_183 = tpu.memref_squeeze %dma_start3A_182 : memref<1x128xi32, #tpu.memory_space<vmem>> -> memref<128xi32, #tpu.memory_space<vmem>>
      %dma_start3A_184 = arith.constant 0 : i32
      %dma_start3A_185 = tpu.memref_slice %arg9[%dma_start3A_184] : memref<100352xf32, #tpu.memory_space<vmem_shared>> -> memref<100352xf32, #tpu.memory_space<vmem_shared>>
      tpu.enqueue_indirect_dma source(%arg8 : memref<128xf32, #tpu.memory_space<vmem>>) target(%dma_start3A_185 : memref<100352xf32, #tpu.memory_space<vmem_shared>>) offsets(%dma_start3A_183 : memref<128xi32, #tpu.memory_space<vmem>>) semaphore(%arg11 : memref<!tpu.dma_semaphore, #tpu.memory_space<semaphore_mem>>) {add = true}
      %dma_start3A_186 = arith.constant 2 : i32
      %dma_start3A_187 = arith.constant 0 : i32
      %dma_start3A_188 = tpu.memref_slice %arg7[%dma_start3A_186, %dma_start3A_187] : memref<8x128xi32, #tpu.memory_space<vmem>> -> memref<1x128xi32, #tpu.memory_space<vmem>>
      %dma_start3A_189 = tpu.memref_squeeze %dma_start3A_188 : memref<1x128xi32, #tpu.memory_space<vmem>> -> memref<128xi32, #tpu.memory_space<vmem>>
      %dma_start3A_190 = arith.constant 0 : i32
      %dma_start3A_191 = tpu.memref_slice %arg9[%dma_start3A_190] : memref<100352xf32, #tpu.memory_space<vmem_shared>> -> memref<100352xf32, #tpu.memory_space<vmem_shared>>
      tpu.enqueue_indirect_dma source(%arg8 : memref<128xf32, #tpu.memory_space<vmem>>) target(%dma_start3A_191 : memref<100352xf32, #tpu.memory_space<vmem_shared>>) offsets(%dma_start3A_189 : memref<128xi32, #tpu.memory_space<vmem>>) semaphore(%arg11 : memref<!tpu.dma_semaphore, #tpu.memory_space<semaphore_mem>>) {add = true}
      %dma_start3A_192 = arith.constant 3 : i32
      %dma_start3A_193 = arith.constant 0 : i32
      %dma_start3A_194 = tpu.memref_slice %arg7[%dma_start3A_192, %dma_start3A_193] : memref<8x128xi32, #tpu.memory_space<vmem>> -> memref<1x128xi32, #tpu.memory_space<vmem>>
      %dma_start3A_195 = tpu.memref_squeeze %dma_start3A_194 : memref<1x128xi32, #tpu.memory_space<vmem>> -> memref<128xi32, #tpu.memory_space<vmem>>
      %dma_start3A_196 = arith.constant 0 : i32
      %dma_start3A_197 = tpu.memref_slice %arg9[%dma_start3A_196] : memref<100352xf32, #tpu.memory_space<vmem_shared>> -> memref<100352xf32, #tpu.memory_space<vmem_shared>>
      tpu.enqueue_indirect_dma source(%arg8 : memref<128xf32, #tpu.memory_space<vmem>>) target(%dma_start3A_197 : memref<100352xf32, #tpu.memory_space<vmem_shared>>) offsets(%dma_start3A_195 : memref<128xi32, #tpu.memory_space<vmem>>) semaphore(%arg11 : memref<!tpu.dma_semaphore, #tpu.memory_space<semaphore_mem>>) {add = true}
      %dma_start3A_198 = arith.constant 4 : i32
      %dma_start3A_199 = arith.constant 0 : i32
      %dma_start3A_200 = tpu.memref_slice %arg7[%dma_start3A_198, %dma_start3A_199] : memref<8x128xi32, #tpu.memory_space<vmem>> -> memref<1x128xi32, #tpu.memory_space<vmem>>
      %dma_start3A_201 = tpu.memref_squeeze %dma_start3A_200 : memref<1x128xi32, #tpu.memory_space<vmem>> -> memref<128xi32, #tpu.memory_space<vmem>>
      %dma_start3A_202 = arith.constant 0 : i32
      %dma_start3A_203 = tpu.memref_slice %arg9[%dma_start3A_202] : memref<100352xf32, #tpu.memory_space<vmem_shared>> -> memref<100352xf32, #tpu.memory_space<vmem_shared>>
      tpu.enqueue_indirect_dma source(%arg8 : memref<128xf32, #tpu.memory_space<vmem>>) target(%dma_start3A_203 : memref<100352xf32, #tpu.memory_space<vmem_shared>>) offsets(%dma_start3A_201 : memref<128xi32, #tpu.memory_space<vmem>>) semaphore(%arg11 : memref<!tpu.dma_semaphore, #tpu.memory_space<semaphore_mem>>) {add = true}
      %dma_start3A_204 = arith.constant 5 : i32
      %dma_start3A_205 = arith.constant 0 : i32
      %dma_start3A_206 = tpu.memref_slice %arg7[%dma_start3A_204, %dma_start3A_205] : memref<8x128xi32, #tpu.memory_space<vmem>> -> memref<1x128xi32, #tpu.memory_space<vmem>>
      %dma_start3A_207 = tpu.memref_squeeze %dma_start3A_206 : memref<1x128xi32, #tpu.memory_space<vmem>> -> memref<128xi32, #tpu.memory_space<vmem>>
      %dma_start3A_208 = arith.constant 0 : i32
      %dma_start3A_209 = tpu.memref_slice %arg9[%dma_start3A_208] : memref<100352xf32, #tpu.memory_space<vmem_shared>> -> memref<100352xf32, #tpu.memory_space<vmem_shared>>
      tpu.enqueue_indirect_dma source(%arg8 : memref<128xf32, #tpu.memory_space<vmem>>) target(%dma_start3A_209 : memref<100352xf32, #tpu.memory_space<vmem_shared>>) offsets(%dma_start3A_207 : memref<128xi32, #tpu.memory_space<vmem>>) semaphore(%arg11 : memref<!tpu.dma_semaphore, #tpu.memory_space<semaphore_mem>>) {add = true}
      %dma_start3A_210 = arith.constant 6 : i32
      %dma_start3A_211 = arith.constant 0 : i32
      %dma_start3A_212 = tpu.memref_slice %arg7[%dma_start3A_210, %dma_start3A_211] : memref<8x128xi32, #tpu.memory_space<vmem>> -> memref<1x128xi32, #tpu.memory_space<vmem>>
      %dma_start3A_213 = tpu.memref_squeeze %dma_start3A_212 : memref<1x128xi32, #tpu.memory_space<vmem>> -> memref<128xi32, #tpu.memory_space<vmem>>
      %dma_start3A_214 = arith.constant 0 : i32
      %dma_start3A_215 = tpu.memref_slice %arg9[%dma_start3A_214] : memref<100352xf32, #tpu.memory_space<vmem_shared>> -> memref<100352xf32, #tpu.memory_space<vmem_shared>>
      tpu.enqueue_indirect_dma source(%arg8 : memref<128xf32, #tpu.memory_space<vmem>>) target(%dma_start3A_215 : memref<100352xf32, #tpu.memory_space<vmem_shared>>) offsets(%dma_start3A_213 : memref<128xi32, #tpu.memory_space<vmem>>) semaphore(%arg11 : memref<!tpu.dma_semaphore, #tpu.memory_space<semaphore_mem>>) {add = true}
      %dma_start3A_216 = arith.constant 7 : i32
      %dma_start3A_217 = arith.constant 0 : i32
      %dma_start3A_218 = tpu.memref_slice %arg7[%dma_start3A_216, %dma_start3A_217] : memref<8x128xi32, #tpu.memory_space<vmem>> -> memref<1x128xi32, #tpu.memory_space<vmem>>
      %dma_start3A_219 = tpu.memref_squeeze %dma_start3A_218 : memref<1x128xi32, #tpu.memory_space<vmem>> -> memref<128xi32, #tpu.memory_space<vmem>>
      %dma_start3A_220 = arith.constant 0 : i32
      %dma_start3A_221 = tpu.memref_slice %arg9[%dma_start3A_220] : memref<100352xf32, #tpu.memory_space<vmem_shared>> -> memref<100352xf32, #tpu.memory_space<vmem_shared>>
      tpu.enqueue_indirect_dma source(%arg8 : memref<128xf32, #tpu.memory_space<vmem>>) target(%dma_start3A_221 : memref<100352xf32, #tpu.memory_space<vmem_shared>>) offsets(%dma_start3A_219 : memref<128xi32, #tpu.memory_space<vmem>>) semaphore(%arg11 : memref<!tpu.dma_semaphore, #tpu.memory_space<semaphore_mem>>) {add = true}
      %mul3A_222 = arith.constant 2 : i32
      %mul3A_223 = arith.muli %mul3A_222, %scan3A_120 : i32
      %add3A_224 = arith.constant 2 : i32
      %add3A_225 = arith.addi %mul3A_223, %add3A_224 : i32
      %dma_wait3A_226 = arith.constant 0 : i32
      %dma_wait3A_227 = arith.constant 0 : i32
      %dma_wait3A_228 = tpu.memref_slice %arg2[%dma_wait3A_226, %dma_wait3A_227] : memref<12544x128xi32, #tpu.memory_space<hbm>> -> memref<8x128xi32, #tpu.memory_space<hbm>>
      %dma_wait3A_229 = arith.constant 0 : i32
      %dma_wait3A_230 = arith.constant 0 : i32
      %dma_wait3A_231 = tpu.memref_slice %arg2[%dma_wait3A_229, %dma_wait3A_230] : memref<12544x128xi32, #tpu.memory_space<hbm>> -> memref<8x128xi32, #tpu.memory_space<hbm>>
      tpu.wait_dma2 semaphore(%arg10 : memref<!tpu.dma_semaphore, #tpu.memory_space<semaphore_mem>>) src(%dma_wait3A_231 : memref<8x128xi32, #tpu.memory_space<hbm>>) dst(%arg6 : memref<8x128xi32, #tpu.memory_space<vmem>>)
      %dma_wait3A_232 = arith.constant 0 : i32
      %dma_wait3A_233 = tpu.memref_slice %arg9[%dma_wait3A_232] : memref<100352xf32, #tpu.memory_space<vmem_shared>> -> memref<128xf32, #tpu.memory_space<vmem_shared>>
      %dma_wait3A_234 = arith.constant 0 : i32
      %dma_wait3A_235 = tpu.memref_slice %arg9[%dma_wait3A_234] : memref<100352xf32, #tpu.memory_space<vmem_shared>> -> memref<128xf32, #tpu.memory_space<vmem_shared>>
      tpu.wait_dma2 semaphore(%arg11 : memref<!tpu.dma_semaphore, #tpu.memory_space<semaphore_mem>>) src(%arg8 : memref<128xf32, #tpu.memory_space<vmem>>) dst(%dma_wait3A_235 : memref<128xf32, #tpu.memory_space<vmem_shared>>)
      %dma_wait3A_236 = arith.constant 0 : i32
      %dma_wait3A_237 = tpu.memref_slice %arg9[%dma_wait3A_236] : memref<100352xf32, #tpu.memory_space<vmem_shared>> -> memref<128xf32, #tpu.memory_space<vmem_shared>>
      %dma_wait3A_238 = arith.constant 0 : i32
      %dma_wait3A_239 = tpu.memref_slice %arg9[%dma_wait3A_238] : memref<100352xf32, #tpu.memory_space<vmem_shared>> -> memref<128xf32, #tpu.memory_space<vmem_shared>>
      tpu.wait_dma2 semaphore(%arg11 : memref<!tpu.dma_semaphore, #tpu.memory_space<semaphore_mem>>) src(%arg8 : memref<128xf32, #tpu.memory_space<vmem>>) dst(%dma_wait3A_239 : memref<128xf32, #tpu.memory_space<vmem_shared>>)
      %dma_wait3A_240 = arith.constant 0 : i32
      %dma_wait3A_241 = tpu.memref_slice %arg9[%dma_wait3A_240] : memref<100352xf32, #tpu.memory_space<vmem_shared>> -> memref<128xf32, #tpu.memory_space<vmem_shared>>
      %dma_wait3A_242 = arith.constant 0 : i32
      %dma_wait3A_243 = tpu.memref_slice %arg9[%dma_wait3A_242] : memref<100352xf32, #tpu.memory_space<vmem_shared>> -> memref<128xf32, #tpu.memory_space<vmem_shared>>
      tpu.wait_dma2 semaphore(%arg11 : memref<!tpu.dma_semaphore, #tpu.memory_space<semaphore_mem>>) src(%arg8 : memref<128xf32, #tpu.memory_space<vmem>>) dst(%dma_wait3A_243 : memref<128xf32, #tpu.memory_space<vmem_shared>>)
      %dma_wait3A_244 = arith.constant 0 : i32
      %dma_wait3A_245 = tpu.memref_slice %arg9[%dma_wait3A_244] : memref<100352xf32, #tpu.memory_space<vmem_shared>> -> memref<128xf32, #tpu.memory_space<vmem_shared>>
      %dma_wait3A_246 = arith.constant 0 : i32
      %dma_wait3A_247 = tpu.memref_slice %arg9[%dma_wait3A_246] : memref<100352xf32, #tpu.memory_space<vmem_shared>> -> memref<128xf32, #tpu.memory_space<vmem_shared>>
      tpu.wait_dma2 semaphore(%arg11 : memref<!tpu.dma_semaphore, #tpu.memory_space<semaphore_mem>>) src(%arg8 : memref<128xf32, #tpu.memory_space<vmem>>) dst(%dma_wait3A_247 : memref<128xf32, #tpu.memory_space<vmem_shared>>)
      %dma_wait3A_248 = arith.constant 0 : i32
      %dma_wait3A_249 = tpu.memref_slice %arg9[%dma_wait3A_248] : memref<100352xf32, #tpu.memory_space<vmem_shared>> -> memref<128xf32, #tpu.memory_space<vmem_shared>>
      %dma_wait3A_250 = arith.constant 0 : i32
      %dma_wait3A_251 = tpu.memref_slice %arg9[%dma_wait3A_250] : memref<100352xf32, #tpu.memory_space<vmem_shared>> -> memref<128xf32, #tpu.memory_space<vmem_shared>>
      tpu.wait_dma2 semaphore(%arg11 : memref<!tpu.dma_semaphore, #tpu.memory_space<semaphore_mem>>) src(%arg8 : memref<128xf32, #tpu.memory_space<vmem>>) dst(%dma_wait3A_251 : memref<128xf32, #tpu.memory_space<vmem_shared>>)
      %dma_wait3A_252 = arith.constant 0 : i32
      %dma_wait3A_253 = tpu.memref_slice %arg9[%dma_wait3A_252] : memref<100352xf32, #tpu.memory_space<vmem_shared>> -> memref<128xf32, #tpu.memory_space<vmem_shared>>
      %dma_wait3A_254 = arith.constant 0 : i32
      %dma_wait3A_255 = tpu.memref_slice %arg9[%dma_wait3A_254] : memref<100352xf32, #tpu.memory_space<vmem_shared>> -> memref<128xf32, #tpu.memory_space<vmem_shared>>
      tpu.wait_dma2 semaphore(%arg11 : memref<!tpu.dma_semaphore, #tpu.memory_space<semaphore_mem>>) src(%arg8 : memref<128xf32, #tpu.memory_space<vmem>>) dst(%dma_wait3A_255 : memref<128xf32, #tpu.memory_space<vmem_shared>>)
      %dma_wait3A_256 = arith.constant 0 : i32
      %dma_wait3A_257 = tpu.memref_slice %arg9[%dma_wait3A_256] : memref<100352xf32, #tpu.memory_space<vmem_shared>> -> memref<128xf32, #tpu.memory_space<vmem_shared>>
      %dma_wait3A_258 = arith.constant 0 : i32
      %dma_wait3A_259 = tpu.memref_slice %arg9[%dma_wait3A_258] : memref<100352xf32, #tpu.memory_space<vmem_shared>> -> memref<128xf32, #tpu.memory_space<vmem_shared>>
      tpu.wait_dma2 semaphore(%arg11 : memref<!tpu.dma_semaphore, #tpu.memory_space<semaphore_mem>>) src(%arg8 : memref<128xf32, #tpu.memory_space<vmem>>) dst(%dma_wait3A_259 : memref<128xf32, #tpu.memory_space<vmem_shared>>)
      %dma_wait3A_260 = arith.constant 0 : i32
      %dma_wait3A_261 = tpu.memref_slice %arg9[%dma_wait3A_260] : memref<100352xf32, #tpu.memory_space<vmem_shared>> -> memref<128xf32, #tpu.memory_space<vmem_shared>>
      %dma_wait3A_262 = arith.constant 0 : i32
      %dma_wait3A_263 = tpu.memref_slice %arg9[%dma_wait3A_262] : memref<100352xf32, #tpu.memory_space<vmem_shared>> -> memref<128xf32, #tpu.memory_space<vmem_shared>>
      tpu.wait_dma2 semaphore(%arg11 : memref<!tpu.dma_semaphore, #tpu.memory_space<semaphore_mem>>) src(%arg8 : memref<128xf32, #tpu.memory_space<vmem>>) dst(%dma_wait3A_263 : memref<128xf32, #tpu.memory_space<vmem_shared>>)
      %add3A_264 = arith.constant 1 : i32
      %add3A_265 = arith.addi %add3A_225, %add3A_264 : i32
      %min3A_266 = arith.constant 48 : i32
      %min3A_267 = arith.minsi %add3A_265, %min3A_266 : i32
      %mul3A_268 = arith.constant 8 : i32
      %mul3A_269 = arith.muli %min3A_267, %mul3A_268 : i32
      %add3A_270 = arith.addi %mul3A_4, %mul3A_269 : i32
      %dma_start3A_271 = arith.constant 0 : i32
      %dma_start3A_272 = tpu.memref_slice %arg2[%add3A_270, %dma_start3A_271] : memref<12544x128xi32, #tpu.memory_space<hbm>> -> memref<8x128xi32, #tpu.memory_space<hbm>>
      %dma_start3A_273 = arith.constant 0 : i32
      %dma_start3A_274 = tpu.memref_slice %arg2[%add3A_270, %dma_start3A_273] : memref<12544x128xi32, #tpu.memory_space<hbm>> -> memref<8x128xi32, #tpu.memory_space<hbm>>
      tpu.enqueue_dma source(%dma_start3A_274 : memref<8x128xi32, #tpu.memory_space<hbm>>) target(%arg7 : memref<8x128xi32, #tpu.memory_space<vmem>>) target_semaphore(%arg10 : memref<!tpu.dma_semaphore, #tpu.memory_space<semaphore_mem>>)
      %dma_start3A_275 = arith.constant 0 : i32
      %dma_start3A_276 = arith.constant 0 : i32
      %dma_start3A_277 = tpu.memref_slice %arg6[%dma_start3A_275, %dma_start3A_276] : memref<8x128xi32, #tpu.memory_space<vmem>> -> memref<1x128xi32, #tpu.memory_space<vmem>>
      %dma_start3A_278 = tpu.memref_squeeze %dma_start3A_277 : memref<1x128xi32, #tpu.memory_space<vmem>> -> memref<128xi32, #tpu.memory_space<vmem>>
      %dma_start3A_279 = arith.constant 0 : i32
      %dma_start3A_280 = tpu.memref_slice %arg9[%dma_start3A_279] : memref<100352xf32, #tpu.memory_space<vmem_shared>> -> memref<100352xf32, #tpu.memory_space<vmem_shared>>
      tpu.enqueue_indirect_dma source(%arg8 : memref<128xf32, #tpu.memory_space<vmem>>) target(%dma_start3A_280 : memref<100352xf32, #tpu.memory_space<vmem_shared>>) offsets(%dma_start3A_278 : memref<128xi32, #tpu.memory_space<vmem>>) semaphore(%arg11 : memref<!tpu.dma_semaphore, #tpu.memory_space<semaphore_mem>>) {add = true}
      %dma_start3A_281 = arith.constant 1 : i32
      %dma_start3A_282 = arith.constant 0 : i32
      %dma_start3A_283 = tpu.memref_slice %arg6[%dma_start3A_281, %dma_start3A_282] : memref<8x128xi32, #tpu.memory_space<vmem>> -> memref<1x128xi32, #tpu.memory_space<vmem>>
      %dma_start3A_284 = tpu.memref_squeeze %dma_start3A_283 : memref<1x128xi32, #tpu.memory_space<vmem>> -> memref<128xi32, #tpu.memory_space<vmem>>
      %dma_start3A_285 = arith.constant 0 : i32
      %dma_start3A_286 = tpu.memref_slice %arg9[%dma_start3A_285] : memref<100352xf32, #tpu.memory_space<vmem_shared>> -> memref<100352xf32, #tpu.memory_space<vmem_shared>>
      tpu.enqueue_indirect_dma source(%arg8 : memref<128xf32, #tpu.memory_space<vmem>>) target(%dma_start3A_286 : memref<100352xf32, #tpu.memory_space<vmem_shared>>) offsets(%dma_start3A_284 : memref<128xi32, #tpu.memory_space<vmem>>) semaphore(%arg11 : memref<!tpu.dma_semaphore, #tpu.memory_space<semaphore_mem>>) {add = true}
      %dma_start3A_287 = arith.constant 2 : i32
      %dma_start3A_288 = arith.constant 0 : i32
      %dma_start3A_289 = tpu.memref_slice %arg6[%dma_start3A_287, %dma_start3A_288] : memref<8x128xi32, #tpu.memory_space<vmem>> -> memref<1x128xi32, #tpu.memory_space<vmem>>
      %dma_start3A_290 = tpu.memref_squeeze %dma_start3A_289 : memref<1x128xi32, #tpu.memory_space<vmem>> -> memref<128xi32, #tpu.memory_space<vmem>>
      %dma_start3A_291 = arith.constant 0 : i32
      %dma_start3A_292 = tpu.memref_slice %arg9[%dma_start3A_291] : memref<100352xf32, #tpu.memory_space<vmem_shared>> -> memref<100352xf32, #tpu.memory_space<vmem_shared>>
      tpu.enqueue_indirect_dma source(%arg8 : memref<128xf32, #tpu.memory_space<vmem>>) target(%dma_start3A_292 : memref<100352xf32, #tpu.memory_space<vmem_shared>>) offsets(%dma_start3A_290 : memref<128xi32, #tpu.memory_space<vmem>>) semaphore(%arg11 : memref<!tpu.dma_semaphore, #tpu.memory_space<semaphore_mem>>) {add = true}
      %dma_start3A_293 = arith.constant 3 : i32
      %dma_start3A_294 = arith.constant 0 : i32
      %dma_start3A_295 = tpu.memref_slice %arg6[%dma_start3A_293, %dma_start3A_294] : memref<8x128xi32, #tpu.memory_space<vmem>> -> memref<1x128xi32, #tpu.memory_space<vmem>>
      %dma_start3A_296 = tpu.memref_squeeze %dma_start3A_295 : memref<1x128xi32, #tpu.memory_space<vmem>> -> memref<128xi32, #tpu.memory_space<vmem>>
      %dma_start3A_297 = arith.constant 0 : i32
      %dma_start3A_298 = tpu.memref_slice %arg9[%dma_start3A_297] : memref<100352xf32, #tpu.memory_space<vmem_shared>> -> memref<100352xf32, #tpu.memory_space<vmem_shared>>
      tpu.enqueue_indirect_dma source(%arg8 : memref<128xf32, #tpu.memory_space<vmem>>) target(%dma_start3A_298 : memref<100352xf32, #tpu.memory_space<vmem_shared>>) offsets(%dma_start3A_296 : memref<128xi32, #tpu.memory_space<vmem>>) semaphore(%arg11 : memref<!tpu.dma_semaphore, #tpu.memory_space<semaphore_mem>>) {add = true}
      %dma_start3A_299 = arith.constant 4 : i32
      %dma_start3A_300 = arith.constant 0 : i32
      %dma_start3A_301 = tpu.memref_slice %arg6[%dma_start3A_299, %dma_start3A_300] : memref<8x128xi32, #tpu.memory_space<vmem>> -> memref<1x128xi32, #tpu.memory_space<vmem>>
      %dma_start3A_302 = tpu.memref_squeeze %dma_start3A_301 : memref<1x128xi32, #tpu.memory_space<vmem>> -> memref<128xi32, #tpu.memory_space<vmem>>
      %dma_start3A_303 = arith.constant 0 : i32
      %dma_start3A_304 = tpu.memref_slice %arg9[%dma_start3A_303] : memref<100352xf32, #tpu.memory_space<vmem_shared>> -> memref<100352xf32, #tpu.memory_space<vmem_shared>>
      tpu.enqueue_indirect_dma source(%arg8 : memref<128xf32, #tpu.memory_space<vmem>>) target(%dma_start3A_304 : memref<100352xf32, #tpu.memory_space<vmem_shared>>) offsets(%dma_start3A_302 : memref<128xi32, #tpu.memory_space<vmem>>) semaphore(%arg11 : memref<!tpu.dma_semaphore, #tpu.memory_space<semaphore_mem>>) {add = true}
      %dma_start3A_305 = arith.constant 5 : i32
      %dma_start3A_306 = arith.constant 0 : i32
      %dma_start3A_307 = tpu.memref_slice %arg6[%dma_start3A_305, %dma_start3A_306] : memref<8x128xi32, #tpu.memory_space<vmem>> -> memref<1x128xi32, #tpu.memory_space<vmem>>
      %dma_start3A_308 = tpu.memref_squeeze %dma_start3A_307 : memref<1x128xi32, #tpu.memory_space<vmem>> -> memref<128xi32, #tpu.memory_space<vmem>>
      %dma_start3A_309 = arith.constant 0 : i32
      %dma_start3A_310 = tpu.memref_slice %arg9[%dma_start3A_309] : memref<100352xf32, #tpu.memory_space<vmem_shared>> -> memref<100352xf32, #tpu.memory_space<vmem_shared>>
      tpu.enqueue_indirect_dma source(%arg8 : memref<128xf32, #tpu.memory_space<vmem>>) target(%dma_start3A_310 : memref<100352xf32, #tpu.memory_space<vmem_shared>>) offsets(%dma_start3A_308 : memref<128xi32, #tpu.memory_space<vmem>>) semaphore(%arg11 : memref<!tpu.dma_semaphore, #tpu.memory_space<semaphore_mem>>) {add = true}
      %dma_start3A_311 = arith.constant 6 : i32
      %dma_start3A_312 = arith.constant 0 : i32
      %dma_start3A_313 = tpu.memref_slice %arg6[%dma_start3A_311, %dma_start3A_312] : memref<8x128xi32, #tpu.memory_space<vmem>> -> memref<1x128xi32, #tpu.memory_space<vmem>>
      %dma_start3A_314 = tpu.memref_squeeze %dma_start3A_313 : memref<1x128xi32, #tpu.memory_space<vmem>> -> memref<128xi32, #tpu.memory_space<vmem>>
      %dma_start3A_315 = arith.constant 0 : i32
      %dma_start3A_316 = tpu.memref_slice %arg9[%dma_start3A_315] : memref<100352xf32, #tpu.memory_space<vmem_shared>> -> memref<100352xf32, #tpu.memory_space<vmem_shared>>
      tpu.enqueue_indirect_dma source(%arg8 : memref<128xf32, #tpu.memory_space<vmem>>) target(%dma_start3A_316 : memref<100352xf32, #tpu.memory_space<vmem_shared>>) offsets(%dma_start3A_314 : memref<128xi32, #tpu.memory_space<vmem>>) semaphore(%arg11 : memref<!tpu.dma_semaphore, #tpu.memory_space<semaphore_mem>>) {add = true}
      %dma_start3A_317 = arith.constant 7 : i32
      %dma_start3A_318 = arith.constant 0 : i32
      %dma_start3A_319 = tpu.memref_slice %arg6[%dma_start3A_317, %dma_start3A_318] : memref<8x128xi32, #tpu.memory_space<vmem>> -> memref<1x128xi32, #tpu.memory_space<vmem>>
      %dma_start3A_320 = tpu.memref_squeeze %dma_start3A_319 : memref<1x128xi32, #tpu.memory_space<vmem>> -> memref<128xi32, #tpu.memory_space<vmem>>
      %dma_start3A_321 = arith.constant 0 : i32
      %dma_start3A_322 = tpu.memref_slice %arg9[%dma_start3A_321] : memref<100352xf32, #tpu.memory_space<vmem_shared>> -> memref<100352xf32, #tpu.memory_space<vmem_shared>>
      tpu.enqueue_indirect_dma source(%arg8 : memref<128xf32, #tpu.memory_space<vmem>>) target(%dma_start3A_322 : memref<100352xf32, #tpu.memory_space<vmem_shared>>) offsets(%dma_start3A_320 : memref<128xi32, #tpu.memory_space<vmem>>) semaphore(%arg11 : memref<!tpu.dma_semaphore, #tpu.memory_space<semaphore_mem>>) {add = true}
    }
    %scan3A_76 = arith.constant 24 : i32
    %dma_wait3A_77 = arith.constant 0 : i32
    %dma_wait3A_78 = arith.constant 0 : i32
    %dma_wait3A_79 = tpu.memref_slice %arg2[%dma_wait3A_77, %dma_wait3A_78] : memref<12544x128xi32, #tpu.memory_space<hbm>> -> memref<8x128xi32, #tpu.memory_space<hbm>>
    %dma_wait3A_80 = arith.constant 0 : i32
    %dma_wait3A_81 = arith.constant 0 : i32
    %dma_wait3A_82 = tpu.memref_slice %arg2[%dma_wait3A_80, %dma_wait3A_81] : memref<12544x128xi32, #tpu.memory_space<hbm>> -> memref<8x128xi32, #tpu.memory_space<hbm>>
    tpu.wait_dma2 semaphore(%arg10 : memref<!tpu.dma_semaphore, #tpu.memory_space<semaphore_mem>>) src(%dma_wait3A_82 : memref<8x128xi32, #tpu.memory_space<hbm>>) dst(%arg6 : memref<8x128xi32, #tpu.memory_space<vmem>>)
    %dma_wait3A_83 = arith.constant 0 : i32
    %dma_wait3A_84 = tpu.memref_slice %arg9[%dma_wait3A_83] : memref<100352xf32, #tpu.memory_space<vmem_shared>> -> memref<128xf32, #tpu.memory_space<vmem_shared>>
    %dma_wait3A_85 = arith.constant 0 : i32
    %dma_wait3A_86 = tpu.memref_slice %arg9[%dma_wait3A_85] : memref<100352xf32, #tpu.memory_space<vmem_shared>> -> memref<128xf32, #tpu.memory_space<vmem_shared>>
    tpu.wait_dma2 semaphore(%arg11 : memref<!tpu.dma_semaphore, #tpu.memory_space<semaphore_mem>>) src(%arg8 : memref<128xf32, #tpu.memory_space<vmem>>) dst(%dma_wait3A_86 : memref<128xf32, #tpu.memory_space<vmem_shared>>)
    %dma_wait3A_87 = arith.constant 0 : i32
    %dma_wait3A_88 = tpu.memref_slice %arg9[%dma_wait3A_87] : memref<100352xf32, #tpu.memory_space<vmem_shared>> -> memref<128xf32, #tpu.memory_space<vmem_shared>>
    %dma_wait3A_89 = arith.constant 0 : i32
    %dma_wait3A_90 = tpu.memref_slice %arg9[%dma_wait3A_89] : memref<100352xf32, #tpu.memory_space<vmem_shared>> -> memref<128xf32, #tpu.memory_space<vmem_shared>>
    tpu.wait_dma2 semaphore(%arg11 : memref<!tpu.dma_semaphore, #tpu.memory_space<semaphore_mem>>) src(%arg8 : memref<128xf32, #tpu.memory_space<vmem>>) dst(%dma_wait3A_90 : memref<128xf32, #tpu.memory_space<vmem_shared>>)
    %dma_wait3A_91 = arith.constant 0 : i32
    %dma_wait3A_92 = tpu.memref_slice %arg9[%dma_wait3A_91] : memref<100352xf32, #tpu.memory_space<vmem_shared>> -> memref<128xf32, #tpu.memory_space<vmem_shared>>
    %dma_wait3A_93 = arith.constant 0 : i32
    %dma_wait3A_94 = tpu.memref_slice %arg9[%dma_wait3A_93] : memref<100352xf32, #tpu.memory_space<vmem_shared>> -> memref<128xf32, #tpu.memory_space<vmem_shared>>
    tpu.wait_dma2 semaphore(%arg11 : memref<!tpu.dma_semaphore, #tpu.memory_space<semaphore_mem>>) src(%arg8 : memref<128xf32, #tpu.memory_space<vmem>>) dst(%dma_wait3A_94 : memref<128xf32, #tpu.memory_space<vmem_shared>>)
    %dma_wait3A_95 = arith.constant 0 : i32
    %dma_wait3A_96 = tpu.memref_slice %arg9[%dma_wait3A_95] : memref<100352xf32, #tpu.memory_space<vmem_shared>> -> memref<128xf32, #tpu.memory_space<vmem_shared>>
    %dma_wait3A_97 = arith.constant 0 : i32
    %dma_wait3A_98 = tpu.memref_slice %arg9[%dma_wait3A_97] : memref<100352xf32, #tpu.memory_space<vmem_shared>> -> memref<128xf32, #tpu.memory_space<vmem_shared>>
    tpu.wait_dma2 semaphore(%arg11 : memref<!tpu.dma_semaphore, #tpu.memory_space<semaphore_mem>>) src(%arg8 : memref<128xf32, #tpu.memory_space<vmem>>) dst(%dma_wait3A_98 : memref<128xf32, #tpu.memory_space<vmem_shared>>)
    %dma_wait3A_99 = arith.constant 0 : i32
    %dma_wait3A_100 = tpu.memref_slice %arg9[%dma_wait3A_99] : memref<100352xf32, #tpu.memory_space<vmem_shared>> -> memref<128xf32, #tpu.memory_space<vmem_shared>>
    %dma_wait3A_101 = arith.constant 0 : i32
    %dma_wait3A_102 = tpu.memref_slice %arg9[%dma_wait3A_101] : memref<100352xf32, #tpu.memory_space<vmem_shared>> -> memref<128xf32, #tpu.memory_space<vmem_shared>>
    tpu.wait_dma2 semaphore(%arg11 : memref<!tpu.dma_semaphore, #tpu.memory_space<semaphore_mem>>) src(%arg8 : memref<128xf32, #tpu.memory_space<vmem>>) dst(%dma_wait3A_102 : memref<128xf32, #tpu.memory_space<vmem_shared>>)
    %dma_wait3A_103 = arith.constant 0 : i32
    %dma_wait3A_104 = tpu.memref_slice %arg9[%dma_wait3A_103] : memref<100352xf32, #tpu.memory_space<vmem_shared>> -> memref<128xf32, #tpu.memory_space<vmem_shared>>
    %dma_wait3A_105 = arith.constant 0 : i32
    %dma_wait3A_106 = tpu.memref_slice %arg9[%dma_wait3A_105] : memref<100352xf32, #tpu.memory_space<vmem_shared>> -> memref<128xf32, #tpu.memory_space<vmem_shared>>
    tpu.wait_dma2 semaphore(%arg11 : memref<!tpu.dma_semaphore, #tpu.memory_space<semaphore_mem>>) src(%arg8 : memref<128xf32, #tpu.memory_space<vmem>>) dst(%dma_wait3A_106 : memref<128xf32, #tpu.memory_space<vmem_shared>>)
    %dma_wait3A_107 = arith.constant 0 : i32
    %dma_wait3A_108 = tpu.memref_slice %arg9[%dma_wait3A_107] : memref<100352xf32, #tpu.memory_space<vmem_shared>> -> memref<128xf32, #tpu.memory_space<vmem_shared>>
    %dma_wait3A_109 = arith.constant 0 : i32
    %dma_wait3A_110 = tpu.memref_slice %arg9[%dma_wait3A_109] : memref<100352xf32, #tpu.memory_space<vmem_shared>> -> memref<128xf32, #tpu.memory_space<vmem_shared>>
    tpu.wait_dma2 semaphore(%arg11 : memref<!tpu.dma_semaphore, #tpu.memory_space<semaphore_mem>>) src(%arg8 : memref<128xf32, #tpu.memory_space<vmem>>) dst(%dma_wait3A_110 : memref<128xf32, #tpu.memory_space<vmem_shared>>)
    %dma_wait3A_111 = arith.constant 0 : i32
    %dma_wait3A_112 = tpu.memref_slice %arg9[%dma_wait3A_111] : memref<100352xf32, #tpu.memory_space<vmem_shared>> -> memref<128xf32, #tpu.memory_space<vmem_shared>>
    %dma_wait3A_113 = arith.constant 0 : i32
    %dma_wait3A_114 = tpu.memref_slice %arg9[%dma_wait3A_113] : memref<100352xf32, #tpu.memory_space<vmem_shared>> -> memref<128xf32, #tpu.memory_space<vmem_shared>>
    tpu.wait_dma2 semaphore(%arg11 : memref<!tpu.dma_semaphore, #tpu.memory_space<semaphore_mem>>) src(%arg8 : memref<128xf32, #tpu.memory_space<vmem>>) dst(%dma_wait3A_114 : memref<128xf32, #tpu.memory_space<vmem_shared>>)
    %barrier3A_115 = arith.constant 0 : index
    tpu.barrier barrier_id(%barrier3A_115)
    %mul3A_116 = arith.constant 6272 : i32
    %mul3A_117 = arith.muli %arg1, %mul3A_116 : i32
    %mul3A_118 = arith.constant 6272 : i32
    %mul3A_119 = arith.muli %arg1, %mul3A_118 : i32
    "tpu.region"() ({
      %run_scoped3A = tpu.sem_alloc : memref<!tpu.dma_semaphore, #tpu.memory_space<semaphore_mem>>
      %dma_start3A_120 = arith.constant 0 : i32
      %dma_start3A_121 = tpu.memref_slice %arg5[%arg0, %dma_start3A_120] : memref<2x100352xf32, #tpu.memory_space<hbm>> -> memref<1x100352xf32, #tpu.memory_space<hbm>>
      %dma_start3A_122 = tpu.memref_squeeze %dma_start3A_121 : memref<1x100352xf32, #tpu.memory_space<hbm>> -> memref<100352xf32, #tpu.memory_space<hbm>>
      %dma_start3A_123 = tpu.memref_slice %dma_start3A_122[%mul3A_119] : memref<100352xf32, #tpu.memory_space<hbm>> -> memref<6272xf32, #tpu.memory_space<hbm>>
      %dma_start3A_124 = tpu.memref_slice %arg9[%mul3A_117] : memref<100352xf32, #tpu.memory_space<vmem_shared>> -> memref<6272xf32, #tpu.memory_space<vmem_shared>>
      tpu.enqueue_dma source(%dma_start3A_124 : memref<6272xf32, #tpu.memory_space<vmem_shared>>) target(%dma_start3A_123 : memref<6272xf32, #tpu.memory_space<hbm>>) target_semaphore(%run_scoped3A : memref<!tpu.dma_semaphore, #tpu.memory_space<semaphore_mem>>)
      %dma_wait3A_125 = arith.constant 0 : i32
      %dma_wait3A_126 = tpu.memref_slice %arg5[%arg0, %dma_wait3A_125] : memref<2x100352xf32, #tpu.memory_space<hbm>> -> memref<1x100352xf32, #tpu.memory_space<hbm>>
      %dma_wait3A_127 = tpu.memref_squeeze %dma_wait3A_126 : memref<1x100352xf32, #tpu.memory_space<hbm>> -> memref<100352xf32, #tpu.memory_space<hbm>>
      %dma_wait3A_128 = tpu.memref_slice %dma_wait3A_127[%mul3A_119] : memref<100352xf32, #tpu.memory_space<hbm>> -> memref<6272xf32, #tpu.memory_space<hbm>>
      %dma_wait3A_129 = tpu.memref_slice %arg9[%mul3A_117] : memref<100352xf32, #tpu.memory_space<vmem_shared>> -> memref<6272xf32, #tpu.memory_space<vmem_shared>>
      tpu.wait_dma2 semaphore(%run_scoped3A : memref<!tpu.dma_semaphore, #tpu.memory_space<semaphore_mem>>) src(%dma_wait3A_129 : memref<6272xf32, #tpu.memory_space<vmem_shared>>) dst(%dma_wait3A_128 : memref<6272xf32, #tpu.memory_space<hbm>>)
      tpu.yield
    }) : () -> ()
    return
  }
}

module attributes {stable_mosaic.version = 14 : i64} {
  func.func @_dense1_body(%arg0: i32, %arg1: memref<2048x32xf32, #tpu.memory_space<vmem>>, %arg2: memref<2048x32xf32, #tpu.memory_space<vmem>>, %arg3: memref<2x2048x1xf32, #tpu.memory_space<vmem>>, %arg4: memref<32x24xf32, #tpu.memory_space<vmem>>, %arg5: memref<32x8xf32, #tpu.memory_space<vmem>>, %arg6: memref<32x32xf32, #tpu.memory_space<vmem>>, %arg7: memref<8x32xf32, #tpu.memory_space<vmem>>, %arg8: memref<2048x16xf32, #tpu.memory_space<vmem>>, %arg9: memref<2048x16xf32, #tpu.memory_space<vmem>>) attributes {dimension_semantics = [#tpu.dimension_semantics<arbitrary>], iteration_bounds = array<i64: 49>, scalar_prefetch = 0 : i64, scratch_operands = 0 : i64, tpu.core_type = #tpu.core_type<tc>, window_params = [{transform_indices = @transform_0, window_bounds = array<i64: 2048, 32>}, {transform_indices = @transform_1, window_bounds = array<i64: 2048, 32>}, {transform_indices = @transform_2, window_bounds = array<i64: 2, 2048, 1>}, {pipeline_mode = #tpu.pipeline_mode<synchronous>, transform_indices = @transform_3, window_bounds = array<i64: 32, 24>}, {pipeline_mode = #tpu.pipeline_mode<synchronous>, transform_indices = @transform_4, window_bounds = array<i64: 32, 8>}, {pipeline_mode = #tpu.pipeline_mode<synchronous>, transform_indices = @transform_5, window_bounds = array<i64: 32, 32>}, {pipeline_mode = #tpu.pipeline_mode<synchronous>, transform_indices = @transform_6, window_bounds = array<i64: 8, 32>}, {transform_indices = @transform_7, window_bounds = array<i64: 2048, 16>}, {transform_indices = @transform_8, window_bounds = array<i64: 2048, 16>}]} {
    %get3A = arith.constant 0 : index
    %get3A_0 = arith.constant 0 : index
    %get3A_1 = arith.constant 0 : index
    %get3A_2 = vector.load %arg3[%get3A, %get3A_0, %get3A_1] : memref<2x2048x1xf32, #tpu.memory_space<vmem>>, vector<1x2048x1xf32>
    %get3A_3 = vector.shape_cast %get3A_2 : vector<1x2048x1xf32> to vector<2048x1xf32>
    %get3A_4 = arith.constant 1 : index
    %get3A_5 = arith.constant 0 : index
    %get3A_6 = arith.constant 0 : index
    %get3A_7 = vector.load %arg3[%get3A_4, %get3A_5, %get3A_6] : memref<2x2048x1xf32, #tpu.memory_space<vmem>>, vector<1x2048x1xf32>
    %get3A_8 = vector.shape_cast %get3A_7 : vector<1x2048x1xf32> to vector<2048x1xf32>
    %add3A = arith.addf %get3A_3, %get3A_8 : vector<2048x1xf32>
    %add3A_9 = arith.constant 1.000000e+00 : f32
    %add3A_10 = vector.broadcast %add3A_9 : f32 to vector<2048x1xf32>
    %add3A_11 = arith.addf %add3A, %add3A_10 : vector<2048x1xf32>
    %rsqrt3A = math.rsqrt %add3A_11 : vector<2048x1xf32>
    %get3A_12 = arith.constant 0 : index
    %get3A_13 = arith.constant 0 : index
    %get3A_14 = vector.load %arg7[%get3A_12, %get3A_13] : memref<8x32xf32, #tpu.memory_space<vmem>>, vector<8x32xf32>
    %get3A_15 = arith.constant 0 : index
    %get3A_16 = arith.constant 0 : index
    %get3A_17 = vector.load %arg1[%get3A_15, %get3A_16] : memref<2048x32xf32, #tpu.memory_space<vmem>>, vector<2048x32xf32>
    %get3A_18 = arith.constant 0 : index
    %get3A_19 = arith.constant 0 : index
    %get3A_20 = vector.load %arg4[%get3A_18, %get3A_19] : memref<32x24xf32, #tpu.memory_space<vmem>>, vector<32x24xf32>
    %dot_general3A = arith.constant dense<0.000000e+00> : vector<2048x24xf32>
    %dot_general3A_21 = tpu.matmul %get3A_17, %get3A_20, %dot_general3A {dimension_numbers = #tpu.dot_dimension_numbers<[1], [0], [0], [1], [0, 0, 1, 1], [], []>, precision = #tpu.contract_precision<fp32>, transpose_lhs_hint = false} : vector<2048x32xf32>, vector<32x24xf32>, vector<2048x24xf32> -> vector<2048x24xf32>
    %slice3A = vector.extract_strided_slice %get3A_14 {offsets = [0, 0], sizes = [1, 24], strides = [1, 1]} : vector<8x32xf32> to vector<1x24xf32>
    %add3A_22 = vector.broadcast %slice3A : vector<1x24xf32> to vector<2048x24xf32>
    %add3A_23 = arith.addf %dot_general3A_21, %add3A_22 : vector<2048x24xf32>
    %max3A = arith.constant 0.000000e+00 : f32
    %max3A_24 = vector.broadcast %max3A : f32 to vector<2048x24xf32>
    %max3A_25 = arith.maximumf %add3A_23, %max3A_24 : vector<2048x24xf32>
    %get3A_26 = arith.constant 0 : index
    %get3A_27 = arith.constant 0 : index
    %get3A_28 = vector.load %arg2[%get3A_26, %get3A_27] : memref<2048x32xf32, #tpu.memory_space<vmem>>, vector<2048x32xf32>
    %get3A_29 = arith.constant 0 : index
    %get3A_30 = arith.constant 0 : index
    %get3A_31 = vector.load %arg5[%get3A_29, %get3A_30] : memref<32x8xf32, #tpu.memory_space<vmem>>, vector<32x8xf32>
    %dot_general3A_32 = arith.constant dense<0.000000e+00> : vector<2048x8xf32>
    %dot_general3A_33 = tpu.matmul %get3A_28, %get3A_31, %dot_general3A_32 {dimension_numbers = #tpu.dot_dimension_numbers<[1], [0], [0], [1], [0, 0, 1, 1], [], []>, precision = #tpu.contract_precision<fp32>, transpose_lhs_hint = false} : vector<2048x32xf32>, vector<32x8xf32>, vector<2048x8xf32> -> vector<2048x8xf32>
    %slice3A_34 = vector.extract_strided_slice %get3A_14 {offsets = [1, 0], sizes = [1, 8], strides = [1, 1]} : vector<8x32xf32> to vector<1x8xf32>
    %add3A_35 = vector.broadcast %slice3A_34 : vector<1x8xf32> to vector<2048x8xf32>
    %add3A_36 = arith.addf %dot_general3A_33, %add3A_35 : vector<2048x8xf32>
    %max3A_37 = arith.constant 0.000000e+00 : f32
    %max3A_38 = vector.broadcast %max3A_37 : f32 to vector<2048x8xf32>
    %max3A_39 = arith.maximumf %add3A_36, %max3A_38 : vector<2048x8xf32>
    %get3A_40 = arith.constant 0 : index
    %get3A_41 = arith.constant 0 : index
    %get3A_42 = vector.load %arg6[%get3A_40, %get3A_41] : memref<32x32xf32, #tpu.memory_space<vmem>>, vector<32x32xf32>
    %slice3A_43 = vector.extract_strided_slice %get3A_42 {offsets = [0, 0], sizes = [24, 16], strides = [1, 1]} : vector<32x32xf32> to vector<24x16xf32>
    %dot_general3A_44 = arith.constant dense<0.000000e+00> : vector<2048x16xf32>
    %dot_general3A_45 = tpu.matmul %max3A_25, %slice3A_43, %dot_general3A_44 {dimension_numbers = #tpu.dot_dimension_numbers<[1], [0], [0], [1], [0, 0, 1, 1], [], []>, precision = #tpu.contract_precision<fp32>, transpose_lhs_hint = false} : vector<2048x24xf32>, vector<24x16xf32>, vector<2048x16xf32> -> vector<2048x16xf32>
    %slice3A_46 = vector.extract_strided_slice %get3A_42 {offsets = [24, 0], sizes = [8, 16], strides = [1, 1]} : vector<32x32xf32> to vector<8x16xf32>
    %dot_general3A_47 = arith.constant dense<0.000000e+00> : vector<2048x16xf32>
    %dot_general3A_48 = tpu.matmul %max3A_39, %slice3A_46, %dot_general3A_47 {dimension_numbers = #tpu.dot_dimension_numbers<[1], [0], [0], [1], [0, 0, 1, 1], [], []>, precision = #tpu.contract_precision<fp32>, transpose_lhs_hint = false} : vector<2048x8xf32>, vector<8x16xf32>, vector<2048x16xf32> -> vector<2048x16xf32>
    %add3A_49 = arith.addf %dot_general3A_45, %dot_general3A_48 : vector<2048x16xf32>
    %mul3A = vector.broadcast %rsqrt3A : vector<2048x1xf32> to vector<2048x16xf32>
    %mul3A_50 = arith.mulf %add3A_49, %mul3A : vector<2048x16xf32>
    %swap3A = arith.constant 0 : index
    %swap3A_51 = arith.constant 0 : index
    %swap3A_52 = vector.load %arg8[%swap3A, %swap3A_51] : memref<2048x16xf32, #tpu.memory_space<vmem>>, vector<2048x16xf32>
    tpu.vector_store %arg8[%swap3A, %swap3A_51], %mul3A_50 {strides = array<i32>} : memref<2048x16xf32, #tpu.memory_space<vmem>>, vector<2048x16xf32>,
    %slice3A_53 = vector.extract_strided_slice %get3A_42 {offsets = [0, 16], sizes = [24, 16], strides = [1, 1]} : vector<32x32xf32> to vector<24x16xf32>
    %dot_general3A_54 = arith.constant dense<0.000000e+00> : vector<2048x16xf32>
    %dot_general3A_55 = tpu.matmul %max3A_25, %slice3A_53, %dot_general3A_54 {dimension_numbers = #tpu.dot_dimension_numbers<[1], [0], [0], [1], [0, 0, 1, 1], [], []>, precision = #tpu.contract_precision<fp32>, transpose_lhs_hint = false} : vector<2048x24xf32>, vector<24x16xf32>, vector<2048x16xf32> -> vector<2048x16xf32>
    %slice3A_56 = vector.extract_strided_slice %get3A_42 {offsets = [24, 16], sizes = [8, 16], strides = [1, 1]} : vector<32x32xf32> to vector<8x16xf32>
    %dot_general3A_57 = arith.constant dense<0.000000e+00> : vector<2048x16xf32>
    %dot_general3A_58 = tpu.matmul %max3A_39, %slice3A_56, %dot_general3A_57 {dimension_numbers = #tpu.dot_dimension_numbers<[1], [0], [0], [1], [0, 0, 1, 1], [], []>, precision = #tpu.contract_precision<fp32>, transpose_lhs_hint = false} : vector<2048x8xf32>, vector<8x16xf32>, vector<2048x16xf32> -> vector<2048x16xf32>
    %add3A_59 = arith.addf %dot_general3A_55, %dot_general3A_58 : vector<2048x16xf32>
    %mul3A_60 = vector.broadcast %rsqrt3A : vector<2048x1xf32> to vector<2048x16xf32>
    %mul3A_61 = arith.mulf %add3A_59, %mul3A_60 : vector<2048x16xf32>
    %swap3A_62 = arith.constant 0 : index
    %swap3A_63 = arith.constant 0 : index
    %swap3A_64 = vector.load %arg9[%swap3A_62, %swap3A_63] : memref<2048x16xf32, #tpu.memory_space<vmem>>, vector<2048x16xf32>
    tpu.vector_store %arg9[%swap3A_62, %swap3A_63], %mul3A_61 {strides = array<i32>} : memref<2048x16xf32, #tpu.memory_space<vmem>>, vector<2048x16xf32>,
    return
  }
  func.func @transform_0(%arg0: i32) -> (i32, i32) {
    %c0_i32 = arith.constant 0 : i32
    %c0_i32_0 = arith.constant 0 : i32
    return %arg0, %c0_i32 : i32, i32
  }
  func.func @transform_1(%arg0: i32) -> (i32, i32) {
    %c0_i32 = arith.constant 0 : i32
    %c0_i32_0 = arith.constant 0 : i32
    return %arg0, %c0_i32 : i32, i32
  }
  func.func @transform_2(%arg0: i32) -> (i32, i32, i32) {
    %c0_i32 = arith.constant 0 : i32
    %c0_i32_0 = arith.constant 0 : i32
    %c0_i32_1 = arith.constant 0 : i32
    return %c0_i32, %arg0, %c0_i32_0 : i32, i32, i32
  }
  func.func @transform_3(%arg0: i32) -> (i32, i32) {
    %c0_i32 = arith.constant 0 : i32
    %c0_i32_0 = arith.constant 0 : i32
    %c0_i32_1 = arith.constant 0 : i32
    return %c0_i32, %c0_i32_0 : i32, i32
  }
  func.func @transform_4(%arg0: i32) -> (i32, i32) {
    %c0_i32 = arith.constant 0 : i32
    %c0_i32_0 = arith.constant 0 : i32
    %c0_i32_1 = arith.constant 0 : i32
    return %c0_i32, %c0_i32_0 : i32, i32
  }
  func.func @transform_5(%arg0: i32) -> (i32, i32) {
    %c0_i32 = arith.constant 0 : i32
    %c0_i32_0 = arith.constant 0 : i32
    %c0_i32_1 = arith.constant 0 : i32
    return %c0_i32, %c0_i32_0 : i32, i32
  }
  func.func @transform_6(%arg0: i32) -> (i32, i32) {
    %c0_i32 = arith.constant 0 : i32
    %c0_i32_0 = arith.constant 0 : i32
    %c0_i32_1 = arith.constant 0 : i32
    return %c0_i32, %c0_i32_0 : i32, i32
  }
  func.func @transform_7(%arg0: i32) -> (i32, i32) {
    %c0_i32 = arith.constant 0 : i32
    %c0_i32_0 = arith.constant 0 : i32
    return %arg0, %c0_i32 : i32, i32
  }
  func.func @transform_8(%arg0: i32) -> (i32, i32) {
    %c0_i32 = arith.constant 0 : i32
    %c0_i32_0 = arith.constant 0 : i32
    return %arg0, %c0_i32 : i32, i32
  }
}

module attributes {stable_mosaic.version = 14 : i64} {
  func.func @_dense2_body(%arg0: i32, %arg1: memref<2x256x128xf32, #tpu.memory_space<vmem>>, %arg2: memref<256x128xf32, #tpu.memory_space<vmem>>, %arg3: memref<256x128xf32, #tpu.memory_space<vmem>>, %arg4: memref<2x256x8xf32, #tpu.memory_space<vmem>>, %arg5: memref<8x128xf32, #tpu.memory_space<vmem>>, %arg6: memref<128x128xf32, #tpu.memory_space<vmem>>, %arg7: memref<128x128xf32, #tpu.memory_space<vmem>>, %arg8: memref<128x128xf32, #tpu.memory_space<vmem>>, %arg9: memref<128x128xf32, #tpu.memory_space<vmem>>, %arg10: memref<8x128xf32, #tpu.memory_space<vmem>>, %arg11: memref<256x128xf32, #tpu.memory_space<vmem>>, %arg12: memref<256x128xf32, #tpu.memory_space<vmem>>) attributes {dimension_semantics = [#tpu.dimension_semantics<arbitrary>], iteration_bounds = array<i64: 49>, scalar_prefetch = 0 : i64, scratch_operands = 0 : i64, tpu.core_type = #tpu.core_type<tc>, window_params = [{transform_indices = @transform_0, window_bounds = array<i64: 2, 256, 128>}, {transform_indices = @transform_1, window_bounds = array<i64: 256, 128>}, {transform_indices = @transform_2, window_bounds = array<i64: 256, 128>}, {transform_indices = @transform_3, window_bounds = array<i64: 2, 256, 8>}, {pipeline_mode = #tpu.pipeline_mode<synchronous>, transform_indices = @transform_4, window_bounds = array<i64: 8, 128>}, {pipeline_mode = #tpu.pipeline_mode<synchronous>, transform_indices = @transform_5, window_bounds = array<i64: 128, 128>}, {pipeline_mode = #tpu.pipeline_mode<synchronous>, transform_indices = @transform_6, window_bounds = array<i64: 128, 128>}, {pipeline_mode = #tpu.pipeline_mode<synchronous>, transform_indices = @transform_7, window_bounds = array<i64: 128, 128>}, {pipeline_mode = #tpu.pipeline_mode<synchronous>, transform_indices = @transform_8, window_bounds = array<i64: 128, 128>}, {pipeline_mode = #tpu.pipeline_mode<synchronous>, transform_indices = @transform_9, window_bounds = array<i64: 8, 128>}, {transform_indices = @transform_10, window_bounds = array<i64: 256, 128>}, {transform_indices = @transform_11, window_bounds = array<i64: 256, 128>}]} {
    %get3A = arith.constant 0 : index
    %get3A_0 = arith.constant 0 : index
    %get3A_1 = vector.load %arg5[%get3A, %get3A_0] : memref<8x128xf32, #tpu.memory_space<vmem>>, vector<8x128xf32>
    %get3A_2 = arith.constant 0 : index
    %get3A_3 = arith.constant 0 : index
    %get3A_4 = arith.constant 0 : index
    %get3A_5 = vector.load %arg4[%get3A_2, %get3A_3, %get3A_4] : memref<2x256x8xf32, #tpu.memory_space<vmem>>, vector<1x256x8xf32>
    %get3A_6 = vector.shape_cast %get3A_5 : vector<1x256x8xf32> to vector<256x8xf32>
    %get3A_7 = arith.constant 1 : index
    %get3A_8 = arith.constant 0 : index
    %get3A_9 = arith.constant 0 : index
    %get3A_10 = vector.load %arg4[%get3A_7, %get3A_8, %get3A_9] : memref<2x256x8xf32, #tpu.memory_space<vmem>>, vector<1x256x8xf32>
    %get3A_11 = vector.shape_cast %get3A_10 : vector<1x256x8xf32> to vector<256x8xf32>
    %add3A = arith.addf %get3A_6, %get3A_11 : vector<256x8xf32>
    %add3A_12 = arith.constant 1.000000e+00 : f32
    %add3A_13 = vector.broadcast %add3A_12 : f32 to vector<256x8xf32>
    %add3A_14 = arith.addf %add3A, %add3A_13 : vector<256x8xf32>
    %rsqrt3A = math.rsqrt %add3A_14 : vector<256x8xf32>
    %dot_general3A = arith.constant dense<0.000000e+00> : vector<256x128xf32>
    %dot_general3A_15 = tpu.matmul %rsqrt3A, %get3A_1, %dot_general3A {dimension_numbers = #tpu.dot_dimension_numbers<[1], [0], [0], [1], [0, 0, 1, 1], [], []>, precision = #tpu.contract_precision<fp32>, transpose_lhs_hint = false} : vector<256x8xf32>, vector<8x128xf32>, vector<256x128xf32> -> vector<256x128xf32>
    %get3A_16 = arith.constant 0 : index
    %get3A_17 = arith.constant 0 : index
    %get3A_18 = vector.load %arg10[%get3A_16, %get3A_17] : memref<8x128xf32, #tpu.memory_space<vmem>>, vector<8x128xf32>
    %get3A_19 = arith.constant 0 : index
    %get3A_20 = arith.constant 0 : index
    %get3A_21 = arith.constant 0 : index
    %get3A_22 = vector.load %arg1[%get3A_19, %get3A_20, %get3A_21] : memref<2x256x128xf32, #tpu.memory_space<vmem>>, vector<1x256x128xf32>
    %get3A_23 = vector.shape_cast %get3A_22 : vector<1x256x128xf32> to vector<256x128xf32>
    %get3A_24 = arith.constant 0 : index
    %get3A_25 = arith.constant 0 : index
    %get3A_26 = vector.load %arg2[%get3A_24, %get3A_25] : memref<256x128xf32, #tpu.memory_space<vmem>>, vector<256x128xf32>
    %add3A_27 = arith.addf %get3A_23, %get3A_26 : vector<256x128xf32>
    %mul3A = arith.mulf %add3A_27, %dot_general3A_15 : vector<256x128xf32>
    %slice3A = vector.extract_strided_slice %get3A_18 {offsets = [0, 0], sizes = [1, 128], strides = [1, 1]} : vector<8x128xf32> to vector<1x128xf32>
    %add3A_28 = vector.broadcast %slice3A : vector<1x128xf32> to vector<256x128xf32>
    %add3A_29 = arith.addf %mul3A, %add3A_28 : vector<256x128xf32>
    %max3A = arith.constant 0.000000e+00 : f32
    %max3A_30 = vector.broadcast %max3A : f32 to vector<256x128xf32>
    %max3A_31 = arith.maximumf %add3A_29, %max3A_30 : vector<256x128xf32>
    %get3A_32 = arith.constant 1 : index
    %get3A_33 = arith.constant 0 : index
    %get3A_34 = arith.constant 0 : index
    %get3A_35 = vector.load %arg1[%get3A_32, %get3A_33, %get3A_34] : memref<2x256x128xf32, #tpu.memory_space<vmem>>, vector<1x256x128xf32>
    %get3A_36 = vector.shape_cast %get3A_35 : vector<1x256x128xf32> to vector<256x128xf32>
    %get3A_37 = arith.constant 0 : index
    %get3A_38 = arith.constant 0 : index
    %get3A_39 = vector.load %arg3[%get3A_37, %get3A_38] : memref<256x128xf32, #tpu.memory_space<vmem>>, vector<256x128xf32>
    %add3A_40 = arith.addf %get3A_36, %get3A_39 : vector<256x128xf32>
    %mul3A_41 = arith.mulf %add3A_40, %dot_general3A_15 : vector<256x128xf32>
    %slice3A_42 = vector.extract_strided_slice %get3A_18 {offsets = [1, 0], sizes = [1, 128], strides = [1, 1]} : vector<8x128xf32> to vector<1x128xf32>
    %add3A_43 = vector.broadcast %slice3A_42 : vector<1x128xf32> to vector<256x128xf32>
    %add3A_44 = arith.addf %mul3A_41, %add3A_43 : vector<256x128xf32>
    %max3A_45 = arith.constant 0.000000e+00 : f32
    %max3A_46 = vector.broadcast %max3A_45 : f32 to vector<256x128xf32>
    %max3A_47 = arith.maximumf %add3A_44, %max3A_46 : vector<256x128xf32>
    %get3A_48 = arith.constant 0 : index
    %get3A_49 = arith.constant 0 : index
    %get3A_50 = vector.load %arg6[%get3A_48, %get3A_49] : memref<128x128xf32, #tpu.memory_space<vmem>>, vector<128x128xf32>
    %dot_general3A_51 = arith.constant dense<0.000000e+00> : vector<256x128xf32>
    %dot_general3A_52 = tpu.matmul %max3A_31, %get3A_50, %dot_general3A_51 {dimension_numbers = #tpu.dot_dimension_numbers<[1], [0], [0], [1], [0, 0, 1, 1], [], []>, precision = #tpu.contract_precision<fp32>, transpose_lhs_hint = false} : vector<256x128xf32>, vector<128x128xf32>, vector<256x128xf32> -> vector<256x128xf32>
    %get3A_53 = arith.constant 0 : index
    %get3A_54 = arith.constant 0 : index
    %get3A_55 = vector.load %arg8[%get3A_53, %get3A_54] : memref<128x128xf32, #tpu.memory_space<vmem>>, vector<128x128xf32>
    %dot_general3A_56 = arith.constant dense<0.000000e+00> : vector<256x128xf32>
    %dot_general3A_57 = tpu.matmul %max3A_47, %get3A_55, %dot_general3A_56 {dimension_numbers = #tpu.dot_dimension_numbers<[1], [0], [0], [1], [0, 0, 1, 1], [], []>, precision = #tpu.contract_precision<fp32>, transpose_lhs_hint = false} : vector<256x128xf32>, vector<128x128xf32>, vector<256x128xf32> -> vector<256x128xf32>
    %add3A_58 = arith.addf %dot_general3A_52, %dot_general3A_57 : vector<256x128xf32>
    %mul3A_59 = arith.mulf %add3A_58, %dot_general3A_15 : vector<256x128xf32>
    %swap3A = arith.constant 0 : index
    %swap3A_60 = arith.constant 0 : index
    %swap3A_61 = vector.load %arg11[%swap3A, %swap3A_60] : memref<256x128xf32, #tpu.memory_space<vmem>>, vector<256x128xf32>
    tpu.vector_store %arg11[%swap3A, %swap3A_60], %mul3A_59 {strides = array<i32>} : memref<256x128xf32, #tpu.memory_space<vmem>>, vector<256x128xf32>,
    %get3A_62 = arith.constant 0 : index
    %get3A_63 = arith.constant 0 : index
    %get3A_64 = vector.load %arg7[%get3A_62, %get3A_63] : memref<128x128xf32, #tpu.memory_space<vmem>>, vector<128x128xf32>
    %dot_general3A_65 = arith.constant dense<0.000000e+00> : vector<256x128xf32>
    %dot_general3A_66 = tpu.matmul %max3A_31, %get3A_64, %dot_general3A_65 {dimension_numbers = #tpu.dot_dimension_numbers<[1], [0], [0], [1], [0, 0, 1, 1], [], []>, precision = #tpu.contract_precision<fp32>, transpose_lhs_hint = false} : vector<256x128xf32>, vector<128x128xf32>, vector<256x128xf32> -> vector<256x128xf32>
    %get3A_67 = arith.constant 0 : index
    %get3A_68 = arith.constant 0 : index
    %get3A_69 = vector.load %arg9[%get3A_67, %get3A_68] : memref<128x128xf32, #tpu.memory_space<vmem>>, vector<128x128xf32>
    %dot_general3A_70 = arith.constant dense<0.000000e+00> : vector<256x128xf32>
    %dot_general3A_71 = tpu.matmul %max3A_47, %get3A_69, %dot_general3A_70 {dimension_numbers = #tpu.dot_dimension_numbers<[1], [0], [0], [1], [0, 0, 1, 1], [], []>, precision = #tpu.contract_precision<fp32>, transpose_lhs_hint = false} : vector<256x128xf32>, vector<128x128xf32>, vector<256x128xf32> -> vector<256x128xf32>
    %add3A_72 = arith.addf %dot_general3A_66, %dot_general3A_71 : vector<256x128xf32>
    %mul3A_73 = arith.mulf %add3A_72, %dot_general3A_15 : vector<256x128xf32>
    %swap3A_74 = arith.constant 0 : index
    %swap3A_75 = arith.constant 0 : index
    %swap3A_76 = vector.load %arg12[%swap3A_74, %swap3A_75] : memref<256x128xf32, #tpu.memory_space<vmem>>, vector<256x128xf32>
    tpu.vector_store %arg12[%swap3A_74, %swap3A_75], %mul3A_73 {strides = array<i32>} : memref<256x128xf32, #tpu.memory_space<vmem>>, vector<256x128xf32>,
    return
  }
  func.func @transform_0(%arg0: i32) -> (i32, i32, i32) {
    %c0_i32 = arith.constant 0 : i32
    %c0_i32_0 = arith.constant 0 : i32
    %c0_i32_1 = arith.constant 0 : i32
    return %c0_i32, %arg0, %c0_i32_0 : i32, i32, i32
  }
  func.func @transform_1(%arg0: i32) -> (i32, i32) {
    %c0_i32 = arith.constant 0 : i32
    %c0_i32_0 = arith.constant 0 : i32
    return %arg0, %c0_i32 : i32, i32
  }
  func.func @transform_2(%arg0: i32) -> (i32, i32) {
    %c0_i32 = arith.constant 0 : i32
    %c0_i32_0 = arith.constant 0 : i32
    return %arg0, %c0_i32 : i32, i32
  }
  func.func @transform_3(%arg0: i32) -> (i32, i32, i32) {
    %c0_i32 = arith.constant 0 : i32
    %c0_i32_0 = arith.constant 0 : i32
    %c0_i32_1 = arith.constant 0 : i32
    return %c0_i32, %arg0, %c0_i32_0 : i32, i32, i32
  }
  func.func @transform_4(%arg0: i32) -> (i32, i32) {
    %c0_i32 = arith.constant 0 : i32
    %c0_i32_0 = arith.constant 0 : i32
    %c0_i32_1 = arith.constant 0 : i32
    return %c0_i32, %c0_i32_0 : i32, i32
  }
  func.func @transform_5(%arg0: i32) -> (i32, i32) {
    %c0_i32 = arith.constant 0 : i32
    %c0_i32_0 = arith.constant 0 : i32
    %c0_i32_1 = arith.constant 0 : i32
    return %c0_i32, %c0_i32_0 : i32, i32
  }
  func.func @transform_6(%arg0: i32) -> (i32, i32) {
    %c0_i32 = arith.constant 0 : i32
    %c0_i32_0 = arith.constant 0 : i32
    %c0_i32_1 = arith.constant 0 : i32
    return %c0_i32, %c0_i32_0 : i32, i32
  }
  func.func @transform_7(%arg0: i32) -> (i32, i32) {
    %c0_i32 = arith.constant 0 : i32
    %c0_i32_0 = arith.constant 0 : i32
    %c0_i32_1 = arith.constant 0 : i32
    return %c0_i32, %c0_i32_0 : i32, i32
  }
  func.func @transform_8(%arg0: i32) -> (i32, i32) {
    %c0_i32 = arith.constant 0 : i32
    %c0_i32_0 = arith.constant 0 : i32
    %c0_i32_1 = arith.constant 0 : i32
    return %c0_i32, %c0_i32_0 : i32, i32
  }
  func.func @transform_9(%arg0: i32) -> (i32, i32) {
    %c0_i32 = arith.constant 0 : i32
    %c0_i32_0 = arith.constant 0 : i32
    %c0_i32_1 = arith.constant 0 : i32
    return %c0_i32, %c0_i32_0 : i32, i32
  }
  func.func @transform_10(%arg0: i32) -> (i32, i32) {
    %c0_i32 = arith.constant 0 : i32
    %c0_i32_0 = arith.constant 0 : i32
    return %arg0, %c0_i32 : i32, i32
  }
  func.func @transform_11(%arg0: i32) -> (i32, i32) {
    %c0_i32 = arith.constant 0 : i32
    %c0_i32_0 = arith.constant 0 : i32
    return %arg0, %c0_i32 : i32, i32
  }
}

module attributes {stable_mosaic.version = 14 : i64} {
  func.func @_dense3_body(%arg0: i32, %arg1: memref<2x256x128xf32, #tpu.memory_space<vmem>>, %arg2: memref<256x128xf32, #tpu.memory_space<vmem>>, %arg3: memref<256x128xf32, #tpu.memory_space<vmem>>, %arg4: memref<2x256x8xf32, #tpu.memory_space<vmem>>, %arg5: memref<8x128xf32, #tpu.memory_space<vmem>>, %arg6: memref<8x128xf32, #tpu.memory_space<vmem>>, %arg7: memref<256x128xf32, #tpu.memory_space<vmem>>, %arg8: memref<256x128xf32, #tpu.memory_space<vmem>>) attributes {dimension_semantics = [#tpu.dimension_semantics<arbitrary>], iteration_bounds = array<i64: 49>, scalar_prefetch = 0 : i64, scratch_operands = 0 : i64, tpu.core_type = #tpu.core_type<tc>, window_params = [{transform_indices = @transform_0, window_bounds = array<i64: 2, 256, 128>}, {transform_indices = @transform_1, window_bounds = array<i64: 256, 128>}, {transform_indices = @transform_2, window_bounds = array<i64: 256, 128>}, {transform_indices = @transform_3, window_bounds = array<i64: 2, 256, 8>}, {pipeline_mode = #tpu.pipeline_mode<synchronous>, transform_indices = @transform_4, window_bounds = array<i64: 8, 128>}, {pipeline_mode = #tpu.pipeline_mode<synchronous>, transform_indices = @transform_5, window_bounds = array<i64: 8, 128>}, {transform_indices = @transform_6, window_bounds = array<i64: 256, 128>}, {transform_indices = @transform_7, window_bounds = array<i64: 256, 128>}]} {
    %get3A = arith.constant 0 : index
    %get3A_0 = arith.constant 0 : index
    %get3A_1 = vector.load %arg5[%get3A, %get3A_0] : memref<8x128xf32, #tpu.memory_space<vmem>>, vector<8x128xf32>
    %get3A_2 = arith.constant 0 : index
    %get3A_3 = arith.constant 0 : index
    %get3A_4 = arith.constant 0 : index
    %get3A_5 = vector.load %arg4[%get3A_2, %get3A_3, %get3A_4] : memref<2x256x8xf32, #tpu.memory_space<vmem>>, vector<1x256x8xf32>
    %get3A_6 = vector.shape_cast %get3A_5 : vector<1x256x8xf32> to vector<256x8xf32>
    %get3A_7 = arith.constant 1 : index
    %get3A_8 = arith.constant 0 : index
    %get3A_9 = arith.constant 0 : index
    %get3A_10 = vector.load %arg4[%get3A_7, %get3A_8, %get3A_9] : memref<2x256x8xf32, #tpu.memory_space<vmem>>, vector<1x256x8xf32>
    %get3A_11 = vector.shape_cast %get3A_10 : vector<1x256x8xf32> to vector<256x8xf32>
    %add3A = arith.addf %get3A_6, %get3A_11 : vector<256x8xf32>
    %add3A_12 = arith.constant 1.000000e+00 : f32
    %add3A_13 = vector.broadcast %add3A_12 : f32 to vector<256x8xf32>
    %add3A_14 = arith.addf %add3A, %add3A_13 : vector<256x8xf32>
    %rsqrt3A = math.rsqrt %add3A_14 : vector<256x8xf32>
    %dot_general3A = arith.constant dense<0.000000e+00> : vector<256x128xf32>
    %dot_general3A_15 = tpu.matmul %rsqrt3A, %get3A_1, %dot_general3A {dimension_numbers = #tpu.dot_dimension_numbers<[1], [0], [0], [1], [0, 0, 1, 1], [], []>, precision = #tpu.contract_precision<fp32>, transpose_lhs_hint = false} : vector<256x8xf32>, vector<8x128xf32>, vector<256x128xf32> -> vector<256x128xf32>
    %get3A_16 = arith.constant 0 : index
    %get3A_17 = arith.constant 0 : index
    %get3A_18 = vector.load %arg6[%get3A_16, %get3A_17] : memref<8x128xf32, #tpu.memory_space<vmem>>, vector<8x128xf32>
    %get3A_19 = arith.constant 0 : index
    %get3A_20 = arith.constant 0 : index
    %get3A_21 = arith.constant 0 : index
    %get3A_22 = vector.load %arg1[%get3A_19, %get3A_20, %get3A_21] : memref<2x256x128xf32, #tpu.memory_space<vmem>>, vector<1x256x128xf32>
    %get3A_23 = vector.shape_cast %get3A_22 : vector<1x256x128xf32> to vector<256x128xf32>
    %get3A_24 = arith.constant 0 : index
    %get3A_25 = arith.constant 0 : index
    %get3A_26 = vector.load %arg2[%get3A_24, %get3A_25] : memref<256x128xf32, #tpu.memory_space<vmem>>, vector<256x128xf32>
    %add3A_27 = arith.addf %get3A_23, %get3A_26 : vector<256x128xf32>
    %mul3A = arith.mulf %add3A_27, %dot_general3A_15 : vector<256x128xf32>
    %slice3A = vector.extract_strided_slice %get3A_18 {offsets = [2, 0], sizes = [1, 128], strides = [1, 1]} : vector<8x128xf32> to vector<1x128xf32>
    %add3A_28 = vector.broadcast %slice3A : vector<1x128xf32> to vector<256x128xf32>
    %add3A_29 = arith.addf %mul3A, %add3A_28 : vector<256x128xf32>
    %swap3A = arith.constant 0 : index
    %swap3A_30 = arith.constant 0 : index
    %swap3A_31 = vector.load %arg7[%swap3A, %swap3A_30] : memref<256x128xf32, #tpu.memory_space<vmem>>, vector<256x128xf32>
    tpu.vector_store %arg7[%swap3A, %swap3A_30], %add3A_29 {strides = array<i32>} : memref<256x128xf32, #tpu.memory_space<vmem>>, vector<256x128xf32>,
    %get3A_32 = arith.constant 1 : index
    %get3A_33 = arith.constant 0 : index
    %get3A_34 = arith.constant 0 : index
    %get3A_35 = vector.load %arg1[%get3A_32, %get3A_33, %get3A_34] : memref<2x256x128xf32, #tpu.memory_space<vmem>>, vector<1x256x128xf32>
    %get3A_36 = vector.shape_cast %get3A_35 : vector<1x256x128xf32> to vector<256x128xf32>
    %get3A_37 = arith.constant 0 : index
    %get3A_38 = arith.constant 0 : index
    %get3A_39 = vector.load %arg3[%get3A_37, %get3A_38] : memref<256x128xf32, #tpu.memory_space<vmem>>, vector<256x128xf32>
    %add3A_40 = arith.addf %get3A_36, %get3A_39 : vector<256x128xf32>
    %mul3A_41 = arith.mulf %add3A_40, %dot_general3A_15 : vector<256x128xf32>
    %slice3A_42 = vector.extract_strided_slice %get3A_18 {offsets = [3, 0], sizes = [1, 128], strides = [1, 1]} : vector<8x128xf32> to vector<1x128xf32>
    %add3A_43 = vector.broadcast %slice3A_42 : vector<1x128xf32> to vector<256x128xf32>
    %add3A_44 = arith.addf %mul3A_41, %add3A_43 : vector<256x128xf32>
    %swap3A_45 = arith.constant 0 : index
    %swap3A_46 = arith.constant 0 : index
    %swap3A_47 = vector.load %arg8[%swap3A_45, %swap3A_46] : memref<256x128xf32, #tpu.memory_space<vmem>>, vector<256x128xf32>
    tpu.vector_store %arg8[%swap3A_45, %swap3A_46], %add3A_44 {strides = array<i32>} : memref<256x128xf32, #tpu.memory_space<vmem>>, vector<256x128xf32>,
    return
  }
  func.func @transform_0(%arg0: i32) -> (i32, i32, i32) {
    %c0_i32 = arith.constant 0 : i32
    %c0_i32_0 = arith.constant 0 : i32
    %c0_i32_1 = arith.constant 0 : i32
    return %c0_i32, %arg0, %c0_i32_0 : i32, i32, i32
  }
  func.func @transform_1(%arg0: i32) -> (i32, i32) {
    %c0_i32 = arith.constant 0 : i32
    %c0_i32_0 = arith.constant 0 : i32
    return %arg0, %c0_i32 : i32, i32
  }
  func.func @transform_2(%arg0: i32) -> (i32, i32) {
    %c0_i32 = arith.constant 0 : i32
    %c0_i32_0 = arith.constant 0 : i32
    return %arg0, %c0_i32 : i32, i32
  }
  func.func @transform_3(%arg0: i32) -> (i32, i32, i32) {
    %c0_i32 = arith.constant 0 : i32
    %c0_i32_0 = arith.constant 0 : i32
    %c0_i32_1 = arith.constant 0 : i32
    return %c0_i32, %arg0, %c0_i32_0 : i32, i32, i32
  }
  func.func @transform_4(%arg0: i32) -> (i32, i32) {
    %c0_i32 = arith.constant 0 : i32
    %c0_i32_0 = arith.constant 0 : i32
    %c0_i32_1 = arith.constant 0 : i32
    return %c0_i32, %c0_i32_0 : i32, i32
  }
  func.func @transform_5(%arg0: i32) -> (i32, i32) {
    %c0_i32 = arith.constant 0 : i32
    %c0_i32_0 = arith.constant 0 : i32
    %c0_i32_1 = arith.constant 0 : i32
    return %c0_i32, %c0_i32_0 : i32, i32
  }
  func.func @transform_6(%arg0: i32) -> (i32, i32) {
    %c0_i32 = arith.constant 0 : i32
    %c0_i32_0 = arith.constant 0 : i32
    return %arg0, %c0_i32 : i32, i32
  }
  func.func @transform_7(%arg0: i32) -> (i32, i32) {
    %c0_i32 = arith.constant 0 : i32
    %c0_i32_0 = arith.constant 0 : i32
    return %arg0, %c0_i32 : i32, i32
  }
}

</mosaic_0001>

<sc_bundles>
// kernel: kernel.11.cloned.1.call-start
scs
__scs_entry_jumppad:
0x0: {  	(pc) =	sbr.rel $0x88, $3  }
0x1: {  	(tag) =	ssettag $0x0;
	lr =	simm.s32 $0x1  }
0x2: {  	[smem:$0x3F96] =	sst lr;
	_ =	strace $0xD0000000  }
0x3: {  	_ = 	snop  }
0x4: {  	_ = 	snop  }
0x5: {  	_ = 	snop  }
0x6: {  	_ = 	snop  }
0x7: {  	_ = 	snop  }
__scs_overlays_trampoline_lowered:
0x8: {  	[smem:$0x3FA5] =	sst s0  }
0x9: {  	[smem:$0x3FA6] =	sst s1  }
0xa: {  	[smem:$0x3FA7] =	sst s2  }
0xb: {  	[smem:$0x3FA8] =	sst s3  }
0xc: {  	[smem:$0x3FA9] =	sst s4  }
0xd: {  	[smem:$0x3FAA] =	sst s5  }
0xe: {  	[smem:$0x3FAB] =	sst s6  }
0xf: {  	[smem:$0x3FAC] =	sst s7  }
0x10: {  	[smem:$0x3FAD] =	sst s8  }
0x11: {  	[smem:$0x3FAE] =	sst s9;
	s0 =	simm.s32 @!p0 $0x0  }
0x12: {  	s1 =	sld [smem:$0x3F94];
	s0 =	simm.s32 @p0 $0x1  }
0x13: {  	[smem:$0x3FAF] =	sst s0;
	s0 =	simm.s32 @!p1 $0x0  }
0x14: {  	s2 =	sld [smem:$0x3F93];
	s0 =	simm.s32 @p1 $0x1  }
0x15: {  	[smem:$0x3FB0] =	sst s0;
	s0 =	simm.s32 @!p2 $0x0  }
0x16: {  	s3 =	sld [smem:$0x3FDB];
	s0 =	simm.s32 @p2 $0x1  }
0x17: {  	s4 =	simm.s32 $0x1BF5;
	[smem:$0x3FB2] =	sst s0  }
0x18: {  	s0 =	sld [smem:$0x3F95];
	_ =	swait.ge [sflag:s4], $0x0  }
0x19: {  	s7 =	sld [smem:$0x3F96]  }
0x1a: {  	s8 =	sadd.s32 $0xFFFFE003, lr  }
0x1b: {  	s9 =	sadd.s32 $0xFFFFFEF7, lr;
	s5 =	simm.s32 $0xFFFFFFFF;
	p2 =	slt.u32 s8, $0xFFFFF086  }
0x1c: {  	p1 =	slt.u32 s9, $0xF7A;
	s5 =	simm.s32 @!p2 $0x0  }
0x1d: {  	s5 =	simm.s32 @p1 $0x1;
	p0 =	seq.s32 s7, s2  }
0x1e: {  	s7 =	smul.u32 @!p0 $0xF7A, s2;
	p2 =	seq.s32 @!p0 s5, $0x0  }
0x1f: {  	s9 =	smul.u32 $0xF7A, s1;
	s8 =	simm.s32 @!p0 $0x1BF5;
	p2 =	por !p2, p0  }
0x20: {  	[sflag:s8] =	ssyncset.s32 @!p0 $0xFFFFF086;
	s6 =	sadd.s32 @!p0 s3, s7;
	s7 =	simm.s32 @!p0 $0x108  }
0x21: {  	s3 =	sadd.s32 s3, s9;
	s6 =	sadd.s32 @!p0 $0x88, s6;
	s7 =	simm.s32 @p2 $0x1082  }
0x22: {  	[simem:s7], [sflag:s8] =	dma.local @!p0 [hbm:s6], $0xF7A  }
0x23: {  	s9 =	sor.u32 $0xD0000000, s2;
	s6 =	simm.s32 $0x108;
	_ =	swait.ge @!p0 [sflag:s8], $0x0  }
0x24: {  	s3 =	sadd.s32 $0x88, s3;
	s6 =	simm.s32 @!p1 $0x1082;
	[sflag:s4] =	ssyncset.s32 $0xFFFFF086  }
0x25: {  	[simem:s6], [sflag:s4] =	dma.local [hbm:s3], $0xF7A  }
0x26: {  	[smem:$0x3F96] =	sst s1;
	(tag) =	ssettag s2;
	_ =	strace s9  }
0x27: {  	s1 =	sld [smem:$0x3FA6]  }
0x28: {  	s2 =	sld [smem:$0x3FA7]  }
0x29: {  	s4 =	sld [smem:$0x3FA9]  }
0x2a: {  	p0 =	seq.s32 s5, $0x0;
	s5 =	sld [smem:$0x3FAA]  }
0x2b: {  	s6 =	sld [smem:$0x3FAB]  }
0x2c: {  	s7 =	sld [smem:$0x3FAC]  }
0x2d: {  	s3 =	simm.s32 $0x108;
	s8 =	sld [smem:$0x3FAD]  }
0x2e: {  	s3 =	simm.s32 @!p0 $0x1082;
	s9 =	sld [smem:$0x3FAE]  }
0x2f: {  	lr =	sadd.s32 s0, s3;
	s0 =	sld [smem:$0x3FA5]  }
0x30: {  	s3 =	sld [smem:$0x3FA8]  }
0x31: {  	[smem:$0x3FB1] =	sst s10  }
0x32: {  	s10 =	sld [smem:$0x3FAF];
	_ =	sdelay $0x3  }
0x33: {  	p0 =	seq.s32 s10, $0x1;
	s10 =	sld [smem:$0x3FB1];
	_ =	sdelay $0x3  }
0x34: {  	[smem:$0x3FB1] =	sst s10  }
0x35: {  	s10 =	sld [smem:$0x3FB0];
	_ =	sdelay $0x3  }
0x36: {  	p1 =	seq.s32 s10, $0x1;
	s10 =	sld [smem:$0x3FB1];
	_ =	sdelay $0x3  }
0x37: {  	[smem:$0x3FB1] =	sst s10  }
0x38: {  	s10 =	sld [smem:$0x3FB2]  }
0x39: {  	_ = 	snop;
	(pc) =	sbr.ind lr, $3  }
0x3a: {  	_ = 	snop  }
0x3b: {  	_ = 	snop  }
0x3c: {  	p2 =	seq.s32 s10, $0x1;
	s10 =	sld [smem:$0x3FB1]  }
0x3d: {  	_ =	shalt  }
0x3e: {  	_ =	shalt  }
0x3f: {  	_ =	shalt  }
0x40: {  	_ =	shalt  }
0x41: {  	_ =	shalt  }
0x42: {  	_ =	shalt  }
0x43: {  	_ =	shalt  }
0x44: {  	_ =	shalt  }
0x45: {  	_ =	shalt  }
0x46: {  	_ =	shalt  }
0x47: {  	_ =	shalt  }
0x48: {  	_ =	shalt  }
0x49: {  	_ =	shalt  }
0x4a: {  	_ =	shalt  }
0x4b: {  	_ =	shalt  }
0x4c: {  	_ =	shalt  }
0x4d: {  	_ =	shalt  }
0x4e: {  	_ =	shalt  }
0x4f: {  	_ =	shalt  }
0x50: {  	_ =	shalt  }
0x51: {  	_ =	shalt  }
0x52: {  	_ =	shalt  }
0x53: {  	_ =	shalt  }
0x54: {  	_ =	shalt  }
0x55: {  	_ =	shalt  }
0x56: {  	_ =	shalt  }
0x57: {  	_ =	shalt  }
0x58: {  	_ =	shalt  }
0x59: {  	_ =	shalt  }
0x5a: {  	_ =	shalt  }
0x5b: {  	_ =	shalt  }
0x5c: {  	_ =	shalt  }
0x5d: {  	_ =	shalt  }
0x5e: {  	_ =	shalt  }
0x5f: {  	_ =	shalt  }
0x60: {  	_ =	shalt  }
0x61: {  	_ =	shalt  }
0x62: {  	_ =	shalt  }
0x63: {  	_ =	shalt  }
0x64: {  	_ =	shalt  }
0x65: {  	_ =	shalt  }
0x66: {  	_ =	shalt  }
0x67: {  	_ =	shalt  }
0x68: {  	_ =	shalt  }
0x69: {  	_ =	shalt  }
0x6a: {  	_ =	shalt  }
0x6b: {  	_ =	shalt  }
0x6c: {  	_ =	shalt  }
0x6d: {  	_ =	shalt  }
0x6e: {  	_ =	shalt  }
0x6f: {  	_ =	shalt  }
0x70: {  	_ =	shalt  }
0x71: {  	_ =	shalt  }
0x72: {  	_ =	shalt  }
0x73: {  	_ =	shalt  }
0x74: {  	_ =	shalt  }
0x75: {  	_ =	shalt  }
0x76: {  	_ =	shalt  }
0x77: {  	_ =	shalt  }
0x78: {  	_ =	shalt  }
0x79: {  	_ =	shalt  }
0x7a: {  	_ =	shalt  }
0x7b: {  	_ =	shalt  }
0x7c: {  	_ =	shalt  }
0x7d: {  	_ =	shalt  }
0x7e: {  	_ =	shalt  }
0x7f: {  	_ =	shalt  }
0x80: {  	_ =	shalt  }
0x81: {  	_ =	shalt  }
0x82: {  	_ =	shalt  }
0x83: {  	_ =	shalt  }
0x84: {  	_ =	shalt  }
0x85: {  	_ =	shalt  }
0x86: {  	_ =	shalt  }
0x87: {  	_ =	shalt  }
.Lfunc_end0:
.L_simem_size_0:
called_computation.1_lowered:
.L_overlay_start_0:
0x88: {  	s2 =	sld [smem:$0x3FD9]  }
0x89: {  	s3 =	sld [smem:$0x3FFE];
	_ =	sdelay $0x1  }
0x8a: {  	s1 =	srdreg.scid  }
0x8b: {  	s0 =	sand.u32 $0x1, s1  }
0x8c: {  	s17 =	sshll.u32 s0, $0xA;
	s2 =	sadd.s32 s3, s2  }
0x8d: {  	s2 =	sadd.s32 s2, s17  }
0x8e: {  	[smem:$0x3FBD] =	sst s2  }
0x8f: {  	_ = 	snop  }
0x90: {  	s2 =	sld [smem:$0x3FD0];
	(tm) =	ssettm $0x1  }
0x91: {  	s18 =	sld [smem:$0x3FFB];
	_ =	sdelay $0x3  }
0x92: {  	_ =	strace s18  }
0x93: {  	s3 =	sld [smem:$0x3FFC];
	_ =	sdelay $0x3  }
0x94: {  	_ =	strace s3  }
0x95: {  	s3 =	sld [smem:$0x3FFD];
	_ =	sdelay $0x3  }
0x96: {  	_ =	strace s3  }
0x97: {  	_ =	strace $0x8FFFFFFF  }
0x98: {  	s19 =	sld [smem:$0x3FDB];
	_ =	sdelay $0x1  }
0x99: {  	s4 =	simm.s32 $_scs_section_size  }
0x9a: {  	s5 =	simm.s32 $_size__tile_overlayer_lowered;
	s6 =	simm.s32 $_tile_overlayer_lowered  }
0x9b: {  	s22 =	simm.s32 $0x1BFF;
	s21 =	sshll.u32 s6, $0x1;
	s3 =	sadd.s32 s4, s19  }
0x9c: {  	s7 =	simm.s32 $0x0;
	s20 =	sshll.u32 s5, $0x1;
	s5 =	sadd.s32 s21, s3  }
0x9d: {  	[timem:s7], [sflag:s22] =	dma.local [hbm:s5], s20  }
0x9e: {  	_ =	swait.ge [sflag:s22], s20  }
0x9f: {  	s4 =	ssub.s32 $0x0, s20;
	[sflag:s22] =	ssyncset.done $0x0  }
0xa0: {  	[sflag:s22] =	ssyncadd.s32 s4;
	_ =	sdelay $0x1  }
0xa1: {  	s23 =	simm.s32 $0x1B8B  }
0xa2: {  	_ =	swait.ge [sflag:s23], $0x1  }
0xa3: {  	[sflag:s23] =	ssyncset.done $0x0  }
0xa4: {  	s25 =	simm.s32 $0x1B8E;
	s24 =	sld [smem:$0x3FFE];
	[sflag:s23] =	ssyncadd.s32 $0xFFFFFFFF  }
0xa5: {  	s26 =	simm.s32 $execute0_lowered;
	[smem:$0x3FD2] =	sst s25  }
0xa6: {  	s5 =	sshll.u32 s26, $0x1;
	_ =	strace $0x80000049;
	[dreg:$0x1] =	wrdreg $0xFFFFFFFF  }
0xa7: {  	s28 =	simm.s32 $_size_execute0_lowered;
	s3 =	sadd.s32 s3, s5;
	[dreg:$0x0] =	wrdreg $0x0  }
0xa8: {  	s5 =	sshll.u32 s28, $0x1;
	[dreg:$0x2] =	wrdreg s3  }
0xa9: {  	[dreg:$0x3] =	wrdreg s5  }
0xaa: {  	[dreg:$0x4] =	wrdreg $0xC0  }
0xab: {  	_ =	task [dreg:s7], $0x5FFFF  }
0xac: {  	[dreg:$0x1] =	wrdreg $0xFFFFFFFF  }
0xad: {  	[dreg:$0x0] =	wrdreg $0x60  }
0xae: {  	[dreg:$0x2] =	wrdreg s24  }
0xaf: {  	[dreg:$0x3] =	wrdreg s2  }
0xb0: {  	[dreg:$0x4] =	wrdreg $0x50000  }
0xb1: {  	[dreg:$0x5] =	wrdreg $0x9  }
0xb2: {  	_ =	task.clear_ibuf [dreg:s7], $0x6FFFF;
	_ =	strace $0x90000049  }
0xb3: {  	s29 =	simm.s32 $0x9;
	_ =	strace $0x8000004B  }
0xb4: {  	_ =	swait.ge [sflag:s29], $0x1  }
0xb5: {  	[sflag:s29] =	ssyncadd.s32 $0xFFFFFFFF  }
0xb6: {  	_ =	strace $0x9000004B  }
0xb7: {  	_ =	sfence  }
0xb8: {  	s30 =	sld [smem:$0x0];
	_ =	sdelay $0x2  }
0xb9: {  	s31 =	sshll.u32 s1, $0xD;
	s1 =	sshrl.u32 s1, $0x2  }
0xba: {  	s3 =	sand.u32 $0x4000, s31;
	s1 =	sadd.s32 s1, s30  }
0xbb: {  	s0 =	sor.u32 s3, s0;
	s1 =	sshll.u32 s1, $0x11  }
0xbc: {  	s0 =	sor.u32 s1, s0  }
0xbd: {  	s0 =	sadd.s32 $0x8F2B, s0  }
0xbe: {  	[sflag:s0] =	ssyncadd.remote.s32 $0x1  }
0xbf: {  	_ =	sfence.sel $0xFFFF  }
0xc0: {  	[dreg:$0x0] =	wrdreg $0xFFFFFFFF;
	(pc) =	sbr.abs _section_cstart, $3  }
0xc1: {  	[dreg:$0x1] =	wrdreg $0xFFFFFFFF  }
0xc2: {  	_ =	task.clear_ibuf [dreg:s7], $0x2FFFF;
	_ =	strace $0x9FFFFFFF  }
0xc3: {  	(tm) =	ssettm $0x7FFFFFFF  }
tec
execute0_lowered:
.L_overlay_start_1:
0x0: {  	(tag) =	ssettag $0x1  }
0x1: {  	s0 =	rddreg [dreg:$0x0]  }
0x2: {  	s1 =	rddreg [dreg:$0x1]  }
0x3: {  	s2 =	rddreg [dreg:$0x2]  }
0x4: {  	s3 =	simm.s32 $0x0;
	s5 =	srdreg.scid;
	s20 =	stileid.u32  }
0x5: {  	s29 =	simm.s32 $0x400;
	s19 =	simm.s32 $0x5;
	s16 =	simm.s32 $0x200  }
0x6: {  	s28 =	simm.s32 $0x4000;
	s30 =	simm.s32 $0x4800;
	s14 =	simm.s32 $0x2800  }
0x7: {  	s15 =	simm.s32 $0x2;
	s12 =	simm.s32 $0x0;
	[smem:$0x7FF] =	sst s3  }
0x8: {  	s17 =	sadd.s32 $0x35800, s0;
	s5 =	sand.u32 $0x1, s5;
	s21 =	sadd.s32 $0x4800, s0  }
0x9: {  	s7 =	sadd.s32 $0x6D000, s0;
	s4 =	sadd.s32 $0x9E000, s0;
	s10 =	smul.u32 $0x18800, s20  }
0xa: {  	s23 =	sshll.u32 s20, $0x6;
	s11 =	smul.u32 $0x3100, s20;
	s20 =	simm.s32 $0x80  }
0xb: {  	_ =	strace $0x8000004A;
	s8 =	smul.u32 $0x31000, s5;
	[dreg:$0x6] =	wrdreg s4  }
0xc: {  	s9 =	ssub.s32 $0x2, s5;
	s6 =	sor.u32 $0x1C06, s23;
	[dreg:$0x4] =	wrdreg s17  }
0xd: {  	p0 =	seq.s32 s5, $0x1;
	s5 =	simm.s32 $0x1;
	[dreg:$0x5] =	wrdreg s21  }
0xe: {  	s22 =	sshrl.u32 s9, $0x1;
	s13 =	sadd.s32 s10, s2;
	s4 =	sadd.s32 s17, s11  }
0xf: {  	s24 =	sadd.s32 s21, s11;
	s23 =	sadd.s32 $0x800, s10;
	s25 =	sshrl.u32 s10, $0x3  }
0x10: {  	s11 =	simm.s32 $0x2000;
	[dreg:$0x7] =	wrdreg s6;
	s0 =	sadd.s32 s8, s0  }
0x11: {  	s8 =	ssub.s32 s9, s22;
	[dreg:$0x9] =	wrdreg s24;
	s26 =	sadd.s32 $0x80, s24  }
0x12: {  	[dreg:$0x8] =	wrdreg s4;
	s4 =	sadd.s32 $0x80, s4;
	s10 =	sshrl.u32 s13, $0x3  }
0x13: {  	s13 =	simm.s32 $0x6;
	s22 =	simm.s32 $0x3000;
	s24 =	simm.s32 $0x1800  }
.Ltmp0:
0x14: {  	s9 =	simm.s32 $0x4;
	[dreg:$0xb] =	wrdreg s26;
	(pc) =	sbr.rel .LBB2_1-.Ltmp0, $4  }
0x15: {  	s31 =	smov.u32 s23;
	s0 =	sadd.s32 $0xA1200, s0;
	[dreg:$0xc] =	wrdreg s4  }
0x16: {  	s8 =	smax.u32 s8, $0x1;
	s26 =	simm.s32 $0x3;
	[dreg:$0xd] =	wrdreg s10  }
0x17: {  	[dreg:$0xa] =	wrdreg s8;
	s0 =	sadd.s32 s25, s0;
	s25 =	simm.s32 $0x3800  }
0x18: {  	s8 =	simm.s32 $0x1000;
	[dreg:$0xe] =	wrdreg s0;
	s0 =	simm.s32 $0x300  }
.LBB2_7:
0x19: {  	s0 =	simm.s32 $0xF00;
	s6 =	rddreg [dreg:$0x7]  }
0x1a: {  	[spmem:s2] =	stream.indirect.scatter.add.f32 [tilespmem:s28], [sflag:$0x4], $0x10, s0, s20, $0xb8;
	[tilespmem:$0x1D800] =	vst v63  }
0x1b: {  	s23 =	smov.u32 s31;
	s29 =	simm.s32 $0xF80;
	s12 =	rddreg [dreg:$0xf]  }
0x1c: {  	[spmem:s2] =	stream.indirect.scatter.add.f32 [tilespmem:s30], [sflag:$0x4], $0x10, s29, s20, $0xb8;
	[tilespmem:$0x1D800] =	vst v63  }
.LBB2_8:
0x1d: {  	_ =	swait.ge [sflag:s19], $0x400  }
0x1e: {  	[sflag:s19] =	ssyncset.done $0x0  }
0x1f: {  	[sflag:s19] =	ssyncadd.s32 $0xFFFFFC00  }
0x20: {  	_ =	swait.ge [sflag:s19], $0x400  }
0x21: {  	[sflag:s19] =	ssyncset.done $0x0  }
0x22: {  	[sflag:s19] =	ssyncadd.s32 $0xFFFFFC00  }
0x23: {  	_ =	swait.ge [sflag:s26], $0x2000  }
0x24: {  	[sflag:s26] =	ssyncset.done $0x0  }
0x25: {  	[sflag:s26] =	ssyncadd.s32 $0xFFFFE000  }
0x26: {  	_ =	swait.ge [sflag:s9], $0x2000  }
0x27: {  	[sflag:s9] =	ssyncset.done $0x0  }
0x28: {  	[sflag:s9] =	ssyncadd.s32 $0xFFFFE000  }
0x29: {  	[bflag:$0x0] =	sbarrier.arrive $0xFFFF  }
0x2a: {  	s10 =	rddreg [dreg:$0xd]  }
0x2b: {  	s13 =	simm.s32 $0x6;
	s0 =	rddreg [dreg:$0xe]  }
0x2c: {  	[hbm:s0], [sflag:s6] =	dma.local [spmem:s10], $0x3100  }
0x2d: {  	_ =	swait.ge [sflag:s13], $0x3100  }
0x2e: {  	s12 =	sadd.s32 $0x1, s12;
	s4 =	rddreg [dreg:$0xa]  }
0x2f: {  	p1 =	sne.s32 s12, s4  }
.Ltmp1:
0x30: {  	_ = 	snop;
	(pc) =	sbr.rel @!p1 .LBB2_9-.Ltmp1, $3  }
0x31: {  	_ =	sdelay $0x1  }
0x32: {  	s29 =	simm.s32 $0x400;
	[sflag:s13] =	ssyncset.done $0x0  }
0x33: {  	s16 =	simm.s32 $0x200;
	s0 =	simm.s32 $0x300;
	[sflag:s13] =	ssyncadd.s32 $0xFFFFCF00  }
.LBB2_1:
0x34: {  	[dreg:$0xf] =	wrdreg s12  }
0x35: {  	s4 =	rddreg [dreg:$0x6]  }
0x36: {  	[spmem:s10], [sflag:s6] =	dma.local [hbm:s4], $0x3100  }
0x37: {  	_ =	swait.ge [sflag:s13], $0x3100  }
0x38: {  	[sflag:s13] =	ssyncset.done $0x0  }
0x39: {  	[sflag:s13] =	ssyncadd.s32 $0xFFFFCF00  }
.Ltmp2:
0x3a: {  	[bflag:$0x0] =	sbarrier.arrive $0xFFFF;
	(pc) =	sbr.rel @!p0 .LBB2_2-.Ltmp2, $4  }
0x3b: {  	s13 =	rddreg [dreg:$0x8]  }
0x3c: {  	[tilespmem:s3], [sflag:$0x5] =	stream.linear.gather [hbm4b:s13+s3], $0x400, $0x38;
	[tilespmem:$0x1D800] =	vst v63  }
0x3d: {  	s18 =	rddreg [dreg:$0x9]  }
0x3e: {  	[tilespmem:s29], [sflag:$0x5] =	stream.linear.gather [hbm4b:s18+s3], $0x400, $0x38;
	[tilespmem:$0x1D800] =	vst v63  }
0x3f: {  	_ =	swait.ge [sflag:s19], $0x400  }
0x40: {  	[sflag:s19] =	ssyncset.done $0x0  }
0x41: {  	[sflag:s19] =	ssyncadd.s32 $0xFFFFFC00  }
0x42: {  	p1 =	por $0x1, $0x1;
	_ =	swait.ge [sflag:s19], $0x400  }
0x43: {  	s4 =	simm.s32 @p1 $0x80;
	[sflag:s19] =	ssyncset.done $0x0  }
0x44: {  	s6 =	simm.s32 @p1 $0x0;
	s10 =	simm.s32 @p1 $0x1000;
	[sflag:s19] =	ssyncadd.s32 $0xFFFFFC00  }
0x45: {  	[tilespmem:s10], [sflag:$0x1] =	stream.indirect.gather @p1 [hbm4b:s7+s4], $0x10, s6, s4, $0xb8;
	[tilespmem:$0x1D800] =	vst v63  }
0x46: {  	s6 =	simm.s32 @p1 $0x1800  }
0x47: {  	[tilespmem:s6], [sflag:$0x1] =	stream.indirect.gather @p1 [hbm4b:s7+s4], $0x10, s4, s4, $0xb8;
	[tilespmem:$0x1D800] =	vst v63  }
0x48: {  	s10 =	simm.s32 @p1 $0x2000;
	s6 =	simm.s32 @p1 $0x100  }
0x49: {  	[tilespmem:s10], [sflag:$0x1] =	stream.indirect.gather @p1 [hbm4b:s7+s4], $0x10, s6, s4, $0xb8;
	[tilespmem:$0x1D800] =	vst v63  }
0x4a: {  	s6 =	simm.s32 @p1 $0x180;
	s10 =	simm.s32 @p1 $0x2800  }
0x4b: {  	[tilespmem:s10], [sflag:$0x1] =	stream.indirect.gather @p1 [hbm4b:s7+s4], $0x10, s6, s4, $0xb8;
	[tilespmem:$0x1D800] =	vst v63  }
0x4c: {  	s4 =	simm.s32 @!p1 $0x3  }
0x4d: {  	_ =	swait.ge @!p1 [sflag:s4], $0x2000  }
0x4e: {  	s6 =	simm.s32 @!p1 $0x1000;
	[sflag:s4] =	ssyncset.done @!p1 $0x0  }
0x4f: {  	s10 =	simm.s32 @!p1 $0x80;
	[sflag:s4] =	ssyncadd.s32 @!p1 $0xFFFFE000;
	s4 =	simm.s32 @!p1 $0x0  }
0x50: {  	[tilespmem:s6], [sflag:$0x1] =	stream.indirect.gather @!p1 [hbm4b:s7+s10], $0x10, s4, s10, $0xb8;
	[tilespmem:$0x1D800] =	vst v63  }
0x51: {  	s4 =	simm.s32 @!p1 $0x1800  }
0x52: {  	[tilespmem:s4], [sflag:$0x1] =	stream.indirect.gather @!p1 [hbm4b:s7+s10], $0x10, s10, s10, $0xb8;
	[tilespmem:$0x1D800] =	vst v63  }
0x53: {  	s6 =	simm.s32 @!p1 $0x2000;
	s4 =	simm.s32 @!p1 $0x100  }
0x54: {  	[tilespmem:s6], [sflag:$0x1] =	stream.indirect.gather @!p1 [hbm4b:s7+s10], $0x10, s4, s10, $0xb8;
	[tilespmem:$0x1D800] =	vst v63  }
0x55: {  	s4 =	simm.s32 @!p1 $0x180;
	s6 =	simm.s32 @!p1 $0x2800  }
0x56: {  	[tilespmem:s6], [sflag:$0x1] =	stream.indirect.gather @!p1 [hbm4b:s7+s10], $0x10, s4, s10, $0xb8;
	[tilespmem:$0x1D800] =	vst v63  }
0x57: {  	s4 =	simm.s32 @!p1 $0x4  }
0x58: {  	_ =	swait.ge @!p1 [sflag:s4], $0x2000  }
0x59: {  	[sflag:s4] =	ssyncset.done @!p1 $0x0  }
0x5a: {  	[sflag:s4] =	ssyncadd.s32 @!p1 $0xFFFFE000  }
0x5b: {  	[tilespmem:s22], [sflag:$0x2] =	stream.indirect.gather [hbm4b:s7+s20], $0x10, s16, s20, $0xb8;
	[tilespmem:$0x1D800] =	vst v63  }
0x5c: {  	s16 =	simm.s32 $0x280  }
0x5d: {  	[tilespmem:s25], [sflag:$0x2] =	stream.indirect.gather [hbm4b:s7+s20], $0x10, s16, s20, $0xb8;
	[tilespmem:$0x1D800] =	vst v63  }
0x5e: {  	_ = 	snop  }
0x5f: {  	[tilespmem:s28], [sflag:$0x2] =	stream.indirect.gather [hbm4b:s7+s20], $0x10, s0, s20, $0xb8;
	[tilespmem:$0x1D800] =	vst v63  }
0x60: {  	s18 =	simm.s32 $0x380  }
0x61: {  	[tilespmem:s30], [sflag:$0x2] =	stream.indirect.gather [hbm4b:s7+s20], $0x10, s18, s20, $0xb8;
	[tilespmem:$0x1D800] =	vst v63  }
0x62: {  	s12 =	simm.s32 $0x800;
	s16 =	rddreg [dreg:$0xc]  }
0x63: {  	[tilespmem:s12], [sflag:$0x5] =	stream.linear.gather [hbm4b:s16+s3], $0x400, $0x38;
	[tilespmem:$0x1D800] =	vst v63  }
0x64: {  	s10 =	rddreg [dreg:$0xb];
	s18 =	simm.s32 $0xC00  }
0x65: {  	[tilespmem:s18], [sflag:$0x5] =	stream.linear.gather [hbm4b:s10+s3], $0x400, $0x38;
	[tilespmem:$0x1D800] =	vst v63  }
0x66: {  	_ =	swait.ge [sflag:s5], $0x2000  }
0x67: {  	[sflag:s5] =	ssyncset.done $0x0  }
0x68: {  	[sflag:s5] =	ssyncadd.s32 $0xFFFFE000  }
0x69: {  	[spmem:s2] =	stream.indirect.scatter.add.f32 [tilespmem:s8], [sflag:$0x3], $0x10, s29, s20, $0xb8;
	[tilespmem:$0x1D800] =	vst v63  }
0x6a: {  	s4 =	simm.s32 $0x480  }
0x6b: {  	[spmem:s2] =	stream.indirect.scatter.add.f32 [tilespmem:s24], [sflag:$0x3], $0x10, s4, s20, $0xb8;
	[tilespmem:$0x1D800] =	vst v63  }
0x6c: {  	s6 =	simm.s32 $0x500  }
0x6d: {  	[spmem:s2] =	stream.indirect.scatter.add.f32 [tilespmem:s11], [sflag:$0x3], $0x10, s6, s20, $0xb8;
	[tilespmem:$0x1D800] =	vst v63  }
0x6e: {  	s13 =	simm.s32 $0x580  }
0x6f: {  	[spmem:s2] =	stream.indirect.scatter.add.f32 [tilespmem:s14], [sflag:$0x3], $0x10, s13, s20, $0xb8;
	[tilespmem:$0x1D800] =	vst v63  }
0x70: {  	_ =	swait.ge [sflag:s15], $0x2000  }
0x71: {  	[sflag:s15] =	ssyncset.done $0x0  }
0x72: {  	s4 =	simm.s32 $0x600;
	[sflag:s15] =	ssyncadd.s32 $0xFFFFE000  }
0x73: {  	[spmem:s2] =	stream.indirect.scatter.add.f32 [tilespmem:s22], [sflag:$0x4], $0x10, s4, s20, $0xb8;
	[tilespmem:$0x1D800] =	vst v63  }
0x74: {  	s6 =	simm.s32 $0x680  }
0x75: {  	[spmem:s2] =	stream.indirect.scatter.add.f32 [tilespmem:s25], [sflag:$0x4], $0x10, s6, s20, $0xb8;
	[tilespmem:$0x1D800] =	vst v63  }
0x76: {  	s13 =	simm.s32 $0x700  }
0x77: {  	[spmem:s2] =	stream.indirect.scatter.add.f32 [tilespmem:s28], [sflag:$0x4], $0x10, s13, s20, $0xb8;
	[tilespmem:$0x1D800] =	vst v63  }
0x78: {  	s4 =	simm.s32 $0x780  }
0x79: {  	[spmem:s2] =	stream.indirect.scatter.add.f32 [tilespmem:s30], [sflag:$0x4], $0x10, s4, s20, $0xb8;
	[tilespmem:$0x1D800] =	vst v63  }
0x7a: {  	_ =	swait.ge [sflag:s19], $0x400  }
0x7b: {  	[sflag:s19] =	ssyncset.done $0x0  }
0x7c: {  	[sflag:s19] =	ssyncadd.s32 $0xFFFFFC00  }
0x7d: {  	_ =	swait.ge [sflag:s19], $0x400  }
0x7e: {  	[sflag:s19] =	ssyncset.done $0x0  }
0x7f: {  	[sflag:s19] =	ssyncadd.s32 $0xFFFFFC00  }
0x80: {  	_ =	swait.ge [sflag:s26], $0x2000  }
0x81: {  	[sflag:s26] =	ssyncset.done $0x0  }
0x82: {  	[sflag:s26] =	ssyncadd.s32 $0xFFFFE000  }
0x83: {  	[tilespmem:s8], [sflag:$0x1] =	stream.indirect.gather [hbm4b:s7+s20], $0x10, s12, s20, $0xb8;
	[tilespmem:$0x1D800] =	vst v63  }
0x84: {  	s6 =	simm.s32 $0x880  }
0x85: {  	[tilespmem:s24], [sflag:$0x1] =	stream.indirect.gather [hbm4b:s7+s20], $0x10, s6, s20, $0xb8;
	[tilespmem:$0x1D800] =	vst v63  }
0x86: {  	s13 =	simm.s32 $0x900  }
0x87: {  	[tilespmem:s11], [sflag:$0x1] =	stream.indirect.gather [hbm4b:s7+s20], $0x10, s13, s20, $0xb8;
	[tilespmem:$0x1D800] =	vst v63  }
0x88: {  	s4 =	simm.s32 $0x980  }
0x89: {  	[tilespmem:s14], [sflag:$0x1] =	stream.indirect.gather [hbm4b:s7+s20], $0x10, s4, s20, $0xb8;
	[tilespmem:$0x1D800] =	vst v63  }
0x8a: {  	_ =	swait.ge [sflag:s9], $0x2000  }
0x8b: {  	[sflag:s9] =	ssyncset.done $0x0  }
0x8c: {  	s6 =	simm.s32 $0xA00;
	s13 =	smin.u32 s3, $0x5F;
	[sflag:s9] =	ssyncadd.s32 $0xFFFFE000  }
0x8d: {  	[tilespmem:s22], [sflag:$0x2] =	stream.indirect.gather [hbm4b:s7+s20], $0x10, s6, s20, $0xb8;
	[tilespmem:$0x1D800] =	vst v63  }
0x8e: {  	s4 =	sshll.u32 s13, $0xA;
	s6 =	simm.s32 $0xA80  }
0x8f: {  	[tilespmem:s25], [sflag:$0x2] =	stream.indirect.gather [hbm4b:s7+s20], $0x10, s6, s20, $0xb8;
	[tilespmem:$0x1D800] =	vst v63  }
0x90: {  	s13 =	simm.s32 $0xB00;
	s4 =	sadd.s32 s4, s23  }
0x91: {  	[tilespmem:s28], [sflag:$0x2] =	stream.indirect.gather [hbm4b:s7+s20], $0x10, s13, s20, $0xb8;
	[tilespmem:$0x1D800] =	vst v63  }
0x92: {  	s23 =	simm.s32 $0xB80;
	s4 =	sshrl.u32 s4, $0x3  }
0x93: {  	[tilespmem:s30], [sflag:$0x2] =	stream.indirect.gather [hbm4b:s7+s20], $0x10, s23, s20, $0xb8;
	[tilespmem:$0x1D800] =	vst v63  }
0x94: {  	s0 =	sadd.s32 s17, s4  }
0x95: {  	[tilespmem:s3], [sflag:$0x5] =	stream.linear.gather [hbm4b:s0+s3], $0x400, $0x38;
	[tilespmem:$0x1D800] =	vst v63  }
0x96: {  	s4 =	sadd.s32 s21, s4  }
0x97: {  	[tilespmem:s29], [sflag:$0x5] =	stream.linear.gather [hbm4b:s4+s3], $0x400, $0x38;
	[tilespmem:$0x1D800] =	vst v63  }
0x98: {  	_ =	swait.ge [sflag:s5], $0x2000  }
0x99: {  	[sflag:s5] =	ssyncset.done $0x0  }
0x9a: {  	[sflag:s5] =	ssyncadd.s32 $0xFFFFE000  }
0x9b: {  	[spmem:s2] =	stream.indirect.scatter.add.f32 [tilespmem:s8], [sflag:$0x3], $0x10, s18, s20, $0xb8;
	[tilespmem:$0x1D800] =	vst v63  }
0x9c: {  	s6 =	simm.s32 $0xC80  }
0x9d: {  	[spmem:s2] =	stream.indirect.scatter.add.f32 [tilespmem:s24], [sflag:$0x3], $0x10, s6, s20, $0xb8;
	[tilespmem:$0x1D800] =	vst v63  }
0x9e: {  	s13 =	simm.s32 $0xD00  }
0x9f: {  	[spmem:s2] =	stream.indirect.scatter.add.f32 [tilespmem:s11], [sflag:$0x3], $0x10, s13, s20, $0xb8;
	[tilespmem:$0x1D800] =	vst v63  }
0xa0: {  	s17 =	simm.s32 $0xD80  }
0xa1: {  	[spmem:s2] =	stream.indirect.scatter.add.f32 [tilespmem:s14], [sflag:$0x3], $0x10, s17, s20, $0xb8;
	[tilespmem:$0x1D800] =	vst v63  }
0xa2: {  	_ =	swait.ge [sflag:s15], $0x2000  }
0xa3: {  	s21 =	simm.s32 $0xE00;
	[sflag:s15] =	ssyncset.done $0x0  }
0xa4: {  	s23 =	simm.s32 $0xE80;
	s0 =	simm.s32 $0x400;
	[sflag:s15] =	ssyncadd.s32 $0xFFFFE000  }
0xa5: {  	[spmem:s2] =	stream.indirect.scatter.add.f32 [tilespmem:s22], [sflag:$0x4], $0x10, s21, s20, $0xb8;
	[tilespmem:$0x1D800] =	vst v63  }
0xa6: {  	s29 =	simm.s32 $0x2;
	s13 =	sadd.s32 $0x100, s10;
	s10 =	sadd.s32 $0x100, s16  }
0xa7: {  	[spmem:s2] =	stream.indirect.scatter.add.f32 [tilespmem:s25], [sflag:$0x4], $0x10, s23, s20, $0xb8;
	[tilespmem:$0x1D800] =	vst v63  }
.LBB2_6:
0xa8: {  	s4 =	simm.s32 $0xF00  }
0xa9: {  	[spmem:s2] =	stream.indirect.scatter.add.f32 [tilespmem:s28], [sflag:$0x4], $0x10, s4, s20, $0xb8;
	[tilespmem:$0x1D800] =	vst v63  }
0xaa: {  	s23 =	simm.s32 $0xF80  }
0xab: {  	[spmem:s2] =	stream.indirect.scatter.add.f32 [tilespmem:s30], [sflag:$0x4], $0x10, s23, s20, $0xb8;
	[tilespmem:$0x1D800] =	vst v63  }
0xac: {  	_ =	swait.ge [sflag:s19], $0x400  }
0xad: {  	[sflag:s19] =	ssyncset.done $0x0  }
0xae: {  	s16 =	smov.u32 s29;
	[sflag:s19] =	ssyncadd.s32 $0xFFFFFC00  }
0xaf: {  	p2 =	seq.s32 s16, $0x0;
	_ =	swait.ge [sflag:s19], $0x400  }
0xb0: {  	s4 =	simm.s32 @p2 $0x80;
	[sflag:s19] =	ssyncset.done $0x0  }
0xb1: {  	s6 =	simm.s32 @p2 $0x0;
	s17 =	simm.s32 @p2 $0x1000;
	[sflag:s19] =	ssyncadd.s32 $0xFFFFFC00  }
0xb2: {  	[tilespmem:s17], [sflag:$0x1] =	stream.indirect.gather @p2 [hbm4b:s7+s4], $0x10, s6, s4, $0xb8;
	[tilespmem:$0x1D800] =	vst v63  }
0xb3: {  	s21 =	simm.s32 @p2 $0x1800  }
0xb4: {  	[tilespmem:s21], [sflag:$0x1] =	stream.indirect.gather @p2 [hbm4b:s7+s4], $0x10, s4, s4, $0xb8;
	[tilespmem:$0x1D800] =	vst v63  }
0xb5: {  	s6 =	simm.s32 @p2 $0x100;
	s17 =	simm.s32 @p2 $0x2000  }
0xb6: {  	[tilespmem:s17], [sflag:$0x1] =	stream.indirect.gather @p2 [hbm4b:s7+s4], $0x10, s6, s4, $0xb8;
	[tilespmem:$0x1D800] =	vst v63  }
0xb7: {  	s23 =	simm.s32 @p2 $0x2800;
	s21 =	simm.s32 @p2 $0x180;
	s6 =	simm.s32 @!p2 $0x3  }
0xb8: {  	[tilespmem:s23], [sflag:$0x1] =	stream.indirect.gather @p2 [hbm4b:s7+s4], $0x10, s21, s4, $0xb8;
	[tilespmem:$0x1D800] =	vst v63  }
0xb9: {  	_ =	swait.ge @!p2 [sflag:s6], $0x2000  }
0xba: {  	s17 =	simm.s32 @!p2 $0x80;
	[sflag:s6] =	ssyncset.done @!p2 $0x0  }
0xbb: {  	s4 =	simm.s32 @!p2 $0x1000;
	s21 =	simm.s32 @!p2 $0x0;
	[sflag:s6] =	ssyncadd.s32 @!p2 $0xFFFFE000  }
0xbc: {  	[tilespmem:s4], [sflag:$0x1] =	stream.indirect.gather @!p2 [hbm4b:s7+s17], $0x10, s21, s17, $0xb8;
	[tilespmem:$0x1D800] =	vst v63  }
0xbd: {  	s6 =	simm.s32 @!p2 $0x1800  }
0xbe: {  	[tilespmem:s6], [sflag:$0x1] =	stream.indirect.gather @!p2 [hbm4b:s7+s17], $0x10, s17, s17, $0xb8;
	[tilespmem:$0x1D800] =	vst v63  }
0xbf: {  	s23 =	simm.s32 @!p2 $0x2800;
	s4 =	simm.s32 @!p2 $0x100;
	s21 =	simm.s32 @!p2 $0x2000  }
0xc0: {  	[tilespmem:s21], [sflag:$0x1] =	stream.indirect.gather @!p2 [hbm4b:s7+s17], $0x10, s4, s17, $0xb8;
	[tilespmem:$0x1D800] =	vst v63  }
0xc1: {  	s6 =	simm.s32 @!p2 $0x180;
	s21 =	rddreg [dreg:$0x5];
	s4 =	simm.s32 @!p2 $0x4  }
0xc2: {  	[tilespmem:s23], [sflag:$0x1] =	stream.indirect.gather @!p2 [hbm4b:s7+s17], $0x10, s6, s17, $0xb8;
	[tilespmem:$0x1D800] =	vst v63  }
0xc3: {  	s17 =	rddreg [dreg:$0x4];
	_ =	swait.ge @!p2 [sflag:s4], $0x2000  }
0xc4: {  	[sflag:s4] =	ssyncset.done @!p2 $0x0  }
0xc5: {  	s6 =	simm.s32 $0x200;
	[sflag:s4] =	ssyncadd.s32 @!p2 $0xFFFFE000  }
0xc6: {  	[tilespmem:s22], [sflag:$0x2] =	stream.indirect.gather [hbm4b:s7+s20], $0x10, s6, s20, $0xb8;
	[tilespmem:$0x1D800] =	vst v63  }
0xc7: {  	s23 =	simm.s32 $0x280  }
0xc8: {  	[tilespmem:s25], [sflag:$0x2] =	stream.indirect.gather [hbm4b:s7+s20], $0x10, s23, s20, $0xb8;
	[tilespmem:$0x1D800] =	vst v63  }
0xc9: {  	s6 =	simm.s32 $0x300  }
0xca: {  	[tilespmem:s28], [sflag:$0x2] =	stream.indirect.gather [hbm4b:s7+s20], $0x10, s6, s20, $0xb8;
	[tilespmem:$0x1D800] =	vst v63  }
0xcb: {  	s23 =	simm.s32 $0x380  }
0xcc: {  	[tilespmem:s30], [sflag:$0x2] =	stream.indirect.gather [hbm4b:s7+s20], $0x10, s23, s20, $0xb8;
	[tilespmem:$0x1D800] =	vst v63  }
0xcd: {  	_ = 	snop  }
0xce: {  	[tilespmem:s12], [sflag:$0x5] =	stream.linear.gather [hbm4b:s10+s3], $0x400, $0x38;
	[tilespmem:$0x1D800] =	vst v63  }
0xcf: {  	_ = 	snop  }
0xd0: {  	[tilespmem:s18], [sflag:$0x5] =	stream.linear.gather [hbm4b:s13+s3], $0x400, $0x38;
	[tilespmem:$0x1D800] =	vst v63  }
0xd1: {  	_ =	swait.ge [sflag:s5], $0x2000  }
0xd2: {  	[sflag:s5] =	ssyncset.done $0x0  }
0xd3: {  	[sflag:s5] =	ssyncadd.s32 $0xFFFFE000  }
0xd4: {  	[spmem:s2] =	stream.indirect.scatter.add.f32 [tilespmem:s8], [sflag:$0x3], $0x10, s0, s20, $0xb8;
	[tilespmem:$0x1D800] =	vst v63  }
0xd5: {  	s6 =	simm.s32 $0x480  }
0xd6: {  	[spmem:s2] =	stream.indirect.scatter.add.f32 [tilespmem:s24], [sflag:$0x3], $0x10, s6, s20, $0xb8;
	[tilespmem:$0x1D800] =	vst v63  }
0xd7: {  	s23 =	simm.s32 $0x500  }
0xd8: {  	[spmem:s2] =	stream.indirect.scatter.add.f32 [tilespmem:s11], [sflag:$0x3], $0x10, s23, s20, $0xb8;
	[tilespmem:$0x1D800] =	vst v63  }
0xd9: {  	s6 =	simm.s32 $0x580  }
0xda: {  	[spmem:s2] =	stream.indirect.scatter.add.f32 [tilespmem:s14], [sflag:$0x3], $0x10, s6, s20, $0xb8;
	[tilespmem:$0x1D800] =	vst v63  }
0xdb: {  	_ =	swait.ge [sflag:s15], $0x2000  }
0xdc: {  	[sflag:s15] =	ssyncset.done $0x0  }
0xdd: {  	s23 =	simm.s32 $0x600;
	[sflag:s15] =	ssyncadd.s32 $0xFFFFE000  }
0xde: {  	[spmem:s2] =	stream.indirect.scatter.add.f32 [tilespmem:s22], [sflag:$0x4], $0x10, s23, s20, $0xb8;
	[tilespmem:$0x1D800] =	vst v63  }
0xdf: {  	s6 =	simm.s32 $0x680  }
0xe0: {  	[spmem:s2] =	stream.indirect.scatter.add.f32 [tilespmem:s25], [sflag:$0x4], $0x10, s6, s20, $0xb8;
	[tilespmem:$0x1D800] =	vst v63  }
0xe1: {  	s23 =	simm.s32 $0x700  }
0xe2: {  	[spmem:s2] =	stream.indirect.scatter.add.f32 [tilespmem:s28], [sflag:$0x4], $0x10, s23, s20, $0xb8;
	[tilespmem:$0x1D800] =	vst v63  }
0xe3: {  	s6 =	simm.s32 $0x780  }
0xe4: {  	[spmem:s2] =	stream.indirect.scatter.add.f32 [tilespmem:s30], [sflag:$0x4], $0x10, s6, s20, $0xb8;
	[tilespmem:$0x1D800] =	vst v63  }
0xe5: {  	_ =	swait.ge [sflag:s19], $0x400  }
0xe6: {  	[sflag:s19] =	ssyncset.done $0x0  }
0xe7: {  	[sflag:s19] =	ssyncadd.s32 $0xFFFFFC00  }
0xe8: {  	_ =	swait.ge [sflag:s19], $0x400  }
0xe9: {  	[sflag:s19] =	ssyncset.done $0x0  }
0xea: {  	[sflag:s19] =	ssyncadd.s32 $0xFFFFFC00  }
0xeb: {  	_ =	swait.ge [sflag:s26], $0x2000  }
0xec: {  	[sflag:s26] =	ssyncset.done $0x0  }
0xed: {  	[sflag:s26] =	ssyncadd.s32 $0xFFFFE000  }
0xee: {  	[tilespmem:s8], [sflag:$0x1] =	stream.indirect.gather [hbm4b:s7+s20], $0x10, s12, s20, $0xb8;
	[tilespmem:$0x1D800] =	vst v63  }
0xef: {  	s23 =	simm.s32 $0x880  }
0xf0: {  	[tilespmem:s24], [sflag:$0x1] =	stream.indirect.gather [hbm4b:s7+s20], $0x10, s23, s20, $0xb8;
	[tilespmem:$0x1D800] =	vst v63  }
0xf1: {  	s6 =	simm.s32 $0x900  }
0xf2: {  	[tilespmem:s11], [sflag:$0x1] =	stream.indirect.gather [hbm4b:s7+s20], $0x10, s6, s20, $0xb8;
	[tilespmem:$0x1D800] =	vst v63  }
0xf3: {  	s23 =	simm.s32 $0x980  }
0xf4: {  	[tilespmem:s14], [sflag:$0x1] =	stream.indirect.gather [hbm4b:s7+s20], $0x10, s23, s20, $0xb8;
	[tilespmem:$0x1D800] =	vst v63  }
0xf5: {  	_ =	swait.ge [sflag:s9], $0x2000  }
0xf6: {  	[sflag:s9] =	ssyncset.done $0x0  }
0xf7: {  	s6 =	simm.s32 $0xA00;
	s23 =	smin.u32 s16, $0x5F;
	[sflag:s9] =	ssyncadd.s32 $0xFFFFE000  }
0xf8: {  	[tilespmem:s22], [sflag:$0x2] =	stream.indirect.gather [hbm4b:s7+s20], $0x10, s6, s20, $0xb8;
	[tilespmem:$0x1D800] =	vst v63  }
0xf9: {  	s16 =	simm.s32 $0xA80;
	s4 =	sshll.u32 s23, $0xA  }
0xfa: {  	[tilespmem:s25], [sflag:$0x2] =	stream.indirect.gather [hbm4b:s7+s20], $0x10, s16, s20, $0xb8;
	[tilespmem:$0x1D800] =	vst v63  }
0xfb: {  	s23 =	simm.s32 $0xB00;
	s4 =	sadd.s32 s4, s31  }
0xfc: {  	[tilespmem:s28], [sflag:$0x2] =	stream.indirect.gather [hbm4b:s7+s20], $0x10, s23, s20, $0xb8;
	[tilespmem:$0x1D800] =	vst v63  }
0xfd: {  	s4 =	sshrl.u32 s4, $0x3;
	s16 =	simm.s32 $0xB80  }
0xfe: {  	[tilespmem:s30], [sflag:$0x2] =	stream.indirect.gather [hbm4b:s7+s20], $0x10, s16, s20, $0xb8;
	[tilespmem:$0x1D800] =	vst v63  }
0xff: {  	s23 =	sadd.s32 s17, s4  }
0x100: {  	[tilespmem:s3], [sflag:$0x5] =	stream.linear.gather [hbm4b:s23+s3], $0x400, $0x38;
	[tilespmem:$0x1D800] =	vst v63  }
0x101: {  	s4 =	sadd.s32 s21, s4  }
0x102: {  	[tilespmem:s0], [sflag:$0x5] =	stream.linear.gather [hbm4b:s4+s3], $0x400, $0x38;
	[tilespmem:$0x1D800] =	vst v63  }
0x103: {  	_ =	swait.ge [sflag:s5], $0x2000  }
0x104: {  	[sflag:s5] =	ssyncset.done $0x0  }
0x105: {  	[sflag:s5] =	ssyncadd.s32 $0xFFFFE000  }
0x106: {  	[spmem:s2] =	stream.indirect.scatter.add.f32 [tilespmem:s8], [sflag:$0x3], $0x10, s18, s20, $0xb8;
	[tilespmem:$0x1D800] =	vst v63  }
0x107: {  	s16 =	simm.s32 $0xC80  }
0x108: {  	[spmem:s2] =	stream.indirect.scatter.add.f32 [tilespmem:s24], [sflag:$0x3], $0x10, s16, s20, $0xb8;
	[tilespmem:$0x1D800] =	vst v63  }
0x109: {  	s23 =	simm.s32 $0xD00  }
0x10a: {  	[spmem:s2] =	stream.indirect.scatter.add.f32 [tilespmem:s11], [sflag:$0x3], $0x10, s23, s20, $0xb8;
	[tilespmem:$0x1D800] =	vst v63  }
0x10b: {  	s29 =	sadd.s32 $0x2, s29;
	s6 =	simm.s32 $0xD80  }
0x10c: {  	[spmem:s2] =	stream.indirect.scatter.add.f32 [tilespmem:s14], [sflag:$0x3], $0x10, s6, s20, $0xb8;
	[tilespmem:$0x1D800] =	vst v63  }
0x10d: {  	p1 =	sne.s32 s29, $0x62;
	_ =	swait.ge [sflag:s15], $0x2000  }
.Ltmp3:
0x10e: {  	[sflag:s15] =	ssyncset.done $0x0;
	(pc) =	sbr.rel @p1 .LBB2_6-.Ltmp3, $4  }
0x10f: {  	s16 =	simm.s32 $0xE00;
	[sflag:s15] =	ssyncadd.s32 $0xFFFFE000  }
0x110: {  	[spmem:s2] =	stream.indirect.scatter.add.f32 [tilespmem:s22], [sflag:$0x4], $0x10, s16, s20, $0xb8;
	[tilespmem:$0x1D800] =	vst v63  }
0x111: {  	s10 =	sadd.s32 $0x100, s10;
	s13 =	sadd.s32 $0x100, s13;
	s23 =	simm.s32 $0xE80  }
0x112: {  	[spmem:s2] =	stream.indirect.scatter.add.f32 [tilespmem:s25], [sflag:$0x4], $0x10, s23, s20, $0xb8;
	[tilespmem:$0x1D800] =	vst v63  }
.Ltmp4:
0x113: {  	_ = 	snop;
	(pc) =	sbr.rel .LBB2_7-.Ltmp4, $1  }
0x114: {  	_ =	sdelay $0x3  }
.LBB2_2:
0x115: {  	_ =	swait.ge [sflag:s19], $0x400  }
0x116: {  	[sflag:s19] =	ssyncset.done $0x0  }
0x117: {  	[sflag:s19] =	ssyncadd.s32 $0xFFFFFC00  }
0x118: {  	p1 =	por $0x1, $0x1;
	_ =	swait.ge [sflag:s19], $0x400  }
0x119: {  	s10 =	simm.s32 @p1 $0x80;
	[sflag:s19] =	ssyncset.done $0x0  }
0x11a: {  	s13 =	simm.s32 @p1 $0x0;
	s16 =	simm.s32 @p1 $0x1000;
	[sflag:s19] =	ssyncadd.s32 $0xFFFFFC00  }
0x11b: {  	[tilespmem:s16], [sflag:$0x1] =	stream.indirect.gather @p1 [hbm4b:s1+s10], $0x10, s13, s10, $0xb8;
	[tilespmem:$0x1D800] =	vst v63  }
0x11c: {  	s13 =	simm.s32 @p1 $0x1800  }
0x11d: {  	[tilespmem:s13], [sflag:$0x1] =	stream.indirect.gather @p1 [hbm4b:s1+s10], $0x10, s10, s10, $0xb8;
	[tilespmem:$0x1D800] =	vst v63  }
0x11e: {  	s16 =	simm.s32 @p1 $0x2000;
	s13 =	simm.s32 @p1 $0x100  }
0x11f: {  	[tilespmem:s16], [sflag:$0x1] =	stream.indirect.gather @p1 [hbm4b:s1+s10], $0x10, s13, s10, $0xb8;
	[tilespmem:$0x1D800] =	vst v63  }
0x120: {  	s13 =	simm.s32 @p1 $0x180;
	s16 =	simm.s32 @p1 $0x2800  }
0x121: {  	[tilespmem:s16], [sflag:$0x1] =	stream.indirect.gather @p1 [hbm4b:s1+s10], $0x10, s13, s10, $0xb8;
	[tilespmem:$0x1D800] =	vst v63  }
0x122: {  	s10 =	simm.s32 @!p1 $0x3  }
0x123: {  	_ =	swait.ge @!p1 [sflag:s10], $0x2000  }
0x124: {  	s13 =	simm.s32 @!p1 $0x1000;
	[sflag:s10] =	ssyncset.done @!p1 $0x0  }
0x125: {  	s16 =	simm.s32 @!p1 $0x80;
	[sflag:s10] =	ssyncadd.s32 @!p1 $0xFFFFE000;
	s10 =	simm.s32 @!p1 $0x0  }
0x126: {  	[tilespmem:s13], [sflag:$0x1] =	stream.indirect.gather @!p1 [hbm4b:s1+s16], $0x10, s10, s16, $0xb8;
	[tilespmem:$0x1D800] =	vst v63  }
0x127: {  	s10 =	simm.s32 @!p1 $0x1800  }
0x128: {  	[tilespmem:s10], [sflag:$0x1] =	stream.indirect.gather @!p1 [hbm4b:s1+s16], $0x10, s16, s16, $0xb8;
	[tilespmem:$0x1D800] =	vst v63  }
0x129: {  	s13 =	simm.s32 @!p1 $0x2000;
	s10 =	simm.s32 @!p1 $0x100  }
0x12a: {  	[tilespmem:s13], [sflag:$0x1] =	stream.indirect.gather @!p1 [hbm4b:s1+s16], $0x10, s10, s16, $0xb8;
	[tilespmem:$0x1D800] =	vst v63  }
0x12b: {  	s10 =	simm.s32 @!p1 $0x180;
	s13 =	simm.s32 @!p1 $0x2800  }
0x12c: {  	[tilespmem:s13], [sflag:$0x1] =	stream.indirect.gather @!p1 [hbm4b:s1+s16], $0x10, s10, s16, $0xb8;
	[tilespmem:$0x1D800] =	vst v63  }
0x12d: {  	s10 =	simm.s32 @!p1 $0x4  }
0x12e: {  	_ =	swait.ge @!p1 [sflag:s10], $0x2000  }
0x12f: {  	[sflag:s10] =	ssyncset.done @!p1 $0x0  }
0x130: {  	s4 =	simm.s32 $0x200;
	[sflag:s10] =	ssyncadd.s32 @!p1 $0xFFFFE000  }
0x131: {  	[tilespmem:s22], [sflag:$0x2] =	stream.indirect.gather [hbm4b:s1+s20], $0x10, s4, s20, $0xb8;
	[tilespmem:$0x1D800] =	vst v63  }
0x132: {  	s18 =	simm.s32 $0x280  }
0x133: {  	[tilespmem:s25], [sflag:$0x2] =	stream.indirect.gather [hbm4b:s1+s20], $0x10, s18, s20, $0xb8;
	[tilespmem:$0x1D800] =	vst v63  }
0x134: {  	_ = 	snop  }
0x135: {  	[tilespmem:s28], [sflag:$0x2] =	stream.indirect.gather [hbm4b:s1+s20], $0x10, s0, s20, $0xb8;
	[tilespmem:$0x1D800] =	vst v63  }
0x136: {  	s6 =	simm.s32 $0x380  }
0x137: {  	[tilespmem:s30], [sflag:$0x2] =	stream.indirect.gather [hbm4b:s1+s20], $0x10, s6, s20, $0xb8;
	[tilespmem:$0x1D800] =	vst v63  }
0x138: {  	s12 =	simm.s32 $0x800;
	s6 =	rddreg [dreg:$0xc]  }
0x139: {  	[tilespmem:s12], [sflag:$0x5] =	stream.linear.gather [hbm4b:s6+s3], $0x400, $0x38;
	[tilespmem:$0x1D800] =	vst v63  }
0x13a: {  	s4 =	rddreg [dreg:$0xb];
	s18 =	simm.s32 $0xC00  }
0x13b: {  	[tilespmem:s18], [sflag:$0x5] =	stream.linear.gather [hbm4b:s4+s3], $0x400, $0x38;
	[tilespmem:$0x1D800] =	vst v63  }
0x13c: {  	_ =	swait.ge [sflag:s5], $0x2000  }
0x13d: {  	[sflag:s5] =	ssyncset.done $0x0  }
0x13e: {  	[sflag:s5] =	ssyncadd.s32 $0xFFFFE000  }
0x13f: {  	[spmem:s2] =	stream.indirect.scatter.add.f32 [tilespmem:s8], [sflag:$0x3], $0x10, s29, s20, $0xb8;
	[tilespmem:$0x1D800] =	vst v63  }
0x140: {  	s10 =	simm.s32 $0x480  }
0x141: {  	[spmem:s2] =	stream.indirect.scatter.add.f32 [tilespmem:s24], [sflag:$0x3], $0x10, s10, s20, $0xb8;
	[tilespmem:$0x1D800] =	vst v63  }
0x142: {  	s13 =	simm.s32 $0x500  }
0x143: {  	[spmem:s2] =	stream.indirect.scatter.add.f32 [tilespmem:s11], [sflag:$0x3], $0x10, s13, s20, $0xb8;
	[tilespmem:$0x1D800] =	vst v63  }
0x144: {  	s16 =	simm.s32 $0x580  }
0x145: {  	[spmem:s2] =	stream.indirect.scatter.add.f32 [tilespmem:s14], [sflag:$0x3], $0x10, s16, s20, $0xb8;
	[tilespmem:$0x1D800] =	vst v63  }
0x146: {  	_ =	swait.ge [sflag:s15], $0x2000  }
0x147: {  	[sflag:s15] =	ssyncset.done $0x0  }
0x148: {  	s10 =	simm.s32 $0x600;
	[sflag:s15] =	ssyncadd.s32 $0xFFFFE000  }
0x149: {  	[spmem:s2] =	stream.indirect.scatter.add.f32 [tilespmem:s22], [sflag:$0x4], $0x10, s10, s20, $0xb8;
	[tilespmem:$0x1D800] =	vst v63  }
0x14a: {  	s13 =	simm.s32 $0x680  }
0x14b: {  	[spmem:s2] =	stream.indirect.scatter.add.f32 [tilespmem:s25], [sflag:$0x4], $0x10, s13, s20, $0xb8;
	[tilespmem:$0x1D800] =	vst v63  }
0x14c: {  	s16 =	simm.s32 $0x700  }
0x14d: {  	[spmem:s2] =	stream.indirect.scatter.add.f32 [tilespmem:s28], [sflag:$0x4], $0x10, s16, s20, $0xb8;
	[tilespmem:$0x1D800] =	vst v63  }
0x14e: {  	s10 =	simm.s32 $0x780  }
0x14f: {  	[spmem:s2] =	stream.indirect.scatter.add.f32 [tilespmem:s30], [sflag:$0x4], $0x10, s10, s20, $0xb8;
	[tilespmem:$0x1D800] =	vst v63  }
0x150: {  	_ =	swait.ge [sflag:s19], $0x400  }
0x151: {  	[sflag:s19] =	ssyncset.done $0x0  }
0x152: {  	[sflag:s19] =	ssyncadd.s32 $0xFFFFFC00  }
0x153: {  	_ =	swait.ge [sflag:s19], $0x400  }
0x154: {  	[sflag:s19] =	ssyncset.done $0x0  }
0x155: {  	[sflag:s19] =	ssyncadd.s32 $0xFFFFFC00  }
0x156: {  	_ =	swait.ge [sflag:s26], $0x2000  }
0x157: {  	[sflag:s26] =	ssyncset.done $0x0  }
0x158: {  	[sflag:s26] =	ssyncadd.s32 $0xFFFFE000  }
0x159: {  	[tilespmem:s8], [sflag:$0x1] =	stream.indirect.gather [hbm4b:s1+s20], $0x10, s12, s20, $0xb8;
	[tilespmem:$0x1D800] =	vst v63  }
0x15a: {  	s13 =	simm.s32 $0x880  }
0x15b: {  	[tilespmem:s24], [sflag:$0x1] =	stream.indirect.gather [hbm4b:s1+s20], $0x10, s13, s20, $0xb8;
	[tilespmem:$0x1D800] =	vst v63  }
0x15c: {  	s16 =	simm.s32 $0x900  }
0x15d: {  	[tilespmem:s11], [sflag:$0x1] =	stream.indirect.gather [hbm4b:s1+s20], $0x10, s16, s20, $0xb8;
	[tilespmem:$0x1D800] =	vst v63  }
0x15e: {  	s10 =	simm.s32 $0x980  }
0x15f: {  	[tilespmem:s14], [sflag:$0x1] =	stream.indirect.gather [hbm4b:s1+s20], $0x10, s10, s20, $0xb8;
	[tilespmem:$0x1D800] =	vst v63  }
0x160: {  	_ =	swait.ge [sflag:s9], $0x2000  }
0x161: {  	[sflag:s9] =	ssyncset.done $0x0  }
0x162: {  	s13 =	simm.s32 $0xA00;
	s16 =	smin.u32 s3, $0x5F;
	[sflag:s9] =	ssyncadd.s32 $0xFFFFE000  }
0x163: {  	[tilespmem:s22], [sflag:$0x2] =	stream.indirect.gather [hbm4b:s1+s20], $0x10, s13, s20, $0xb8;
	[tilespmem:$0x1D800] =	vst v63  }
0x164: {  	s10 =	sshll.u32 s16, $0xA;
	s13 =	simm.s32 $0xA80  }
0x165: {  	[tilespmem:s25], [sflag:$0x2] =	stream.indirect.gather [hbm4b:s1+s20], $0x10, s13, s20, $0xb8;
	[tilespmem:$0x1D800] =	vst v63  }
0x166: {  	s16 =	simm.s32 $0xB00;
	s10 =	sadd.s32 s10, s23  }
0x167: {  	[tilespmem:s28], [sflag:$0x2] =	stream.indirect.gather [hbm4b:s1+s20], $0x10, s16, s20, $0xb8;
	[tilespmem:$0x1D800] =	vst v63  }
0x168: {  	s23 =	simm.s32 $0xB80;
	s10 =	sshrl.u32 s10, $0x3  }
0x169: {  	[tilespmem:s30], [sflag:$0x2] =	stream.indirect.gather [hbm4b:s1+s20], $0x10, s23, s20, $0xb8;
	[tilespmem:$0x1D800] =	vst v63  }
0x16a: {  	s0 =	sadd.s32 s17, s10  }
0x16b: {  	[tilespmem:s3], [sflag:$0x5] =	stream.linear.gather [hbm4b:s0+s3], $0x400, $0x38;
	[tilespmem:$0x1D800] =	vst v63  }
0x16c: {  	s10 =	sadd.s32 s21, s10  }
0x16d: {  	[tilespmem:s29], [sflag:$0x5] =	stream.linear.gather [hbm4b:s10+s3], $0x400, $0x38;
	[tilespmem:$0x1D800] =	vst v63  }
0x16e: {  	_ =	swait.ge [sflag:s5], $0x2000  }
0x16f: {  	[sflag:s5] =	ssyncset.done $0x0  }
0x170: {  	[sflag:s5] =	ssyncadd.s32 $0xFFFFE000  }
0x171: {  	[spmem:s2] =	stream.indirect.scatter.add.f32 [tilespmem:s8], [sflag:$0x3], $0x10, s18, s20, $0xb8;
	[tilespmem:$0x1D800] =	vst v63  }
0x172: {  	s13 =	simm.s32 $0xC80  }
0x173: {  	[spmem:s2] =	stream.indirect.scatter.add.f32 [tilespmem:s24], [sflag:$0x3], $0x10, s13, s20, $0xb8;
	[tilespmem:$0x1D800] =	vst v63  }
0x174: {  	s16 =	simm.s32 $0xD00  }
0x175: {  	[spmem:s2] =	stream.indirect.scatter.add.f32 [tilespmem:s11], [sflag:$0x3], $0x10, s16, s20, $0xb8;
	[tilespmem:$0x1D800] =	vst v63  }
0x176: {  	s17 =	simm.s32 $0xD80  }
0x177: {  	[spmem:s2] =	stream.indirect.scatter.add.f32 [tilespmem:s14], [sflag:$0x3], $0x10, s17, s20, $0xb8;
	[tilespmem:$0x1D800] =	vst v63  }
0x178: {  	_ =	swait.ge [sflag:s15], $0x2000  }
0x179: {  	s21 =	simm.s32 $0xE00;
	[sflag:s15] =	ssyncset.done $0x0  }
0x17a: {  	s23 =	simm.s32 $0xE80;
	s0 =	simm.s32 $0x400;
	[sflag:s15] =	ssyncadd.s32 $0xFFFFE000  }
0x17b: {  	[spmem:s2] =	stream.indirect.scatter.add.f32 [tilespmem:s22], [sflag:$0x4], $0x10, s21, s20, $0xb8;
	[tilespmem:$0x1D800] =	vst v63  }
0x17c: {  	s29 =	simm.s32 $0x2;
	s10 =	sadd.s32 $0x100, s6;
	s13 =	sadd.s32 $0x100, s4  }
0x17d: {  	[spmem:s2] =	stream.indirect.scatter.add.f32 [tilespmem:s25], [sflag:$0x4], $0x10, s23, s20, $0xb8;
	[tilespmem:$0x1D800] =	vst v63  }
.LBB2_3:
0x17e: {  	s4 =	simm.s32 $0xF00  }
0x17f: {  	[spmem:s2] =	stream.indirect.scatter.add.f32 [tilespmem:s28], [sflag:$0x4], $0x10, s4, s20, $0xb8;
	[tilespmem:$0x1D800] =	vst v63  }
0x180: {  	s23 =	simm.s32 $0xF80  }
0x181: {  	[spmem:s2] =	stream.indirect.scatter.add.f32 [tilespmem:s30], [sflag:$0x4], $0x10, s23, s20, $0xb8;
	[tilespmem:$0x1D800] =	vst v63  }
0x182: {  	_ =	swait.ge [sflag:s19], $0x400  }
0x183: {  	[sflag:s19] =	ssyncset.done $0x0  }
0x184: {  	s16 =	smov.u32 s29;
	[sflag:s19] =	ssyncadd.s32 $0xFFFFFC00  }
0x185: {  	p2 =	seq.s32 s16, $0x0;
	_ =	swait.ge [sflag:s19], $0x400  }
0x186: {  	s17 =	simm.s32 @p2 $0x80;
	[sflag:s19] =	ssyncset.done $0x0  }
0x187: {  	s21 =	simm.s32 @p2 $0x0;
	s23 =	simm.s32 @p2 $0x1000;
	[sflag:s19] =	ssyncadd.s32 $0xFFFFFC00  }
0x188: {  	[tilespmem:s23], [sflag:$0x1] =	stream.indirect.gather @p2 [hbm4b:s1+s17], $0x10, s21, s17, $0xb8;
	[tilespmem:$0x1D800] =	vst v63  }
0x189: {  	s4 =	simm.s32 @p2 $0x1800  }
0x18a: {  	[tilespmem:s4], [sflag:$0x1] =	stream.indirect.gather @p2 [hbm4b:s1+s17], $0x10, s17, s17, $0xb8;
	[tilespmem:$0x1D800] =	vst v63  }
0x18b: {  	s21 =	simm.s32 @p2 $0x100;
	s23 =	simm.s32 @p2 $0x2000  }
0x18c: {  	[tilespmem:s23], [sflag:$0x1] =	stream.indirect.gather @p2 [hbm4b:s1+s17], $0x10, s21, s17, $0xb8;
	[tilespmem:$0x1D800] =	vst v63  }
0x18d: {  	s6 =	simm.s32 @p2 $0x2800;
	s4 =	simm.s32 @p2 $0x180;
	s21 =	simm.s32 @!p2 $0x3  }
0x18e: {  	[tilespmem:s6], [sflag:$0x1] =	stream.indirect.gather @p2 [hbm4b:s1+s17], $0x10, s4, s17, $0xb8;
	[tilespmem:$0x1D800] =	vst v63  }
0x18f: {  	_ =	swait.ge @!p2 [sflag:s21], $0x2000  }
0x190: {  	s4 =	simm.s32 @!p2 $0x1000;
	[sflag:s21] =	ssyncset.done @!p2 $0x0  }
0x191: {  	s6 =	simm.s32 @!p2 $0x80;
	s17 =	simm.s32 @!p2 $0x0;
	[sflag:s21] =	ssyncadd.s32 @!p2 $0xFFFFE000  }
0x192: {  	[tilespmem:s4], [sflag:$0x1] =	stream.indirect.gather @!p2 [hbm4b:s1+s6], $0x10, s17, s6, $0xb8;
	[tilespmem:$0x1D800] =	vst v63  }
0x193: {  	s21 =	simm.s32 @!p2 $0x1800  }
0x194: {  	[tilespmem:s21], [sflag:$0x1] =	stream.indirect.gather @!p2 [hbm4b:s1+s6], $0x10, s6, s6, $0xb8;
	[tilespmem:$0x1D800] =	vst v63  }
0x195: {  	s23 =	simm.s32 @!p2 $0x2800;
	s4 =	simm.s32 @!p2 $0x100;
	s17 =	simm.s32 @!p2 $0x2000  }
0x196: {  	[tilespmem:s17], [sflag:$0x1] =	stream.indirect.gather @!p2 [hbm4b:s1+s6], $0x10, s4, s6, $0xb8;
	[tilespmem:$0x1D800] =	vst v63  }
0x197: {  	s21 =	simm.s32 @!p2 $0x180;
	s17 =	rddreg [dreg:$0x4];
	s4 =	simm.s32 @!p2 $0x4  }
0x198: {  	[tilespmem:s23], [sflag:$0x1] =	stream.indirect.gather @!p2 [hbm4b:s1+s6], $0x10, s21, s6, $0xb8;
	[tilespmem:$0x1D800] =	vst v63  }
0x199: {  	s21 =	rddreg [dreg:$0x5];
	_ =	swait.ge @!p2 [sflag:s4], $0x2000  }
0x19a: {  	[sflag:s4] =	ssyncset.done @!p2 $0x0  }
0x19b: {  	s6 =	simm.s32 $0x200;
	[sflag:s4] =	ssyncadd.s32 @!p2 $0xFFFFE000  }
0x19c: {  	[tilespmem:s22], [sflag:$0x2] =	stream.indirect.gather [hbm4b:s1+s20], $0x10, s6, s20, $0xb8;
	[tilespmem:$0x1D800] =	vst v63  }
0x19d: {  	s23 =	simm.s32 $0x280  }
0x19e: {  	[tilespmem:s25], [sflag:$0x2] =	stream.indirect.gather [hbm4b:s1+s20], $0x10, s23, s20, $0xb8;
	[tilespmem:$0x1D800] =	vst v63  }
0x19f: {  	s6 =	simm.s32 $0x300  }
0x1a0: {  	[tilespmem:s28], [sflag:$0x2] =	stream.indirect.gather [hbm4b:s1+s20], $0x10, s6, s20, $0xb8;
	[tilespmem:$0x1D800] =	vst v63  }
0x1a1: {  	s23 =	simm.s32 $0x380  }
0x1a2: {  	[tilespmem:s30], [sflag:$0x2] =	stream.indirect.gather [hbm4b:s1+s20], $0x10, s23, s20, $0xb8;
	[tilespmem:$0x1D800] =	vst v63  }
0x1a3: {  	_ = 	snop  }
0x1a4: {  	[tilespmem:s12], [sflag:$0x5] =	stream.linear.gather [hbm4b:s10+s3], $0x400, $0x38;
	[tilespmem:$0x1D800] =	vst v63  }
0x1a5: {  	_ = 	snop  }
0x1a6: {  	[tilespmem:s18], [sflag:$0x5] =	stream.linear.gather [hbm4b:s13+s3], $0x400, $0x38;
	[tilespmem:$0x1D800] =	vst v63  }
0x1a7: {  	_ =	swait.ge [sflag:s5], $0x2000  }
0x1a8: {  	[sflag:s5] =	ssyncset.done $0x0  }
0x1a9: {  	[sflag:s5] =	ssyncadd.s32 $0xFFFFE000  }
0x1aa: {  	[spmem:s2] =	stream.indirect.scatter.add.f32 [tilespmem:s8], [sflag:$0x3], $0x10, s0, s20, $0xb8;
	[tilespmem:$0x1D800] =	vst v63  }
0x1ab: {  	s6 =	simm.s32 $0x480  }
0x1ac: {  	[spmem:s2] =	stream.indirect.scatter.add.f32 [tilespmem:s24], [sflag:$0x3], $0x10, s6, s20, $0xb8;
	[tilespmem:$0x1D800] =	vst v63  }
0x1ad: {  	s23 =	simm.s32 $0x500  }
0x1ae: {  	[spmem:s2] =	stream.indirect.scatter.add.f32 [tilespmem:s11], [sflag:$0x3], $0x10, s23, s20, $0xb8;
	[tilespmem:$0x1D800] =	vst v63  }
0x1af: {  	s6 =	simm.s32 $0x580  }
0x1b0: {  	[spmem:s2] =	stream.indirect.scatter.add.f32 [tilespmem:s14], [sflag:$0x3], $0x10, s6, s20, $0xb8;
	[tilespmem:$0x1D800] =	vst v63  }
0x1b1: {  	_ =	swait.ge [sflag:s15], $0x2000  }
0x1b2: {  	[sflag:s15] =	ssyncset.done $0x0  }
0x1b3: {  	s23 =	simm.s32 $0x600;
	[sflag:s15] =	ssyncadd.s32 $0xFFFFE000  }
0x1b4: {  	[spmem:s2] =	stream.indirect.scatter.add.f32 [tilespmem:s22], [sflag:$0x4], $0x10, s23, s20, $0xb8;
	[tilespmem:$0x1D800] =	vst v63  }
0x1b5: {  	s6 =	simm.s32 $0x680  }
0x1b6: {  	[spmem:s2] =	stream.indirect.scatter.add.f32 [tilespmem:s25], [sflag:$0x4], $0x10, s6, s20, $0xb8;
	[tilespmem:$0x1D800] =	vst v63  }
0x1b7: {  	s23 =	simm.s32 $0x700  }
0x1b8: {  	[spmem:s2] =	stream.indirect.scatter.add.f32 [tilespmem:s28], [sflag:$0x4], $0x10, s23, s20, $0xb8;
	[tilespmem:$0x1D800] =	vst v63  }
0x1b9: {  	s6 =	simm.s32 $0x780  }
0x1ba: {  	[spmem:s2] =	stream.indirect.scatter.add.f32 [tilespmem:s30], [sflag:$0x4], $0x10, s6, s20, $0xb8;
	[tilespmem:$0x1D800] =	vst v63  }
0x1bb: {  	_ =	swait.ge [sflag:s19], $0x400  }
0x1bc: {  	[sflag:s19] =	ssyncset.done $0x0  }
0x1bd: {  	[sflag:s19] =	ssyncadd.s32 $0xFFFFFC00  }
0x1be: {  	_ =	swait.ge [sflag:s19], $0x400  }
0x1bf: {  	[sflag:s19] =	ssyncset.done $0x0  }
0x1c0: {  	[sflag:s19] =	ssyncadd.s32 $0xFFFFFC00  }
0x1c1: {  	_ =	swait.ge [sflag:s26], $0x2000  }
0x1c2: {  	[sflag:s26] =	ssyncset.done $0x0  }
0x1c3: {  	[sflag:s26] =	ssyncadd.s32 $0xFFFFE000  }
0x1c4: {  	[tilespmem:s8], [sflag:$0x1] =	stream.indirect.gather [hbm4b:s1+s20], $0x10, s12, s20, $0xb8;
	[tilespmem:$0x1D800] =	vst v63  }
0x1c5: {  	s23 =	simm.s32 $0x880  }
0x1c6: {  	[tilespmem:s24], [sflag:$0x1] =	stream.indirect.gather [hbm4b:s1+s20], $0x10, s23, s20, $0xb8;
	[tilespmem:$0x1D800] =	vst v63  }
0x1c7: {  	s6 =	simm.s32 $0x900  }
0x1c8: {  	[tilespmem:s11], [sflag:$0x1] =	stream.indirect.gather [hbm4b:s1+s20], $0x10, s6, s20, $0xb8;
	[tilespmem:$0x1D800] =	vst v63  }
0x1c9: {  	s23 =	simm.s32 $0x980  }
0x1ca: {  	[tilespmem:s14], [sflag:$0x1] =	stream.indirect.gather [hbm4b:s1+s20], $0x10, s23, s20, $0xb8;
	[tilespmem:$0x1D800] =	vst v63  }
0x1cb: {  	_ =	swait.ge [sflag:s9], $0x2000  }
0x1cc: {  	[sflag:s9] =	ssyncset.done $0x0  }
0x1cd: {  	s6 =	simm.s32 $0xA00;
	s23 =	smin.u32 s16, $0x5F;
	[sflag:s9] =	ssyncadd.s32 $0xFFFFE000  }
0x1ce: {  	[tilespmem:s22], [sflag:$0x2] =	stream.indirect.gather [hbm4b:s1+s20], $0x10, s6, s20, $0xb8;
	[tilespmem:$0x1D800] =	vst v63  }
0x1cf: {  	s16 =	simm.s32 $0xA80;
	s4 =	sshll.u32 s23, $0xA  }
0x1d0: {  	[tilespmem:s25], [sflag:$0x2] =	stream.indirect.gather [hbm4b:s1+s20], $0x10, s16, s20, $0xb8;
	[tilespmem:$0x1D800] =	vst v63  }
0x1d1: {  	s23 =	simm.s32 $0xB00;
	s4 =	sadd.s32 s4, s31  }
0x1d2: {  	[tilespmem:s28], [sflag:$0x2] =	stream.indirect.gather [hbm4b:s1+s20], $0x10, s23, s20, $0xb8;
	[tilespmem:$0x1D800] =	vst v63  }
0x1d3: {  	s4 =	sshrl.u32 s4, $0x3;
	s16 =	simm.s32 $0xB80  }
0x1d4: {  	[tilespmem:s30], [sflag:$0x2] =	stream.indirect.gather [hbm4b:s1+s20], $0x10, s16, s20, $0xb8;
	[tilespmem:$0x1D800] =	vst v63  }
0x1d5: {  	s23 =	sadd.s32 s17, s4  }
0x1d6: {  	[tilespmem:s3], [sflag:$0x5] =	stream.linear.gather [hbm4b:s23+s3], $0x400, $0x38;
	[tilespmem:$0x1D800] =	vst v63  }
0x1d7: {  	s4 =	sadd.s32 s21, s4  }
0x1d8: {  	[tilespmem:s0], [sflag:$0x5] =	stream.linear.gather [hbm4b:s4+s3], $0x400, $0x38;
	[tilespmem:$0x1D800] =	vst v63  }
0x1d9: {  	_ =	swait.ge [sflag:s5], $0x2000  }
0x1da: {  	[sflag:s5] =	ssyncset.done $0x0  }
0x1db: {  	[sflag:s5] =	ssyncadd.s32 $0xFFFFE000  }
0x1dc: {  	[spmem:s2] =	stream.indirect.scatter.add.f32 [tilespmem:s8], [sflag:$0x3], $0x10, s18, s20, $0xb8;
	[tilespmem:$0x1D800] =	vst v63  }
0x1dd: {  	s16 =	simm.s32 $0xC80  }
0x1de: {  	[spmem:s2] =	stream.indirect.scatter.add.f32 [tilespmem:s24], [sflag:$0x3], $0x10, s16, s20, $0xb8;
	[tilespmem:$0x1D800] =	vst v63  }
0x1df: {  	s23 =	simm.s32 $0xD00  }
0x1e0: {  	[spmem:s2] =	stream.indirect.scatter.add.f32 [tilespmem:s11], [sflag:$0x3], $0x10, s23, s20, $0xb8;
	[tilespmem:$0x1D800] =	vst v63  }
0x1e1: {  	s29 =	sadd.s32 $0x2, s29;
	s6 =	simm.s32 $0xD80  }
0x1e2: {  	[spmem:s2] =	stream.indirect.scatter.add.f32 [tilespmem:s14], [sflag:$0x3], $0x10, s6, s20, $0xb8;
	[tilespmem:$0x1D800] =	vst v63  }
0x1e3: {  	p1 =	seq.s32 s29, $0x62;
	_ =	swait.ge [sflag:s15], $0x2000  }
.Ltmp5:
0x1e4: {  	[sflag:s15] =	ssyncset.done $0x0;
	(pc) =	sbr.rel @!p1 .LBB2_3-.Ltmp5, $4  }
0x1e5: {  	s16 =	simm.s32 $0xE00;
	[sflag:s15] =	ssyncadd.s32 $0xFFFFE000  }
0x1e6: {  	[spmem:s2] =	stream.indirect.scatter.add.f32 [tilespmem:s22], [sflag:$0x4], $0x10, s16, s20, $0xb8;
	[tilespmem:$0x1D800] =	vst v63  }
0x1e7: {  	s10 =	sadd.s32 $0x100, s10;
	s13 =	sadd.s32 $0x100, s13;
	s23 =	simm.s32 $0xE80  }
0x1e8: {  	[spmem:s2] =	stream.indirect.scatter.add.f32 [tilespmem:s25], [sflag:$0x4], $0x10, s23, s20, $0xb8;
	[tilespmem:$0x1D800] =	vst v63  }
.Ltmp6:
0x1e9: {  	(pc) =	sbr.rel .LBB2_8-.Ltmp6, $4  }
0x1ea: {  	s0 =	simm.s32 $0xF00;
	s6 =	rddreg [dreg:$0x7]  }
0x1eb: {  	[spmem:s2] =	stream.indirect.scatter.add.f32 [tilespmem:s28], [sflag:$0x4], $0x10, s0, s20, $0xb8;
	[tilespmem:$0x1D800] =	vst v63  }
0x1ec: {  	s23 =	smov.u32 s31;
	s29 =	simm.s32 $0xF80;
	s12 =	rddreg [dreg:$0xf]  }
0x1ed: {  	[spmem:s2] =	stream.indirect.scatter.add.f32 [tilespmem:s30], [sflag:$0x4], $0x10, s29, s20, $0xb8;
	[tilespmem:$0x1D800] =	vst v63  }
.LBB2_9:
0x1ee: {  	_ =	sfence.sel $0x180000  }
0x1ef: {  	[bflag:$0x0] =	sbarrier.arrive $0xFFFF  }
0x1f0: {  	_ =	strace $0x9000004A  }
0x1f1: {  	s0 =	stileid.u32;
	[bflag:$0x2] =	sbarrier.arrive $0xFFFF  }
0x1f2: {  	p0 =	sne.s32 s0, $0x0;
	s0 =	rddreg [dreg:$0x3]  }
0x1f3: {  	s0 =	sadd.s32 @!p0 $0x100000, s0  }
0x1f4: {  	[sflag:s0] =	ssyncadd.tile.s32 @!p0 $0x1;
	_ =	shalt  }
.Lfunc_end2:
_tile_overlayer_lowered:
.L_overlay_start_2:
0x1f5: {  	(tag) =	ssettag $0x2  }
0x1f6: {  	s0 =	rddreg [dreg:$0x0];
	s2 =	stileid.u32  }
0x1f7: {  	s1 =	rddreg [dreg:$0x1];
	p0 =	sne.s32 s2, $0x0  }
0x1f8: {  	s3 =	rddreg [dreg:$0x2];
	[bflag:$0x3] =	sbarrier.arrive $0xFFFF;
	s2 =	simm.s32 @!p0 $0x1C06  }
0x1f9: {  	[timem:s3], [sflag:s2] =	dma.local @!p0 [hbm:s0], s1  }
0x1fa: {  	s0 =	simm.s32 @!p0 $0x6  }
0x1fb: {  	_ =	swait.ge @!p0 [sflag:s0], s1  }
0x1fc: {  	s1 =	ssub.s32 @!p0 $0x0, s1;
	[sflag:s0] =	ssyncset.done @!p0 $0x0  }
0x1fd: {  	[sflag:s0] =	ssyncadd.s32 @!p0 s1  }
0x1fe: {  	[bflag:$0x3] =	sbarrier.arrive $0xFFFF  }
0x1ff: {  	_ =	shalt  }

// kernel: kernel.14.cloned.1.call-start
scs
__scs_entry_jumppad:
0x0: {  	(pc) =	sbr.rel $0x88, $3  }
0x1: {  	(tag) =	ssettag $0x0;
	lr =	simm.s32 $0x1  }
0x2: {  	[smem:$0x3F96] =	sst lr;
	_ =	strace $0xD0000000  }
0x3: {  	_ = 	snop  }
0x4: {  	_ = 	snop  }
0x5: {  	_ = 	snop  }
0x6: {  	_ = 	snop  }
0x7: {  	_ = 	snop  }
__scs_overlays_trampoline_lowered:
0x8: {  	[smem:$0x3FA5] =	sst s0  }
0x9: {  	[smem:$0x3FA6] =	sst s1  }
0xa: {  	[smem:$0x3FA7] =	sst s2  }
0xb: {  	[smem:$0x3FA8] =	sst s3  }
0xc: {  	[smem:$0x3FA9] =	sst s4  }
0xd: {  	[smem:$0x3FAA] =	sst s5  }
0xe: {  	[smem:$0x3FAB] =	sst s6  }
0xf: {  	[smem:$0x3FAC] =	sst s7  }
0x10: {  	[smem:$0x3FAD] =	sst s8  }
0x11: {  	[smem:$0x3FAE] =	sst s9;
	s0 =	simm.s32 @!p0 $0x0  }
0x12: {  	s1 =	sld [smem:$0x3F94];
	s0 =	simm.s32 @p0 $0x1  }
0x13: {  	[smem:$0x3FAF] =	sst s0;
	s0 =	simm.s32 @!p1 $0x0  }
0x14: {  	s2 =	sld [smem:$0x3F93];
	s0 =	simm.s32 @p1 $0x1  }
0x15: {  	[smem:$0x3FB0] =	sst s0;
	s0 =	simm.s32 @!p2 $0x0  }
0x16: {  	s3 =	sld [smem:$0x3FDB];
	s0 =	simm.s32 @p2 $0x1  }
0x17: {  	s4 =	simm.s32 $0x1BF5;
	[smem:$0x3FB2] =	sst s0  }
0x18: {  	s0 =	sld [smem:$0x3F95];
	_ =	swait.ge [sflag:s4], $0x0  }
0x19: {  	s7 =	sld [smem:$0x3F96]  }
0x1a: {  	s8 =	sadd.s32 $0xFFFFE003, lr  }
0x1b: {  	s9 =	sadd.s32 $0xFFFFFEF7, lr;
	s5 =	simm.s32 $0xFFFFFFFF;
	p2 =	slt.u32 s8, $0xFFFFF086  }
0x1c: {  	p1 =	slt.u32 s9, $0xF7A;
	s5 =	simm.s32 @!p2 $0x0  }
0x1d: {  	s5 =	simm.s32 @p1 $0x1;
	p0 =	seq.s32 s7, s2  }
0x1e: {  	s7 =	smul.u32 @!p0 $0xF7A, s2;
	p2 =	seq.s32 @!p0 s5, $0x0  }
0x1f: {  	s9 =	smul.u32 $0xF7A, s1;
	s8 =	simm.s32 @!p0 $0x1BF5;
	p2 =	por !p2, p0  }
0x20: {  	[sflag:s8] =	ssyncset.s32 @!p0 $0xFFFFF086;
	s6 =	sadd.s32 @!p0 s3, s7;
	s7 =	simm.s32 @!p0 $0x108  }
0x21: {  	s3 =	sadd.s32 s3, s9;
	s6 =	sadd.s32 @!p0 $0x88, s6;
	s7 =	simm.s32 @p2 $0x1082  }
0x22: {  	[simem:s7], [sflag:s8] =	dma.local @!p0 [hbm:s6], $0xF7A  }
0x23: {  	s9 =	sor.u32 $0xD0000000, s2;
	s6 =	simm.s32 $0x108;
	_ =	swait.ge @!p0 [sflag:s8], $0x0  }
0x24: {  	s3 =	sadd.s32 $0x88, s3;
	s6 =	simm.s32 @!p1 $0x1082;
	[sflag:s4] =	ssyncset.s32 $0xFFFFF086  }
0x25: {  	[simem:s6], [sflag:s4] =	dma.local [hbm:s3], $0xF7A  }
0x26: {  	[smem:$0x3F96] =	sst s1;
	(tag) =	ssettag s2;
	_ =	strace s9  }
0x27: {  	s1 =	sld [smem:$0x3FA6]  }
0x28: {  	s2 =	sld [smem:$0x3FA7]  }
0x29: {  	s4 =	sld [smem:$0x3FA9]  }
0x2a: {  	p0 =	seq.s32 s5, $0x0;
	s5 =	sld [smem:$0x3FAA]  }
0x2b: {  	s6 =	sld [smem:$0x3FAB]  }
0x2c: {  	s7 =	sld [smem:$0x3FAC]  }
0x2d: {  	s3 =	simm.s32 $0x108;
	s8 =	sld [smem:$0x3FAD]  }
0x2e: {  	s3 =	simm.s32 @!p0 $0x1082;
	s9 =	sld [smem:$0x3FAE]  }
0x2f: {  	lr =	sadd.s32 s0, s3;
	s0 =	sld [smem:$0x3FA5]  }
0x30: {  	s3 =	sld [smem:$0x3FA8]  }
0x31: {  	[smem:$0x3FB1] =	sst s10  }
0x32: {  	s10 =	sld [smem:$0x3FAF];
	_ =	sdelay $0x3  }
0x33: {  	p0 =	seq.s32 s10, $0x1;
	s10 =	sld [smem:$0x3FB1];
	_ =	sdelay $0x3  }
0x34: {  	[smem:$0x3FB1] =	sst s10  }
0x35: {  	s10 =	sld [smem:$0x3FB0];
	_ =	sdelay $0x3  }
0x36: {  	p1 =	seq.s32 s10, $0x1;
	s10 =	sld [smem:$0x3FB1];
	_ =	sdelay $0x3  }
0x37: {  	[smem:$0x3FB1] =	sst s10  }
0x38: {  	s10 =	sld [smem:$0x3FB2]  }
0x39: {  	_ = 	snop;
	(pc) =	sbr.ind lr, $3  }
0x3a: {  	_ = 	snop  }
0x3b: {  	_ = 	snop  }
0x3c: {  	p2 =	seq.s32 s10, $0x1;
	s10 =	sld [smem:$0x3FB1]  }
0x3d: {  	_ =	shalt  }
0x3e: {  	_ =	shalt  }
0x3f: {  	_ =	shalt  }
0x40: {  	_ =	shalt  }
0x41: {  	_ =	shalt  }
0x42: {  	_ =	shalt  }
0x43: {  	_ =	shalt  }
0x44: {  	_ =	shalt  }
0x45: {  	_ =	shalt  }
0x46: {  	_ =	shalt  }
0x47: {  	_ =	shalt  }
0x48: {  	_ =	shalt  }
0x49: {  	_ =	shalt  }
0x4a: {  	_ =	shalt  }
0x4b: {  	_ =	shalt  }
0x4c: {  	_ =	shalt  }
0x4d: {  	_ =	shalt  }
0x4e: {  	_ =	shalt  }
0x4f: {  	_ =	shalt  }
0x50: {  	_ =	shalt  }
0x51: {  	_ =	shalt  }
0x52: {  	_ =	shalt  }
0x53: {  	_ =	shalt  }
0x54: {  	_ =	shalt  }
0x55: {  	_ =	shalt  }
0x56: {  	_ =	shalt  }
0x57: {  	_ =	shalt  }
0x58: {  	_ =	shalt  }
0x59: {  	_ =	shalt  }
0x5a: {  	_ =	shalt  }
0x5b: {  	_ =	shalt  }
0x5c: {  	_ =	shalt  }
0x5d: {  	_ =	shalt  }
0x5e: {  	_ =	shalt  }
0x5f: {  	_ =	shalt  }
0x60: {  	_ =	shalt  }
0x61: {  	_ =	shalt  }
0x62: {  	_ =	shalt  }
0x63: {  	_ =	shalt  }
0x64: {  	_ =	shalt  }
0x65: {  	_ =	shalt  }
0x66: {  	_ =	shalt  }
0x67: {  	_ =	shalt  }
0x68: {  	_ =	shalt  }
0x69: {  	_ =	shalt  }
0x6a: {  	_ =	shalt  }
0x6b: {  	_ =	shalt  }
0x6c: {  	_ =	shalt  }
0x6d: {  	_ =	shalt  }
0x6e: {  	_ =	shalt  }
0x6f: {  	_ =	shalt  }
0x70: {  	_ =	shalt  }
0x71: {  	_ =	shalt  }
0x72: {  	_ =	shalt  }
0x73: {  	_ =	shalt  }
0x74: {  	_ =	shalt  }
0x75: {  	_ =	shalt  }
0x76: {  	_ =	shalt  }
0x77: {  	_ =	shalt  }
0x78: {  	_ =	shalt  }
0x79: {  	_ =	shalt  }
0x7a: {  	_ =	shalt  }
0x7b: {  	_ =	shalt  }
0x7c: {  	_ =	shalt  }
0x7d: {  	_ =	shalt  }
0x7e: {  	_ =	shalt  }
0x7f: {  	_ =	shalt  }
0x80: {  	_ =	shalt  }
0x81: {  	_ =	shalt  }
0x82: {  	_ =	shalt  }
0x83: {  	_ =	shalt  }
0x84: {  	_ =	shalt  }
0x85: {  	_ =	shalt  }
0x86: {  	_ =	shalt  }
0x87: {  	_ =	shalt  }
.Lfunc_end0:
.L_simem_size_0:
called_computation.2_lowered:
.L_overlay_start_0:
0x88: {  	s2 =	sld [smem:$0x3FD9]  }
0x89: {  	s3 =	sld [smem:$0x3FFE];
	_ =	sdelay $0x1  }
0x8a: {  	s1 =	srdreg.scid  }
0x8b: {  	s0 =	sand.u32 $0x1, s1  }
0x8c: {  	s17 =	sshll.u32 s0, $0xA;
	s2 =	sadd.s32 s3, s2  }
0x8d: {  	s2 =	sadd.s32 s2, s17  }
0x8e: {  	[smem:$0x3FBD] =	sst s2  }
0x8f: {  	_ = 	snop  }
0x90: {  	s2 =	sld [smem:$0x3FD0];
	(tm) =	ssettm $0x1  }
0x91: {  	s18 =	sld [smem:$0x3FFB];
	_ =	sdelay $0x3  }
0x92: {  	_ =	strace s18  }
0x93: {  	s3 =	sld [smem:$0x3FFC];
	_ =	sdelay $0x3  }
0x94: {  	_ =	strace s3  }
0x95: {  	s3 =	sld [smem:$0x3FFD];
	_ =	sdelay $0x3  }
0x96: {  	_ =	strace s3  }
0x97: {  	_ =	strace $0x8FFFFFFF  }
0x98: {  	s19 =	sld [smem:$0x3FDB];
	_ =	sdelay $0x1  }
0x99: {  	s4 =	simm.s32 $_scs_section_size  }
0x9a: {  	s5 =	simm.s32 $_size__tile_overlayer_lowered;
	s6 =	simm.s32 $_tile_overlayer_lowered  }
0x9b: {  	s22 =	simm.s32 $0x1BFF;
	s21 =	sshll.u32 s6, $0x1;
	s3 =	sadd.s32 s4, s19  }
0x9c: {  	s7 =	simm.s32 $0x0;
	s20 =	sshll.u32 s5, $0x1;
	s5 =	sadd.s32 s21, s3  }
0x9d: {  	[timem:s7], [sflag:s22] =	dma.local [hbm:s5], s20  }
0x9e: {  	_ =	swait.ge [sflag:s22], s20  }
0x9f: {  	s4 =	ssub.s32 $0x0, s20;
	[sflag:s22] =	ssyncset.done $0x0  }
0xa0: {  	[sflag:s22] =	ssyncadd.s32 s4;
	_ =	sdelay $0x1  }
0xa1: {  	s23 =	simm.s32 $0x1B8B  }
0xa2: {  	_ =	swait.ge [sflag:s23], $0x1  }
0xa3: {  	[sflag:s23] =	ssyncset.done $0x0  }
0xa4: {  	s25 =	simm.s32 $0x1B8E;
	s24 =	sld [smem:$0x3FFE];
	[sflag:s23] =	ssyncadd.s32 $0xFFFFFFFF  }
0xa5: {  	s26 =	simm.s32 $execute0_lowered;
	[smem:$0x3FD2] =	sst s25  }
0xa6: {  	s5 =	sshll.u32 s26, $0x1;
	_ =	strace $0x8000004C;
	[dreg:$0x1] =	wrdreg $0xFFFFFFFF  }
0xa7: {  	s28 =	simm.s32 $_size_execute0_lowered;
	s3 =	sadd.s32 s3, s5;
	[dreg:$0x0] =	wrdreg $0x0  }
0xa8: {  	s5 =	sshll.u32 s28, $0x1;
	[dreg:$0x2] =	wrdreg s3  }
0xa9: {  	[dreg:$0x3] =	wrdreg s5  }
0xaa: {  	[dreg:$0x4] =	wrdreg $0xC0  }
0xab: {  	_ =	task [dreg:s7], $0x5FFFF  }
0xac: {  	[dreg:$0x1] =	wrdreg $0xFFFFFFFF  }
0xad: {  	[dreg:$0x0] =	wrdreg $0x60  }
0xae: {  	[dreg:$0x2] =	wrdreg s24  }
0xaf: {  	[dreg:$0x3] =	wrdreg s2  }
0xb0: {  	[dreg:$0x4] =	wrdreg $0x50000  }
0xb1: {  	[dreg:$0x5] =	wrdreg $0x9  }
0xb2: {  	_ =	task.clear_ibuf [dreg:s7], $0x6FFFF;
	_ =	strace $0x9000004C  }
0xb3: {  	s29 =	simm.s32 $0x9;
	_ =	strace $0x8000004E  }
0xb4: {  	_ =	swait.ge [sflag:s29], $0x1  }
0xb5: {  	[sflag:s29] =	ssyncadd.s32 $0xFFFFFFFF  }
0xb6: {  	_ =	strace $0x9000004E  }
0xb7: {  	_ =	sfence  }
0xb8: {  	s30 =	sld [smem:$0x0];
	_ =	sdelay $0x2  }
0xb9: {  	s31 =	sshll.u32 s1, $0xD;
	s1 =	sshrl.u32 s1, $0x2  }
0xba: {  	s3 =	sand.u32 $0x4000, s31;
	s1 =	sadd.s32 s1, s30  }
0xbb: {  	s0 =	sor.u32 s3, s0;
	s1 =	sshll.u32 s1, $0x11  }
0xbc: {  	s0 =	sor.u32 s1, s0  }
0xbd: {  	s0 =	sadd.s32 $0x8F2B, s0  }
0xbe: {  	[sflag:s0] =	ssyncadd.remote.s32 $0x1  }
0xbf: {  	_ =	sfence.sel $0xFFFF  }
0xc0: {  	[dreg:$0x0] =	wrdreg $0xFFFFFFFF;
	(pc) =	sbr.abs _section_cstart, $3  }
0xc1: {  	[dreg:$0x1] =	wrdreg $0xFFFFFFFF  }
0xc2: {  	_ =	task.clear_ibuf [dreg:s7], $0x2FFFF;
	_ =	strace $0x9FFFFFFF  }
0xc3: {  	(tm) =	ssettm $0x7FFFFFFF  }
tec
execute0_lowered:
.L_overlay_start_1:
0x0: {  	(tag) =	ssettag $0x1  }
0x1: {  	s0 =	rddreg [dreg:$0x0]  }
0x2: {  	s1 =	rddreg [dreg:$0x1]  }
0x3: {  	s2 =	rddreg [dreg:$0x2]  }
0x4: {  	s3 =	simm.s32 $0x0;
	s5 =	srdreg.scid;
	s20 =	stileid.u32  }
0x5: {  	s29 =	simm.s32 $0x400;
	s19 =	simm.s32 $0x5;
	s16 =	simm.s32 $0x200  }
0x6: {  	s28 =	simm.s32 $0x4000;
	s30 =	simm.s32 $0x4800;
	s14 =	simm.s32 $0x2800  }
0x7: {  	s15 =	simm.s32 $0x2;
	s12 =	simm.s32 $0x0;
	[smem:$0x7FF] =	sst s3  }
0x8: {  	s17 =	sadd.s32 $0x35800, s0;
	s5 =	sand.u32 $0x1, s5;
	s21 =	sadd.s32 $0x4800, s0  }
0x9: {  	s7 =	sadd.s32 $0x66800, s0;
	s4 =	sadd.s32 $0x9E000, s0;
	s10 =	smul.u32 $0x18800, s20  }
0xa: {  	s23 =	sshll.u32 s20, $0x6;
	s11 =	smul.u32 $0x3100, s20;
	s20 =	simm.s32 $0x80  }
0xb: {  	_ =	strace $0x8000004D;
	s8 =	smul.u32 $0x31000, s5;
	[dreg:$0x6] =	wrdreg s4  }
0xc: {  	s9 =	ssub.s32 $0x2, s5;
	s6 =	sor.u32 $0x1C06, s23;
	[dreg:$0x4] =	wrdreg s17  }
0xd: {  	p0 =	seq.s32 s5, $0x1;
	s5 =	simm.s32 $0x1;
	[dreg:$0x5] =	wrdreg s21  }
0xe: {  	s22 =	sshrl.u32 s9, $0x1;
	s13 =	sadd.s32 s10, s2;
	s4 =	sadd.s32 s17, s11  }
0xf: {  	s24 =	sadd.s32 s21, s11;
	s23 =	sadd.s32 $0x800, s10;
	s25 =	sshrl.u32 s10, $0x3  }
0x10: {  	s11 =	simm.s32 $0x2000;
	[dreg:$0x7] =	wrdreg s6;
	s0 =	sadd.s32 s8, s0  }
0x11: {  	s8 =	ssub.s32 s9, s22;
	[dreg:$0x9] =	wrdreg s24;
	s26 =	sadd.s32 $0x80, s24  }
0x12: {  	[dreg:$0x8] =	wrdreg s4;
	s4 =	sadd.s32 $0x80, s4;
	s10 =	sshrl.u32 s13, $0x3  }
0x13: {  	s13 =	simm.s32 $0x6;
	s22 =	simm.s32 $0x3000;
	s24 =	simm.s32 $0x1800  }
.Ltmp0:
0x14: {  	s9 =	simm.s32 $0x4;
	[dreg:$0xb] =	wrdreg s26;
	(pc) =	sbr.rel .LBB2_1-.Ltmp0, $4  }
0x15: {  	s31 =	smov.u32 s23;
	s0 =	sadd.s32 $0xA1200, s0;
	[dreg:$0xc] =	wrdreg s4  }
0x16: {  	s8 =	smax.u32 s8, $0x1;
	s26 =	simm.s32 $0x3;
	[dreg:$0xd] =	wrdreg s10  }
0x17: {  	[dreg:$0xa] =	wrdreg s8;
	s0 =	sadd.s32 s25, s0;
	s25 =	simm.s32 $0x3800  }
0x18: {  	s8 =	simm.s32 $0x1000;
	[dreg:$0xe] =	wrdreg s0;
	s0 =	simm.s32 $0x300  }
.LBB2_7:
0x19: {  	s0 =	simm.s32 $0xF00;
	s6 =	rddreg [dreg:$0x7]  }
0x1a: {  	[spmem:s2] =	stream.indirect.scatter.add.f32 [tilespmem:s28], [sflag:$0x4], $0x10, s0, s20, $0xb8;
	[tilespmem:$0x1D800] =	vst v63  }
0x1b: {  	s23 =	smov.u32 s31;
	s29 =	simm.s32 $0xF80;
	s12 =	rddreg [dreg:$0xf]  }
0x1c: {  	[spmem:s2] =	stream.indirect.scatter.add.f32 [tilespmem:s30], [sflag:$0x4], $0x10, s29, s20, $0xb8;
	[tilespmem:$0x1D800] =	vst v63  }
.LBB2_8:
0x1d: {  	_ =	swait.ge [sflag:s19], $0x400  }
0x1e: {  	[sflag:s19] =	ssyncset.done $0x0  }
0x1f: {  	[sflag:s19] =	ssyncadd.s32 $0xFFFFFC00  }
0x20: {  	_ =	swait.ge [sflag:s19], $0x400  }
0x21: {  	[sflag:s19] =	ssyncset.done $0x0  }
0x22: {  	[sflag:s19] =	ssyncadd.s32 $0xFFFFFC00  }
0x23: {  	_ =	swait.ge [sflag:s26], $0x2000  }
0x24: {  	[sflag:s26] =	ssyncset.done $0x0  }
0x25: {  	[sflag:s26] =	ssyncadd.s32 $0xFFFFE000  }
0x26: {  	_ =	swait.ge [sflag:s9], $0x2000  }
0x27: {  	[sflag:s9] =	ssyncset.done $0x0  }
0x28: {  	[sflag:s9] =	ssyncadd.s32 $0xFFFFE000  }
0x29: {  	[bflag:$0x0] =	sbarrier.arrive $0xFFFF  }
0x2a: {  	s10 =	rddreg [dreg:$0xd]  }
0x2b: {  	s13 =	simm.s32 $0x6;
	s0 =	rddreg [dreg:$0xe]  }
0x2c: {  	[hbm:s0], [sflag:s6] =	dma.local [spmem:s10], $0x3100  }
0x2d: {  	_ =	swait.ge [sflag:s13], $0x3100  }
0x2e: {  	s12 =	sadd.s32 $0x1, s12;
	s4 =	rddreg [dreg:$0xa]  }
0x2f: {  	p1 =	sne.s32 s12, s4  }
.Ltmp1:
0x30: {  	_ = 	snop;
	(pc) =	sbr.rel @!p1 .LBB2_9-.Ltmp1, $3  }
0x31: {  	_ =	sdelay $0x1  }
0x32: {  	s29 =	simm.s32 $0x400;
	[sflag:s13] =	ssyncset.done $0x0  }
0x33: {  	s16 =	simm.s32 $0x200;
	s0 =	simm.s32 $0x300;
	[sflag:s13] =	ssyncadd.s32 $0xFFFFCF00  }
.LBB2_1:
0x34: {  	[dreg:$0xf] =	wrdreg s12  }
0x35: {  	s4 =	rddreg [dreg:$0x6]  }
0x36: {  	[spmem:s10], [sflag:s6] =	dma.local [hbm:s4], $0x3100  }
0x37: {  	_ =	swait.ge [sflag:s13], $0x3100  }
0x38: {  	[sflag:s13] =	ssyncset.done $0x0  }
0x39: {  	[sflag:s13] =	ssyncadd.s32 $0xFFFFCF00  }
.Ltmp2:
0x3a: {  	[bflag:$0x0] =	sbarrier.arrive $0xFFFF;
	(pc) =	sbr.rel @!p0 .LBB2_2-.Ltmp2, $4  }
0x3b: {  	s13 =	rddreg [dreg:$0x8]  }
0x3c: {  	[tilespmem:s3], [sflag:$0x5] =	stream.linear.gather [hbm4b:s13+s3], $0x400, $0x38;
	[tilespmem:$0x1D800] =	vst v63  }
0x3d: {  	s18 =	rddreg [dreg:$0x9]  }
0x3e: {  	[tilespmem:s29], [sflag:$0x5] =	stream.linear.gather [hbm4b:s18+s3], $0x400, $0x38;
	[tilespmem:$0x1D800] =	vst v63  }
0x3f: {  	_ =	swait.ge [sflag:s19], $0x400  }
0x40: {  	[sflag:s19] =	ssyncset.done $0x0  }
0x41: {  	[sflag:s19] =	ssyncadd.s32 $0xFFFFFC00  }
0x42: {  	p1 =	por $0x1, $0x1;
	_ =	swait.ge [sflag:s19], $0x400  }
0x43: {  	s4 =	simm.s32 @p1 $0x80;
	[sflag:s19] =	ssyncset.done $0x0  }
0x44: {  	s6 =	simm.s32 @p1 $0x0;
	s10 =	simm.s32 @p1 $0x1000;
	[sflag:s19] =	ssyncadd.s32 $0xFFFFFC00  }
0x45: {  	[tilespmem:s10], [sflag:$0x1] =	stream.indirect.gather @p1 [hbm4b:s7+s4], $0x10, s6, s4, $0xb8;
	[tilespmem:$0x1D800] =	vst v63  }
0x46: {  	s6 =	simm.s32 @p1 $0x1800  }
0x47: {  	[tilespmem:s6], [sflag:$0x1] =	stream.indirect.gather @p1 [hbm4b:s7+s4], $0x10, s4, s4, $0xb8;
	[tilespmem:$0x1D800] =	vst v63  }
0x48: {  	s10 =	simm.s32 @p1 $0x2000;
	s6 =	simm.s32 @p1 $0x100  }
0x49: {  	[tilespmem:s10], [sflag:$0x1] =	stream.indirect.gather @p1 [hbm4b:s7+s4], $0x10, s6, s4, $0xb8;
	[tilespmem:$0x1D800] =	vst v63  }
0x4a: {  	s6 =	simm.s32 @p1 $0x180;
	s10 =	simm.s32 @p1 $0x2800  }
0x4b: {  	[tilespmem:s10], [sflag:$0x1] =	stream.indirect.gather @p1 [hbm4b:s7+s4], $0x10, s6, s4, $0xb8;
	[tilespmem:$0x1D800] =	vst v63  }
0x4c: {  	s4 =	simm.s32 @!p1 $0x3  }
0x4d: {  	_ =	swait.ge @!p1 [sflag:s4], $0x2000  }
0x4e: {  	s6 =	simm.s32 @!p1 $0x1000;
	[sflag:s4] =	ssyncset.done @!p1 $0x0  }
0x4f: {  	s10 =	simm.s32 @!p1 $0x80;
	[sflag:s4] =	ssyncadd.s32 @!p1 $0xFFFFE000;
	s4 =	simm.s32 @!p1 $0x0  }
0x50: {  	[tilespmem:s6], [sflag:$0x1] =	stream.indirect.gather @!p1 [hbm4b:s7+s10], $0x10, s4, s10, $0xb8;
	[tilespmem:$0x1D800] =	vst v63  }
0x51: {  	s4 =	simm.s32 @!p1 $0x1800  }
0x52: {  	[tilespmem:s4], [sflag:$0x1] =	stream.indirect.gather @!p1 [hbm4b:s7+s10], $0x10, s10, s10, $0xb8;
	[tilespmem:$0x1D800] =	vst v63  }
0x53: {  	s6 =	simm.s32 @!p1 $0x2000;
	s4 =	simm.s32 @!p1 $0x100  }
0x54: {  	[tilespmem:s6], [sflag:$0x1] =	stream.indirect.gather @!p1 [hbm4b:s7+s10], $0x10, s4, s10, $0xb8;
	[tilespmem:$0x1D800] =	vst v63  }
0x55: {  	s4 =	simm.s32 @!p1 $0x180;
	s6 =	simm.s32 @!p1 $0x2800  }
0x56: {  	[tilespmem:s6], [sflag:$0x1] =	stream.indirect.gather @!p1 [hbm4b:s7+s10], $0x10, s4, s10, $0xb8;
	[tilespmem:$0x1D800] =	vst v63  }
0x57: {  	s4 =	simm.s32 @!p1 $0x4  }
0x58: {  	_ =	swait.ge @!p1 [sflag:s4], $0x2000  }
0x59: {  	[sflag:s4] =	ssyncset.done @!p1 $0x0  }
0x5a: {  	[sflag:s4] =	ssyncadd.s32 @!p1 $0xFFFFE000  }
0x5b: {  	[tilespmem:s22], [sflag:$0x2] =	stream.indirect.gather [hbm4b:s7+s20], $0x10, s16, s20, $0xb8;
	[tilespmem:$0x1D800] =	vst v63  }
0x5c: {  	s16 =	simm.s32 $0x280  }
0x5d: {  	[tilespmem:s25], [sflag:$0x2] =	stream.indirect.gather [hbm4b:s7+s20], $0x10, s16, s20, $0xb8;
	[tilespmem:$0x1D800] =	vst v63  }
0x5e: {  	_ = 	snop  }
0x5f: {  	[tilespmem:s28], [sflag:$0x2] =	stream.indirect.gather [hbm4b:s7+s20], $0x10, s0, s20, $0xb8;
	[tilespmem:$0x1D800] =	vst v63  }
0x60: {  	s18 =	simm.s32 $0x380  }
0x61: {  	[tilespmem:s30], [sflag:$0x2] =	stream.indirect.gather [hbm4b:s7+s20], $0x10, s18, s20, $0xb8;
	[tilespmem:$0x1D800] =	vst v63  }
0x62: {  	s12 =	simm.s32 $0x800;
	s16 =	rddreg [dreg:$0xc]  }
0x63: {  	[tilespmem:s12], [sflag:$0x5] =	stream.linear.gather [hbm4b:s16+s3], $0x400, $0x38;
	[tilespmem:$0x1D800] =	vst v63  }
0x64: {  	s10 =	rddreg [dreg:$0xb];
	s18 =	simm.s32 $0xC00  }
0x65: {  	[tilespmem:s18], [sflag:$0x5] =	stream.linear.gather [hbm4b:s10+s3], $0x400, $0x38;
	[tilespmem:$0x1D800] =	vst v63  }
0x66: {  	_ =	swait.ge [sflag:s5], $0x2000  }
0x67: {  	[sflag:s5] =	ssyncset.done $0x0  }
0x68: {  	[sflag:s5] =	ssyncadd.s32 $0xFFFFE000  }
0x69: {  	[spmem:s2] =	stream.indirect.scatter.add.f32 [tilespmem:s8], [sflag:$0x3], $0x10, s29, s20, $0xb8;
	[tilespmem:$0x1D800] =	vst v63  }
0x6a: {  	s4 =	simm.s32 $0x480  }
0x6b: {  	[spmem:s2] =	stream.indirect.scatter.add.f32 [tilespmem:s24], [sflag:$0x3], $0x10, s4, s20, $0xb8;
	[tilespmem:$0x1D800] =	vst v63  }
0x6c: {  	s6 =	simm.s32 $0x500  }
0x6d: {  	[spmem:s2] =	stream.indirect.scatter.add.f32 [tilespmem:s11], [sflag:$0x3], $0x10, s6, s20, $0xb8;
	[tilespmem:$0x1D800] =	vst v63  }
0x6e: {  	s13 =	simm.s32 $0x580  }
0x6f: {  	[spmem:s2] =	stream.indirect.scatter.add.f32 [tilespmem:s14], [sflag:$0x3], $0x10, s13, s20, $0xb8;
	[tilespmem:$0x1D800] =	vst v63  }
0x70: {  	_ =	swait.ge [sflag:s15], $0x2000  }
0x71: {  	[sflag:s15] =	ssyncset.done $0x0  }
0x72: {  	s4 =	simm.s32 $0x600;
	[sflag:s15] =	ssyncadd.s32 $0xFFFFE000  }
0x73: {  	[spmem:s2] =	stream.indirect.scatter.add.f32 [tilespmem:s22], [sflag:$0x4], $0x10, s4, s20, $0xb8;
	[tilespmem:$0x1D800] =	vst v63  }
0x74: {  	s6 =	simm.s32 $0x680  }
0x75: {  	[spmem:s2] =	stream.indirect.scatter.add.f32 [tilespmem:s25], [sflag:$0x4], $0x10, s6, s20, $0xb8;
	[tilespmem:$0x1D800] =	vst v63  }
0x76: {  	s13 =	simm.s32 $0x700  }
0x77: {  	[spmem:s2] =	stream.indirect.scatter.add.f32 [tilespmem:s28], [sflag:$0x4], $0x10, s13, s20, $0xb8;
	[tilespmem:$0x1D800] =	vst v63  }
0x78: {  	s4 =	simm.s32 $0x780  }
0x79: {  	[spmem:s2] =	stream.indirect.scatter.add.f32 [tilespmem:s30], [sflag:$0x4], $0x10, s4, s20, $0xb8;
	[tilespmem:$0x1D800] =	vst v63  }
0x7a: {  	_ =	swait.ge [sflag:s19], $0x400  }
0x7b: {  	[sflag:s19] =	ssyncset.done $0x0  }
0x7c: {  	[sflag:s19] =	ssyncadd.s32 $0xFFFFFC00  }
0x7d: {  	_ =	swait.ge [sflag:s19], $0x400  }
0x7e: {  	[sflag:s19] =	ssyncset.done $0x0  }
0x7f: {  	[sflag:s19] =	ssyncadd.s32 $0xFFFFFC00  }
0x80: {  	_ =	swait.ge [sflag:s26], $0x2000  }
0x81: {  	[sflag:s26] =	ssyncset.done $0x0  }
0x82: {  	[sflag:s26] =	ssyncadd.s32 $0xFFFFE000  }
0x83: {  	[tilespmem:s8], [sflag:$0x1] =	stream.indirect.gather [hbm4b:s7+s20], $0x10, s12, s20, $0xb8;
	[tilespmem:$0x1D800] =	vst v63  }
0x84: {  	s6 =	simm.s32 $0x880  }
0x85: {  	[tilespmem:s24], [sflag:$0x1] =	stream.indirect.gather [hbm4b:s7+s20], $0x10, s6, s20, $0xb8;
	[tilespmem:$0x1D800] =	vst v63  }
0x86: {  	s13 =	simm.s32 $0x900  }
0x87: {  	[tilespmem:s11], [sflag:$0x1] =	stream.indirect.gather [hbm4b:s7+s20], $0x10, s13, s20, $0xb8;
	[tilespmem:$0x1D800] =	vst v63  }
0x88: {  	s4 =	simm.s32 $0x980  }
0x89: {  	[tilespmem:s14], [sflag:$0x1] =	stream.indirect.gather [hbm4b:s7+s20], $0x10, s4, s20, $0xb8;
	[tilespmem:$0x1D800] =	vst v63  }
0x8a: {  	_ =	swait.ge [sflag:s9], $0x2000  }
0x8b: {  	[sflag:s9] =	ssyncset.done $0x0  }
0x8c: {  	s6 =	simm.s32 $0xA00;
	s13 =	smin.u32 s3, $0x5F;
	[sflag:s9] =	ssyncadd.s32 $0xFFFFE000  }
0x8d: {  	[tilespmem:s22], [sflag:$0x2] =	stream.indirect.gather [hbm4b:s7+s20], $0x10, s6, s20, $0xb8;
	[tilespmem:$0x1D800] =	vst v63  }
0x8e: {  	s4 =	sshll.u32 s13, $0xA;
	s6 =	simm.s32 $0xA80  }
0x8f: {  	[tilespmem:s25], [sflag:$0x2] =	stream.indirect.gather [hbm4b:s7+s20], $0x10, s6, s20, $0xb8;
	[tilespmem:$0x1D800] =	vst v63  }
0x90: {  	s13 =	simm.s32 $0xB00;
	s4 =	sadd.s32 s4, s23  }
0x91: {  	[tilespmem:s28], [sflag:$0x2] =	stream.indirect.gather [hbm4b:s7+s20], $0x10, s13, s20, $0xb8;
	[tilespmem:$0x1D800] =	vst v63  }
0x92: {  	s23 =	simm.s32 $0xB80;
	s4 =	sshrl.u32 s4, $0x3  }
0x93: {  	[tilespmem:s30], [sflag:$0x2] =	stream.indirect.gather [hbm4b:s7+s20], $0x10, s23, s20, $0xb8;
	[tilespmem:$0x1D800] =	vst v63  }
0x94: {  	s0 =	sadd.s32 s17, s4  }
0x95: {  	[tilespmem:s3], [sflag:$0x5] =	stream.linear.gather [hbm4b:s0+s3], $0x400, $0x38;
	[tilespmem:$0x1D800] =	vst v63  }
0x96: {  	s4 =	sadd.s32 s21, s4  }
0x97: {  	[tilespmem:s29], [sflag:$0x5] =	stream.linear.gather [hbm4b:s4+s3], $0x400, $0x38;
	[tilespmem:$0x1D800] =	vst v63  }
0x98: {  	_ =	swait.ge [sflag:s5], $0x2000  }
0x99: {  	[sflag:s5] =	ssyncset.done $0x0  }
0x9a: {  	[sflag:s5] =	ssyncadd.s32 $0xFFFFE000  }
0x9b: {  	[spmem:s2] =	stream.indirect.scatter.add.f32 [tilespmem:s8], [sflag:$0x3], $0x10, s18, s20, $0xb8;
	[tilespmem:$0x1D800] =	vst v63  }
0x9c: {  	s6 =	simm.s32 $0xC80  }
0x9d: {  	[spmem:s2] =	stream.indirect.scatter.add.f32 [tilespmem:s24], [sflag:$0x3], $0x10, s6, s20, $0xb8;
	[tilespmem:$0x1D800] =	vst v63  }
0x9e: {  	s13 =	simm.s32 $0xD00  }
0x9f: {  	[spmem:s2] =	stream.indirect.scatter.add.f32 [tilespmem:s11], [sflag:$0x3], $0x10, s13, s20, $0xb8;
	[tilespmem:$0x1D800] =	vst v63  }
0xa0: {  	s17 =	simm.s32 $0xD80  }
0xa1: {  	[spmem:s2] =	stream.indirect.scatter.add.f32 [tilespmem:s14], [sflag:$0x3], $0x10, s17, s20, $0xb8;
	[tilespmem:$0x1D800] =	vst v63  }
0xa2: {  	_ =	swait.ge [sflag:s15], $0x2000  }
0xa3: {  	s21 =	simm.s32 $0xE00;
	[sflag:s15] =	ssyncset.done $0x0  }
0xa4: {  	s23 =	simm.s32 $0xE80;
	s0 =	simm.s32 $0x400;
	[sflag:s15] =	ssyncadd.s32 $0xFFFFE000  }
0xa5: {  	[spmem:s2] =	stream.indirect.scatter.add.f32 [tilespmem:s22], [sflag:$0x4], $0x10, s21, s20, $0xb8;
	[tilespmem:$0x1D800] =	vst v63  }
0xa6: {  	s29 =	simm.s32 $0x2;
	s13 =	sadd.s32 $0x100, s10;
	s10 =	sadd.s32 $0x100, s16  }
0xa7: {  	[spmem:s2] =	stream.indirect.scatter.add.f32 [tilespmem:s25], [sflag:$0x4], $0x10, s23, s20, $0xb8;
	[tilespmem:$0x1D800] =	vst v63  }
.LBB2_6:
0xa8: {  	s4 =	simm.s32 $0xF00  }
0xa9: {  	[spmem:s2] =	stream.indirect.scatter.add.f32 [tilespmem:s28], [sflag:$0x4], $0x10, s4, s20, $0xb8;
	[tilespmem:$0x1D800] =	vst v63  }
0xaa: {  	s23 =	simm.s32 $0xF80  }
0xab: {  	[spmem:s2] =	stream.indirect.scatter.add.f32 [tilespmem:s30], [sflag:$0x4], $0x10, s23, s20, $0xb8;
	[tilespmem:$0x1D800] =	vst v63  }
0xac: {  	_ =	swait.ge [sflag:s19], $0x400  }
0xad: {  	[sflag:s19] =	ssyncset.done $0x0  }
0xae: {  	s16 =	smov.u32 s29;
	[sflag:s19] =	ssyncadd.s32 $0xFFFFFC00  }
0xaf: {  	p2 =	seq.s32 s16, $0x0;
	_ =	swait.ge [sflag:s19], $0x400  }
0xb0: {  	s4 =	simm.s32 @p2 $0x80;
	[sflag:s19] =	ssyncset.done $0x0  }
0xb1: {  	s6 =	simm.s32 @p2 $0x0;
	s17 =	simm.s32 @p2 $0x1000;
	[sflag:s19] =	ssyncadd.s32 $0xFFFFFC00  }
0xb2: {  	[tilespmem:s17], [sflag:$0x1] =	stream.indirect.gather @p2 [hbm4b:s7+s4], $0x10, s6, s4, $0xb8;
	[tilespmem:$0x1D800] =	vst v63  }
0xb3: {  	s21 =	simm.s32 @p2 $0x1800  }
0xb4: {  	[tilespmem:s21], [sflag:$0x1] =	stream.indirect.gather @p2 [hbm4b:s7+s4], $0x10, s4, s4, $0xb8;
	[tilespmem:$0x1D800] =	vst v63  }
0xb5: {  	s6 =	simm.s32 @p2 $0x100;
	s17 =	simm.s32 @p2 $0x2000  }
0xb6: {  	[tilespmem:s17], [sflag:$0x1] =	stream.indirect.gather @p2 [hbm4b:s7+s4], $0x10, s6, s4, $0xb8;
	[tilespmem:$0x1D800] =	vst v63  }
0xb7: {  	s23 =	simm.s32 @p2 $0x2800;
	s21 =	simm.s32 @p2 $0x180;
	s6 =	simm.s32 @!p2 $0x3  }
0xb8: {  	[tilespmem:s23], [sflag:$0x1] =	stream.indirect.gather @p2 [hbm4b:s7+s4], $0x10, s21, s4, $0xb8;
	[tilespmem:$0x1D800] =	vst v63  }
0xb9: {  	_ =	swait.ge @!p2 [sflag:s6], $0x2000  }
0xba: {  	s17 =	simm.s32 @!p2 $0x80;
	[sflag:s6] =	ssyncset.done @!p2 $0x0  }
0xbb: {  	s4 =	simm.s32 @!p2 $0x1000;
	s21 =	simm.s32 @!p2 $0x0;
	[sflag:s6] =	ssyncadd.s32 @!p2 $0xFFFFE000  }
0xbc: {  	[tilespmem:s4], [sflag:$0x1] =	stream.indirect.gather @!p2 [hbm4b:s7+s17], $0x10, s21, s17, $0xb8;
	[tilespmem:$0x1D800] =	vst v63  }
0xbd: {  	s6 =	simm.s32 @!p2 $0x1800  }
0xbe: {  	[tilespmem:s6], [sflag:$0x1] =	stream.indirect.gather @!p2 [hbm4b:s7+s17], $0x10, s17, s17, $0xb8;
	[tilespmem:$0x1D800] =	vst v63  }
0xbf: {  	s23 =	simm.s32 @!p2 $0x2800;
	s4 =	simm.s32 @!p2 $0x100;
	s21 =	simm.s32 @!p2 $0x2000  }
0xc0: {  	[tilespmem:s21], [sflag:$0x1] =	stream.indirect.gather @!p2 [hbm4b:s7+s17], $0x10, s4, s17, $0xb8;
	[tilespmem:$0x1D800] =	vst v63  }
0xc1: {  	s6 =	simm.s32 @!p2 $0x180;
	s21 =	rddreg [dreg:$0x5];
	s4 =	simm.s32 @!p2 $0x4  }
0xc2: {  	[tilespmem:s23], [sflag:$0x1] =	stream.indirect.gather @!p2 [hbm4b:s7+s17], $0x10, s6, s17, $0xb8;
	[tilespmem:$0x1D800] =	vst v63  }
0xc3: {  	s17 =	rddreg [dreg:$0x4];
	_ =	swait.ge @!p2 [sflag:s4], $0x2000  }
0xc4: {  	[sflag:s4] =	ssyncset.done @!p2 $0x0  }
0xc5: {  	s6 =	simm.s32 $0x200;
	[sflag:s4] =	ssyncadd.s32 @!p2 $0xFFFFE000  }
0xc6: {  	[tilespmem:s22], [sflag:$0x2] =	stream.indirect.gather [hbm4b:s7+s20], $0x10, s6, s20, $0xb8;
	[tilespmem:$0x1D800] =	vst v63  }
0xc7: {  	s23 =	simm.s32 $0x280  }
0xc8: {  	[tilespmem:s25], [sflag:$0x2] =	stream.indirect.gather [hbm4b:s7+s20], $0x10, s23, s20, $0xb8;
	[tilespmem:$0x1D800] =	vst v63  }
0xc9: {  	s6 =	simm.s32 $0x300  }
0xca: {  	[tilespmem:s28], [sflag:$0x2] =	stream.indirect.gather [hbm4b:s7+s20], $0x10, s6, s20, $0xb8;
	[tilespmem:$0x1D800] =	vst v63  }
0xcb: {  	s23 =	simm.s32 $0x380  }
0xcc: {  	[tilespmem:s30], [sflag:$0x2] =	stream.indirect.gather [hbm4b:s7+s20], $0x10, s23, s20, $0xb8;
	[tilespmem:$0x1D800] =	vst v63  }
0xcd: {  	_ = 	snop  }
0xce: {  	[tilespmem:s12], [sflag:$0x5] =	stream.linear.gather [hbm4b:s10+s3], $0x400, $0x38;
	[tilespmem:$0x1D800] =	vst v63  }
0xcf: {  	_ = 	snop  }
0xd0: {  	[tilespmem:s18], [sflag:$0x5] =	stream.linear.gather [hbm4b:s13+s3], $0x400, $0x38;
	[tilespmem:$0x1D800] =	vst v63  }
0xd1: {  	_ =	swait.ge [sflag:s5], $0x2000  }
0xd2: {  	[sflag:s5] =	ssyncset.done $0x0  }
0xd3: {  	[sflag:s5] =	ssyncadd.s32 $0xFFFFE000  }
0xd4: {  	[spmem:s2] =	stream.indirect.scatter.add.f32 [tilespmem:s8], [sflag:$0x3], $0x10, s0, s20, $0xb8;
	[tilespmem:$0x1D800] =	vst v63  }
0xd5: {  	s6 =	simm.s32 $0x480  }
0xd6: {  	[spmem:s2] =	stream.indirect.scatter.add.f32 [tilespmem:s24], [sflag:$0x3], $0x10, s6, s20, $0xb8;
	[tilespmem:$0x1D800] =	vst v63  }
0xd7: {  	s23 =	simm.s32 $0x500  }
0xd8: {  	[spmem:s2] =	stream.indirect.scatter.add.f32 [tilespmem:s11], [sflag:$0x3], $0x10, s23, s20, $0xb8;
	[tilespmem:$0x1D800] =	vst v63  }
0xd9: {  	s6 =	simm.s32 $0x580  }
0xda: {  	[spmem:s2] =	stream.indirect.scatter.add.f32 [tilespmem:s14], [sflag:$0x3], $0x10, s6, s20, $0xb8;
	[tilespmem:$0x1D800] =	vst v63  }
0xdb: {  	_ =	swait.ge [sflag:s15], $0x2000  }
0xdc: {  	[sflag:s15] =	ssyncset.done $0x0  }
0xdd: {  	s23 =	simm.s32 $0x600;
	[sflag:s15] =	ssyncadd.s32 $0xFFFFE000  }
0xde: {  	[spmem:s2] =	stream.indirect.scatter.add.f32 [tilespmem:s22], [sflag:$0x4], $0x10, s23, s20, $0xb8;
	[tilespmem:$0x1D800] =	vst v63  }
0xdf: {  	s6 =	simm.s32 $0x680  }
0xe0: {  	[spmem:s2] =	stream.indirect.scatter.add.f32 [tilespmem:s25], [sflag:$0x4], $0x10, s6, s20, $0xb8;
	[tilespmem:$0x1D800] =	vst v63  }
0xe1: {  	s23 =	simm.s32 $0x700  }
0xe2: {  	[spmem:s2] =	stream.indirect.scatter.add.f32 [tilespmem:s28], [sflag:$0x4], $0x10, s23, s20, $0xb8;
	[tilespmem:$0x1D800] =	vst v63  }
0xe3: {  	s6 =	simm.s32 $0x780  }
0xe4: {  	[spmem:s2] =	stream.indirect.scatter.add.f32 [tilespmem:s30], [sflag:$0x4], $0x10, s6, s20, $0xb8;
	[tilespmem:$0x1D800] =	vst v63  }
0xe5: {  	_ =	swait.ge [sflag:s19], $0x400  }
0xe6: {  	[sflag:s19] =	ssyncset.done $0x0  }
0xe7: {  	[sflag:s19] =	ssyncadd.s32 $0xFFFFFC00  }
0xe8: {  	_ =	swait.ge [sflag:s19], $0x400  }
0xe9: {  	[sflag:s19] =	ssyncset.done $0x0  }
0xea: {  	[sflag:s19] =	ssyncadd.s32 $0xFFFFFC00  }
0xeb: {  	_ =	swait.ge [sflag:s26], $0x2000  }
0xec: {  	[sflag:s26] =	ssyncset.done $0x0  }
0xed: {  	[sflag:s26] =	ssyncadd.s32 $0xFFFFE000  }
0xee: {  	[tilespmem:s8], [sflag:$0x1] =	stream.indirect.gather [hbm4b:s7+s20], $0x10, s12, s20, $0xb8;
	[tilespmem:$0x1D800] =	vst v63  }
0xef: {  	s23 =	simm.s32 $0x880  }
0xf0: {  	[tilespmem:s24], [sflag:$0x1] =	stream.indirect.gather [hbm4b:s7+s20], $0x10, s23, s20, $0xb8;
	[tilespmem:$0x1D800] =	vst v63  }
0xf1: {  	s6 =	simm.s32 $0x900  }
0xf2: {  	[tilespmem:s11], [sflag:$0x1] =	stream.indirect.gather [hbm4b:s7+s20], $0x10, s6, s20, $0xb8;
	[tilespmem:$0x1D800] =	vst v63  }
0xf3: {  	s23 =	simm.s32 $0x980  }
0xf4: {  	[tilespmem:s14], [sflag:$0x1] =	stream.indirect.gather [hbm4b:s7+s20], $0x10, s23, s20, $0xb8;
	[tilespmem:$0x1D800] =	vst v63  }
0xf5: {  	_ =	swait.ge [sflag:s9], $0x2000  }
0xf6: {  	[sflag:s9] =	ssyncset.done $0x0  }
0xf7: {  	s6 =	simm.s32 $0xA00;
	s23 =	smin.u32 s16, $0x5F;
	[sflag:s9] =	ssyncadd.s32 $0xFFFFE000  }
0xf8: {  	[tilespmem:s22], [sflag:$0x2] =	stream.indirect.gather [hbm4b:s7+s20], $0x10, s6, s20, $0xb8;
	[tilespmem:$0x1D800] =	vst v63  }
0xf9: {  	s16 =	simm.s32 $0xA80;
	s4 =	sshll.u32 s23, $0xA  }
0xfa: {  	[tilespmem:s25], [sflag:$0x2] =	stream.indirect.gather [hbm4b:s7+s20], $0x10, s16, s20, $0xb8;
	[tilespmem:$0x1D800] =	vst v63  }
0xfb: {  	s23 =	simm.s32 $0xB00;
	s4 =	sadd.s32 s4, s31  }
0xfc: {  	[tilespmem:s28], [sflag:$0x2] =	stream.indirect.gather [hbm4b:s7+s20], $0x10, s23, s20, $0xb8;
	[tilespmem:$0x1D800] =	vst v63  }
0xfd: {  	s4 =	sshrl.u32 s4, $0x3;
	s16 =	simm.s32 $0xB80  }
0xfe: {  	[tilespmem:s30], [sflag:$0x2] =	stream.indirect.gather [hbm4b:s7+s20], $0x10, s16, s20, $0xb8;
	[tilespmem:$0x1D800] =	vst v63  }
0xff: {  	s23 =	sadd.s32 s17, s4  }
0x100: {  	[tilespmem:s3], [sflag:$0x5] =	stream.linear.gather [hbm4b:s23+s3], $0x400, $0x38;
	[tilespmem:$0x1D800] =	vst v63  }
0x101: {  	s4 =	sadd.s32 s21, s4  }
0x102: {  	[tilespmem:s0], [sflag:$0x5] =	stream.linear.gather [hbm4b:s4+s3], $0x400, $0x38;
	[tilespmem:$0x1D800] =	vst v63  }
0x103: {  	_ =	swait.ge [sflag:s5], $0x2000  }
0x104: {  	[sflag:s5] =	ssyncset.done $0x0  }
0x105: {  	[sflag:s5] =	ssyncadd.s32 $0xFFFFE000  }
0x106: {  	[spmem:s2] =	stream.indirect.scatter.add.f32 [tilespmem:s8], [sflag:$0x3], $0x10, s18, s20, $0xb8;
	[tilespmem:$0x1D800] =	vst v63  }
0x107: {  	s16 =	simm.s32 $0xC80  }
0x108: {  	[spmem:s2] =	stream.indirect.scatter.add.f32 [tilespmem:s24], [sflag:$0x3], $0x10, s16, s20, $0xb8;
	[tilespmem:$0x1D800] =	vst v63  }
0x109: {  	s23 =	simm.s32 $0xD00  }
0x10a: {  	[spmem:s2] =	stream.indirect.scatter.add.f32 [tilespmem:s11], [sflag:$0x3], $0x10, s23, s20, $0xb8;
	[tilespmem:$0x1D800] =	vst v63  }
0x10b: {  	s29 =	sadd.s32 $0x2, s29;
	s6 =	simm.s32 $0xD80  }
0x10c: {  	[spmem:s2] =	stream.indirect.scatter.add.f32 [tilespmem:s14], [sflag:$0x3], $0x10, s6, s20, $0xb8;
	[tilespmem:$0x1D800] =	vst v63  }
0x10d: {  	p1 =	sne.s32 s29, $0x62;
	_ =	swait.ge [sflag:s15], $0x2000  }
.Ltmp3:
0x10e: {  	[sflag:s15] =	ssyncset.done $0x0;
	(pc) =	sbr.rel @p1 .LBB2_6-.Ltmp3, $4  }
0x10f: {  	s16 =	simm.s32 $0xE00;
	[sflag:s15] =	ssyncadd.s32 $0xFFFFE000  }
0x110: {  	[spmem:s2] =	stream.indirect.scatter.add.f32 [tilespmem:s22], [sflag:$0x4], $0x10, s16, s20, $0xb8;
	[tilespmem:$0x1D800] =	vst v63  }
0x111: {  	s10 =	sadd.s32 $0x100, s10;
	s13 =	sadd.s32 $0x100, s13;
	s23 =	simm.s32 $0xE80  }
0x112: {  	[spmem:s2] =	stream.indirect.scatter.add.f32 [tilespmem:s25], [sflag:$0x4], $0x10, s23, s20, $0xb8;
	[tilespmem:$0x1D800] =	vst v63  }
.Ltmp4:
0x113: {  	_ = 	snop;
	(pc) =	sbr.rel .LBB2_7-.Ltmp4, $1  }
0x114: {  	_ =	sdelay $0x3  }
.LBB2_2:
0x115: {  	_ =	swait.ge [sflag:s19], $0x400  }
0x116: {  	[sflag:s19] =	ssyncset.done $0x0  }
0x117: {  	[sflag:s19] =	ssyncadd.s32 $0xFFFFFC00  }
0x118: {  	p1 =	por $0x1, $0x1;
	_ =	swait.ge [sflag:s19], $0x400  }
0x119: {  	s10 =	simm.s32 @p1 $0x80;
	[sflag:s19] =	ssyncset.done $0x0  }
0x11a: {  	s13 =	simm.s32 @p1 $0x0;
	s16 =	simm.s32 @p1 $0x1000;
	[sflag:s19] =	ssyncadd.s32 $0xFFFFFC00  }
0x11b: {  	[tilespmem:s16], [sflag:$0x1] =	stream.indirect.gather @p1 [hbm4b:s1+s10], $0x10, s13, s10, $0xb8;
	[tilespmem:$0x1D800] =	vst v63  }
0x11c: {  	s13 =	simm.s32 @p1 $0x1800  }
0x11d: {  	[tilespmem:s13], [sflag:$0x1] =	stream.indirect.gather @p1 [hbm4b:s1+s10], $0x10, s10, s10, $0xb8;
	[tilespmem:$0x1D800] =	vst v63  }
0x11e: {  	s16 =	simm.s32 @p1 $0x2000;
	s13 =	simm.s32 @p1 $0x100  }
0x11f: {  	[tilespmem:s16], [sflag:$0x1] =	stream.indirect.gather @p1 [hbm4b:s1+s10], $0x10, s13, s10, $0xb8;
	[tilespmem:$0x1D800] =	vst v63  }
0x120: {  	s13 =	simm.s32 @p1 $0x180;
	s16 =	simm.s32 @p1 $0x2800  }
0x121: {  	[tilespmem:s16], [sflag:$0x1] =	stream.indirect.gather @p1 [hbm4b:s1+s10], $0x10, s13, s10, $0xb8;
	[tilespmem:$0x1D800] =	vst v63  }
0x122: {  	s10 =	simm.s32 @!p1 $0x3  }
0x123: {  	_ =	swait.ge @!p1 [sflag:s10], $0x2000  }
0x124: {  	s13 =	simm.s32 @!p1 $0x1000;
	[sflag:s10] =	ssyncset.done @!p1 $0x0  }
0x125: {  	s16 =	simm.s32 @!p1 $0x80;
	[sflag:s10] =	ssyncadd.s32 @!p1 $0xFFFFE000;
	s10 =	simm.s32 @!p1 $0x0  }
0x126: {  	[tilespmem:s13], [sflag:$0x1] =	stream.indirect.gather @!p1 [hbm4b:s1+s16], $0x10, s10, s16, $0xb8;
	[tilespmem:$0x1D800] =	vst v63  }
0x127: {  	s10 =	simm.s32 @!p1 $0x1800  }
0x128: {  	[tilespmem:s10], [sflag:$0x1] =	stream.indirect.gather @!p1 [hbm4b:s1+s16], $0x10, s16, s16, $0xb8;
	[tilespmem:$0x1D800] =	vst v63  }
0x129: {  	s13 =	simm.s32 @!p1 $0x2000;
	s10 =	simm.s32 @!p1 $0x100  }
0x12a: {  	[tilespmem:s13], [sflag:$0x1] =	stream.indirect.gather @!p1 [hbm4b:s1+s16], $0x10, s10, s16, $0xb8;
	[tilespmem:$0x1D800] =	vst v63  }
0x12b: {  	s10 =	simm.s32 @!p1 $0x180;
	s13 =	simm.s32 @!p1 $0x2800  }
0x12c: {  	[tilespmem:s13], [sflag:$0x1] =	stream.indirect.gather @!p1 [hbm4b:s1+s16], $0x10, s10, s16, $0xb8;
	[tilespmem:$0x1D800] =	vst v63  }
0x12d: {  	s10 =	simm.s32 @!p1 $0x4  }
0x12e: {  	_ =	swait.ge @!p1 [sflag:s10], $0x2000  }
0x12f: {  	[sflag:s10] =	ssyncset.done @!p1 $0x0  }
0x130: {  	s4 =	simm.s32 $0x200;
	[sflag:s10] =	ssyncadd.s32 @!p1 $0xFFFFE000  }
0x131: {  	[tilespmem:s22], [sflag:$0x2] =	stream.indirect.gather [hbm4b:s1+s20], $0x10, s4, s20, $0xb8;
	[tilespmem:$0x1D800] =	vst v63  }
0x132: {  	s18 =	simm.s32 $0x280  }
0x133: {  	[tilespmem:s25], [sflag:$0x2] =	stream.indirect.gather [hbm4b:s1+s20], $0x10, s18, s20, $0xb8;
	[tilespmem:$0x1D800] =	vst v63  }
0x134: {  	_ = 	snop  }
0x135: {  	[tilespmem:s28], [sflag:$0x2] =	stream.indirect.gather [hbm4b:s1+s20], $0x10, s0, s20, $0xb8;
	[tilespmem:$0x1D800] =	vst v63  }
0x136: {  	s6 =	simm.s32 $0x380  }
0x137: {  	[tilespmem:s30], [sflag:$0x2] =	stream.indirect.gather [hbm4b:s1+s20], $0x10, s6, s20, $0xb8;
	[tilespmem:$0x1D800] =	vst v63  }
0x138: {  	s12 =	simm.s32 $0x800;
	s6 =	rddreg [dreg:$0xc]  }
0x139: {  	[tilespmem:s12], [sflag:$0x5] =	stream.linear.gather [hbm4b:s6+s3], $0x400, $0x38;
	[tilespmem:$0x1D800] =	vst v63  }
0x13a: {  	s4 =	rddreg [dreg:$0xb];
	s18 =	simm.s32 $0xC00  }
0x13b: {  	[tilespmem:s18], [sflag:$0x5] =	stream.linear.gather [hbm4b:s4+s3], $0x400, $0x38;
	[tilespmem:$0x1D800] =	vst v63  }
0x13c: {  	_ =	swait.ge [sflag:s5], $0x2000  }
0x13d: {  	[sflag:s5] =	ssyncset.done $0x0  }
0x13e: {  	[sflag:s5] =	ssyncadd.s32 $0xFFFFE000  }
0x13f: {  	[spmem:s2] =	stream.indirect.scatter.add.f32 [tilespmem:s8], [sflag:$0x3], $0x10, s29, s20, $0xb8;
	[tilespmem:$0x1D800] =	vst v63  }
0x140: {  	s10 =	simm.s32 $0x480  }
0x141: {  	[spmem:s2] =	stream.indirect.scatter.add.f32 [tilespmem:s24], [sflag:$0x3], $0x10, s10, s20, $0xb8;
	[tilespmem:$0x1D800] =	vst v63  }
0x142: {  	s13 =	simm.s32 $0x500  }
0x143: {  	[spmem:s2] =	stream.indirect.scatter.add.f32 [tilespmem:s11], [sflag:$0x3], $0x10, s13, s20, $0xb8;
	[tilespmem:$0x1D800] =	vst v63  }
0x144: {  	s16 =	simm.s32 $0x580  }
0x145: {  	[spmem:s2] =	stream.indirect.scatter.add.f32 [tilespmem:s14], [sflag:$0x3], $0x10, s16, s20, $0xb8;
	[tilespmem:$0x1D800] =	vst v63  }
0x146: {  	_ =	swait.ge [sflag:s15], $0x2000  }
0x147: {  	[sflag:s15] =	ssyncset.done $0x0  }
0x148: {  	s10 =	simm.s32 $0x600;
	[sflag:s15] =	ssyncadd.s32 $0xFFFFE000  }
0x149: {  	[spmem:s2] =	stream.indirect.scatter.add.f32 [tilespmem:s22], [sflag:$0x4], $0x10, s10, s20, $0xb8;
	[tilespmem:$0x1D800] =	vst v63  }
0x14a: {  	s13 =	simm.s32 $0x680  }
0x14b: {  	[spmem:s2] =	stream.indirect.scatter.add.f32 [tilespmem:s25], [sflag:$0x4], $0x10, s13, s20, $0xb8;
	[tilespmem:$0x1D800] =	vst v63  }
0x14c: {  	s16 =	simm.s32 $0x700  }
0x14d: {  	[spmem:s2] =	stream.indirect.scatter.add.f32 [tilespmem:s28], [sflag:$0x4], $0x10, s16, s20, $0xb8;
	[tilespmem:$0x1D800] =	vst v63  }
0x14e: {  	s10 =	simm.s32 $0x780  }
0x14f: {  	[spmem:s2] =	stream.indirect.scatter.add.f32 [tilespmem:s30], [sflag:$0x4], $0x10, s10, s20, $0xb8;
	[tilespmem:$0x1D800] =	vst v63  }
0x150: {  	_ =	swait.ge [sflag:s19], $0x400  }
0x151: {  	[sflag:s19] =	ssyncset.done $0x0  }
0x152: {  	[sflag:s19] =	ssyncadd.s32 $0xFFFFFC00  }
0x153: {  	_ =	swait.ge [sflag:s19], $0x400  }
0x154: {  	[sflag:s19] =	ssyncset.done $0x0  }
0x155: {  	[sflag:s19] =	ssyncadd.s32 $0xFFFFFC00  }
0x156: {  	_ =	swait.ge [sflag:s26], $0x2000  }
0x157: {  	[sflag:s26] =	ssyncset.done $0x0  }
0x158: {  	[sflag:s26] =	ssyncadd.s32 $0xFFFFE000  }
0x159: {  	[tilespmem:s8], [sflag:$0x1] =	stream.indirect.gather [hbm4b:s1+s20], $0x10, s12, s20, $0xb8;
	[tilespmem:$0x1D800] =	vst v63  }
0x15a: {  	s13 =	simm.s32 $0x880  }
0x15b: {  	[tilespmem:s24], [sflag:$0x1] =	stream.indirect.gather [hbm4b:s1+s20], $0x10, s13, s20, $0xb8;
	[tilespmem:$0x1D800] =	vst v63  }
0x15c: {  	s16 =	simm.s32 $0x900  }
0x15d: {  	[tilespmem:s11], [sflag:$0x1] =	stream.indirect.gather [hbm4b:s1+s20], $0x10, s16, s20, $0xb8;
	[tilespmem:$0x1D800] =	vst v63  }
0x15e: {  	s10 =	simm.s32 $0x980  }
0x15f: {  	[tilespmem:s14], [sflag:$0x1] =	stream.indirect.gather [hbm4b:s1+s20], $0x10, s10, s20, $0xb8;
	[tilespmem:$0x1D800] =	vst v63  }
0x160: {  	_ =	swait.ge [sflag:s9], $0x2000  }
0x161: {  	[sflag:s9] =	ssyncset.done $0x0  }
0x162: {  	s13 =	simm.s32 $0xA00;
	s16 =	smin.u32 s3, $0x5F;
	[sflag:s9] =	ssyncadd.s32 $0xFFFFE000  }
0x163: {  	[tilespmem:s22], [sflag:$0x2] =	stream.indirect.gather [hbm4b:s1+s20], $0x10, s13, s20, $0xb8;
	[tilespmem:$0x1D800] =	vst v63  }
0x164: {  	s10 =	sshll.u32 s16, $0xA;
	s13 =	simm.s32 $0xA80  }
0x165: {  	[tilespmem:s25], [sflag:$0x2] =	stream.indirect.gather [hbm4b:s1+s20], $0x10, s13, s20, $0xb8;
	[tilespmem:$0x1D800] =	vst v63  }
0x166: {  	s16 =	simm.s32 $0xB00;
	s10 =	sadd.s32 s10, s23  }
0x167: {  	[tilespmem:s28], [sflag:$0x2] =	stream.indirect.gather [hbm4b:s1+s20], $0x10, s16, s20, $0xb8;
	[tilespmem:$0x1D800] =	vst v63  }
0x168: {  	s23 =	simm.s32 $0xB80;
	s10 =	sshrl.u32 s10, $0x3  }
0x169: {  	[tilespmem:s30], [sflag:$0x2] =	stream.indirect.gather [hbm4b:s1+s20], $0x10, s23, s20, $0xb8;
	[tilespmem:$0x1D800] =	vst v63  }
0x16a: {  	s0 =	sadd.s32 s17, s10  }
0x16b: {  	[tilespmem:s3], [sflag:$0x5] =	stream.linear.gather [hbm4b:s0+s3], $0x400, $0x38;
	[tilespmem:$0x1D800] =	vst v63  }
0x16c: {  	s10 =	sadd.s32 s21, s10  }
0x16d: {  	[tilespmem:s29], [sflag:$0x5] =	stream.linear.gather [hbm4b:s10+s3], $0x400, $0x38;
	[tilespmem:$0x1D800] =	vst v63  }
0x16e: {  	_ =	swait.ge [sflag:s5], $0x2000  }
0x16f: {  	[sflag:s5] =	ssyncset.done $0x0  }
0x170: {  	[sflag:s5] =	ssyncadd.s32 $0xFFFFE000  }
0x171: {  	[spmem:s2] =	stream.indirect.scatter.add.f32 [tilespmem:s8], [sflag:$0x3], $0x10, s18, s20, $0xb8;
	[tilespmem:$0x1D800] =	vst v63  }
0x172: {  	s13 =	simm.s32 $0xC80  }
0x173: {  	[spmem:s2] =	stream.indirect.scatter.add.f32 [tilespmem:s24], [sflag:$0x3], $0x10, s13, s20, $0xb8;
	[tilespmem:$0x1D800] =	vst v63  }
0x174: {  	s16 =	simm.s32 $0xD00  }
0x175: {  	[spmem:s2] =	stream.indirect.scatter.add.f32 [tilespmem:s11], [sflag:$0x3], $0x10, s16, s20, $0xb8;
	[tilespmem:$0x1D800] =	vst v63  }
0x176: {  	s17 =	simm.s32 $0xD80  }
0x177: {  	[spmem:s2] =	stream.indirect.scatter.add.f32 [tilespmem:s14], [sflag:$0x3], $0x10, s17, s20, $0xb8;
	[tilespmem:$0x1D800] =	vst v63  }
0x178: {  	_ =	swait.ge [sflag:s15], $0x2000  }
0x179: {  	s21 =	simm.s32 $0xE00;
	[sflag:s15] =	ssyncset.done $0x0  }
0x17a: {  	s23 =	simm.s32 $0xE80;
	s0 =	simm.s32 $0x400;
	[sflag:s15] =	ssyncadd.s32 $0xFFFFE000  }
0x17b: {  	[spmem:s2] =	stream.indirect.scatter.add.f32 [tilespmem:s22], [sflag:$0x4], $0x10, s21, s20, $0xb8;
	[tilespmem:$0x1D800] =	vst v63  }
0x17c: {  	s29 =	simm.s32 $0x2;
	s10 =	sadd.s32 $0x100, s6;
	s13 =	sadd.s32 $0x100, s4  }
0x17d: {  	[spmem:s2] =	stream.indirect.scatter.add.f32 [tilespmem:s25], [sflag:$0x4], $0x10, s23, s20, $0xb8;
	[tilespmem:$0x1D800] =	vst v63  }
.LBB2_3:
0x17e: {  	s4 =	simm.s32 $0xF00  }
0x17f: {  	[spmem:s2] =	stream.indirect.scatter.add.f32 [tilespmem:s28], [sflag:$0x4], $0x10, s4, s20, $0xb8;
	[tilespmem:$0x1D800] =	vst v63  }
0x180: {  	s23 =	simm.s32 $0xF80  }
0x181: {  	[spmem:s2] =	stream.indirect.scatter.add.f32 [tilespmem:s30], [sflag:$0x4], $0x10, s23, s20, $0xb8;
	[tilespmem:$0x1D800] =	vst v63  }
0x182: {  	_ =	swait.ge [sflag:s19], $0x400  }
0x183: {  	[sflag:s19] =	ssyncset.done $0x0  }
0x184: {  	s16 =	smov.u32 s29;
	[sflag:s19] =	ssyncadd.s32 $0xFFFFFC00  }
0x185: {  	p2 =	seq.s32 s16, $0x0;
	_ =	swait.ge [sflag:s19], $0x400  }
0x186: {  	s17 =	simm.s32 @p2 $0x80;
	[sflag:s19] =	ssyncset.done $0x0  }
0x187: {  	s21 =	simm.s32 @p2 $0x0;
	s23 =	simm.s32 @p2 $0x1000;
	[sflag:s19] =	ssyncadd.s32 $0xFFFFFC00  }
0x188: {  	[tilespmem:s23], [sflag:$0x1] =	stream.indirect.gather @p2 [hbm4b:s1+s17], $0x10, s21, s17, $0xb8;
	[tilespmem:$0x1D800] =	vst v63  }
0x189: {  	s4 =	simm.s32 @p2 $0x1800  }
0x18a: {  	[tilespmem:s4], [sflag:$0x1] =	stream.indirect.gather @p2 [hbm4b:s1+s17], $0x10, s17, s17, $0xb8;
	[tilespmem:$0x1D800] =	vst v63  }
0x18b: {  	s21 =	simm.s32 @p2 $0x100;
	s23 =	simm.s32 @p2 $0x2000  }
0x18c: {  	[tilespmem:s23], [sflag:$0x1] =	stream.indirect.gather @p2 [hbm4b:s1+s17], $0x10, s21, s17, $0xb8;
	[tilespmem:$0x1D800] =	vst v63  }
0x18d: {  	s6 =	simm.s32 @p2 $0x2800;
	s4 =	simm.s32 @p2 $0x180;
	s21 =	simm.s32 @!p2 $0x3  }
0x18e: {  	[tilespmem:s6], [sflag:$0x1] =	stream.indirect.gather @p2 [hbm4b:s1+s17], $0x10, s4, s17, $0xb8;
	[tilespmem:$0x1D800] =	vst v63  }
0x18f: {  	_ =	swait.ge @!p2 [sflag:s21], $0x2000  }
0x190: {  	s4 =	simm.s32 @!p2 $0x1000;
	[sflag:s21] =	ssyncset.done @!p2 $0x0  }
0x191: {  	s6 =	simm.s32 @!p2 $0x80;
	s17 =	simm.s32 @!p2 $0x0;
	[sflag:s21] =	ssyncadd.s32 @!p2 $0xFFFFE000  }
0x192: {  	[tilespmem:s4], [sflag:$0x1] =	stream.indirect.gather @!p2 [hbm4b:s1+s6], $0x10, s17, s6, $0xb8;
	[tilespmem:$0x1D800] =	vst v63  }
0x193: {  	s21 =	simm.s32 @!p2 $0x1800  }
0x194: {  	[tilespmem:s21], [sflag:$0x1] =	stream.indirect.gather @!p2 [hbm4b:s1+s6], $0x10, s6, s6, $0xb8;
	[tilespmem:$0x1D800] =	vst v63  }
0x195: {  	s23 =	simm.s32 @!p2 $0x2800;
	s4 =	simm.s32 @!p2 $0x100;
	s17 =	simm.s32 @!p2 $0x2000  }
0x196: {  	[tilespmem:s17], [sflag:$0x1] =	stream.indirect.gather @!p2 [hbm4b:s1+s6], $0x10, s4, s6, $0xb8;
	[tilespmem:$0x1D800] =	vst v63  }
0x197: {  	s21 =	simm.s32 @!p2 $0x180;
	s17 =	rddreg [dreg:$0x4];
	s4 =	simm.s32 @!p2 $0x4  }
0x198: {  	[tilespmem:s23], [sflag:$0x1] =	stream.indirect.gather @!p2 [hbm4b:s1+s6], $0x10, s21, s6, $0xb8;
	[tilespmem:$0x1D800] =	vst v63  }
0x199: {  	s21 =	rddreg [dreg:$0x5];
	_ =	swait.ge @!p2 [sflag:s4], $0x2000  }
0x19a: {  	[sflag:s4] =	ssyncset.done @!p2 $0x0  }
0x19b: {  	s6 =	simm.s32 $0x200;
	[sflag:s4] =	ssyncadd.s32 @!p2 $0xFFFFE000  }
0x19c: {  	[tilespmem:s22], [sflag:$0x2] =	stream.indirect.gather [hbm4b:s1+s20], $0x10, s6, s20, $0xb8;
	[tilespmem:$0x1D800] =	vst v63  }
0x19d: {  	s23 =	simm.s32 $0x280  }
0x19e: {  	[tilespmem:s25], [sflag:$0x2] =	stream.indirect.gather [hbm4b:s1+s20], $0x10, s23, s20, $0xb8;
	[tilespmem:$0x1D800] =	vst v63  }
0x19f: {  	s6 =	simm.s32 $0x300  }
0x1a0: {  	[tilespmem:s28], [sflag:$0x2] =	stream.indirect.gather [hbm4b:s1+s20], $0x10, s6, s20, $0xb8;
	[tilespmem:$0x1D800] =	vst v63  }
0x1a1: {  	s23 =	simm.s32 $0x380  }
0x1a2: {  	[tilespmem:s30], [sflag:$0x2] =	stream.indirect.gather [hbm4b:s1+s20], $0x10, s23, s20, $0xb8;
	[tilespmem:$0x1D800] =	vst v63  }
0x1a3: {  	_ = 	snop  }
0x1a4: {  	[tilespmem:s12], [sflag:$0x5] =	stream.linear.gather [hbm4b:s10+s3], $0x400, $0x38;
	[tilespmem:$0x1D800] =	vst v63  }
0x1a5: {  	_ = 	snop  }
0x1a6: {  	[tilespmem:s18], [sflag:$0x5] =	stream.linear.gather [hbm4b:s13+s3], $0x400, $0x38;
	[tilespmem:$0x1D800] =	vst v63  }
0x1a7: {  	_ =	swait.ge [sflag:s5], $0x2000  }
0x1a8: {  	[sflag:s5] =	ssyncset.done $0x0  }
0x1a9: {  	[sflag:s5] =	ssyncadd.s32 $0xFFFFE000  }
0x1aa: {  	[spmem:s2] =	stream.indirect.scatter.add.f32 [tilespmem:s8], [sflag:$0x3], $0x10, s0, s20, $0xb8;
	[tilespmem:$0x1D800] =	vst v63  }
0x1ab: {  	s6 =	simm.s32 $0x480  }
0x1ac: {  	[spmem:s2] =	stream.indirect.scatter.add.f32 [tilespmem:s24], [sflag:$0x3], $0x10, s6, s20, $0xb8;
	[tilespmem:$0x1D800] =	vst v63  }
0x1ad: {  	s23 =	simm.s32 $0x500  }
0x1ae: {  	[spmem:s2] =	stream.indirect.scatter.add.f32 [tilespmem:s11], [sflag:$0x3], $0x10, s23, s20, $0xb8;
	[tilespmem:$0x1D800] =	vst v63  }
0x1af: {  	s6 =	simm.s32 $0x580  }
0x1b0: {  	[spmem:s2] =	stream.indirect.scatter.add.f32 [tilespmem:s14], [sflag:$0x3], $0x10, s6, s20, $0xb8;
	[tilespmem:$0x1D800] =	vst v63  }
0x1b1: {  	_ =	swait.ge [sflag:s15], $0x2000  }
0x1b2: {  	[sflag:s15] =	ssyncset.done $0x0  }
0x1b3: {  	s23 =	simm.s32 $0x600;
	[sflag:s15] =	ssyncadd.s32 $0xFFFFE000  }
0x1b4: {  	[spmem:s2] =	stream.indirect.scatter.add.f32 [tilespmem:s22], [sflag:$0x4], $0x10, s23, s20, $0xb8;
	[tilespmem:$0x1D800] =	vst v63  }
0x1b5: {  	s6 =	simm.s32 $0x680  }
0x1b6: {  	[spmem:s2] =	stream.indirect.scatter.add.f32 [tilespmem:s25], [sflag:$0x4], $0x10, s6, s20, $0xb8;
	[tilespmem:$0x1D800] =	vst v63  }
0x1b7: {  	s23 =	simm.s32 $0x700  }
0x1b8: {  	[spmem:s2] =	stream.indirect.scatter.add.f32 [tilespmem:s28], [sflag:$0x4], $0x10, s23, s20, $0xb8;
	[tilespmem:$0x1D800] =	vst v63  }
0x1b9: {  	s6 =	simm.s32 $0x780  }
0x1ba: {  	[spmem:s2] =	stream.indirect.scatter.add.f32 [tilespmem:s30], [sflag:$0x4], $0x10, s6, s20, $0xb8;
	[tilespmem:$0x1D800] =	vst v63  }
0x1bb: {  	_ =	swait.ge [sflag:s19], $0x400  }
0x1bc: {  	[sflag:s19] =	ssyncset.done $0x0  }
0x1bd: {  	[sflag:s19] =	ssyncadd.s32 $0xFFFFFC00  }
0x1be: {  	_ =	swait.ge [sflag:s19], $0x400  }
0x1bf: {  	[sflag:s19] =	ssyncset.done $0x0  }
0x1c0: {  	[sflag:s19] =	ssyncadd.s32 $0xFFFFFC00  }
0x1c1: {  	_ =	swait.ge [sflag:s26], $0x2000  }
0x1c2: {  	[sflag:s26] =	ssyncset.done $0x0  }
0x1c3: {  	[sflag:s26] =	ssyncadd.s32 $0xFFFFE000  }
0x1c4: {  	[tilespmem:s8], [sflag:$0x1] =	stream.indirect.gather [hbm4b:s1+s20], $0x10, s12, s20, $0xb8;
	[tilespmem:$0x1D800] =	vst v63  }
0x1c5: {  	s23 =	simm.s32 $0x880  }
0x1c6: {  	[tilespmem:s24], [sflag:$0x1] =	stream.indirect.gather [hbm4b:s1+s20], $0x10, s23, s20, $0xb8;
	[tilespmem:$0x1D800] =	vst v63  }
0x1c7: {  	s6 =	simm.s32 $0x900  }
0x1c8: {  	[tilespmem:s11], [sflag:$0x1] =	stream.indirect.gather [hbm4b:s1+s20], $0x10, s6, s20, $0xb8;
	[tilespmem:$0x1D800] =	vst v63  }
0x1c9: {  	s23 =	simm.s32 $0x980  }
0x1ca: {  	[tilespmem:s14], [sflag:$0x1] =	stream.indirect.gather [hbm4b:s1+s20], $0x10, s23, s20, $0xb8;
	[tilespmem:$0x1D800] =	vst v63  }
0x1cb: {  	_ =	swait.ge [sflag:s9], $0x2000  }
0x1cc: {  	[sflag:s9] =	ssyncset.done $0x0  }
0x1cd: {  	s6 =	simm.s32 $0xA00;
	s23 =	smin.u32 s16, $0x5F;
	[sflag:s9] =	ssyncadd.s32 $0xFFFFE000  }
0x1ce: {  	[tilespmem:s22], [sflag:$0x2] =	stream.indirect.gather [hbm4b:s1+s20], $0x10, s6, s20, $0xb8;
	[tilespmem:$0x1D800] =	vst v63  }
0x1cf: {  	s16 =	simm.s32 $0xA80;
	s4 =	sshll.u32 s23, $0xA  }
0x1d0: {  	[tilespmem:s25], [sflag:$0x2] =	stream.indirect.gather [hbm4b:s1+s20], $0x10, s16, s20, $0xb8;
	[tilespmem:$0x1D800] =	vst v63  }
0x1d1: {  	s23 =	simm.s32 $0xB00;
	s4 =	sadd.s32 s4, s31  }
0x1d2: {  	[tilespmem:s28], [sflag:$0x2] =	stream.indirect.gather [hbm4b:s1+s20], $0x10, s23, s20, $0xb8;
	[tilespmem:$0x1D800] =	vst v63  }
0x1d3: {  	s4 =	sshrl.u32 s4, $0x3;
	s16 =	simm.s32 $0xB80  }
0x1d4: {  	[tilespmem:s30], [sflag:$0x2] =	stream.indirect.gather [hbm4b:s1+s20], $0x10, s16, s20, $0xb8;
	[tilespmem:$0x1D800] =	vst v63  }
0x1d5: {  	s23 =	sadd.s32 s17, s4  }
0x1d6: {  	[tilespmem:s3], [sflag:$0x5] =	stream.linear.gather [hbm4b:s23+s3], $0x400, $0x38;
	[tilespmem:$0x1D800] =	vst v63  }
0x1d7: {  	s4 =	sadd.s32 s21, s4  }
0x1d8: {  	[tilespmem:s0], [sflag:$0x5] =	stream.linear.gather [hbm4b:s4+s3], $0x400, $0x38;
	[tilespmem:$0x1D800] =	vst v63  }
0x1d9: {  	_ =	swait.ge [sflag:s5], $0x2000  }
0x1da: {  	[sflag:s5] =	ssyncset.done $0x0  }
0x1db: {  	[sflag:s5] =	ssyncadd.s32 $0xFFFFE000  }
0x1dc: {  	[spmem:s2] =	stream.indirect.scatter.add.f32 [tilespmem:s8], [sflag:$0x3], $0x10, s18, s20, $0xb8;
	[tilespmem:$0x1D800] =	vst v63  }
0x1dd: {  	s16 =	simm.s32 $0xC80  }
0x1de: {  	[spmem:s2] =	stream.indirect.scatter.add.f32 [tilespmem:s24], [sflag:$0x3], $0x10, s16, s20, $0xb8;
	[tilespmem:$0x1D800] =	vst v63  }
0x1df: {  	s23 =	simm.s32 $0xD00  }
0x1e0: {  	[spmem:s2] =	stream.indirect.scatter.add.f32 [tilespmem:s11], [sflag:$0x3], $0x10, s23, s20, $0xb8;
	[tilespmem:$0x1D800] =	vst v63  }
0x1e1: {  	s29 =	sadd.s32 $0x2, s29;
	s6 =	simm.s32 $0xD80  }
0x1e2: {  	[spmem:s2] =	stream.indirect.scatter.add.f32 [tilespmem:s14], [sflag:$0x3], $0x10, s6, s20, $0xb8;
	[tilespmem:$0x1D800] =	vst v63  }
0x1e3: {  	p1 =	seq.s32 s29, $0x62;
	_ =	swait.ge [sflag:s15], $0x2000  }
.Ltmp5:
0x1e4: {  	[sflag:s15] =	ssyncset.done $0x0;
	(pc) =	sbr.rel @!p1 .LBB2_3-.Ltmp5, $4  }
0x1e5: {  	s16 =	simm.s32 $0xE00;
	[sflag:s15] =	ssyncadd.s32 $0xFFFFE000  }
0x1e6: {  	[spmem:s2] =	stream.indirect.scatter.add.f32 [tilespmem:s22], [sflag:$0x4], $0x10, s16, s20, $0xb8;
	[tilespmem:$0x1D800] =	vst v63  }
0x1e7: {  	s10 =	sadd.s32 $0x100, s10;
	s13 =	sadd.s32 $0x100, s13;
	s23 =	simm.s32 $0xE80  }
0x1e8: {  	[spmem:s2] =	stream.indirect.scatter.add.f32 [tilespmem:s25], [sflag:$0x4], $0x10, s23, s20, $0xb8;
	[tilespmem:$0x1D800] =	vst v63  }
.Ltmp6:
0x1e9: {  	(pc) =	sbr.rel .LBB2_8-.Ltmp6, $4  }
0x1ea: {  	s0 =	simm.s32 $0xF00;
	s6 =	rddreg [dreg:$0x7]  }
0x1eb: {  	[spmem:s2] =	stream.indirect.scatter.add.f32 [tilespmem:s28], [sflag:$0x4], $0x10, s0, s20, $0xb8;
	[tilespmem:$0x1D800] =	vst v63  }
0x1ec: {  	s23 =	smov.u32 s31;
	s29 =	simm.s32 $0xF80;
	s12 =	rddreg [dreg:$0xf]  }
0x1ed: {  	[spmem:s2] =	stream.indirect.scatter.add.f32 [tilespmem:s30], [sflag:$0x4], $0x10, s29, s20, $0xb8;
	[tilespmem:$0x1D800] =	vst v63  }
.LBB2_9:
0x1ee: {  	_ =	sfence.sel $0x180000  }
0x1ef: {  	[bflag:$0x0] =	sbarrier.arrive $0xFFFF  }
0x1f0: {  	_ =	strace $0x9000004D  }
0x1f1: {  	s0 =	stileid.u32;
	[bflag:$0x2] =	sbarrier.arrive $0xFFFF  }
0x1f2: {  	p0 =	sne.s32 s0, $0x0;
	s0 =	rddreg [dreg:$0x3]  }
0x1f3: {  	s0 =	sadd.s32 @!p0 $0x100000, s0  }
0x1f4: {  	[sflag:s0] =	ssyncadd.tile.s32 @!p0 $0x1;
	_ =	shalt  }
.Lfunc_end2:
_tile_overlayer_lowered:
.L_overlay_start_2:
0x1f5: {  	(tag) =	ssettag $0x2  }
0x1f6: {  	s0 =	rddreg [dreg:$0x0];
	s2 =	stileid.u32  }
0x1f7: {  	s1 =	rddreg [dreg:$0x1];
	p0 =	sne.s32 s2, $0x0  }
0x1f8: {  	s3 =	rddreg [dreg:$0x2];
	[bflag:$0x3] =	sbarrier.arrive $0xFFFF;
	s2 =	simm.s32 @!p0 $0x1C06  }
0x1f9: {  	[timem:s3], [sflag:s2] =	dma.local @!p0 [hbm:s0], s1  }
0x1fa: {  	s0 =	simm.s32 @!p0 $0x6  }
0x1fb: {  	_ =	swait.ge @!p0 [sflag:s0], s1  }
0x1fc: {  	s1 =	ssub.s32 @!p0 $0x0, s1;
	[sflag:s0] =	ssyncset.done @!p0 $0x0  }
0x1fd: {  	[sflag:s0] =	ssyncadd.s32 @!p0 s1  }
0x1fe: {  	[bflag:$0x3] =	sbarrier.arrive $0xFFFF  }
0x1ff: {  	_ =	shalt  }

// kernel: kernel.8.cloned.1.call-start
scs
__scs_entry_jumppad:
0x0: {  	(pc) =	sbr.rel $0x88, $3  }
0x1: {  	(tag) =	ssettag $0x0;
	lr =	simm.s32 $0x1  }
0x2: {  	[smem:$0x3F96] =	sst lr;
	_ =	strace $0xD0000000  }
0x3: {  	_ = 	snop  }
0x4: {  	_ = 	snop  }
0x5: {  	_ = 	snop  }
0x6: {  	_ = 	snop  }
0x7: {  	_ = 	snop  }
__scs_overlays_trampoline_lowered:
0x8: {  	[smem:$0x3FA5] =	sst s0  }
0x9: {  	[smem:$0x3FA6] =	sst s1  }
0xa: {  	[smem:$0x3FA7] =	sst s2  }
0xb: {  	[smem:$0x3FA8] =	sst s3  }
0xc: {  	[smem:$0x3FA9] =	sst s4  }
0xd: {  	[smem:$0x3FAA] =	sst s5  }
0xe: {  	[smem:$0x3FAB] =	sst s6  }
0xf: {  	[smem:$0x3FAC] =	sst s7  }
0x10: {  	[smem:$0x3FAD] =	sst s8  }
0x11: {  	[smem:$0x3FAE] =	sst s9;
	s0 =	simm.s32 @!p0 $0x0  }
0x12: {  	s1 =	sld [smem:$0x3F94];
	s0 =	simm.s32 @p0 $0x1  }
0x13: {  	[smem:$0x3FAF] =	sst s0;
	s0 =	simm.s32 @!p1 $0x0  }
0x14: {  	s2 =	sld [smem:$0x3F93];
	s0 =	simm.s32 @p1 $0x1  }
0x15: {  	[smem:$0x3FB0] =	sst s0;
	s0 =	simm.s32 @!p2 $0x0  }
0x16: {  	s3 =	sld [smem:$0x3FDB];
	s0 =	simm.s32 @p2 $0x1  }
0x17: {  	s4 =	simm.s32 $0x1BF5;
	[smem:$0x3FB2] =	sst s0  }
0x18: {  	s0 =	sld [smem:$0x3F95];
	_ =	swait.ge [sflag:s4], $0x0  }
0x19: {  	s7 =	sld [smem:$0x3F96]  }
0x1a: {  	s8 =	sadd.s32 $0xFFFFE003, lr  }
0x1b: {  	s9 =	sadd.s32 $0xFFFFFEF7, lr;
	s5 =	simm.s32 $0xFFFFFFFF;
	p2 =	slt.u32 s8, $0xFFFFF086  }
0x1c: {  	p1 =	slt.u32 s9, $0xF7A;
	s5 =	simm.s32 @!p2 $0x0  }
0x1d: {  	s5 =	simm.s32 @p1 $0x1;
	p0 =	seq.s32 s7, s2  }
0x1e: {  	s7 =	smul.u32 @!p0 $0xF7A, s2;
	p2 =	seq.s32 @!p0 s5, $0x0  }
0x1f: {  	s9 =	smul.u32 $0xF7A, s1;
	s8 =	simm.s32 @!p0 $0x1BF5;
	p2 =	por !p2, p0  }
0x20: {  	[sflag:s8] =	ssyncset.s32 @!p0 $0xFFFFF086;
	s6 =	sadd.s32 @!p0 s3, s7;
	s7 =	simm.s32 @!p0 $0x108  }
0x21: {  	s3 =	sadd.s32 s3, s9;
	s6 =	sadd.s32 @!p0 $0x88, s6;
	s7 =	simm.s32 @p2 $0x1082  }
0x22: {  	[simem:s7], [sflag:s8] =	dma.local @!p0 [hbm:s6], $0xF7A  }
0x23: {  	s9 =	sor.u32 $0xD0000000, s2;
	s6 =	simm.s32 $0x108;
	_ =	swait.ge @!p0 [sflag:s8], $0x0  }
0x24: {  	s3 =	sadd.s32 $0x88, s3;
	s6 =	simm.s32 @!p1 $0x1082;
	[sflag:s4] =	ssyncset.s32 $0xFFFFF086  }
0x25: {  	[simem:s6], [sflag:s4] =	dma.local [hbm:s3], $0xF7A  }
0x26: {  	[smem:$0x3F96] =	sst s1;
	(tag) =	ssettag s2;
	_ =	strace s9  }
0x27: {  	s1 =	sld [smem:$0x3FA6]  }
0x28: {  	s2 =	sld [smem:$0x3FA7]  }
0x29: {  	s4 =	sld [smem:$0x3FA9]  }
0x2a: {  	p0 =	seq.s32 s5, $0x0;
	s5 =	sld [smem:$0x3FAA]  }
0x2b: {  	s6 =	sld [smem:$0x3FAB]  }
0x2c: {  	s7 =	sld [smem:$0x3FAC]  }
0x2d: {  	s3 =	simm.s32 $0x108;
	s8 =	sld [smem:$0x3FAD]  }
0x2e: {  	s3 =	simm.s32 @!p0 $0x1082;
	s9 =	sld [smem:$0x3FAE]  }
0x2f: {  	lr =	sadd.s32 s0, s3;
	s0 =	sld [smem:$0x3FA5]  }
0x30: {  	s3 =	sld [smem:$0x3FA8]  }
0x31: {  	[smem:$0x3FB1] =	sst s10  }
0x32: {  	s10 =	sld [smem:$0x3FAF];
	_ =	sdelay $0x3  }
0x33: {  	p0 =	seq.s32 s10, $0x1;
	s10 =	sld [smem:$0x3FB1];
	_ =	sdelay $0x3  }
0x34: {  	[smem:$0x3FB1] =	sst s10  }
0x35: {  	s10 =	sld [smem:$0x3FB0];
	_ =	sdelay $0x3  }
0x36: {  	p1 =	seq.s32 s10, $0x1;
	s10 =	sld [smem:$0x3FB1];
	_ =	sdelay $0x3  }
0x37: {  	[smem:$0x3FB1] =	sst s10  }
0x38: {  	s10 =	sld [smem:$0x3FB2]  }
0x39: {  	_ = 	snop;
	(pc) =	sbr.ind lr, $3  }
0x3a: {  	_ = 	snop  }
0x3b: {  	_ = 	snop  }
0x3c: {  	p2 =	seq.s32 s10, $0x1;
	s10 =	sld [smem:$0x3FB1]  }
0x3d: {  	_ =	shalt  }
0x3e: {  	_ =	shalt  }
0x3f: {  	_ =	shalt  }
0x40: {  	_ =	shalt  }
0x41: {  	_ =	shalt  }
0x42: {  	_ =	shalt  }
0x43: {  	_ =	shalt  }
0x44: {  	_ =	shalt  }
0x45: {  	_ =	shalt  }
0x46: {  	_ =	shalt  }
0x47: {  	_ =	shalt  }
0x48: {  	_ =	shalt  }
0x49: {  	_ =	shalt  }
0x4a: {  	_ =	shalt  }
0x4b: {  	_ =	shalt  }
0x4c: {  	_ =	shalt  }
0x4d: {  	_ =	shalt  }
0x4e: {  	_ =	shalt  }
0x4f: {  	_ =	shalt  }
0x50: {  	_ =	shalt  }
0x51: {  	_ =	shalt  }
0x52: {  	_ =	shalt  }
0x53: {  	_ =	shalt  }
0x54: {  	_ =	shalt  }
0x55: {  	_ =	shalt  }
0x56: {  	_ =	shalt  }
0x57: {  	_ =	shalt  }
0x58: {  	_ =	shalt  }
0x59: {  	_ =	shalt  }
0x5a: {  	_ =	shalt  }
0x5b: {  	_ =	shalt  }
0x5c: {  	_ =	shalt  }
0x5d: {  	_ =	shalt  }
0x5e: {  	_ =	shalt  }
0x5f: {  	_ =	shalt  }
0x60: {  	_ =	shalt  }
0x61: {  	_ =	shalt  }
0x62: {  	_ =	shalt  }
0x63: {  	_ =	shalt  }
0x64: {  	_ =	shalt  }
0x65: {  	_ =	shalt  }
0x66: {  	_ =	shalt  }
0x67: {  	_ =	shalt  }
0x68: {  	_ =	shalt  }
0x69: {  	_ =	shalt  }
0x6a: {  	_ =	shalt  }
0x6b: {  	_ =	shalt  }
0x6c: {  	_ =	shalt  }
0x6d: {  	_ =	shalt  }
0x6e: {  	_ =	shalt  }
0x6f: {  	_ =	shalt  }
0x70: {  	_ =	shalt  }
0x71: {  	_ =	shalt  }
0x72: {  	_ =	shalt  }
0x73: {  	_ =	shalt  }
0x74: {  	_ =	shalt  }
0x75: {  	_ =	shalt  }
0x76: {  	_ =	shalt  }
0x77: {  	_ =	shalt  }
0x78: {  	_ =	shalt  }
0x79: {  	_ =	shalt  }
0x7a: {  	_ =	shalt  }
0x7b: {  	_ =	shalt  }
0x7c: {  	_ =	shalt  }
0x7d: {  	_ =	shalt  }
0x7e: {  	_ =	shalt  }
0x7f: {  	_ =	shalt  }
0x80: {  	_ =	shalt  }
0x81: {  	_ =	shalt  }
0x82: {  	_ =	shalt  }
0x83: {  	_ =	shalt  }
0x84: {  	_ =	shalt  }
0x85: {  	_ =	shalt  }
0x86: {  	_ =	shalt  }
0x87: {  	_ =	shalt  }
.Lfunc_end0:
.L_simem_size_0:
called_computation_lowered:
.L_overlay_start_0:
0x88: {  	s2 =	sld [smem:$0x3FD9]  }
0x89: {  	s3 =	sld [smem:$0x3FFE];
	_ =	sdelay $0x1  }
0x8a: {  	s1 =	srdreg.scid  }
0x8b: {  	s0 =	sand.u32 $0x1, s1  }
0x8c: {  	s17 =	sshll.u32 s0, $0xA;
	s2 =	sadd.s32 s3, s2  }
0x8d: {  	s2 =	sadd.s32 s2, s17  }
0x8e: {  	[smem:$0x3FBD] =	sst s2  }
0x8f: {  	_ = 	snop  }
0x90: {  	s2 =	sld [smem:$0x3FD0];
	(tm) =	ssettm $0x1  }
0x91: {  	s18 =	sld [smem:$0x3FFB];
	_ =	sdelay $0x3  }
0x92: {  	_ =	strace s18  }
0x93: {  	s3 =	sld [smem:$0x3FFC];
	_ =	sdelay $0x3  }
0x94: {  	_ =	strace s3  }
0x95: {  	s3 =	sld [smem:$0x3FFD];
	_ =	sdelay $0x3  }
0x96: {  	_ =	strace s3  }
0x97: {  	_ =	strace $0x8FFFFFFF  }
0x98: {  	s19 =	sld [smem:$0x3FDB];
	_ =	sdelay $0x1  }
0x99: {  	s4 =	simm.s32 $_scs_section_size  }
0x9a: {  	s5 =	simm.s32 $_size__tile_overlayer_lowered;
	s6 =	simm.s32 $_tile_overlayer_lowered  }
0x9b: {  	s22 =	simm.s32 $0x1BFF;
	s21 =	sshll.u32 s6, $0x1;
	s3 =	sadd.s32 s4, s19  }
0x9c: {  	s7 =	simm.s32 $0x0;
	s20 =	sshll.u32 s5, $0x1;
	s5 =	sadd.s32 s21, s3  }
0x9d: {  	[timem:s7], [sflag:s22] =	dma.local [hbm:s5], s20  }
0x9e: {  	_ =	swait.ge [sflag:s22], s20  }
0x9f: {  	s4 =	ssub.s32 $0x0, s20;
	[sflag:s22] =	ssyncset.done $0x0  }
0xa0: {  	[sflag:s22] =	ssyncadd.s32 s4;
	_ =	sdelay $0x1  }
0xa1: {  	s23 =	simm.s32 $0x1B8B  }
0xa2: {  	_ =	swait.ge [sflag:s23], $0x1  }
0xa3: {  	[sflag:s23] =	ssyncset.done $0x0  }
0xa4: {  	s25 =	simm.s32 $0x1B8E;
	s24 =	sld [smem:$0x3FFE];
	[sflag:s23] =	ssyncadd.s32 $0xFFFFFFFF  }
0xa5: {  	s26 =	simm.s32 $execute0_lowered;
	[smem:$0x3FD2] =	sst s25  }
0xa6: {  	s5 =	sshll.u32 s26, $0x1;
	_ =	strace $0x80000046;
	[dreg:$0x1] =	wrdreg $0xFFFFFFFF  }
0xa7: {  	s28 =	simm.s32 $_size_execute0_lowered;
	s3 =	sadd.s32 s3, s5;
	[dreg:$0x0] =	wrdreg $0x0  }
0xa8: {  	s5 =	sshll.u32 s28, $0x1;
	[dreg:$0x2] =	wrdreg s3  }
0xa9: {  	[dreg:$0x3] =	wrdreg s5  }
0xaa: {  	[dreg:$0x4] =	wrdreg $0xC0  }
0xab: {  	_ =	task [dreg:s7], $0x5FFFF  }
0xac: {  	[dreg:$0x1] =	wrdreg $0xFFFFFFFF  }
0xad: {  	[dreg:$0x0] =	wrdreg $0x60  }
0xae: {  	[dreg:$0x2] =	wrdreg s2  }
0xaf: {  	[dreg:$0x3] =	wrdreg s24  }
0xb0: {  	[dreg:$0x4] =	wrdreg $0x8800  }
0xb1: {  	[dreg:$0x5] =	wrdreg $0x9  }
0xb2: {  	_ =	task.clear_ibuf [dreg:s7], $0x6FFFF;
	_ =	strace $0x90000046  }
0xb3: {  	s29 =	simm.s32 $0x9;
	_ =	strace $0x80000048  }
0xb4: {  	_ =	swait.ge [sflag:s29], $0x1  }
0xb5: {  	[sflag:s29] =	ssyncadd.s32 $0xFFFFFFFF  }
0xb6: {  	_ =	strace $0x90000048  }
0xb7: {  	_ =	sfence  }
0xb8: {  	s30 =	sld [smem:$0x0];
	_ =	sdelay $0x2  }
0xb9: {  	s31 =	sshll.u32 s1, $0xD;
	s1 =	sshrl.u32 s1, $0x2  }
0xba: {  	s3 =	sand.u32 $0x4000, s31;
	s1 =	sadd.s32 s1, s30  }
0xbb: {  	s0 =	sor.u32 s3, s0;
	s1 =	sshll.u32 s1, $0x11  }
0xbc: {  	s0 =	sor.u32 s1, s0  }
0xbd: {  	s0 =	sadd.s32 $0x8F2B, s0  }
0xbe: {  	[sflag:s0] =	ssyncadd.remote.s32 $0x1  }
0xbf: {  	_ =	sfence.sel $0xFFFF  }
0xc0: {  	[dreg:$0x0] =	wrdreg $0xFFFFFFFF;
	(pc) =	sbr.abs _section_cstart, $3  }
0xc1: {  	[dreg:$0x1] =	wrdreg $0xFFFFFFFF  }
0xc2: {  	_ =	task.clear_ibuf [dreg:s7], $0x2FFFF;
	_ =	strace $0x9FFFFFFF  }
0xc3: {  	(tm) =	ssettm $0x7FFFFFFF  }
tec
execute0_lowered:
.L_overlay_start_1:
0x0: {  	(tag) =	ssettag $0x1  }
0x1: {  	s1 =	rddreg [dreg:$0x0]  }
0x2: {  	s0 =	rddreg [dreg:$0x1]  }
0x3: {  	s2 =	rddreg [dreg:$0x2]  }
0x4: {  	s3 =	simm.s32 $0x0;
	s4 =	srdreg.scid;
	s12 =	stileid.u32  }
0x5: {  	s14 =	simm.s32 $0x3;
	s15 =	simm.s32 $0x800;
	s16 =	simm.s32 $0x1  }
0x6: {  	s17 =	simm.s32 $0x400;
	s18 =	simm.s32 $0x80;
	s19 =	simm.s32 $0x100  }
0x7: {  	s28 =	simm.s32 $0x480;
	s29 =	simm.s32 $0x500;
	s30 =	simm.s32 $0x580  }
0x8: {  	s31 =	simm.s32 $0x600;
	[smem:$0x7FF] =	sst s3;
	s5 =	sadd.s32 $0x66800, s0  }
0x9: {  	s4 =	sand.u32 $0x1, s4;
	s20 =	sadd.s32 $0x66A00, s0;
	s7 =	smul.u32 $0x6200, s12  }
0xa: {  	s10 =	smul.u32 $0x31, s12;
	_ =	strace $0x80000047;
	[dreg:$0x4] =	wrdreg s5  }
0xb: {  	s24 =	sshll.u32 s12, $0x6;
	s26 =	smul.u32 $0x620, s12;
	[dreg:$0x5] =	wrdreg s20  }
0xc: {  	s21 =	sshll.u32 s4, $0x4;
	s6 =	ssub.s32 $0x2, s4;
	s4 =	smul.u32 $0x310, s4  }
0xd: {  	s20 =	simm.s32 $0x180;
	s8 =	sor.u32 s12, s21;
	s0 =	sadd.s32 s21, s0  }
0xe: {  	s22 =	sshrl.u32 s6, $0x1;
	s23 =	sshrl.u32 s7, $0x2;
	s9 =	smul.u32 $0xC400, s8  }
0xf: {  	s7 =	sor.u32 $0x1C03, s24;
	s21 =	simm.s32 $0x200;
	s11 =	smul.u32 $0x1880, s8  }
0x10: {  	s5 =	ssub.s32 s6, s22;
	s6 =	sadd.s32 s23, s2;
	s8 =	smul.u32 $0x31, s8  }
0x11: {  	s4 =	sadd.s32 s10, s4;
	s0 =	sadd.s32 $0x66E00, s0;
	s22 =	simm.s32 $0x280  }
0x12: {  	s23 =	simm.s32 $0x300;
	s4 =	sshll.u32 s4, $0x7;
	s5 =	smax.u32 s5, $0x1  }
0x13: {  	s13 =	sshrl.u32 s6, $0x3;
	s24 =	sadd.s32 s26, s0;
	s26 =	simm.s32 $0x2  }
0x14: {  	s0 =	simm.s32 $0x680;
	s6 =	simm.s32 $0x0;
	s9 =	sshrl.u32 s9, $0x3  }
0x15: {  	s25 =	sadd.s32 s1, s11;
	s10 =	sadd.s32 $0x3, s8;
	s4 =	sadd.s32 s4, s1  }
0x16: {  	[dreg:$0x8] =	wrdreg s5;
	s5 =	simm.s32 $0x780;
	s9 =	sadd.s32 s1, s9  }
0x17: {  	[dreg:$0x6] =	wrdreg s25;
	s12 =	sadd.s32 $0x100, s4;
	s9 =	sadd.s32 $0x80, s9  }
0x18: {  	s25 =	simm.s32 $0x380;
	s4 =	simm.s32 $0x700;
	[dreg:$0x7] =	wrdreg s9  }
.LBB2_1:
0x19: {  	s8 =	rddreg [dreg:$0x5]  }
0x1a: {  	[spmem:s13], [sflag:s7] =	dma.local [hbm:s8], $0x310  }
0x1b: {  	_ =	swait.ge [sflag:s14], $0x310  }
0x1c: {  	[sflag:s14] =	ssyncset.done $0x0  }
0x1d: {  	s9 =	rddreg [dreg:$0x4];
	[sflag:s14] =	ssyncadd.s32 $0xFFFFFCF0  }
0x1e: {  	[tilespmem:s15], [sflag:$0x3] =	stream.linear.gather [hbm4b:s9+s3], $0x80, $0x38;
	[tilespmem:$0x2100] =	vst v63  }
0x1f: {  	_ =	swait.ge [sflag:s14], $0x80  }
0x20: {  	[sflag:s14] =	ssyncset.done $0x0  }
0x21: {  	[sflag:s14] =	ssyncadd.s32 $0xFFFFFF80  }
0x22: {  	[bflag:$0x0] =	sbarrier.arrive $0xFFFF  }
0x23: {  	s11 =	rddreg [dreg:$0x6]  }
0x24: {  	[tilespmem:s3], [sflag:$0x1] =	stream.linear.gather [hbm4b:s11+s3], $0x400, $0x38;
	[tilespmem:$0x2100] =	vst v63  }
0x25: {  	_ =	swait.ge [sflag:s16], $0x400  }
0x26: {  	[sflag:s16] =	ssyncset.done $0x0  }
0x27: {  	s9 =	rddreg [dreg:$0x7];
	[sflag:s16] =	ssyncadd.s32 $0xFFFFFC00  }
0x28: {  	[tilespmem:s17], [sflag:$0x1] =	stream.linear.gather [hbm4b:s9+s3], $0x400, $0x38;
	[tilespmem:$0x2100] =	vst v63  }
0x29: {  	_ = 	snop  }
0x2a: {  	[spmem:s2] =	stream.indirect.scatter.add.f32 [tilespmem:s15], [sflag:$0x2], $0x1, s3, s18, $0xb8;
	[tilespmem:$0x2100] =	vst v63  }
0x2b: {  	_ = 	snop  }
0x2c: {  	[spmem:s2] =	stream.indirect.scatter.add.f32 [tilespmem:s15], [sflag:$0x2], $0x1, s18, s18, $0xb8;
	[tilespmem:$0x2100] =	vst v63  }
0x2d: {  	_ = 	snop  }
0x2e: {  	[spmem:s2] =	stream.indirect.scatter.add.f32 [tilespmem:s15], [sflag:$0x2], $0x1, s19, s18, $0xb8;
	[tilespmem:$0x2100] =	vst v63  }
0x2f: {  	_ = 	snop  }
0x30: {  	[spmem:s2] =	stream.indirect.scatter.add.f32 [tilespmem:s15], [sflag:$0x2], $0x1, s20, s18, $0xb8;
	[tilespmem:$0x2100] =	vst v63  }
0x31: {  	_ = 	snop  }
0x32: {  	[spmem:s2] =	stream.indirect.scatter.add.f32 [tilespmem:s15], [sflag:$0x2], $0x1, s21, s18, $0xb8;
	[tilespmem:$0x2100] =	vst v63  }
0x33: {  	_ = 	snop  }
0x34: {  	[spmem:s2] =	stream.indirect.scatter.add.f32 [tilespmem:s15], [sflag:$0x2], $0x1, s22, s18, $0xb8;
	[tilespmem:$0x2100] =	vst v63  }
0x35: {  	_ = 	snop  }
0x36: {  	[spmem:s2] =	stream.indirect.scatter.add.f32 [tilespmem:s15], [sflag:$0x2], $0x1, s23, s18, $0xb8;
	[tilespmem:$0x2100] =	vst v63  }
0x37: {  	_ = 	snop  }
0x38: {  	[spmem:s2] =	stream.indirect.scatter.add.f32 [tilespmem:s15], [sflag:$0x2], $0x1, s25, s18, $0xb8;
	[tilespmem:$0x2100] =	vst v63  }
0x39: {  	_ =	swait.ge [sflag:s16], $0x400  }
0x3a: {  	[sflag:s16] =	ssyncset.done $0x0  }
0x3b: {  	[sflag:s16] =	ssyncadd.s32 $0xFFFFFC00  }
0x3c: {  	_ =	swait.ge [sflag:s26], $0x80  }
0x3d: {  	[sflag:s26] =	ssyncset.done $0x0  }
0x3e: {  	[sflag:s26] =	ssyncadd.s32 $0xFFFFFF80  }
0x3f: {  	_ =	swait.ge [sflag:s26], $0x80  }
0x40: {  	[sflag:s26] =	ssyncset.done $0x0  }
0x41: {  	[sflag:s26] =	ssyncadd.s32 $0xFFFFFF80  }
0x42: {  	_ =	swait.ge [sflag:s26], $0x80  }
0x43: {  	[sflag:s26] =	ssyncset.done $0x0  }
0x44: {  	[sflag:s26] =	ssyncadd.s32 $0xFFFFFF80  }
0x45: {  	_ =	swait.ge [sflag:s26], $0x80  }
0x46: {  	[sflag:s26] =	ssyncset.done $0x0  }
0x47: {  	[sflag:s26] =	ssyncadd.s32 $0xFFFFFF80  }
0x48: {  	_ =	swait.ge [sflag:s26], $0x80  }
0x49: {  	[sflag:s26] =	ssyncset.done $0x0  }
0x4a: {  	[sflag:s26] =	ssyncadd.s32 $0xFFFFFF80  }
0x4b: {  	_ =	swait.ge [sflag:s26], $0x80  }
0x4c: {  	[sflag:s26] =	ssyncset.done $0x0  }
0x4d: {  	[sflag:s26] =	ssyncadd.s32 $0xFFFFFF80  }
0x4e: {  	_ =	swait.ge [sflag:s26], $0x80  }
0x4f: {  	[sflag:s26] =	ssyncset.done $0x0  }
0x50: {  	[sflag:s26] =	ssyncadd.s32 $0xFFFFFF80  }
0x51: {  	_ =	swait.ge [sflag:s26], $0x80  }
0x52: {  	[sflag:s26] =	ssyncset.done $0x0  }
0x53: {  	[sflag:s26] =	ssyncadd.s32 $0xFFFFFF80  }
0x54: {  	[tilespmem:s3], [sflag:$0x1] =	stream.linear.gather [hbm4b:s12+s3], $0x400, $0x38;
	[tilespmem:$0x2100] =	vst v63  }
0x55: {  	_ = 	snop  }
0x56: {  	[spmem:s2] =	stream.indirect.scatter.add.f32 [tilespmem:s15], [sflag:$0x2], $0x1, s17, s18, $0xb8;
	[tilespmem:$0x2100] =	vst v63  }
0x57: {  	_ = 	snop  }
0x58: {  	[spmem:s2] =	stream.indirect.scatter.add.f32 [tilespmem:s15], [sflag:$0x2], $0x1, s28, s18, $0xb8;
	[tilespmem:$0x2100] =	vst v63  }
0x59: {  	_ = 	snop  }
0x5a: {  	[spmem:s2] =	stream.indirect.scatter.add.f32 [tilespmem:s15], [sflag:$0x2], $0x1, s29, s18, $0xb8;
	[tilespmem:$0x2100] =	vst v63  }
0x5b: {  	_ = 	snop  }
0x5c: {  	[spmem:s2] =	stream.indirect.scatter.add.f32 [tilespmem:s15], [sflag:$0x2], $0x1, s30, s18, $0xb8;
	[tilespmem:$0x2100] =	vst v63  }
0x5d: {  	_ = 	snop  }
0x5e: {  	[spmem:s2] =	stream.indirect.scatter.add.f32 [tilespmem:s15], [sflag:$0x2], $0x1, s31, s18, $0xb8;
	[tilespmem:$0x2100] =	vst v63  }
0x5f: {  	_ = 	snop  }
0x60: {  	[spmem:s2] =	stream.indirect.scatter.add.f32 [tilespmem:s15], [sflag:$0x2], $0x1, s0, s18, $0xb8;
	[tilespmem:$0x2100] =	vst v63  }
0x61: {  	_ = 	snop  }
0x62: {  	[spmem:s2] =	stream.indirect.scatter.add.f32 [tilespmem:s15], [sflag:$0x2], $0x1, s4, s18, $0xb8;
	[tilespmem:$0x2100] =	vst v63  }
0x63: {  	_ = 	snop  }
0x64: {  	[spmem:s2] =	stream.indirect.scatter.add.f32 [tilespmem:s15], [sflag:$0x2], $0x1, s5, s18, $0xb8;
	[tilespmem:$0x2100] =	vst v63  }
0x65: {  	_ =	swait.ge [sflag:s16], $0x400  }
0x66: {  	[sflag:s16] =	ssyncset.done $0x0  }
0x67: {  	[sflag:s16] =	ssyncadd.s32 $0xFFFFFC00  }
0x68: {  	_ =	swait.ge [sflag:s26], $0x80  }
0x69: {  	[sflag:s26] =	ssyncset.done $0x0  }
0x6a: {  	[sflag:s26] =	ssyncadd.s32 $0xFFFFFF80  }
0x6b: {  	_ =	swait.ge [sflag:s26], $0x80  }
0x6c: {  	[sflag:s26] =	ssyncset.done $0x0  }
0x6d: {  	[sflag:s26] =	ssyncadd.s32 $0xFFFFFF80  }
0x6e: {  	_ =	swait.ge [sflag:s26], $0x80  }
0x6f: {  	[sflag:s26] =	ssyncset.done $0x0  }
0x70: {  	[sflag:s26] =	ssyncadd.s32 $0xFFFFFF80  }
0x71: {  	_ =	swait.ge [sflag:s26], $0x80  }
0x72: {  	[sflag:s26] =	ssyncset.done $0x0  }
0x73: {  	[sflag:s26] =	ssyncadd.s32 $0xFFFFFF80  }
0x74: {  	_ =	swait.ge [sflag:s26], $0x80  }
0x75: {  	[sflag:s26] =	ssyncset.done $0x0  }
0x76: {  	[sflag:s26] =	ssyncadd.s32 $0xFFFFFF80  }
0x77: {  	_ =	swait.ge [sflag:s26], $0x80  }
0x78: {  	[sflag:s26] =	ssyncset.done $0x0  }
0x79: {  	[sflag:s26] =	ssyncadd.s32 $0xFFFFFF80  }
0x7a: {  	_ =	swait.ge [sflag:s26], $0x80  }
0x7b: {  	[sflag:s26] =	ssyncset.done $0x0  }
0x7c: {  	s11 =	smin.u32 s3, $0x2D;
	[sflag:s26] =	ssyncadd.s32 $0xFFFFFF80  }
0x7d: {  	s8 =	sadd.s32 s11, s10;
	_ =	swait.ge [sflag:s26], $0x80  }
0x7e: {  	s8 =	sshll.u32 s8, $0x7;
	[sflag:s26] =	ssyncset.done $0x0  }
0x7f: {  	s8 =	sadd.s32 s1, s8;
	[sflag:s26] =	ssyncadd.s32 $0xFFFFFF80  }
0x80: {  	[tilespmem:s17], [sflag:$0x1] =	stream.linear.gather [hbm4b:s8+s3], $0x400, $0x38;
	[tilespmem:$0x2100] =	vst v63  }
0x81: {  	_ = 	snop  }
0x82: {  	[spmem:s2] =	stream.indirect.scatter.add.f32 [tilespmem:s15], [sflag:$0x2], $0x1, s3, s18, $0xb8;
	[tilespmem:$0x2100] =	vst v63  }
0x83: {  	_ = 	snop  }
0x84: {  	[spmem:s2] =	stream.indirect.scatter.add.f32 [tilespmem:s15], [sflag:$0x2], $0x1, s18, s18, $0xb8;
	[tilespmem:$0x2100] =	vst v63  }
0x85: {  	_ = 	snop  }
0x86: {  	[spmem:s2] =	stream.indirect.scatter.add.f32 [tilespmem:s15], [sflag:$0x2], $0x1, s19, s18, $0xb8;
	[tilespmem:$0x2100] =	vst v63  }
0x87: {  	_ = 	snop  }
0x88: {  	[spmem:s2] =	stream.indirect.scatter.add.f32 [tilespmem:s15], [sflag:$0x2], $0x1, s20, s18, $0xb8;
	[tilespmem:$0x2100] =	vst v63  }
0x89: {  	_ = 	snop  }
0x8a: {  	[spmem:s2] =	stream.indirect.scatter.add.f32 [tilespmem:s15], [sflag:$0x2], $0x1, s21, s18, $0xb8;
	[tilespmem:$0x2100] =	vst v63  }
0x8b: {  	_ = 	snop  }
0x8c: {  	[spmem:s2] =	stream.indirect.scatter.add.f32 [tilespmem:s15], [sflag:$0x2], $0x1, s22, s18, $0xb8;
	[tilespmem:$0x2100] =	vst v63  }
0x8d: {  	s9 =	sadd.s32 $0x100, s12;
	s8 =	simm.s32 $0x2  }
0x8e: {  	[spmem:s2] =	stream.indirect.scatter.add.f32 [tilespmem:s15], [sflag:$0x2], $0x1, s23, s18, $0xb8;
	[tilespmem:$0x2100] =	vst v63  }
.LBB2_2:
0x8f: {  	[spmem:s2] =	stream.indirect.scatter.add.f32 [tilespmem:s15], [sflag:$0x2], $0x1, s25, s18, $0xb8;
	[tilespmem:$0x2100] =	vst v63  }
0x90: {  	s11 =	smov.u32 s8  }
0x91: {  	p0 =	sne.s32 s8, $0x2E;
	s8 =	sadd.s32 $0x2, s8;
	_ =	swait.ge [sflag:s16], $0x400  }
0x92: {  	[sflag:s16] =	ssyncset.done $0x0  }
0x93: {  	[sflag:s16] =	ssyncadd.s32 $0xFFFFFC00  }
0x94: {  	_ =	swait.ge [sflag:s26], $0x80  }
0x95: {  	[sflag:s26] =	ssyncset.done $0x0  }
0x96: {  	[sflag:s26] =	ssyncadd.s32 $0xFFFFFF80  }
0x97: {  	_ =	swait.ge [sflag:s26], $0x80  }
0x98: {  	[sflag:s26] =	ssyncset.done $0x0  }
0x99: {  	[sflag:s26] =	ssyncadd.s32 $0xFFFFFF80  }
0x9a: {  	_ =	swait.ge [sflag:s26], $0x80  }
0x9b: {  	[sflag:s26] =	ssyncset.done $0x0  }
0x9c: {  	[sflag:s26] =	ssyncadd.s32 $0xFFFFFF80  }
0x9d: {  	_ =	swait.ge [sflag:s26], $0x80  }
0x9e: {  	[sflag:s26] =	ssyncset.done $0x0  }
0x9f: {  	[sflag:s26] =	ssyncadd.s32 $0xFFFFFF80  }
0xa0: {  	_ =	swait.ge [sflag:s26], $0x80  }
0xa1: {  	[sflag:s26] =	ssyncset.done $0x0  }
0xa2: {  	[sflag:s26] =	ssyncadd.s32 $0xFFFFFF80  }
0xa3: {  	_ =	swait.ge [sflag:s26], $0x80  }
0xa4: {  	[sflag:s26] =	ssyncset.done $0x0  }
0xa5: {  	[sflag:s26] =	ssyncadd.s32 $0xFFFFFF80  }
0xa6: {  	_ =	swait.ge [sflag:s26], $0x80  }
0xa7: {  	[sflag:s26] =	ssyncset.done $0x0  }
0xa8: {  	[sflag:s26] =	ssyncadd.s32 $0xFFFFFF80  }
0xa9: {  	_ =	swait.ge [sflag:s26], $0x80  }
0xaa: {  	[sflag:s26] =	ssyncset.done $0x0  }
0xab: {  	[sflag:s26] =	ssyncadd.s32 $0xFFFFFF80  }
0xac: {  	[tilespmem:s3], [sflag:$0x1] =	stream.linear.gather [hbm4b:s9+s3], $0x400, $0x38;
	[tilespmem:$0x2100] =	vst v63  }
0xad: {  	_ = 	snop  }
0xae: {  	[spmem:s2] =	stream.indirect.scatter.add.f32 [tilespmem:s15], [sflag:$0x2], $0x1, s17, s18, $0xb8;
	[tilespmem:$0x2100] =	vst v63  }
0xaf: {  	_ = 	snop  }
0xb0: {  	[spmem:s2] =	stream.indirect.scatter.add.f32 [tilespmem:s15], [sflag:$0x2], $0x1, s28, s18, $0xb8;
	[tilespmem:$0x2100] =	vst v63  }
0xb1: {  	_ = 	snop  }
0xb2: {  	[spmem:s2] =	stream.indirect.scatter.add.f32 [tilespmem:s15], [sflag:$0x2], $0x1, s29, s18, $0xb8;
	[tilespmem:$0x2100] =	vst v63  }
0xb3: {  	_ = 	snop  }
0xb4: {  	[spmem:s2] =	stream.indirect.scatter.add.f32 [tilespmem:s15], [sflag:$0x2], $0x1, s30, s18, $0xb8;
	[tilespmem:$0x2100] =	vst v63  }
0xb5: {  	_ = 	snop  }
0xb6: {  	[spmem:s2] =	stream.indirect.scatter.add.f32 [tilespmem:s15], [sflag:$0x2], $0x1, s31, s18, $0xb8;
	[tilespmem:$0x2100] =	vst v63  }
0xb7: {  	_ = 	snop  }
0xb8: {  	[spmem:s2] =	stream.indirect.scatter.add.f32 [tilespmem:s15], [sflag:$0x2], $0x1, s0, s18, $0xb8;
	[tilespmem:$0x2100] =	vst v63  }
0xb9: {  	_ = 	snop  }
0xba: {  	[spmem:s2] =	stream.indirect.scatter.add.f32 [tilespmem:s15], [sflag:$0x2], $0x1, s4, s18, $0xb8;
	[tilespmem:$0x2100] =	vst v63  }
0xbb: {  	_ = 	snop  }
0xbc: {  	[spmem:s2] =	stream.indirect.scatter.add.f32 [tilespmem:s15], [sflag:$0x2], $0x1, s5, s18, $0xb8;
	[tilespmem:$0x2100] =	vst v63  }
0xbd: {  	_ =	swait.ge [sflag:s16], $0x400  }
0xbe: {  	[sflag:s16] =	ssyncset.done $0x0  }
0xbf: {  	[sflag:s16] =	ssyncadd.s32 $0xFFFFFC00  }
0xc0: {  	_ =	swait.ge [sflag:s26], $0x80  }
0xc1: {  	[sflag:s26] =	ssyncset.done $0x0  }
0xc2: {  	[sflag:s26] =	ssyncadd.s32 $0xFFFFFF80  }
0xc3: {  	_ =	swait.ge [sflag:s26], $0x80  }
0xc4: {  	[sflag:s26] =	ssyncset.done $0x0  }
0xc5: {  	[sflag:s26] =	ssyncadd.s32 $0xFFFFFF80  }
0xc6: {  	_ =	swait.ge [sflag:s26], $0x80  }
0xc7: {  	[sflag:s26] =	ssyncset.done $0x0  }
0xc8: {  	[sflag:s26] =	ssyncadd.s32 $0xFFFFFF80  }
0xc9: {  	_ =	swait.ge [sflag:s26], $0x80  }
0xca: {  	[sflag:s26] =	ssyncset.done $0x0  }
0xcb: {  	[sflag:s26] =	ssyncadd.s32 $0xFFFFFF80  }
0xcc: {  	_ =	swait.ge [sflag:s26], $0x80  }
0xcd: {  	[sflag:s26] =	ssyncset.done $0x0  }
0xce: {  	[sflag:s26] =	ssyncadd.s32 $0xFFFFFF80  }
0xcf: {  	_ =	swait.ge [sflag:s26], $0x80  }
0xd0: {  	[sflag:s26] =	ssyncset.done $0x0  }
0xd1: {  	[sflag:s26] =	ssyncadd.s32 $0xFFFFFF80  }
0xd2: {  	_ =	swait.ge [sflag:s26], $0x80  }
0xd3: {  	[sflag:s26] =	ssyncset.done $0x0  }
0xd4: {  	s11 =	smin.u32 s11, $0x2D;
	[sflag:s26] =	ssyncadd.s32 $0xFFFFFF80  }
0xd5: {  	s11 =	sadd.s32 s11, s10;
	_ =	swait.ge [sflag:s26], $0x80  }
0xd6: {  	s11 =	sshll.u32 s11, $0x7;
	[sflag:s26] =	ssyncset.done $0x0  }
0xd7: {  	s11 =	sadd.s32 s1, s11;
	[sflag:s26] =	ssyncadd.s32 $0xFFFFFF80  }
0xd8: {  	[tilespmem:s17], [sflag:$0x1] =	stream.linear.gather [hbm4b:s11+s3], $0x400, $0x38;
	[tilespmem:$0x2100] =	vst v63  }
0xd9: {  	_ = 	snop  }
0xda: {  	[spmem:s2] =	stream.indirect.scatter.add.f32 [tilespmem:s15], [sflag:$0x2], $0x1, s3, s18, $0xb8;
	[tilespmem:$0x2100] =	vst v63  }
0xdb: {  	_ = 	snop  }
0xdc: {  	[spmem:s2] =	stream.indirect.scatter.add.f32 [tilespmem:s15], [sflag:$0x2], $0x1, s18, s18, $0xb8;
	[tilespmem:$0x2100] =	vst v63  }
0xdd: {  	_ = 	snop  }
0xde: {  	[spmem:s2] =	stream.indirect.scatter.add.f32 [tilespmem:s15], [sflag:$0x2], $0x1, s19, s18, $0xb8;
	[tilespmem:$0x2100] =	vst v63  }
0xdf: {  	_ = 	snop  }
0xe0: {  	[spmem:s2] =	stream.indirect.scatter.add.f32 [tilespmem:s15], [sflag:$0x2], $0x1, s20, s18, $0xb8;
	[tilespmem:$0x2100] =	vst v63  }
0xe1: {  	_ = 	snop  }
0xe2: {  	[spmem:s2] =	stream.indirect.scatter.add.f32 [tilespmem:s15], [sflag:$0x2], $0x1, s21, s18, $0xb8;
	[tilespmem:$0x2100] =	vst v63  }
.Ltmp0:
0xe3: {  	(pc) =	sbr.rel @p0 .LBB2_2-.Ltmp0, $4  }
0xe4: {  	[spmem:s2] =	stream.indirect.scatter.add.f32 [tilespmem:s15], [sflag:$0x2], $0x1, s22, s18, $0xb8;
	[tilespmem:$0x2100] =	vst v63  }
0xe5: {  	_ = 	snop  }
0xe6: {  	[spmem:s2] =	stream.indirect.scatter.add.f32 [tilespmem:s15], [sflag:$0x2], $0x1, s23, s18, $0xb8;
	[tilespmem:$0x2100] =	vst v63  }
0xe7: {  	s9 =	sadd.s32 $0x100, s9  }
0xe8: {  	[spmem:s2] =	stream.indirect.scatter.add.f32 [tilespmem:s15], [sflag:$0x2], $0x1, s25, s18, $0xb8;
	[tilespmem:$0x2100] =	vst v63  }
0xe9: {  	_ =	swait.ge [sflag:s16], $0x400  }
0xea: {  	[sflag:s16] =	ssyncset.done $0x0  }
0xeb: {  	[sflag:s16] =	ssyncadd.s32 $0xFFFFFC00  }
0xec: {  	_ =	swait.ge [sflag:s26], $0x80  }
0xed: {  	[sflag:s26] =	ssyncset.done $0x0  }
0xee: {  	[sflag:s26] =	ssyncadd.s32 $0xFFFFFF80  }
0xef: {  	_ =	swait.ge [sflag:s26], $0x80  }
0xf0: {  	[sflag:s26] =	ssyncset.done $0x0  }
0xf1: {  	[sflag:s26] =	ssyncadd.s32 $0xFFFFFF80  }
0xf2: {  	_ =	swait.ge [sflag:s26], $0x80  }
0xf3: {  	[sflag:s26] =	ssyncset.done $0x0  }
0xf4: {  	[sflag:s26] =	ssyncadd.s32 $0xFFFFFF80  }
0xf5: {  	_ =	swait.ge [sflag:s26], $0x80  }
0xf6: {  	[sflag:s26] =	ssyncset.done $0x0  }
0xf7: {  	[sflag:s26] =	ssyncadd.s32 $0xFFFFFF80  }
0xf8: {  	_ =	swait.ge [sflag:s26], $0x80  }
0xf9: {  	[sflag:s26] =	ssyncset.done $0x0  }
0xfa: {  	[sflag:s26] =	ssyncadd.s32 $0xFFFFFF80  }
0xfb: {  	_ =	swait.ge [sflag:s26], $0x80  }
0xfc: {  	[sflag:s26] =	ssyncset.done $0x0  }
0xfd: {  	[sflag:s26] =	ssyncadd.s32 $0xFFFFFF80  }
0xfe: {  	_ =	swait.ge [sflag:s26], $0x80  }
0xff: {  	[sflag:s26] =	ssyncset.done $0x0  }
0x100: {  	[sflag:s26] =	ssyncadd.s32 $0xFFFFFF80  }
0x101: {  	_ =	swait.ge [sflag:s26], $0x80  }
0x102: {  	[sflag:s26] =	ssyncset.done $0x0  }
0x103: {  	[sflag:s26] =	ssyncadd.s32 $0xFFFFFF80  }
0x104: {  	s8 =	simm.s32 $0x20;
	s9 =	simm.s32 $0x10;
	[bflag:$0x0] =	sbarrier.arrive $0xFFFF  }
0x105: {  	[hbm:s24@s8], [sflag:s7] =	dma.strided [spmem:s13@s9], $0x310, s16, $0x10   }
0x106: {  	_ =	swait.ge [sflag:s14], $0x310  }
0x107: {  	s6 =	sadd.s32 $0x1, s6;
	s11 =	rddreg [dreg:$0x8]  }
0x108: {  	p0 =	sne.s32 s6, s11  }
.Ltmp1:
0x109: {  	_ = 	snop;
	(pc) =	sbr.rel @p0 .LBB2_1-.Ltmp1, $3  }
0x10a: {  	_ =	sdelay $0x1  }
0x10b: {  	[sflag:s14] =	ssyncset.done $0x0  }
0x10c: {  	[sflag:s14] =	ssyncadd.s32 $0xFFFFFCF0  }
0x10d: {  	_ =	sfence.sel $0x180000  }
0x10e: {  	[bflag:$0x0] =	sbarrier.arrive $0xFFFF  }
0x10f: {  	_ =	strace $0x90000047  }
0x110: {  	s0 =	stileid.u32;
	[bflag:$0x2] =	sbarrier.arrive $0xFFFF  }
0x111: {  	p0 =	sne.s32 s0, $0x0;
	s0 =	rddreg [dreg:$0x3]  }
0x112: {  	s0 =	sadd.s32 @!p0 $0x100000, s0  }
0x113: {  	[sflag:s0] =	ssyncadd.tile.s32 @!p0 $0x1;
	_ =	shalt  }
.Lfunc_end2:
_tile_overlayer_lowered:
.L_overlay_start_2:
0x114: {  	(tag) =	ssettag $0x2  }
0x115: {  	s0 =	rddreg [dreg:$0x0];
	s2 =	stileid.u32  }
0x116: {  	s1 =	rddreg [dreg:$0x1];
	p0 =	sne.s32 s2, $0x0  }
0x117: {  	s3 =	rddreg [dreg:$0x2];
	[bflag:$0x3] =	sbarrier.arrive $0xFFFF;
	s2 =	simm.s32 @!p0 $0x1C03  }
0x118: {  	[timem:s3], [sflag:s2] =	dma.local @!p0 [hbm:s0], s1  }
0x119: {  	s0 =	simm.s32 @!p0 $0x3  }
0x11a: {  	_ =	swait.ge @!p0 [sflag:s0], s1  }
0x11b: {  	s1 =	ssub.s32 @!p0 $0x0, s1;
	[sflag:s0] =	ssyncset.done @!p0 $0x0  }
0x11c: {  	[sflag:s0] =	ssyncadd.s32 @!p0 s1  }
0x11d: {  	[bflag:$0x3] =	sbarrier.arrive $0xFFFF  }
0x11e: {  	_ =	shalt  }

</sc_bundles>
